<compile_context>
chip_gen: v7x
topology: tpu7x:2x2x1
jax: 0.10.2.dev20260603
libtpu: 0.0.44.dev20260713+nightly
codegen_flags: <defaults>
</compile_context>

<pallas_src>
import functools

import jax
import jax.numpy as jnp
from jax import lax
from jax.experimental import pallas as pl
from jax.experimental.pallas import tpu as pltpu
from jax.experimental.pallas import tpu_sc as plsc

NC = 2
NS = 16
NW = NC * NS
CH = 128
NBUF = 3

_SC_PARAMS = pltpu.CompilerParams(use_tc_tiling_on_sc=False)


def _zchunks(zrows):
    out = []
    off = 0
    while off < zrows:
        out.append((off, min(CH, zrows - off)))
        off += CH
    return out


def _fill(ref, nrows, d, vec16):
    def fi(i, carry):
        for jj in range(d // 16):
            ref[i, pl.ds(jj * 16, 16)] = vec16
        return carry
    lax.fori_loop(0, nrows, fi, 0)


def _seg_kernel(n_pad, nchunk, d, with_deg):
    zrows = n_pad // NS
    base = nchunk // NW
    left = nchunk - base * NW
    ngroups = base // NBUF
    assert base == ngroups * NBUF
    zck = _zchunks(zrows)
    mesh = plsc.VectorSubcoreMesh(core_axis_name="c", subcore_axis_name="s")

    out_type = [jax.ShapeDtypeStruct((NC, n_pad, d), jnp.float32)]
    scratch = [
        pltpu.VMEM_SHARED((n_pad, d), jnp.float32),
        pltpu.VMEM_SHARED((n_pad, d), jnp.float32),
        pltpu.VMEM((base + 1, CH), jnp.int32),
        pltpu.VMEM((base + 1, CH), jnp.int32),
    ]
    scratch += [pltpu.VMEM((CH, d), jnp.float32) for _ in range(NBUF)]
    scratch += [pltpu.SemaphoreType.DMA for _ in range(NBUF)]
    if with_deg:
        out_type.append(jax.ShapeDtypeStruct((NC * n_pad,), jnp.float32))
        scratch.append(pltpu.VMEM_SHARED((n_pad,), jnp.float32))
        scratch.append(pltpu.VMEM((CH,), jnp.float32))
        scratch.append(pltpu.VMEM((zrows,), jnp.float32))
        scratch.append(pltpu.SemaphoreType.DMA)

    def body(y_h, ei_h, part_h, *rest):
        if with_deg:
            deg_h = rest[0]
            rest = rest[1:]
        ycp, acc, si2, di2 = rest[:4]
        rows = rest[4:4 + NBUF]
        gsem = rest[4 + NBUF:4 + 2 * NBUF]
        if with_deg:
            dacc, ones, dstg, dsem = rest[4 + 2 * NBUF:]
        c = lax.axis_index("c")
        s = lax.axis_index("s")
        wid = s * NC + c
        r0 = s * zrows
        row0 = wid * base
        xrow = jnp.minimum(NW * base + wid, nchunk - 1)
        pltpu.async_copy(ei_h.at[0, pl.ds(row0, base)],
                         si2.at[pl.ds(0, base)], gsem[2])
        pltpu.async_copy(ei_h.at[1, pl.ds(row0, base)],
                         di2.at[pl.ds(0, base)], gsem[2])
        pltpu.async_copy(ei_h.at[0, xrow], si2.at[base], gsem[2])
        pltpu.async_copy(ei_h.at[1, xrow], di2.at[base], gsem[2])
        _fill(rows[1], CH, d, jnp.zeros((16,), jnp.float32))
        pbuf = (rows[0], rows[2])
        pltpu.async_copy(y_h.at[pl.ds(r0 + zck[0][0], zck[0][1])],
                         pbuf[0].at[pl.ds(0, zck[0][1])], gsem[0])
        for k, (zo, zs) in enumerate(zck):
            cur = pbuf[k % 2]
            pltpu.make_async_copy(y_h.at[pl.ds(r0 + zo, zs)],
                                  cur.at[pl.ds(0, zs)], gsem[k % 2]).wait()
            if k + 1 < len(zck):
                zo2, zs2 = zck[k + 1]
                pltpu.async_copy(y_h.at[pl.ds(r0 + zo2, zs2)],
                                 pbuf[(k + 1) % 2].at[pl.ds(0, zs2)],
                                 gsem[(k + 1) % 2])
            pltpu.sync_copy(cur.at[pl.ds(0, zs)],
                            ycp.at[pl.ds(r0 + zo, zs)])
            pltpu.sync_copy(rows[1].at[pl.ds(0, zs)],
                            acc.at[pl.ds(r0 + zo, zs)])
        pltpu.make_async_copy(ei_h.at[0, pl.ds(row0, base)],
                              si2.at[pl.ds(0, base)], gsem[2]).wait()
        pltpu.make_async_copy(ei_h.at[1, pl.ds(row0, base)],
                              di2.at[pl.ds(0, base)], gsem[2]).wait()
        pltpu.make_async_copy(ei_h.at[0, xrow], si2.at[base], gsem[2]).wait()
        pltpu.make_async_copy(ei_h.at[1, xrow], di2.at[base], gsem[2]).wait()
        if with_deg:
            for i in range(CH // 16):
                ones[pl.ds(i * 16, 16)] = jnp.ones((16,), jnp.float32)
            zd = jnp.zeros((16,), jnp.float32)
            for i in range(zrows // 16):
                dstg[pl.ds(i * 16, 16)] = zd
            dstg[pl.ds(zrows - 16, 16)] = zd
            pltpu.sync_copy(dstg, dacc.at[pl.ds(r0, zrows)])
        plsc.subcore_barrier()

        pltpu.async_copy(ycp.at[si2.at[0]], rows[0], gsem[0])
        pltpu.async_copy(ycp.at[si2.at[1]], rows[1], gsem[1])

        def deg_wait():
            pltpu.make_async_copy(ones, dacc.at[di2.at[0]], dsem).wait()

        def group(g, carry):
            for b in range(NBUF):
                j = g * NBUF + b
                q = (b + 2) % NBUF
                pltpu.make_async_copy(ycp.at[si2.at[b]], rows[b],
                                      gsem[b]).wait()
                if b == 0:
                    pltpu.async_copy(ycp.at[si2.at[j + 2]], rows[q], gsem[q])
                else:
                    @pl.when(g < ngroups - 1)
                    def _():
                        pltpu.async_copy(ycp.at[si2.at[j + 2]], rows[q],
                                         gsem[q])
                pltpu.sync_copy(rows[b], acc.at[di2.at[j]], add=True)
                if with_deg:
                    pltpu.async_copy(ones, dacc.at[di2.at[j]], dsem,
                                     add=True)

                    @pl.when(g >= 2)
                    def _():
                        deg_wait()
            return carry

        lax.fori_loop(0, ngroups, group, 0)
        if with_deg:
            for _ in range(2 * NBUF):
                deg_wait()

        @pl.when(wid < left)
        def _():
            pltpu.sync_copy(ycp.at[si2.at[base]], rows[0])
            pltpu.sync_copy(rows[0], acc.at[di2.at[base]], add=True)
            if with_deg:
                pltpu.sync_copy(ones, dacc.at[di2.at[base]], add=True)

        plsc.subcore_barrier()
        for zo, zs in zck:
            pltpu.sync_copy(acc.at[pl.ds(r0 + zo, zs)],
                            rows[0].at[pl.ds(0, zs)])
            pltpu.sync_copy(rows[0].at[pl.ds(0, zs)],
                            part_h.at[c, pl.ds(r0 + zo, zs)])
        if with_deg:
            pltpu.sync_copy(dacc.at[pl.ds(r0, zrows)], dstg)
            pltpu.sync_copy(dstg, deg_h.at[pl.ds(c * n_pad + r0, zrows)])

    return pl.kernel(body, out_type=tuple(out_type), mesh=mesh,
                     scratch_types=scratch, compiler_params=_SC_PARAMS)


def _seg1_kernel(n_pad, nchunk):
    zrows = n_pad // NS
    base = nchunk // NW
    left = nchunk - base * NW
    ngroups = base // NBUF
    mesh = plsc.VectorSubcoreMesh(core_axis_name="c", subcore_axis_name="s")

    scratch = [
        pltpu.VMEM_SHARED((n_pad,), jnp.float32),
        pltpu.VMEM_SHARED((n_pad,), jnp.float32),
        pltpu.VMEM((base + 1, CH), jnp.int32),
        pltpu.VMEM((base + 1, CH), jnp.int32),
        pltpu.VMEM((zrows,), jnp.float32),
    ]
    scratch += [pltpu.VMEM((CH,), jnp.float32) for _ in range(NBUF)]
    scratch += [pltpu.SemaphoreType.DMA for _ in range(NBUF)]

    def body(y_h, ei_h, part_h, ycp, acc, si2, di2, stg, *rest):
        vals = rest[:NBUF]
        gsem = rest[NBUF:]
        c = lax.axis_index("c")
        s = lax.axis_index("s")
        wid = s * NC + c
        r0 = s * zrows
        row0 = wid * base
        xrow = jnp.minimum(NW * base + wid, nchunk - 1)
        pltpu.async_copy(ei_h.at[0, pl.ds(row0, base)],
                         si2.at[pl.ds(0, base)], gsem[2])
        pltpu.async_copy(ei_h.at[1, pl.ds(row0, base)],
                         di2.at[pl.ds(0, base)], gsem[2])
        pltpu.async_copy(ei_h.at[0, xrow], si2.at[base], gsem[2])
        pltpu.async_copy(ei_h.at[1, xrow], di2.at[base], gsem[2])
        pltpu.sync_copy(y_h.at[pl.ds(r0, zrows)], stg)
        pltpu.sync_copy(stg, ycp.at[pl.ds(r0, zrows)])
        zd = jnp.zeros((16,), jnp.float32)
        for i in range(zrows // 16):
            stg[pl.ds(i * 16, 16)] = zd
        stg[pl.ds(zrows - 16, 16)] = zd
        pltpu.sync_copy(stg, acc.at[pl.ds(r0, zrows)])
        pltpu.make_async_copy(ei_h.at[0, pl.ds(row0, base)],
                              si2.at[pl.ds(0, base)], gsem[2]).wait()
        pltpu.make_async_copy(ei_h.at[1, pl.ds(row0, base)],
                              di2.at[pl.ds(0, base)], gsem[2]).wait()
        pltpu.make_async_copy(ei_h.at[0, xrow], si2.at[base], gsem[2]).wait()
        pltpu.make_async_copy(ei_h.at[1, xrow], di2.at[base], gsem[2]).wait()
        plsc.subcore_barrier()

        pltpu.async_copy(ycp.at[si2.at[0]], vals[0], gsem[0])
        pltpu.async_copy(ycp.at[si2.at[1]], vals[1], gsem[1])

        def group(g, carry):
            for b in range(NBUF):
                j = g * NBUF + b
                q = (b + 2) % NBUF
                pltpu.make_async_copy(ycp.at[si2.at[b]], vals[b],
                                      gsem[b]).wait()
                if b == 0:
                    pltpu.async_copy(ycp.at[si2.at[j + 2]], vals[q], gsem[q])
                else:
                    @pl.when(g < ngroups - 1)
                    def _():
                        pltpu.async_copy(ycp.at[si2.at[j + 2]], vals[q],
                                         gsem[q])
                pltpu.sync_copy(vals[b], acc.at[di2.at[j]], add=True)
            return carry

        lax.fori_loop(0, ngroups, group, 0)

        @pl.when(wid < left)
        def _():
            pltpu.sync_copy(ycp.at[si2.at[base]], vals[0])
            pltpu.sync_copy(vals[0], acc.at[di2.at[base]], add=True)

        plsc.subcore_barrier()
        pltpu.sync_copy(acc.at[pl.ds(r0, zrows)], stg)
        pltpu.sync_copy(stg, part_h.at[pl.ds(c * n_pad + r0, zrows)])

    return pl.kernel(
        body,
        out_type=jax.ShapeDtypeStruct((NC * n_pad,), jnp.float32),
        mesh=mesh, scratch_types=scratch, compiler_params=_SC_PARAMS)


def _k1_body(n, n_pad, x_ref, wl_ref, wr_ref, b_ref, y_ref, r_ref):
    x = x_ref[...]
    y_ref[:n, :] = jnp.dot(x, wl_ref[...], preferred_element_type=jnp.float32)
    y_ref[n:, :] = jnp.zeros((n_pad - n, y_ref.shape[1]), jnp.float32)
    r_ref[...] = (jnp.dot(x, wr_ref[...], preferred_element_type=jnp.float32)
                  + b_ref[...][None, :])


def _k2_body(n, n_pad, p_ref, d_ref, r1_ref, g_ref, be_ref, wl_ref,
             x1_ref, y2_ref, inv_ref):
    agg = p_ref[0, :n, :] + p_ref[1, :n, :]
    deg = d_ref[0, :n] + d_ref[1, :n]
    inv = 1.0 / jnp.maximum(deg, 1.0)
    t = agg * inv[:, None] + r1_ref[...]
    mu = jnp.mean(t, axis=0)
    var = jnp.mean((t - mu[None, :]) ** 2, axis=0)
    xh = (t - mu[None, :]) * lax.rsqrt(var + 1e-5)[None, :]
    x1 = jnp.maximum(xh * g_ref[...][None, :] + be_ref[...][None, :], 0.0)
    x1_ref[...] = x1
    y2_ref[:n, :] = jnp.dot(x1, wl_ref[...],
                            preferred_element_type=jnp.float32)
    y2_ref[n:, :] = jnp.zeros((n_pad - n, y2_ref.shape[1]), jnp.float32)
    inv_ref[...] = inv


def _k3_body(n, n_pad, p_ref, inv_ref, x1_ref, wr_ref, b2_ref, g_ref, be_ref,
             w3l_ref, w3r_ref, b3_ref, y3_ref, r3_ref):
    agg = p_ref[0, :n, :] + p_ref[1, :n, :]
    inv = inv_ref[...]
    x1 = x1_ref[...]
    r2 = (jnp.dot(x1, wr_ref[...], preferred_element_type=jnp.float32)
          + b2_ref[...][None, :])
    t = agg * inv[:, None] + r2
    mu = jnp.mean(t, axis=0)
    var = jnp.mean((t - mu[None, :]) ** 2, axis=0)
    xh = (t - mu[None, :]) * lax.rsqrt(var + 1e-5)[None, :]
    x2 = jnp.maximum(xh * g_ref[...][None, :] + be_ref[...][None, :], 0.0)
    x2 = x2 + x1
    y3_ref[:n] = jnp.sum(x2 * w3l_ref[0][None, :], axis=1)
    y3_ref[n:] = jnp.zeros((n_pad - n,), jnp.float32)
    r3_ref[...] = jnp.sum(x2 * w3r_ref[0][None, :], axis=1) + b3_ref[0]


def _k4_body(n, p_ref, inv_ref, r3_ref, o_ref):
    agg = p_ref[0, :n] + p_ref[1, :n]
    o_ref[...] = agg * inv_ref[...] + r3_ref[...]


def kernel(x, edge_index, W1l, W1r, b1, g1, be1, W2l, W2r, b2, g2, be2,
           W3l, W3r, b3):
    n, d_in = x.shape
    d_h = W1l.shape[0]
    e = edge_index.shape[1]
    assert e % CH == 0
    nchunk = e // CH
    n_pad = -(-(n + 1) // (NS * 8)) * (NS * 8)
    ei = edge_index.reshape(2, nchunk, CH)

    seg_d = _seg_kernel(n_pad, nchunk, d_h, True)
    seg = _seg_kernel(n_pad, nchunk, d_h, False)
    seg1 = _seg1_kernel(n_pad, nchunk)

    f32 = jnp.float32
    k1 = pl.pallas_call(
        functools.partial(_k1_body, n, n_pad),
        out_shape=(jax.ShapeDtypeStruct((n_pad, d_h), f32),
                   jax.ShapeDtypeStruct((n, d_h), f32)))
    y1, r1 = k1(x, W1l.T, W1r.T, b1)

    part1, degp = seg_d(y1, ei)
    degp = degp.reshape(NC, n_pad)

    k2 = pl.pallas_call(
        functools.partial(_k2_body, n, n_pad),
        out_shape=(jax.ShapeDtypeStruct((n, d_h), f32),
                   jax.ShapeDtypeStruct((n_pad, d_h), f32),
                   jax.ShapeDtypeStruct((n,), f32)))
    x1, y2, inv = k2(part1, degp, r1, g1, be1, W2l.T)

    part2 = seg(y2, ei)[0]

    k3 = pl.pallas_call(
        functools.partial(_k3_body, n, n_pad),
        out_shape=(jax.ShapeDtypeStruct((n_pad,), f32),
                   jax.ShapeDtypeStruct((n,), f32)))
    y3, r3 = k3(part2, inv, x1, W2r.T, b2, g2, be2, W3l, W3r, b3)

    part3 = seg1(y3, ei).reshape(NC, n_pad)

    k4 = pl.pallas_call(
        functools.partial(_k4_body, n),
        out_shape=jax.ShapeDtypeStruct((n,), f32))
    return k4(part3, inv, r3)

# --- scband reference (transcript-rebuilt; emitter-appended) ---
"""Pipeline reference for scband-road-gnn-53163105190455 (READ-ONLY COPY).

The authoritative reference and input builder live on the scoring server;
editing this copy changes nothing except your own understanding.
"""

import jax, jax.numpy as jnp
import numpy as np

N = 10000
E = 320000
D_IN = 128
D_H = 64


def setup_inputs(seed: int = 0) -> dict:
    key = jax.random.key(seed)
    ks = jax.random.split(key, 16)
    x = jax.random.normal(ks[0], (N, D_IN), dtype=jnp.float32)
    edge_index = jax.random.randint(ks[1], (2, E), 0, N, dtype=jnp.int32)
    s = 0.05
    W1l = jax.random.normal(ks[2], (D_H, D_IN), dtype=jnp.float32) * s
    W1r = jax.random.normal(ks[3], (D_H, D_IN), dtype=jnp.float32) * s
    b1 = jnp.zeros((D_H,), jnp.float32)
    g1 = jnp.ones((D_H,), jnp.float32)
    be1 = jnp.zeros((D_H,), jnp.float32)
    W2l = jax.random.normal(ks[4], (D_H, D_H), dtype=jnp.float32) * s
    W2r = jax.random.normal(ks[5], (D_H, D_H), dtype=jnp.float32) * s
    b2 = jnp.zeros((D_H,), jnp.float32)
    g2 = jnp.ones((D_H,), jnp.float32)
    be2 = jnp.zeros((D_H,), jnp.float32)
    W3l = jax.random.normal(ks[6], (1, D_H), dtype=jnp.float32) * s
    W3r = jax.random.normal(ks[7], (1, D_H), dtype=jnp.float32) * s
    b3 = jnp.zeros((1,), jnp.float32)
    return {"x": x, "edge_index": edge_index,
            "W1l": W1l, "W1r": W1r, "b1": b1, "g1": g1, "be1": be1,
            "W2l": W2l, "W2r": W2r, "b2": b2, "g2": g2, "be2": be2,
            "W3l": W3l, "W3r": W3r, "b3": b3}


def _sage(x, edge_index, Wl, Wr, b):
    # PyG SAGEConv with mean aggregation: lin_l(mean_j x_j) + lin_r(x_i) + b
    src = edge_index[0]
    dst = edge_index[1]
    msg = x[src]  # gather source node features per edge
    agg = jax.ops.segment_sum(msg, dst, num_segments=N)
    deg = jax.ops.segment_sum(jnp.ones((edge_index.shape[1],), jnp.float32), dst, num_segments=N)
    mean = agg / jnp.clip(deg, 1.0)[:, None]
    return mean @ Wl.T + x @ Wr.T + b


def _bn(x, gamma, beta, eps=1e-5):
    # BatchNorm over nodes (training-mode batch statistics)
    mu = jnp.mean(x, axis=0)
    var = jnp.var(x, axis=0)
    return (x - mu) / jnp.sqrt(var + eps) * gamma + beta


def reference(x, edge_index, W1l, W1r, b1, g1, be1, W2l, W2r, b2, g2, be2, W3l, W3r, b3):
    x1 = _sage(x, edge_index, W1l, W1r, b1)
    x1 = jax.nn.relu(_bn(x1, g1, be1))
    # dropout is identity in eval mode
    x2 = _sage(x1, edge_index, W2l, W2r, b2)
    x2 = jax.nn.relu(_bn(x2, g2, be2))
    x2 = x2 + x1
    x3 = _sage(x2, edge_index, W3l, W3r, b3)
    return x3.reshape(-1)

if __name__ == "__main__":
    import jax
    _d = setup_inputs()
    print(jax.jit(kernel)(*tuple(_d.values())))

</pallas_src>

<mosaic_0001>
#map = affine_map<(d0, d1) -> (0, 0)>
#map1 = affine_map<(d0, d1) -> (0, 0, 0)>
module attributes {stable_mosaic.version = 14 : i64} {
  func.func @body(%arg0: i32, %arg1: i32, %arg2: memref<10112x64xf32, #tpu.memory_space<hbm>>, %arg3: memref<2x2500x128xi32, #tpu.memory_space<hbm>>, %arg4: memref<2x10112x64xf32, #tpu.memory_space<hbm>>, %arg5: memref<10112x64xf32, #tpu.memory_space<vmem_shared>>, %arg6: memref<10112x64xf32, #tpu.memory_space<vmem_shared>>, %arg7: memref<79x128xi32, #tpu.memory_space<vmem>>, %arg8: memref<79x128xi32, #tpu.memory_space<vmem>>, %arg9: memref<128x64xf32, #tpu.memory_space<vmem>>, %arg10: memref<128x64xf32, #tpu.memory_space<vmem>>, %arg11: memref<128x64xf32, #tpu.memory_space<vmem>>, %arg12: memref<!tpu.dma_semaphore, #tpu.memory_space<semaphore_mem>>, %arg13: memref<!tpu.dma_semaphore, #tpu.memory_space<semaphore_mem>>, %arg14: memref<!tpu.dma_semaphore, #tpu.memory_space<semaphore_mem>>) attributes {dimension_semantics = [#tpu.dimension_semantics<core_parallel>, #tpu.dimension_semantics<subcore_parallel>], iteration_bounds = array<i64: 2, 16>, scalar_prefetch = 0 : i64, scratch_operands = 10 : i64, tpu.core_type = #tpu.core_type<sc_vector_subcore>, window_params = [{transform_indices = #map}, {transform_indices = #map1}, {transform_indices = #map1}]} {
    %mul3A = arith.constant 2 : i32
    %mul3A_0 = arith.muli %arg1, %mul3A : i32
    %add3A = arith.addi %mul3A_0, %arg0 : i32
    %mul3A_1 = arith.constant 632 : i32
    %mul3A_2 = arith.muli %arg1, %mul3A_1 : i32
    %mul3A_3 = arith.constant 78 : i32
    %mul3A_4 = arith.muli %add3A, %mul3A_3 : i32
    %add3A_5 = arith.constant 2496 : i32
    %add3A_6 = arith.addi %add3A_5, %add3A : i32
    %min3A = arith.constant 2499 : i32
    %min3A_7 = arith.minsi %add3A_6, %min3A : i32
    %dma_start3A = arith.constant 0 : i32
    %dma_start3A_8 = arith.constant 0 : i32
    %dma_start3A_9 = arith.constant 0 : i32
    %dma_start3A_10 = tpu.memref_slice %arg7[%dma_start3A_8, %dma_start3A_9] : memref<79x128xi32, #tpu.memory_space<vmem>> -> memref<78x128xi32, #tpu.memory_space<vmem>>
    %dma_start3A_11 = arith.constant 0 : i32
    %dma_start3A_12 = tpu.memref_slice %arg3[%dma_start3A, %mul3A_4, %dma_start3A_11] : memref<2x2500x128xi32, #tpu.memory_space<hbm>> -> memref<1x78x128xi32, #tpu.memory_space<hbm>>
    %dma_start3A_13 = tpu.memref_squeeze %dma_start3A_12 : memref<1x78x128xi32, #tpu.memory_space<hbm>> -> memref<78x128xi32, #tpu.memory_space<hbm>>
    %dma_start3A_14 = arith.constant 0 : i32
    %dma_start3A_15 = arith.constant 0 : i32
    %dma_start3A_16 = tpu.memref_slice %arg7[%dma_start3A_14, %dma_start3A_15] : memref<79x128xi32, #tpu.memory_space<vmem>> -> memref<78x128xi32, #tpu.memory_space<vmem>>
    %dma_start3A_17 = arith.constant 0 : i32
    %dma_start3A_18 = tpu.memref_slice %arg3[%dma_start3A, %mul3A_4, %dma_start3A_17] : memref<2x2500x128xi32, #tpu.memory_space<hbm>> -> memref<1x78x128xi32, #tpu.memory_space<hbm>>
    %dma_start3A_19 = tpu.memref_squeeze %dma_start3A_18 : memref<1x78x128xi32, #tpu.memory_space<hbm>> -> memref<78x128xi32, #tpu.memory_space<hbm>>
    tpu.enqueue_dma source(%dma_start3A_19 : memref<78x128xi32, #tpu.memory_space<hbm>>) target(%dma_start3A_16 : memref<78x128xi32, #tpu.memory_space<vmem>>) target_semaphore(%arg14 : memref<!tpu.dma_semaphore, #tpu.memory_space<semaphore_mem>>)
    %dma_start3A_20 = arith.constant 1 : i32
    %dma_start3A_21 = arith.constant 0 : i32
    %dma_start3A_22 = arith.constant 0 : i32
    %dma_start3A_23 = tpu.memref_slice %arg8[%dma_start3A_21, %dma_start3A_22] : memref<79x128xi32, #tpu.memory_space<vmem>> -> memref<78x128xi32, #tpu.memory_space<vmem>>
    %dma_start3A_24 = arith.constant 0 : i32
    %dma_start3A_25 = tpu.memref_slice %arg3[%dma_start3A_20, %mul3A_4, %dma_start3A_24] : memref<2x2500x128xi32, #tpu.memory_space<hbm>> -> memref<1x78x128xi32, #tpu.memory_space<hbm>>
    %dma_start3A_26 = tpu.memref_squeeze %dma_start3A_25 : memref<1x78x128xi32, #tpu.memory_space<hbm>> -> memref<78x128xi32, #tpu.memory_space<hbm>>
    %dma_start3A_27 = arith.constant 0 : i32
    %dma_start3A_28 = arith.constant 0 : i32
    %dma_start3A_29 = tpu.memref_slice %arg8[%dma_start3A_27, %dma_start3A_28] : memref<79x128xi32, #tpu.memory_space<vmem>> -> memref<78x128xi32, #tpu.memory_space<vmem>>
    %dma_start3A_30 = arith.constant 0 : i32
    %dma_start3A_31 = tpu.memref_slice %arg3[%dma_start3A_20, %mul3A_4, %dma_start3A_30] : memref<2x2500x128xi32, #tpu.memory_space<hbm>> -> memref<1x78x128xi32, #tpu.memory_space<hbm>>
    %dma_start3A_32 = tpu.memref_squeeze %dma_start3A_31 : memref<1x78x128xi32, #tpu.memory_space<hbm>> -> memref<78x128xi32, #tpu.memory_space<hbm>>
    tpu.enqueue_dma source(%dma_start3A_32 : memref<78x128xi32, #tpu.memory_space<hbm>>) target(%dma_start3A_29 : memref<78x128xi32, #tpu.memory_space<vmem>>) target_semaphore(%arg14 : memref<!tpu.dma_semaphore, #tpu.memory_space<semaphore_mem>>)
    %dma_start3A_33 = arith.constant 0 : i32
    %dma_start3A_34 = arith.constant 78 : i32
    %dma_start3A_35 = arith.constant 0 : i32
    %dma_start3A_36 = tpu.memref_slice %arg7[%dma_start3A_34, %dma_start3A_35] : memref<79x128xi32, #tpu.memory_space<vmem>> -> memref<1x128xi32, #tpu.memory_space<vmem>>
    %dma_start3A_37 = tpu.memref_squeeze %dma_start3A_36 : memref<1x128xi32, #tpu.memory_space<vmem>> -> memref<128xi32, #tpu.memory_space<vmem>>
    %dma_start3A_38 = arith.constant 0 : i32
    %dma_start3A_39 = tpu.memref_slice %arg3[%dma_start3A_33, %min3A_7, %dma_start3A_38] : memref<2x2500x128xi32, #tpu.memory_space<hbm>> -> memref<1x1x128xi32, #tpu.memory_space<hbm>>
    %dma_start3A_40 = tpu.memref_squeeze %dma_start3A_39 : memref<1x1x128xi32, #tpu.memory_space<hbm>> -> memref<128xi32, #tpu.memory_space<hbm>>
    %dma_start3A_41 = arith.constant 0 : i32
    %dma_start3A_42 = tpu.memref_slice %arg7[%dma_start3A_34, %dma_start3A_41] : memref<79x128xi32, #tpu.memory_space<vmem>> -> memref<1x128xi32, #tpu.memory_space<vmem>>
    %dma_start3A_43 = tpu.memref_squeeze %dma_start3A_42 : memref<1x128xi32, #tpu.memory_space<vmem>> -> memref<128xi32, #tpu.memory_space<vmem>>
    %dma_start3A_44 = arith.constant 0 : i32
    %dma_start3A_45 = tpu.memref_slice %arg3[%dma_start3A_33, %min3A_7, %dma_start3A_44] : memref<2x2500x128xi32, #tpu.memory_space<hbm>> -> memref<1x1x128xi32, #tpu.memory_space<hbm>>
    %dma_start3A_46 = tpu.memref_squeeze %dma_start3A_45 : memref<1x1x128xi32, #tpu.memory_space<hbm>> -> memref<128xi32, #tpu.memory_space<hbm>>
    tpu.enqueue_dma source(%dma_start3A_46 : memref<128xi32, #tpu.memory_space<hbm>>) target(%dma_start3A_43 : memref<128xi32, #tpu.memory_space<vmem>>) target_semaphore(%arg14 : memref<!tpu.dma_semaphore, #tpu.memory_space<semaphore_mem>>)
    %dma_start3A_47 = arith.constant 1 : i32
    %dma_start3A_48 = arith.constant 78 : i32
    %dma_start3A_49 = arith.constant 0 : i32
    %dma_start3A_50 = tpu.memref_slice %arg8[%dma_start3A_48, %dma_start3A_49] : memref<79x128xi32, #tpu.memory_space<vmem>> -> memref<1x128xi32, #tpu.memory_space<vmem>>
    %dma_start3A_51 = tpu.memref_squeeze %dma_start3A_50 : memref<1x128xi32, #tpu.memory_space<vmem>> -> memref<128xi32, #tpu.memory_space<vmem>>
    %dma_start3A_52 = arith.constant 0 : i32
    %dma_start3A_53 = tpu.memref_slice %arg3[%dma_start3A_47, %min3A_7, %dma_start3A_52] : memref<2x2500x128xi32, #tpu.memory_space<hbm>> -> memref<1x1x128xi32, #tpu.memory_space<hbm>>
    %dma_start3A_54 = tpu.memref_squeeze %dma_start3A_53 : memref<1x1x128xi32, #tpu.memory_space<hbm>> -> memref<128xi32, #tpu.memory_space<hbm>>
    %dma_start3A_55 = arith.constant 0 : i32
    %dma_start3A_56 = tpu.memref_slice %arg8[%dma_start3A_48, %dma_start3A_55] : memref<79x128xi32, #tpu.memory_space<vmem>> -> memref<1x128xi32, #tpu.memory_space<vmem>>
    %dma_start3A_57 = tpu.memref_squeeze %dma_start3A_56 : memref<1x128xi32, #tpu.memory_space<vmem>> -> memref<128xi32, #tpu.memory_space<vmem>>
    %dma_start3A_58 = arith.constant 0 : i32
    %dma_start3A_59 = tpu.memref_slice %arg3[%dma_start3A_47, %min3A_7, %dma_start3A_58] : memref<2x2500x128xi32, #tpu.memory_space<hbm>> -> memref<1x1x128xi32, #tpu.memory_space<hbm>>
    %dma_start3A_60 = tpu.memref_squeeze %dma_start3A_59 : memref<1x1x128xi32, #tpu.memory_space<hbm>> -> memref<128xi32, #tpu.memory_space<hbm>>
    tpu.enqueue_dma source(%dma_start3A_60 : memref<128xi32, #tpu.memory_space<hbm>>) target(%dma_start3A_57 : memref<128xi32, #tpu.memory_space<vmem>>) target_semaphore(%arg14 : memref<!tpu.dma_semaphore, #tpu.memory_space<semaphore_mem>>)
    %broadcast_in_dim3A = arith.constant 0.000000e+00 : f32
    %broadcast_in_dim3A_61 = vector.broadcast %broadcast_in_dim3A : f32 to vector<16xf32>
    %scan3A = arith.constant 0 : i32
    %scan3A_62 = arith.constant 0 : i32
    %scan3A_63 = arith.constant 128 : i32
    %scan3A_64 = arith.addi %scan3A_62, %scan3A_63 : i32
    %scan3A_65 = arith.constant 1 : i32
    scf.for %scan3A_303 = %scan3A_62 to %scan3A_64 step %scan3A_65  : i32 {
      %swap3A = arith.index_cast %scan3A_303 : i32 to index
      %swap3A_304 = arith.constant 0 : index
      %swap3A_305 = tpu.vector_load %arg10[%swap3A, %swap3A_304] {strides = array<i32>} : memref<128x64xf32, #tpu.memory_space<vmem>>, vector<1x16xf32>,
      %swap3A_306 = vector.shape_cast %swap3A_305 : vector<1x16xf32> to vector<16xf32>
      %swap3A_307 = vector.shape_cast %broadcast_in_dim3A_61 : vector<16xf32> to vector<1x16xf32>
      tpu.vector_store %arg10[%swap3A, %swap3A_304], %swap3A_307 {strides = array<i32>} : memref<128x64xf32, #tpu.memory_space<vmem>>, vector<1x16xf32>,
      %swap3A_308 = arith.index_cast %scan3A_303 : i32 to index
      %swap3A_309 = arith.constant 16 : index
      %swap3A_310 = tpu.vector_load %arg10[%swap3A_308, %swap3A_309] {strides = array<i32>} : memref<128x64xf32, #tpu.memory_space<vmem>>, vector<1x16xf32>,
      %swap3A_311 = vector.shape_cast %swap3A_310 : vector<1x16xf32> to vector<16xf32>
      %swap3A_312 = vector.shape_cast %broadcast_in_dim3A_61 : vector<16xf32> to vector<1x16xf32>
      tpu.vector_store %arg10[%swap3A_308, %swap3A_309], %swap3A_312 {strides = array<i32>} : memref<128x64xf32, #tpu.memory_space<vmem>>, vector<1x16xf32>,
      %swap3A_313 = arith.index_cast %scan3A_303 : i32 to index
      %swap3A_314 = arith.constant 32 : index
      %swap3A_315 = tpu.vector_load %arg10[%swap3A_313, %swap3A_314] {strides = array<i32>} : memref<128x64xf32, #tpu.memory_space<vmem>>, vector<1x16xf32>,
      %swap3A_316 = vector.shape_cast %swap3A_315 : vector<1x16xf32> to vector<16xf32>
      %swap3A_317 = vector.shape_cast %broadcast_in_dim3A_61 : vector<16xf32> to vector<1x16xf32>
      tpu.vector_store %arg10[%swap3A_313, %swap3A_314], %swap3A_317 {strides = array<i32>} : memref<128x64xf32, #tpu.memory_space<vmem>>, vector<1x16xf32>,
      %swap3A_318 = arith.index_cast %scan3A_303 : i32 to index
      %swap3A_319 = arith.constant 48 : index
      %swap3A_320 = tpu.vector_load %arg10[%swap3A_318, %swap3A_319] {strides = array<i32>} : memref<128x64xf32, #tpu.memory_space<vmem>>, vector<1x16xf32>,
      %swap3A_321 = vector.shape_cast %swap3A_320 : vector<1x16xf32> to vector<16xf32>
      %swap3A_322 = vector.shape_cast %broadcast_in_dim3A_61 : vector<16xf32> to vector<1x16xf32>
      tpu.vector_store %arg10[%swap3A_318, %swap3A_319], %swap3A_322 {strides = array<i32>} : memref<128x64xf32, #tpu.memory_space<vmem>>, vector<1x16xf32>,
    }
    %scan3A_66 = arith.constant 128 : i32
    %add3A_67 = arith.constant 0 : i32
    %add3A_68 = arith.addi %mul3A_2, %add3A_67 : i32
    %dma_start3A_69 = arith.constant 0 : i32
    %dma_start3A_70 = arith.constant 0 : i32
    %dma_start3A_71 = tpu.memref_slice %arg9[%dma_start3A_69, %dma_start3A_70] : memref<128x64xf32, #tpu.memory_space<vmem>> -> memref<128x64xf32, #tpu.memory_space<vmem>>
    %dma_start3A_72 = arith.constant 0 : i32
    %dma_start3A_73 = tpu.memref_slice %arg2[%add3A_68, %dma_start3A_72] : memref<10112x64xf32, #tpu.memory_space<hbm>> -> memref<128x64xf32, #tpu.memory_space<hbm>>
    %dma_start3A_74 = arith.constant 0 : i32
    %dma_start3A_75 = arith.constant 0 : i32
    %dma_start3A_76 = tpu.memref_slice %arg9[%dma_start3A_74, %dma_start3A_75] : memref<128x64xf32, #tpu.memory_space<vmem>> -> memref<128x64xf32, #tpu.memory_space<vmem>>
    %dma_start3A_77 = arith.constant 0 : i32
    %dma_start3A_78 = tpu.memref_slice %arg2[%add3A_68, %dma_start3A_77] : memref<10112x64xf32, #tpu.memory_space<hbm>> -> memref<128x64xf32, #tpu.memory_space<hbm>>
    tpu.enqueue_dma source(%dma_start3A_78 : memref<128x64xf32, #tpu.memory_space<hbm>>) target(%dma_start3A_76 : memref<128x64xf32, #tpu.memory_space<vmem>>) target_semaphore(%arg12 : memref<!tpu.dma_semaphore, #tpu.memory_space<semaphore_mem>>)
    %add3A_79 = arith.constant 0 : i32
    %add3A_80 = arith.addi %mul3A_2, %add3A_79 : i32
    %dma_wait3A = arith.constant 0 : i32
    %dma_wait3A_81 = arith.constant 0 : i32
    %dma_wait3A_82 = tpu.memref_slice %arg9[%dma_wait3A, %dma_wait3A_81] : memref<128x64xf32, #tpu.memory_space<vmem>> -> memref<128x64xf32, #tpu.memory_space<vmem>>
    %dma_wait3A_83 = arith.constant 0 : i32
    %dma_wait3A_84 = tpu.memref_slice %arg2[%add3A_80, %dma_wait3A_83] : memref<10112x64xf32, #tpu.memory_space<hbm>> -> memref<128x64xf32, #tpu.memory_space<hbm>>
    %dma_wait3A_85 = arith.constant 0 : i32
    %dma_wait3A_86 = arith.constant 0 : i32
    %dma_wait3A_87 = tpu.memref_slice %arg9[%dma_wait3A_85, %dma_wait3A_86] : memref<128x64xf32, #tpu.memory_space<vmem>> -> memref<128x64xf32, #tpu.memory_space<vmem>>
    %dma_wait3A_88 = arith.constant 0 : i32
    %dma_wait3A_89 = tpu.memref_slice %arg2[%add3A_80, %dma_wait3A_88] : memref<10112x64xf32, #tpu.memory_space<hbm>> -> memref<128x64xf32, #tpu.memory_space<hbm>>
    tpu.wait_dma2 semaphore(%arg12 : memref<!tpu.dma_semaphore, #tpu.memory_space<semaphore_mem>>) src(%dma_wait3A_89 : memref<128x64xf32, #tpu.memory_space<hbm>>) dst(%dma_wait3A_87 : memref<128x64xf32, #tpu.memory_space<vmem>>)
    %add3A_90 = arith.constant 128 : i32
    %add3A_91 = arith.addi %mul3A_2, %add3A_90 : i32
    %dma_start3A_92 = arith.constant 0 : i32
    %dma_start3A_93 = arith.constant 0 : i32
    %dma_start3A_94 = tpu.memref_slice %arg11[%dma_start3A_92, %dma_start3A_93] : memref<128x64xf32, #tpu.memory_space<vmem>> -> memref<128x64xf32, #tpu.memory_space<vmem>>
    %dma_start3A_95 = arith.constant 0 : i32
    %dma_start3A_96 = tpu.memref_slice %arg2[%add3A_91, %dma_start3A_95] : memref<10112x64xf32, #tpu.memory_space<hbm>> -> memref<128x64xf32, #tpu.memory_space<hbm>>
    %dma_start3A_97 = arith.constant 0 : i32
    %dma_start3A_98 = arith.constant 0 : i32
    %dma_start3A_99 = tpu.memref_slice %arg11[%dma_start3A_97, %dma_start3A_98] : memref<128x64xf32, #tpu.memory_space<vmem>> -> memref<128x64xf32, #tpu.memory_space<vmem>>
    %dma_start3A_100 = arith.constant 0 : i32
    %dma_start3A_101 = tpu.memref_slice %arg2[%add3A_91, %dma_start3A_100] : memref<10112x64xf32, #tpu.memory_space<hbm>> -> memref<128x64xf32, #tpu.memory_space<hbm>>
    tpu.enqueue_dma source(%dma_start3A_101 : memref<128x64xf32, #tpu.memory_space<hbm>>) target(%dma_start3A_99 : memref<128x64xf32, #tpu.memory_space<vmem>>) target_semaphore(%arg13 : memref<!tpu.dma_semaphore, #tpu.memory_space<semaphore_mem>>)
    %add3A_102 = arith.constant 0 : i32
    %add3A_103 = arith.addi %mul3A_2, %add3A_102 : i32
    "tpu.region"() ({
      %run_scoped3A = tpu.sem_alloc : memref<!tpu.dma_semaphore, #tpu.memory_space<semaphore_mem>>
      %dma_start3A_303 = arith.constant 0 : i32
      %dma_start3A_304 = arith.constant 0 : i32
      %dma_start3A_305 = tpu.memref_slice %arg9[%dma_start3A_303, %dma_start3A_304] : memref<128x64xf32, #tpu.memory_space<vmem>> -> memref<128x64xf32, #tpu.memory_space<vmem>>
      %dma_start3A_306 = arith.constant 0 : i32
      %dma_start3A_307 = tpu.memref_slice %arg5[%add3A_103, %dma_start3A_306] : memref<10112x64xf32, #tpu.memory_space<vmem_shared>> -> memref<128x64xf32, #tpu.memory_space<vmem_shared>>
      %dma_start3A_308 = arith.constant 0 : i32
      %dma_start3A_309 = tpu.memref_slice %arg5[%add3A_103, %dma_start3A_308] : memref<10112x64xf32, #tpu.memory_space<vmem_shared>> -> memref<128x64xf32, #tpu.memory_space<vmem_shared>>
      %dma_start3A_310 = arith.constant 0 : i32
      %dma_start3A_311 = arith.constant 0 : i32
      %dma_start3A_312 = tpu.memref_slice %arg9[%dma_start3A_310, %dma_start3A_311] : memref<128x64xf32, #tpu.memory_space<vmem>> -> memref<128x64xf32, #tpu.memory_space<vmem>>
      tpu.enqueue_dma source(%dma_start3A_312 : memref<128x64xf32, #tpu.memory_space<vmem>>) target(%dma_start3A_309 : memref<128x64xf32, #tpu.memory_space<vmem_shared>>) target_semaphore(%run_scoped3A : memref<!tpu.dma_semaphore, #tpu.memory_space<semaphore_mem>>)
      %dma_wait3A_313 = arith.constant 0 : i32
      %dma_wait3A_314 = arith.constant 0 : i32
      %dma_wait3A_315 = tpu.memref_slice %arg9[%dma_wait3A_313, %dma_wait3A_314] : memref<128x64xf32, #tpu.memory_space<vmem>> -> memref<128x64xf32, #tpu.memory_space<vmem>>
      %dma_wait3A_316 = arith.constant 0 : i32
      %dma_wait3A_317 = tpu.memref_slice %arg5[%add3A_103, %dma_wait3A_316] : memref<10112x64xf32, #tpu.memory_space<vmem_shared>> -> memref<128x64xf32, #tpu.memory_space<vmem_shared>>
      %dma_wait3A_318 = arith.constant 0 : i32
      %dma_wait3A_319 = tpu.memref_slice %arg5[%add3A_103, %dma_wait3A_318] : memref<10112x64xf32, #tpu.memory_space<vmem_shared>> -> memref<128x64xf32, #tpu.memory_space<vmem_shared>>
      %dma_wait3A_320 = arith.constant 0 : i32
      %dma_wait3A_321 = arith.constant 0 : i32
      %dma_wait3A_322 = tpu.memref_slice %arg9[%dma_wait3A_320, %dma_wait3A_321] : memref<128x64xf32, #tpu.memory_space<vmem>> -> memref<128x64xf32, #tpu.memory_space<vmem>>
      tpu.wait_dma2 semaphore(%run_scoped3A : memref<!tpu.dma_semaphore, #tpu.memory_space<semaphore_mem>>) src(%dma_wait3A_322 : memref<128x64xf32, #tpu.memory_space<vmem>>) dst(%dma_wait3A_319 : memref<128x64xf32, #tpu.memory_space<vmem_shared>>)
      tpu.yield
    }) : () -> ()
    %add3A_104 = arith.constant 0 : i32
    %add3A_105 = arith.addi %mul3A_2, %add3A_104 : i32
    "tpu.region"() ({
      %run_scoped3A = tpu.sem_alloc : memref<!tpu.dma_semaphore, #tpu.memory_space<semaphore_mem>>
      %dma_start3A_303 = arith.constant 0 : i32
      %dma_start3A_304 = arith.constant 0 : i32
      %dma_start3A_305 = tpu.memref_slice %arg10[%dma_start3A_303, %dma_start3A_304] : memref<128x64xf32, #tpu.memory_space<vmem>> -> memref<128x64xf32, #tpu.memory_space<vmem>>
      %dma_start3A_306 = arith.constant 0 : i32
      %dma_start3A_307 = tpu.memref_slice %arg6[%add3A_105, %dma_start3A_306] : memref<10112x64xf32, #tpu.memory_space<vmem_shared>> -> memref<128x64xf32, #tpu.memory_space<vmem_shared>>
      %dma_start3A_308 = arith.constant 0 : i32
      %dma_start3A_309 = tpu.memref_slice %arg6[%add3A_105, %dma_start3A_308] : memref<10112x64xf32, #tpu.memory_space<vmem_shared>> -> memref<128x64xf32, #tpu.memory_space<vmem_shared>>
      %dma_start3A_310 = arith.constant 0 : i32
      %dma_start3A_311 = arith.constant 0 : i32
      %dma_start3A_312 = tpu.memref_slice %arg10[%dma_start3A_310, %dma_start3A_311] : memref<128x64xf32, #tpu.memory_space<vmem>> -> memref<128x64xf32, #tpu.memory_space<vmem>>
      tpu.enqueue_dma source(%dma_start3A_312 : memref<128x64xf32, #tpu.memory_space<vmem>>) target(%dma_start3A_309 : memref<128x64xf32, #tpu.memory_space<vmem_shared>>) target_semaphore(%run_scoped3A : memref<!tpu.dma_semaphore, #tpu.memory_space<semaphore_mem>>)
      %dma_wait3A_313 = arith.constant 0 : i32
      %dma_wait3A_314 = arith.constant 0 : i32
      %dma_wait3A_315 = tpu.memref_slice %arg10[%dma_wait3A_313, %dma_wait3A_314] : memref<128x64xf32, #tpu.memory_space<vmem>> -> memref<128x64xf32, #tpu.memory_space<vmem>>
      %dma_wait3A_316 = arith.constant 0 : i32
      %dma_wait3A_317 = tpu.memref_slice %arg6[%add3A_105, %dma_wait3A_316] : memref<10112x64xf32, #tpu.memory_space<vmem_shared>> -> memref<128x64xf32, #tpu.memory_space<vmem_shared>>
      %dma_wait3A_318 = arith.constant 0 : i32
      %dma_wait3A_319 = tpu.memref_slice %arg6[%add3A_105, %dma_wait3A_318] : memref<10112x64xf32, #tpu.memory_space<vmem_shared>> -> memref<128x64xf32, #tpu.memory_space<vmem_shared>>
      %dma_wait3A_320 = arith.constant 0 : i32
      %dma_wait3A_321 = arith.constant 0 : i32
      %dma_wait3A_322 = tpu.memref_slice %arg10[%dma_wait3A_320, %dma_wait3A_321] : memref<128x64xf32, #tpu.memory_space<vmem>> -> memref<128x64xf32, #tpu.memory_space<vmem>>
      tpu.wait_dma2 semaphore(%run_scoped3A : memref<!tpu.dma_semaphore, #tpu.memory_space<semaphore_mem>>) src(%dma_wait3A_322 : memref<128x64xf32, #tpu.memory_space<vmem>>) dst(%dma_wait3A_319 : memref<128x64xf32, #tpu.memory_space<vmem_shared>>)
      tpu.yield
    }) : () -> ()
    %add3A_106 = arith.constant 128 : i32
    %add3A_107 = arith.addi %mul3A_2, %add3A_106 : i32
    %dma_wait3A_108 = arith.constant 0 : i32
    %dma_wait3A_109 = arith.constant 0 : i32
    %dma_wait3A_110 = tpu.memref_slice %arg11[%dma_wait3A_108, %dma_wait3A_109] : memref<128x64xf32, #tpu.memory_space<vmem>> -> memref<128x64xf32, #tpu.memory_space<vmem>>
    %dma_wait3A_111 = arith.constant 0 : i32
    %dma_wait3A_112 = tpu.memref_slice %arg2[%add3A_107, %dma_wait3A_111] : memref<10112x64xf32, #tpu.memory_space<hbm>> -> memref<128x64xf32, #tpu.memory_space<hbm>>
    %dma_wait3A_113 = arith.constant 0 : i32
    %dma_wait3A_114 = arith.constant 0 : i32
    %dma_wait3A_115 = tpu.memref_slice %arg11[%dma_wait3A_113, %dma_wait3A_114] : memref<128x64xf32, #tpu.memory_space<vmem>> -> memref<128x64xf32, #tpu.memory_space<vmem>>
    %dma_wait3A_116 = arith.constant 0 : i32
    %dma_wait3A_117 = tpu.memref_slice %arg2[%add3A_107, %dma_wait3A_116] : memref<10112x64xf32, #tpu.memory_space<hbm>> -> memref<128x64xf32, #tpu.memory_space<hbm>>
    tpu.wait_dma2 semaphore(%arg13 : memref<!tpu.dma_semaphore, #tpu.memory_space<semaphore_mem>>) src(%dma_wait3A_117 : memref<128x64xf32, #tpu.memory_space<hbm>>) dst(%dma_wait3A_115 : memref<128x64xf32, #tpu.memory_space<vmem>>)
    %add3A_118 = arith.constant 256 : i32
    %add3A_119 = arith.addi %mul3A_2, %add3A_118 : i32
    %dma_start3A_120 = arith.constant 0 : i32
    %dma_start3A_121 = arith.constant 0 : i32
    %dma_start3A_122 = tpu.memref_slice %arg9[%dma_start3A_120, %dma_start3A_121] : memref<128x64xf32, #tpu.memory_space<vmem>> -> memref<128x64xf32, #tpu.memory_space<vmem>>
    %dma_start3A_123 = arith.constant 0 : i32
    %dma_start3A_124 = tpu.memref_slice %arg2[%add3A_119, %dma_start3A_123] : memref<10112x64xf32, #tpu.memory_space<hbm>> -> memref<128x64xf32, #tpu.memory_space<hbm>>
    %dma_start3A_125 = arith.constant 0 : i32
    %dma_start3A_126 = arith.constant 0 : i32
    %dma_start3A_127 = tpu.memref_slice %arg9[%dma_start3A_125, %dma_start3A_126] : memref<128x64xf32, #tpu.memory_space<vmem>> -> memref<128x64xf32, #tpu.memory_space<vmem>>
    %dma_start3A_128 = arith.constant 0 : i32
    %dma_start3A_129 = tpu.memref_slice %arg2[%add3A_119, %dma_start3A_128] : memref<10112x64xf32, #tpu.memory_space<hbm>> -> memref<128x64xf32, #tpu.memory_space<hbm>>
    tpu.enqueue_dma source(%dma_start3A_129 : memref<128x64xf32, #tpu.memory_space<hbm>>) target(%dma_start3A_127 : memref<128x64xf32, #tpu.memory_space<vmem>>) target_semaphore(%arg12 : memref<!tpu.dma_semaphore, #tpu.memory_space<semaphore_mem>>)
    %add3A_130 = arith.constant 128 : i32
    %add3A_131 = arith.addi %mul3A_2, %add3A_130 : i32
    "tpu.region"() ({
      %run_scoped3A = tpu.sem_alloc : memref<!tpu.dma_semaphore, #tpu.memory_space<semaphore_mem>>
      %dma_start3A_303 = arith.constant 0 : i32
      %dma_start3A_304 = arith.constant 0 : i32
      %dma_start3A_305 = tpu.memref_slice %arg11[%dma_start3A_303, %dma_start3A_304] : memref<128x64xf32, #tpu.memory_space<vmem>> -> memref<128x64xf32, #tpu.memory_space<vmem>>
      %dma_start3A_306 = arith.constant 0 : i32
      %dma_start3A_307 = tpu.memref_slice %arg5[%add3A_131, %dma_start3A_306] : memref<10112x64xf32, #tpu.memory_space<vmem_shared>> -> memref<128x64xf32, #tpu.memory_space<vmem_shared>>
      %dma_start3A_308 = arith.constant 0 : i32
      %dma_start3A_309 = tpu.memref_slice %arg5[%add3A_131, %dma_start3A_308] : memref<10112x64xf32, #tpu.memory_space<vmem_shared>> -> memref<128x64xf32, #tpu.memory_space<vmem_shared>>
      %dma_start3A_310 = arith.constant 0 : i32
      %dma_start3A_311 = arith.constant 0 : i32
      %dma_start3A_312 = tpu.memref_slice %arg11[%dma_start3A_310, %dma_start3A_311] : memref<128x64xf32, #tpu.memory_space<vmem>> -> memref<128x64xf32, #tpu.memory_space<vmem>>
      tpu.enqueue_dma source(%dma_start3A_312 : memref<128x64xf32, #tpu.memory_space<vmem>>) target(%dma_start3A_309 : memref<128x64xf32, #tpu.memory_space<vmem_shared>>) target_semaphore(%run_scoped3A : memref<!tpu.dma_semaphore, #tpu.memory_space<semaphore_mem>>)
      %dma_wait3A_313 = arith.constant 0 : i32
      %dma_wait3A_314 = arith.constant 0 : i32
      %dma_wait3A_315 = tpu.memref_slice %arg11[%dma_wait3A_313, %dma_wait3A_314] : memref<128x64xf32, #tpu.memory_space<vmem>> -> memref<128x64xf32, #tpu.memory_space<vmem>>
      %dma_wait3A_316 = arith.constant 0 : i32
      %dma_wait3A_317 = tpu.memref_slice %arg5[%add3A_131, %dma_wait3A_316] : memref<10112x64xf32, #tpu.memory_space<vmem_shared>> -> memref<128x64xf32, #tpu.memory_space<vmem_shared>>
      %dma_wait3A_318 = arith.constant 0 : i32
      %dma_wait3A_319 = tpu.memref_slice %arg5[%add3A_131, %dma_wait3A_318] : memref<10112x64xf32, #tpu.memory_space<vmem_shared>> -> memref<128x64xf32, #tpu.memory_space<vmem_shared>>
      %dma_wait3A_320 = arith.constant 0 : i32
      %dma_wait3A_321 = arith.constant 0 : i32
      %dma_wait3A_322 = tpu.memref_slice %arg11[%dma_wait3A_320, %dma_wait3A_321] : memref<128x64xf32, #tpu.memory_space<vmem>> -> memref<128x64xf32, #tpu.memory_space<vmem>>
      tpu.wait_dma2 semaphore(%run_scoped3A : memref<!tpu.dma_semaphore, #tpu.memory_space<semaphore_mem>>) src(%dma_wait3A_322 : memref<128x64xf32, #tpu.memory_space<vmem>>) dst(%dma_wait3A_319 : memref<128x64xf32, #tpu.memory_space<vmem_shared>>)
      tpu.yield
    }) : () -> ()
    %add3A_132 = arith.constant 128 : i32
    %add3A_133 = arith.addi %mul3A_2, %add3A_132 : i32
    "tpu.region"() ({
      %run_scoped3A = tpu.sem_alloc : memref<!tpu.dma_semaphore, #tpu.memory_space<semaphore_mem>>
      %dma_start3A_303 = arith.constant 0 : i32
      %dma_start3A_304 = arith.constant 0 : i32
      %dma_start3A_305 = tpu.memref_slice %arg10[%dma_start3A_303, %dma_start3A_304] : memref<128x64xf32, #tpu.memory_space<vmem>> -> memref<128x64xf32, #tpu.memory_space<vmem>>
      %dma_start3A_306 = arith.constant 0 : i32
      %dma_start3A_307 = tpu.memref_slice %arg6[%add3A_133, %dma_start3A_306] : memref<10112x64xf32, #tpu.memory_space<vmem_shared>> -> memref<128x64xf32, #tpu.memory_space<vmem_shared>>
      %dma_start3A_308 = arith.constant 0 : i32
      %dma_start3A_309 = tpu.memref_slice %arg6[%add3A_133, %dma_start3A_308] : memref<10112x64xf32, #tpu.memory_space<vmem_shared>> -> memref<128x64xf32, #tpu.memory_space<vmem_shared>>
      %dma_start3A_310 = arith.constant 0 : i32
      %dma_start3A_311 = arith.constant 0 : i32
      %dma_start3A_312 = tpu.memref_slice %arg10[%dma_start3A_310, %dma_start3A_311] : memref<128x64xf32, #tpu.memory_space<vmem>> -> memref<128x64xf32, #tpu.memory_space<vmem>>
      tpu.enqueue_dma source(%dma_start3A_312 : memref<128x64xf32, #tpu.memory_space<vmem>>) target(%dma_start3A_309 : memref<128x64xf32, #tpu.memory_space<vmem_shared>>) target_semaphore(%run_scoped3A : memref<!tpu.dma_semaphore, #tpu.memory_space<semaphore_mem>>)
      %dma_wait3A_313 = arith.constant 0 : i32
      %dma_wait3A_314 = arith.constant 0 : i32
      %dma_wait3A_315 = tpu.memref_slice %arg10[%dma_wait3A_313, %dma_wait3A_314] : memref<128x64xf32, #tpu.memory_space<vmem>> -> memref<128x64xf32, #tpu.memory_space<vmem>>
      %dma_wait3A_316 = arith.constant 0 : i32
      %dma_wait3A_317 = tpu.memref_slice %arg6[%add3A_133, %dma_wait3A_316] : memref<10112x64xf32, #tpu.memory_space<vmem_shared>> -> memref<128x64xf32, #tpu.memory_space<vmem_shared>>
      %dma_wait3A_318 = arith.constant 0 : i32
      %dma_wait3A_319 = tpu.memref_slice %arg6[%add3A_133, %dma_wait3A_318] : memref<10112x64xf32, #tpu.memory_space<vmem_shared>> -> memref<128x64xf32, #tpu.memory_space<vmem_shared>>
      %dma_wait3A_320 = arith.constant 0 : i32
      %dma_wait3A_321 = arith.constant 0 : i32
      %dma_wait3A_322 = tpu.memref_slice %arg10[%dma_wait3A_320, %dma_wait3A_321] : memref<128x64xf32, #tpu.memory_space<vmem>> -> memref<128x64xf32, #tpu.memory_space<vmem>>
      tpu.wait_dma2 semaphore(%run_scoped3A : memref<!tpu.dma_semaphore, #tpu.memory_space<semaphore_mem>>) src(%dma_wait3A_322 : memref<128x64xf32, #tpu.memory_space<vmem>>) dst(%dma_wait3A_319 : memref<128x64xf32, #tpu.memory_space<vmem_shared>>)
      tpu.yield
    }) : () -> ()
    %add3A_134 = arith.constant 256 : i32
    %add3A_135 = arith.addi %mul3A_2, %add3A_134 : i32
    %dma_wait3A_136 = arith.constant 0 : i32
    %dma_wait3A_137 = arith.constant 0 : i32
    %dma_wait3A_138 = tpu.memref_slice %arg9[%dma_wait3A_136, %dma_wait3A_137] : memref<128x64xf32, #tpu.memory_space<vmem>> -> memref<128x64xf32, #tpu.memory_space<vmem>>
    %dma_wait3A_139 = arith.constant 0 : i32
    %dma_wait3A_140 = tpu.memref_slice %arg2[%add3A_135, %dma_wait3A_139] : memref<10112x64xf32, #tpu.memory_space<hbm>> -> memref<128x64xf32, #tpu.memory_space<hbm>>
    %dma_wait3A_141 = arith.constant 0 : i32
    %dma_wait3A_142 = arith.constant 0 : i32
    %dma_wait3A_143 = tpu.memref_slice %arg9[%dma_wait3A_141, %dma_wait3A_142] : memref<128x64xf32, #tpu.memory_space<vmem>> -> memref<128x64xf32, #tpu.memory_space<vmem>>
    %dma_wait3A_144 = arith.constant 0 : i32
    %dma_wait3A_145 = tpu.memref_slice %arg2[%add3A_135, %dma_wait3A_144] : memref<10112x64xf32, #tpu.memory_space<hbm>> -> memref<128x64xf32, #tpu.memory_space<hbm>>
    tpu.wait_dma2 semaphore(%arg12 : memref<!tpu.dma_semaphore, #tpu.memory_space<semaphore_mem>>) src(%dma_wait3A_145 : memref<128x64xf32, #tpu.memory_space<hbm>>) dst(%dma_wait3A_143 : memref<128x64xf32, #tpu.memory_space<vmem>>)
    %add3A_146 = arith.constant 384 : i32
    %add3A_147 = arith.addi %mul3A_2, %add3A_146 : i32
    %dma_start3A_148 = arith.constant 0 : i32
    %dma_start3A_149 = arith.constant 0 : i32
    %dma_start3A_150 = tpu.memref_slice %arg11[%dma_start3A_148, %dma_start3A_149] : memref<128x64xf32, #tpu.memory_space<vmem>> -> memref<128x64xf32, #tpu.memory_space<vmem>>
    %dma_start3A_151 = arith.constant 0 : i32
    %dma_start3A_152 = tpu.memref_slice %arg2[%add3A_147, %dma_start3A_151] : memref<10112x64xf32, #tpu.memory_space<hbm>> -> memref<128x64xf32, #tpu.memory_space<hbm>>
    %dma_start3A_153 = arith.constant 0 : i32
    %dma_start3A_154 = arith.constant 0 : i32
    %dma_start3A_155 = tpu.memref_slice %arg11[%dma_start3A_153, %dma_start3A_154] : memref<128x64xf32, #tpu.memory_space<vmem>> -> memref<128x64xf32, #tpu.memory_space<vmem>>
    %dma_start3A_156 = arith.constant 0 : i32
    %dma_start3A_157 = tpu.memref_slice %arg2[%add3A_147, %dma_start3A_156] : memref<10112x64xf32, #tpu.memory_space<hbm>> -> memref<128x64xf32, #tpu.memory_space<hbm>>
    tpu.enqueue_dma source(%dma_start3A_157 : memref<128x64xf32, #tpu.memory_space<hbm>>) target(%dma_start3A_155 : memref<128x64xf32, #tpu.memory_space<vmem>>) target_semaphore(%arg13 : memref<!tpu.dma_semaphore, #tpu.memory_space<semaphore_mem>>)
    %add3A_158 = arith.constant 256 : i32
    %add3A_159 = arith.addi %mul3A_2, %add3A_158 : i32
    "tpu.region"() ({
      %run_scoped3A = tpu.sem_alloc : memref<!tpu.dma_semaphore, #tpu.memory_space<semaphore_mem>>
      %dma_start3A_303 = arith.constant 0 : i32
      %dma_start3A_304 = arith.constant 0 : i32
      %dma_start3A_305 = tpu.memref_slice %arg9[%dma_start3A_303, %dma_start3A_304] : memref<128x64xf32, #tpu.memory_space<vmem>> -> memref<128x64xf32, #tpu.memory_space<vmem>>
      %dma_start3A_306 = arith.constant 0 : i32
      %dma_start3A_307 = tpu.memref_slice %arg5[%add3A_159, %dma_start3A_306] : memref<10112x64xf32, #tpu.memory_space<vmem_shared>> -> memref<128x64xf32, #tpu.memory_space<vmem_shared>>
      %dma_start3A_308 = arith.constant 0 : i32
      %dma_start3A_309 = tpu.memref_slice %arg5[%add3A_159, %dma_start3A_308] : memref<10112x64xf32, #tpu.memory_space<vmem_shared>> -> memref<128x64xf32, #tpu.memory_space<vmem_shared>>
      %dma_start3A_310 = arith.constant 0 : i32
      %dma_start3A_311 = arith.constant 0 : i32
      %dma_start3A_312 = tpu.memref_slice %arg9[%dma_start3A_310, %dma_start3A_311] : memref<128x64xf32, #tpu.memory_space<vmem>> -> memref<128x64xf32, #tpu.memory_space<vmem>>
      tpu.enqueue_dma source(%dma_start3A_312 : memref<128x64xf32, #tpu.memory_space<vmem>>) target(%dma_start3A_309 : memref<128x64xf32, #tpu.memory_space<vmem_shared>>) target_semaphore(%run_scoped3A : memref<!tpu.dma_semaphore, #tpu.memory_space<semaphore_mem>>)
      %dma_wait3A_313 = arith.constant 0 : i32
      %dma_wait3A_314 = arith.constant 0 : i32
      %dma_wait3A_315 = tpu.memref_slice %arg9[%dma_wait3A_313, %dma_wait3A_314] : memref<128x64xf32, #tpu.memory_space<vmem>> -> memref<128x64xf32, #tpu.memory_space<vmem>>
      %dma_wait3A_316 = arith.constant 0 : i32
      %dma_wait3A_317 = tpu.memref_slice %arg5[%add3A_159, %dma_wait3A_316] : memref<10112x64xf32, #tpu.memory_space<vmem_shared>> -> memref<128x64xf32, #tpu.memory_space<vmem_shared>>
      %dma_wait3A_318 = arith.constant 0 : i32
      %dma_wait3A_319 = tpu.memref_slice %arg5[%add3A_159, %dma_wait3A_318] : memref<10112x64xf32, #tpu.memory_space<vmem_shared>> -> memref<128x64xf32, #tpu.memory_space<vmem_shared>>
      %dma_wait3A_320 = arith.constant 0 : i32
      %dma_wait3A_321 = arith.constant 0 : i32
      %dma_wait3A_322 = tpu.memref_slice %arg9[%dma_wait3A_320, %dma_wait3A_321] : memref<128x64xf32, #tpu.memory_space<vmem>> -> memref<128x64xf32, #tpu.memory_space<vmem>>
      tpu.wait_dma2 semaphore(%run_scoped3A : memref<!tpu.dma_semaphore, #tpu.memory_space<semaphore_mem>>) src(%dma_wait3A_322 : memref<128x64xf32, #tpu.memory_space<vmem>>) dst(%dma_wait3A_319 : memref<128x64xf32, #tpu.memory_space<vmem_shared>>)
      tpu.yield
    }) : () -> ()
    %add3A_160 = arith.constant 256 : i32
    %add3A_161 = arith.addi %mul3A_2, %add3A_160 : i32
    "tpu.region"() ({
      %run_scoped3A = tpu.sem_alloc : memref<!tpu.dma_semaphore, #tpu.memory_space<semaphore_mem>>
      %dma_start3A_303 = arith.constant 0 : i32
      %dma_start3A_304 = arith.constant 0 : i32
      %dma_start3A_305 = tpu.memref_slice %arg10[%dma_start3A_303, %dma_start3A_304] : memref<128x64xf32, #tpu.memory_space<vmem>> -> memref<128x64xf32, #tpu.memory_space<vmem>>
      %dma_start3A_306 = arith.constant 0 : i32
      %dma_start3A_307 = tpu.memref_slice %arg6[%add3A_161, %dma_start3A_306] : memref<10112x64xf32, #tpu.memory_space<vmem_shared>> -> memref<128x64xf32, #tpu.memory_space<vmem_shared>>
      %dma_start3A_308 = arith.constant 0 : i32
      %dma_start3A_309 = tpu.memref_slice %arg6[%add3A_161, %dma_start3A_308] : memref<10112x64xf32, #tpu.memory_space<vmem_shared>> -> memref<128x64xf32, #tpu.memory_space<vmem_shared>>
      %dma_start3A_310 = arith.constant 0 : i32
      %dma_start3A_311 = arith.constant 0 : i32
      %dma_start3A_312 = tpu.memref_slice %arg10[%dma_start3A_310, %dma_start3A_311] : memref<128x64xf32, #tpu.memory_space<vmem>> -> memref<128x64xf32, #tpu.memory_space<vmem>>
      tpu.enqueue_dma source(%dma_start3A_312 : memref<128x64xf32, #tpu.memory_space<vmem>>) target(%dma_start3A_309 : memref<128x64xf32, #tpu.memory_space<vmem_shared>>) target_semaphore(%run_scoped3A : memref<!tpu.dma_semaphore, #tpu.memory_space<semaphore_mem>>)
      %dma_wait3A_313 = arith.constant 0 : i32
      %dma_wait3A_314 = arith.constant 0 : i32
      %dma_wait3A_315 = tpu.memref_slice %arg10[%dma_wait3A_313, %dma_wait3A_314] : memref<128x64xf32, #tpu.memory_space<vmem>> -> memref<128x64xf32, #tpu.memory_space<vmem>>
      %dma_wait3A_316 = arith.constant 0 : i32
      %dma_wait3A_317 = tpu.memref_slice %arg6[%add3A_161, %dma_wait3A_316] : memref<10112x64xf32, #tpu.memory_space<vmem_shared>> -> memref<128x64xf32, #tpu.memory_space<vmem_shared>>
      %dma_wait3A_318 = arith.constant 0 : i32
      %dma_wait3A_319 = tpu.memref_slice %arg6[%add3A_161, %dma_wait3A_318] : memref<10112x64xf32, #tpu.memory_space<vmem_shared>> -> memref<128x64xf32, #tpu.memory_space<vmem_shared>>
      %dma_wait3A_320 = arith.constant 0 : i32
      %dma_wait3A_321 = arith.constant 0 : i32
      %dma_wait3A_322 = tpu.memref_slice %arg10[%dma_wait3A_320, %dma_wait3A_321] : memref<128x64xf32, #tpu.memory_space<vmem>> -> memref<128x64xf32, #tpu.memory_space<vmem>>
      tpu.wait_dma2 semaphore(%run_scoped3A : memref<!tpu.dma_semaphore, #tpu.memory_space<semaphore_mem>>) src(%dma_wait3A_322 : memref<128x64xf32, #tpu.memory_space<vmem>>) dst(%dma_wait3A_319 : memref<128x64xf32, #tpu.memory_space<vmem_shared>>)
      tpu.yield
    }) : () -> ()
    %add3A_162 = arith.constant 384 : i32
    %add3A_163 = arith.addi %mul3A_2, %add3A_162 : i32
    %dma_wait3A_164 = arith.constant 0 : i32
    %dma_wait3A_165 = arith.constant 0 : i32
    %dma_wait3A_166 = tpu.memref_slice %arg11[%dma_wait3A_164, %dma_wait3A_165] : memref<128x64xf32, #tpu.memory_space<vmem>> -> memref<128x64xf32, #tpu.memory_space<vmem>>
    %dma_wait3A_167 = arith.constant 0 : i32
    %dma_wait3A_168 = tpu.memref_slice %arg2[%add3A_163, %dma_wait3A_167] : memref<10112x64xf32, #tpu.memory_space<hbm>> -> memref<128x64xf32, #tpu.memory_space<hbm>>
    %dma_wait3A_169 = arith.constant 0 : i32
    %dma_wait3A_170 = arith.constant 0 : i32
    %dma_wait3A_171 = tpu.memref_slice %arg11[%dma_wait3A_169, %dma_wait3A_170] : memref<128x64xf32, #tpu.memory_space<vmem>> -> memref<128x64xf32, #tpu.memory_space<vmem>>
    %dma_wait3A_172 = arith.constant 0 : i32
    %dma_wait3A_173 = tpu.memref_slice %arg2[%add3A_163, %dma_wait3A_172] : memref<10112x64xf32, #tpu.memory_space<hbm>> -> memref<128x64xf32, #tpu.memory_space<hbm>>
    tpu.wait_dma2 semaphore(%arg13 : memref<!tpu.dma_semaphore, #tpu.memory_space<semaphore_mem>>) src(%dma_wait3A_173 : memref<128x64xf32, #tpu.memory_space<hbm>>) dst(%dma_wait3A_171 : memref<128x64xf32, #tpu.memory_space<vmem>>)
    %add3A_174 = arith.constant 512 : i32
    %add3A_175 = arith.addi %mul3A_2, %add3A_174 : i32
    %dma_start3A_176 = arith.constant 0 : i32
    %dma_start3A_177 = arith.constant 0 : i32
    %dma_start3A_178 = tpu.memref_slice %arg9[%dma_start3A_176, %dma_start3A_177] : memref<128x64xf32, #tpu.memory_space<vmem>> -> memref<120x64xf32, #tpu.memory_space<vmem>>
    %dma_start3A_179 = arith.constant 0 : i32
    %dma_start3A_180 = tpu.memref_slice %arg2[%add3A_175, %dma_start3A_179] : memref<10112x64xf32, #tpu.memory_space<hbm>> -> memref<120x64xf32, #tpu.memory_space<hbm>>
    %dma_start3A_181 = arith.constant 0 : i32
    %dma_start3A_182 = arith.constant 0 : i32
    %dma_start3A_183 = tpu.memref_slice %arg9[%dma_start3A_181, %dma_start3A_182] : memref<128x64xf32, #tpu.memory_space<vmem>> -> memref<120x64xf32, #tpu.memory_space<vmem>>
    %dma_start3A_184 = arith.constant 0 : i32
    %dma_start3A_185 = tpu.memref_slice %arg2[%add3A_175, %dma_start3A_184] : memref<10112x64xf32, #tpu.memory_space<hbm>> -> memref<120x64xf32, #tpu.memory_space<hbm>>
    tpu.enqueue_dma source(%dma_start3A_185 : memref<120x64xf32, #tpu.memory_space<hbm>>) target(%dma_start3A_183 : memref<120x64xf32, #tpu.memory_space<vmem>>) target_semaphore(%arg12 : memref<!tpu.dma_semaphore, #tpu.memory_space<semaphore_mem>>)
    %add3A_186 = arith.constant 384 : i32
    %add3A_187 = arith.addi %mul3A_2, %add3A_186 : i32
    "tpu.region"() ({
      %run_scoped3A = tpu.sem_alloc : memref<!tpu.dma_semaphore, #tpu.memory_space<semaphore_mem>>
      %dma_start3A_303 = arith.constant 0 : i32
      %dma_start3A_304 = arith.constant 0 : i32
      %dma_start3A_305 = tpu.memref_slice %arg11[%dma_start3A_303, %dma_start3A_304] : memref<128x64xf32, #tpu.memory_space<vmem>> -> memref<128x64xf32, #tpu.memory_space<vmem>>
      %dma_start3A_306 = arith.constant 0 : i32
      %dma_start3A_307 = tpu.memref_slice %arg5[%add3A_187, %dma_start3A_306] : memref<10112x64xf32, #tpu.memory_space<vmem_shared>> -> memref<128x64xf32, #tpu.memory_space<vmem_shared>>
      %dma_start3A_308 = arith.constant 0 : i32
      %dma_start3A_309 = tpu.memref_slice %arg5[%add3A_187, %dma_start3A_308] : memref<10112x64xf32, #tpu.memory_space<vmem_shared>> -> memref<128x64xf32, #tpu.memory_space<vmem_shared>>
      %dma_start3A_310 = arith.constant 0 : i32
      %dma_start3A_311 = arith.constant 0 : i32
      %dma_start3A_312 = tpu.memref_slice %arg11[%dma_start3A_310, %dma_start3A_311] : memref<128x64xf32, #tpu.memory_space<vmem>> -> memref<128x64xf32, #tpu.memory_space<vmem>>
      tpu.enqueue_dma source(%dma_start3A_312 : memref<128x64xf32, #tpu.memory_space<vmem>>) target(%dma_start3A_309 : memref<128x64xf32, #tpu.memory_space<vmem_shared>>) target_semaphore(%run_scoped3A : memref<!tpu.dma_semaphore, #tpu.memory_space<semaphore_mem>>)
      %dma_wait3A_313 = arith.constant 0 : i32
      %dma_wait3A_314 = arith.constant 0 : i32
      %dma_wait3A_315 = tpu.memref_slice %arg11[%dma_wait3A_313, %dma_wait3A_314] : memref<128x64xf32, #tpu.memory_space<vmem>> -> memref<128x64xf32, #tpu.memory_space<vmem>>
      %dma_wait3A_316 = arith.constant 0 : i32
      %dma_wait3A_317 = tpu.memref_slice %arg5[%add3A_187, %dma_wait3A_316] : memref<10112x64xf32, #tpu.memory_space<vmem_shared>> -> memref<128x64xf32, #tpu.memory_space<vmem_shared>>
      %dma_wait3A_318 = arith.constant 0 : i32
      %dma_wait3A_319 = tpu.memref_slice %arg5[%add3A_187, %dma_wait3A_318] : memref<10112x64xf32, #tpu.memory_space<vmem_shared>> -> memref<128x64xf32, #tpu.memory_space<vmem_shared>>
      %dma_wait3A_320 = arith.constant 0 : i32
      %dma_wait3A_321 = arith.constant 0 : i32
      %dma_wait3A_322 = tpu.memref_slice %arg11[%dma_wait3A_320, %dma_wait3A_321] : memref<128x64xf32, #tpu.memory_space<vmem>> -> memref<128x64xf32, #tpu.memory_space<vmem>>
      tpu.wait_dma2 semaphore(%run_scoped3A : memref<!tpu.dma_semaphore, #tpu.memory_space<semaphore_mem>>) src(%dma_wait3A_322 : memref<128x64xf32, #tpu.memory_space<vmem>>) dst(%dma_wait3A_319 : memref<128x64xf32, #tpu.memory_space<vmem_shared>>)
      tpu.yield
    }) : () -> ()
    %add3A_188 = arith.constant 384 : i32
    %add3A_189 = arith.addi %mul3A_2, %add3A_188 : i32
    "tpu.region"() ({
      %run_scoped3A = tpu.sem_alloc : memref<!tpu.dma_semaphore, #tpu.memory_space<semaphore_mem>>
      %dma_start3A_303 = arith.constant 0 : i32
      %dma_start3A_304 = arith.constant 0 : i32
      %dma_start3A_305 = tpu.memref_slice %arg10[%dma_start3A_303, %dma_start3A_304] : memref<128x64xf32, #tpu.memory_space<vmem>> -> memref<128x64xf32, #tpu.memory_space<vmem>>
      %dma_start3A_306 = arith.constant 0 : i32
      %dma_start3A_307 = tpu.memref_slice %arg6[%add3A_189, %dma_start3A_306] : memref<10112x64xf32, #tpu.memory_space<vmem_shared>> -> memref<128x64xf32, #tpu.memory_space<vmem_shared>>
      %dma_start3A_308 = arith.constant 0 : i32
      %dma_start3A_309 = tpu.memref_slice %arg6[%add3A_189, %dma_start3A_308] : memref<10112x64xf32, #tpu.memory_space<vmem_shared>> -> memref<128x64xf32, #tpu.memory_space<vmem_shared>>
      %dma_start3A_310 = arith.constant 0 : i32
      %dma_start3A_311 = arith.constant 0 : i32
      %dma_start3A_312 = tpu.memref_slice %arg10[%dma_start3A_310, %dma_start3A_311] : memref<128x64xf32, #tpu.memory_space<vmem>> -> memref<128x64xf32, #tpu.memory_space<vmem>>
      tpu.enqueue_dma source(%dma_start3A_312 : memref<128x64xf32, #tpu.memory_space<vmem>>) target(%dma_start3A_309 : memref<128x64xf32, #tpu.memory_space<vmem_shared>>) target_semaphore(%run_scoped3A : memref<!tpu.dma_semaphore, #tpu.memory_space<semaphore_mem>>)
      %dma_wait3A_313 = arith.constant 0 : i32
      %dma_wait3A_314 = arith.constant 0 : i32
      %dma_wait3A_315 = tpu.memref_slice %arg10[%dma_wait3A_313, %dma_wait3A_314] : memref<128x64xf32, #tpu.memory_space<vmem>> -> memref<128x64xf32, #tpu.memory_space<vmem>>
      %dma_wait3A_316 = arith.constant 0 : i32
      %dma_wait3A_317 = tpu.memref_slice %arg6[%add3A_189, %dma_wait3A_316] : memref<10112x64xf32, #tpu.memory_space<vmem_shared>> -> memref<128x64xf32, #tpu.memory_space<vmem_shared>>
      %dma_wait3A_318 = arith.constant 0 : i32
      %dma_wait3A_319 = tpu.memref_slice %arg6[%add3A_189, %dma_wait3A_318] : memref<10112x64xf32, #tpu.memory_space<vmem_shared>> -> memref<128x64xf32, #tpu.memory_space<vmem_shared>>
      %dma_wait3A_320 = arith.constant 0 : i32
      %dma_wait3A_321 = arith.constant 0 : i32
      %dma_wait3A_322 = tpu.memref_slice %arg10[%dma_wait3A_320, %dma_wait3A_321] : memref<128x64xf32, #tpu.memory_space<vmem>> -> memref<128x64xf32, #tpu.memory_space<vmem>>
      tpu.wait_dma2 semaphore(%run_scoped3A : memref<!tpu.dma_semaphore, #tpu.memory_space<semaphore_mem>>) src(%dma_wait3A_322 : memref<128x64xf32, #tpu.memory_space<vmem>>) dst(%dma_wait3A_319 : memref<128x64xf32, #tpu.memory_space<vmem_shared>>)
      tpu.yield
    }) : () -> ()
    %add3A_190 = arith.constant 512 : i32
    %add3A_191 = arith.addi %mul3A_2, %add3A_190 : i32
    %dma_wait3A_192 = arith.constant 0 : i32
    %dma_wait3A_193 = arith.constant 0 : i32
    %dma_wait3A_194 = tpu.memref_slice %arg9[%dma_wait3A_192, %dma_wait3A_193] : memref<128x64xf32, #tpu.memory_space<vmem>> -> memref<120x64xf32, #tpu.memory_space<vmem>>
    %dma_wait3A_195 = arith.constant 0 : i32
    %dma_wait3A_196 = tpu.memref_slice %arg2[%add3A_191, %dma_wait3A_195] : memref<10112x64xf32, #tpu.memory_space<hbm>> -> memref<120x64xf32, #tpu.memory_space<hbm>>
    %dma_wait3A_197 = arith.constant 0 : i32
    %dma_wait3A_198 = arith.constant 0 : i32
    %dma_wait3A_199 = tpu.memref_slice %arg9[%dma_wait3A_197, %dma_wait3A_198] : memref<128x64xf32, #tpu.memory_space<vmem>> -> memref<120x64xf32, #tpu.memory_space<vmem>>
    %dma_wait3A_200 = arith.constant 0 : i32
    %dma_wait3A_201 = tpu.memref_slice %arg2[%add3A_191, %dma_wait3A_200] : memref<10112x64xf32, #tpu.memory_space<hbm>> -> memref<120x64xf32, #tpu.memory_space<hbm>>
    tpu.wait_dma2 semaphore(%arg12 : memref<!tpu.dma_semaphore, #tpu.memory_space<semaphore_mem>>) src(%dma_wait3A_201 : memref<120x64xf32, #tpu.memory_space<hbm>>) dst(%dma_wait3A_199 : memref<120x64xf32, #tpu.memory_space<vmem>>)
    %add3A_202 = arith.constant 512 : i32
    %add3A_203 = arith.addi %mul3A_2, %add3A_202 : i32
    "tpu.region"() ({
      %run_scoped3A = tpu.sem_alloc : memref<!tpu.dma_semaphore, #tpu.memory_space<semaphore_mem>>
      %dma_start3A_303 = arith.constant 0 : i32
      %dma_start3A_304 = arith.constant 0 : i32
      %dma_start3A_305 = tpu.memref_slice %arg9[%dma_start3A_303, %dma_start3A_304] : memref<128x64xf32, #tpu.memory_space<vmem>> -> memref<120x64xf32, #tpu.memory_space<vmem>>
      %dma_start3A_306 = arith.constant 0 : i32
      %dma_start3A_307 = tpu.memref_slice %arg5[%add3A_203, %dma_start3A_306] : memref<10112x64xf32, #tpu.memory_space<vmem_shared>> -> memref<120x64xf32, #tpu.memory_space<vmem_shared>>
      %dma_start3A_308 = arith.constant 0 : i32
      %dma_start3A_309 = tpu.memref_slice %arg5[%add3A_203, %dma_start3A_308] : memref<10112x64xf32, #tpu.memory_space<vmem_shared>> -> memref<120x64xf32, #tpu.memory_space<vmem_shared>>
      %dma_start3A_310 = arith.constant 0 : i32
      %dma_start3A_311 = arith.constant 0 : i32
      %dma_start3A_312 = tpu.memref_slice %arg9[%dma_start3A_310, %dma_start3A_311] : memref<128x64xf32, #tpu.memory_space<vmem>> -> memref<120x64xf32, #tpu.memory_space<vmem>>
      tpu.enqueue_dma source(%dma_start3A_312 : memref<120x64xf32, #tpu.memory_space<vmem>>) target(%dma_start3A_309 : memref<120x64xf32, #tpu.memory_space<vmem_shared>>) target_semaphore(%run_scoped3A : memref<!tpu.dma_semaphore, #tpu.memory_space<semaphore_mem>>)
      %dma_wait3A_313 = arith.constant 0 : i32
      %dma_wait3A_314 = arith.constant 0 : i32
      %dma_wait3A_315 = tpu.memref_slice %arg9[%dma_wait3A_313, %dma_wait3A_314] : memref<128x64xf32, #tpu.memory_space<vmem>> -> memref<120x64xf32, #tpu.memory_space<vmem>>
      %dma_wait3A_316 = arith.constant 0 : i32
      %dma_wait3A_317 = tpu.memref_slice %arg5[%add3A_203, %dma_wait3A_316] : memref<10112x64xf32, #tpu.memory_space<vmem_shared>> -> memref<120x64xf32, #tpu.memory_space<vmem_shared>>
      %dma_wait3A_318 = arith.constant 0 : i32
      %dma_wait3A_319 = tpu.memref_slice %arg5[%add3A_203, %dma_wait3A_318] : memref<10112x64xf32, #tpu.memory_space<vmem_shared>> -> memref<120x64xf32, #tpu.memory_space<vmem_shared>>
      %dma_wait3A_320 = arith.constant 0 : i32
      %dma_wait3A_321 = arith.constant 0 : i32
      %dma_wait3A_322 = tpu.memref_slice %arg9[%dma_wait3A_320, %dma_wait3A_321] : memref<128x64xf32, #tpu.memory_space<vmem>> -> memref<120x64xf32, #tpu.memory_space<vmem>>
      tpu.wait_dma2 semaphore(%run_scoped3A : memref<!tpu.dma_semaphore, #tpu.memory_space<semaphore_mem>>) src(%dma_wait3A_322 : memref<120x64xf32, #tpu.memory_space<vmem>>) dst(%dma_wait3A_319 : memref<120x64xf32, #tpu.memory_space<vmem_shared>>)
      tpu.yield
    }) : () -> ()
    %add3A_204 = arith.constant 512 : i32
    %add3A_205 = arith.addi %mul3A_2, %add3A_204 : i32
    "tpu.region"() ({
      %run_scoped3A = tpu.sem_alloc : memref<!tpu.dma_semaphore, #tpu.memory_space<semaphore_mem>>
      %dma_start3A_303 = arith.constant 0 : i32
      %dma_start3A_304 = arith.constant 0 : i32
      %dma_start3A_305 = tpu.memref_slice %arg10[%dma_start3A_303, %dma_start3A_304] : memref<128x64xf32, #tpu.memory_space<vmem>> -> memref<120x64xf32, #tpu.memory_space<vmem>>
      %dma_start3A_306 = arith.constant 0 : i32
      %dma_start3A_307 = tpu.memref_slice %arg6[%add3A_205, %dma_start3A_306] : memref<10112x64xf32, #tpu.memory_space<vmem_shared>> -> memref<120x64xf32, #tpu.memory_space<vmem_shared>>
      %dma_start3A_308 = arith.constant 0 : i32
      %dma_start3A_309 = tpu.memref_slice %arg6[%add3A_205, %dma_start3A_308] : memref<10112x64xf32, #tpu.memory_space<vmem_shared>> -> memref<120x64xf32, #tpu.memory_space<vmem_shared>>
      %dma_start3A_310 = arith.constant 0 : i32
      %dma_start3A_311 = arith.constant 0 : i32
      %dma_start3A_312 = tpu.memref_slice %arg10[%dma_start3A_310, %dma_start3A_311] : memref<128x64xf32, #tpu.memory_space<vmem>> -> memref<120x64xf32, #tpu.memory_space<vmem>>
      tpu.enqueue_dma source(%dma_start3A_312 : memref<120x64xf32, #tpu.memory_space<vmem>>) target(%dma_start3A_309 : memref<120x64xf32, #tpu.memory_space<vmem_shared>>) target_semaphore(%run_scoped3A : memref<!tpu.dma_semaphore, #tpu.memory_space<semaphore_mem>>)
      %dma_wait3A_313 = arith.constant 0 : i32
      %dma_wait3A_314 = arith.constant 0 : i32
      %dma_wait3A_315 = tpu.memref_slice %arg10[%dma_wait3A_313, %dma_wait3A_314] : memref<128x64xf32, #tpu.memory_space<vmem>> -> memref<120x64xf32, #tpu.memory_space<vmem>>
      %dma_wait3A_316 = arith.constant 0 : i32
      %dma_wait3A_317 = tpu.memref_slice %arg6[%add3A_205, %dma_wait3A_316] : memref<10112x64xf32, #tpu.memory_space<vmem_shared>> -> memref<120x64xf32, #tpu.memory_space<vmem_shared>>
      %dma_wait3A_318 = arith.constant 0 : i32
      %dma_wait3A_319 = tpu.memref_slice %arg6[%add3A_205, %dma_wait3A_318] : memref<10112x64xf32, #tpu.memory_space<vmem_shared>> -> memref<120x64xf32, #tpu.memory_space<vmem_shared>>
      %dma_wait3A_320 = arith.constant 0 : i32
      %dma_wait3A_321 = arith.constant 0 : i32
      %dma_wait3A_322 = tpu.memref_slice %arg10[%dma_wait3A_320, %dma_wait3A_321] : memref<128x64xf32, #tpu.memory_space<vmem>> -> memref<120x64xf32, #tpu.memory_space<vmem>>
      tpu.wait_dma2 semaphore(%run_scoped3A : memref<!tpu.dma_semaphore, #tpu.memory_space<semaphore_mem>>) src(%dma_wait3A_322 : memref<120x64xf32, #tpu.memory_space<vmem>>) dst(%dma_wait3A_319 : memref<120x64xf32, #tpu.memory_space<vmem_shared>>)
      tpu.yield
    }) : () -> ()
    %dma_wait3A_206 = arith.constant 0 : i32
    %dma_wait3A_207 = arith.constant 0 : i32
    %dma_wait3A_208 = arith.constant 0 : i32
    %dma_wait3A_209 = tpu.memref_slice %arg7[%dma_wait3A_207, %dma_wait3A_208] : memref<79x128xi32, #tpu.memory_space<vmem>> -> memref<78x128xi32, #tpu.memory_space<vmem>>
    %dma_wait3A_210 = arith.constant 0 : i32
    %dma_wait3A_211 = tpu.memref_slice %arg3[%dma_wait3A_206, %mul3A_4, %dma_wait3A_210] : memref<2x2500x128xi32, #tpu.memory_space<hbm>> -> memref<1x78x128xi32, #tpu.memory_space<hbm>>
    %dma_wait3A_212 = tpu.memref_squeeze %dma_wait3A_211 : memref<1x78x128xi32, #tpu.memory_space<hbm>> -> memref<78x128xi32, #tpu.memory_space<hbm>>
    %dma_wait3A_213 = arith.constant 0 : i32
    %dma_wait3A_214 = arith.constant 0 : i32
    %dma_wait3A_215 = tpu.memref_slice %arg7[%dma_wait3A_213, %dma_wait3A_214] : memref<79x128xi32, #tpu.memory_space<vmem>> -> memref<78x128xi32, #tpu.memory_space<vmem>>
    %dma_wait3A_216 = arith.constant 0 : i32
    %dma_wait3A_217 = tpu.memref_slice %arg3[%dma_wait3A_206, %mul3A_4, %dma_wait3A_216] : memref<2x2500x128xi32, #tpu.memory_space<hbm>> -> memref<1x78x128xi32, #tpu.memory_space<hbm>>
    %dma_wait3A_218 = tpu.memref_squeeze %dma_wait3A_217 : memref<1x78x128xi32, #tpu.memory_space<hbm>> -> memref<78x128xi32, #tpu.memory_space<hbm>>
    tpu.wait_dma2 semaphore(%arg14 : memref<!tpu.dma_semaphore, #tpu.memory_space<semaphore_mem>>) src(%dma_wait3A_218 : memref<78x128xi32, #tpu.memory_space<hbm>>) dst(%dma_wait3A_215 : memref<78x128xi32, #tpu.memory_space<vmem>>)
    %dma_wait3A_219 = arith.constant 1 : i32
    %dma_wait3A_220 = arith.constant 0 : i32
    %dma_wait3A_221 = arith.constant 0 : i32
    %dma_wait3A_222 = tpu.memref_slice %arg8[%dma_wait3A_220, %dma_wait3A_221] : memref<79x128xi32, #tpu.memory_space<vmem>> -> memref<78x128xi32, #tpu.memory_space<vmem>>
    %dma_wait3A_223 = arith.constant 0 : i32
    %dma_wait3A_224 = tpu.memref_slice %arg3[%dma_wait3A_219, %mul3A_4, %dma_wait3A_223] : memref<2x2500x128xi32, #tpu.memory_space<hbm>> -> memref<1x78x128xi32, #tpu.memory_space<hbm>>
    %dma_wait3A_225 = tpu.memref_squeeze %dma_wait3A_224 : memref<1x78x128xi32, #tpu.memory_space<hbm>> -> memref<78x128xi32, #tpu.memory_space<hbm>>
    %dma_wait3A_226 = arith.constant 0 : i32
    %dma_wait3A_227 = arith.constant 0 : i32
    %dma_wait3A_228 = tpu.memref_slice %arg8[%dma_wait3A_226, %dma_wait3A_227] : memref<79x128xi32, #tpu.memory_space<vmem>> -> memref<78x128xi32, #tpu.memory_space<vmem>>
    %dma_wait3A_229 = arith.constant 0 : i32
    %dma_wait3A_230 = tpu.memref_slice %arg3[%dma_wait3A_219, %mul3A_4, %dma_wait3A_229] : memref<2x2500x128xi32, #tpu.memory_space<hbm>> -> memref<1x78x128xi32, #tpu.memory_space<hbm>>
    %dma_wait3A_231 = tpu.memref_squeeze %dma_wait3A_230 : memref<1x78x128xi32, #tpu.memory_space<hbm>> -> memref<78x128xi32, #tpu.memory_space<hbm>>
    tpu.wait_dma2 semaphore(%arg14 : memref<!tpu.dma_semaphore, #tpu.memory_space<semaphore_mem>>) src(%dma_wait3A_231 : memref<78x128xi32, #tpu.memory_space<hbm>>) dst(%dma_wait3A_228 : memref<78x128xi32, #tpu.memory_space<vmem>>)
    %dma_wait3A_232 = arith.constant 0 : i32
    %dma_wait3A_233 = arith.constant 78 : i32
    %dma_wait3A_234 = arith.constant 0 : i32
    %dma_wait3A_235 = tpu.memref_slice %arg7[%dma_wait3A_233, %dma_wait3A_234] : memref<79x128xi32, #tpu.memory_space<vmem>> -> memref<1x128xi32, #tpu.memory_space<vmem>>
    %dma_wait3A_236 = tpu.memref_squeeze %dma_wait3A_235 : memref<1x128xi32, #tpu.memory_space<vmem>> -> memref<128xi32, #tpu.memory_space<vmem>>
    %dma_wait3A_237 = arith.constant 0 : i32
    %dma_wait3A_238 = tpu.memref_slice %arg3[%dma_wait3A_232, %min3A_7, %dma_wait3A_237] : memref<2x2500x128xi32, #tpu.memory_space<hbm>> -> memref<1x1x128xi32, #tpu.memory_space<hbm>>
    %dma_wait3A_239 = tpu.memref_squeeze %dma_wait3A_238 : memref<1x1x128xi32, #tpu.memory_space<hbm>> -> memref<128xi32, #tpu.memory_space<hbm>>
    %dma_wait3A_240 = arith.constant 0 : i32
    %dma_wait3A_241 = tpu.memref_slice %arg7[%dma_wait3A_233, %dma_wait3A_240] : memref<79x128xi32, #tpu.memory_space<vmem>> -> memref<1x128xi32, #tpu.memory_space<vmem>>
    %dma_wait3A_242 = tpu.memref_squeeze %dma_wait3A_241 : memref<1x128xi32, #tpu.memory_space<vmem>> -> memref<128xi32, #tpu.memory_space<vmem>>
    %dma_wait3A_243 = arith.constant 0 : i32
    %dma_wait3A_244 = tpu.memref_slice %arg3[%dma_wait3A_232, %min3A_7, %dma_wait3A_243] : memref<2x2500x128xi32, #tpu.memory_space<hbm>> -> memref<1x1x128xi32, #tpu.memory_space<hbm>>
    %dma_wait3A_245 = tpu.memref_squeeze %dma_wait3A_244 : memref<1x1x128xi32, #tpu.memory_space<hbm>> -> memref<128xi32, #tpu.memory_space<hbm>>
    tpu.wait_dma2 semaphore(%arg14 : memref<!tpu.dma_semaphore, #tpu.memory_space<semaphore_mem>>) src(%dma_wait3A_245 : memref<128xi32, #tpu.memory_space<hbm>>) dst(%dma_wait3A_242 : memref<128xi32, #tpu.memory_space<vmem>>)
    %dma_wait3A_246 = arith.constant 1 : i32
    %dma_wait3A_247 = arith.constant 78 : i32
    %dma_wait3A_248 = arith.constant 0 : i32
    %dma_wait3A_249 = tpu.memref_slice %arg8[%dma_wait3A_247, %dma_wait3A_248] : memref<79x128xi32, #tpu.memory_space<vmem>> -> memref<1x128xi32, #tpu.memory_space<vmem>>
    %dma_wait3A_250 = tpu.memref_squeeze %dma_wait3A_249 : memref<1x128xi32, #tpu.memory_space<vmem>> -> memref<128xi32, #tpu.memory_space<vmem>>
    %dma_wait3A_251 = arith.constant 0 : i32
    %dma_wait3A_252 = tpu.memref_slice %arg3[%dma_wait3A_246, %min3A_7, %dma_wait3A_251] : memref<2x2500x128xi32, #tpu.memory_space<hbm>> -> memref<1x1x128xi32, #tpu.memory_space<hbm>>
    %dma_wait3A_253 = tpu.memref_squeeze %dma_wait3A_252 : memref<1x1x128xi32, #tpu.memory_space<hbm>> -> memref<128xi32, #tpu.memory_space<hbm>>
    %dma_wait3A_254 = arith.constant 0 : i32
    %dma_wait3A_255 = tpu.memref_slice %arg8[%dma_wait3A_247, %dma_wait3A_254] : memref<79x128xi32, #tpu.memory_space<vmem>> -> memref<1x128xi32, #tpu.memory_space<vmem>>
    %dma_wait3A_256 = tpu.memref_squeeze %dma_wait3A_255 : memref<1x128xi32, #tpu.memory_space<vmem>> -> memref<128xi32, #tpu.memory_space<vmem>>
    %dma_wait3A_257 = arith.constant 0 : i32
    %dma_wait3A_258 = tpu.memref_slice %arg3[%dma_wait3A_246, %min3A_7, %dma_wait3A_257] : memref<2x2500x128xi32, #tpu.memory_space<hbm>> -> memref<1x1x128xi32, #tpu.memory_space<hbm>>
    %dma_wait3A_259 = tpu.memref_squeeze %dma_wait3A_258 : memref<1x1x128xi32, #tpu.memory_space<hbm>> -> memref<128xi32, #tpu.memory_space<hbm>>
    tpu.wait_dma2 semaphore(%arg14 : memref<!tpu.dma_semaphore, #tpu.memory_space<semaphore_mem>>) src(%dma_wait3A_259 : memref<128xi32, #tpu.memory_space<hbm>>) dst(%dma_wait3A_256 : memref<128xi32, #tpu.memory_space<vmem>>)
    %barrier3A = arith.constant 0 : index
    tpu.barrier barrier_id(%barrier3A)
    %dma_start3A_260 = arith.constant 0 : i32
    %dma_start3A_261 = arith.constant 0 : i32
    %dma_start3A_262 = tpu.memref_slice %arg7[%dma_start3A_260, %dma_start3A_261] : memref<79x128xi32, #tpu.memory_space<vmem>> -> memref<1x128xi32, #tpu.memory_space<vmem>>
    %dma_start3A_263 = tpu.memref_squeeze %dma_start3A_262 : memref<1x128xi32, #tpu.memory_space<vmem>> -> memref<128xi32, #tpu.memory_space<vmem>>
    %dma_start3A_264 = arith.constant 0 : i32
    %dma_start3A_265 = arith.constant 0 : i32
    %dma_start3A_266 = tpu.memref_slice %arg5[%dma_start3A_264, %dma_start3A_265] : memref<10112x64xf32, #tpu.memory_space<vmem_shared>> -> memref<10112x64xf32, #tpu.memory_space<vmem_shared>>
    tpu.enqueue_indirect_dma source(%dma_start3A_266 : memref<10112x64xf32, #tpu.memory_space<vmem_shared>>) target(%arg9 : memref<128x64xf32, #tpu.memory_space<vmem>>) offsets(%dma_start3A_263 : memref<128xi32, #tpu.memory_space<vmem>>) semaphore(%arg12 : memref<!tpu.dma_semaphore, #tpu.memory_space<semaphore_mem>>)
    %dma_start3A_267 = arith.constant 1 : i32
    %dma_start3A_268 = arith.constant 0 : i32
    %dma_start3A_269 = tpu.memref_slice %arg7[%dma_start3A_267, %dma_start3A_268] : memref<79x128xi32, #tpu.memory_space<vmem>> -> memref<1x128xi32, #tpu.memory_space<vmem>>
    %dma_start3A_270 = tpu.memref_squeeze %dma_start3A_269 : memref<1x128xi32, #tpu.memory_space<vmem>> -> memref<128xi32, #tpu.memory_space<vmem>>
    %dma_start3A_271 = arith.constant 0 : i32
    %dma_start3A_272 = arith.constant 0 : i32
    %dma_start3A_273 = tpu.memref_slice %arg5[%dma_start3A_271, %dma_start3A_272] : memref<10112x64xf32, #tpu.memory_space<vmem_shared>> -> memref<10112x64xf32, #tpu.memory_space<vmem_shared>>
    tpu.enqueue_indirect_dma source(%dma_start3A_273 : memref<10112x64xf32, #tpu.memory_space<vmem_shared>>) target(%arg10 : memref<128x64xf32, #tpu.memory_space<vmem>>) offsets(%dma_start3A_270 : memref<128xi32, #tpu.memory_space<vmem>>) semaphore(%arg13 : memref<!tpu.dma_semaphore, #tpu.memory_space<semaphore_mem>>)
    %scan3A_274 = arith.constant 0 : i32
    %scan3A_275 = arith.constant 0 : i32
    %scan3A_276 = arith.constant 26 : i32
    %scan3A_277 = arith.addi %scan3A_275, %scan3A_276 : i32
    %scan3A_278 = arith.constant 1 : i32
    scf.for %scan3A_303 = %scan3A_275 to %scan3A_277 step %scan3A_278  : i32 {
      %mul3A_304 = arith.constant 3 : i32
      %mul3A_305 = arith.muli %scan3A_303, %mul3A_304 : i32
      %add3A_306 = arith.constant 0 : i32
      %add3A_307 = arith.addi %mul3A_305, %add3A_306 : i32
      %dma_wait3A_308 = arith.constant 0 : i32
      %dma_wait3A_309 = arith.constant 0 : i32
      %dma_wait3A_310 = tpu.memref_slice %arg7[%dma_wait3A_308, %dma_wait3A_309] : memref<79x128xi32, #tpu.memory_space<vmem>> -> memref<1x128xi32, #tpu.memory_space<vmem>>
      %dma_wait3A_311 = tpu.memref_squeeze %dma_wait3A_310 : memref<1x128xi32, #tpu.memory_space<vmem>> -> memref<128xi32, #tpu.memory_space<vmem>>
      %dma_wait3A_312 = arith.constant 0 : i32
      %dma_wait3A_313 = arith.constant 0 : i32
      %dma_wait3A_314 = tpu.memref_slice %arg5[%dma_wait3A_312, %dma_wait3A_313] : memref<10112x64xf32, #tpu.memory_space<vmem_shared>> -> memref<10112x64xf32, #tpu.memory_space<vmem_shared>>
      tpu.wait_indirect_dma semaphore(%arg12 : memref<!tpu.dma_semaphore, #tpu.memory_space<semaphore_mem>>) src(%dma_wait3A_314 : memref<10112x64xf32, #tpu.memory_space<vmem_shared>>) dst(%arg9 : memref<128x64xf32, #tpu.memory_space<vmem>>)
      %add3A_315 = arith.constant 2 : i32
      %add3A_316 = arith.addi %add3A_307, %add3A_315 : i32
      %dma_start3A_317 = arith.constant 0 : i32
      %dma_start3A_318 = tpu.memref_slice %arg7[%add3A_316, %dma_start3A_317] : memref<79x128xi32, #tpu.memory_space<vmem>> -> memref<1x128xi32, #tpu.memory_space<vmem>>
      %dma_start3A_319 = tpu.memref_squeeze %dma_start3A_318 : memref<1x128xi32, #tpu.memory_space<vmem>> -> memref<128xi32, #tpu.memory_space<vmem>>
      %dma_start3A_320 = arith.constant 0 : i32
      %dma_start3A_321 = arith.constant 0 : i32
      %dma_start3A_322 = tpu.memref_slice %arg5[%dma_start3A_320, %dma_start3A_321] : memref<10112x64xf32, #tpu.memory_space<vmem_shared>> -> memref<10112x64xf32, #tpu.memory_space<vmem_shared>>
      tpu.enqueue_indirect_dma source(%dma_start3A_322 : memref<10112x64xf32, #tpu.memory_space<vmem_shared>>) target(%arg11 : memref<128x64xf32, #tpu.memory_space<vmem>>) offsets(%dma_start3A_319 : memref<128xi32, #tpu.memory_space<vmem>>) semaphore(%arg14 : memref<!tpu.dma_semaphore, #tpu.memory_space<semaphore_mem>>)
      "tpu.region"() ({
        %run_scoped3A = tpu.sem_alloc : memref<!tpu.dma_semaphore, #tpu.memory_space<semaphore_mem>>
        %dma_start3A_355 = arith.constant 0 : i32
        %dma_start3A_356 = tpu.memref_slice %arg8[%add3A_307, %dma_start3A_355] : memref<79x128xi32, #tpu.memory_space<vmem>> -> memref<1x128xi32, #tpu.memory_space<vmem>>
        %dma_start3A_357 = tpu.memref_squeeze %dma_start3A_356 : memref<1x128xi32, #tpu.memory_space<vmem>> -> memref<128xi32, #tpu.memory_space<vmem>>
        %dma_start3A_358 = arith.constant 0 : i32
        %dma_start3A_359 = arith.constant 0 : i32
        %dma_start3A_360 = tpu.memref_slice %arg6[%dma_start3A_358, %dma_start3A_359] : memref<10112x64xf32, #tpu.memory_space<vmem_shared>> -> memref<10112x64xf32, #tpu.memory_space<vmem_shared>>
        tpu.enqueue_indirect_dma source(%arg9 : memref<128x64xf32, #tpu.memory_space<vmem>>) target(%dma_start3A_360 : memref<10112x64xf32, #tpu.memory_space<vmem_shared>>) offsets(%dma_start3A_357 : memref<128xi32, #tpu.memory_space<vmem>>) semaphore(%run_scoped3A : memref<!tpu.dma_semaphore, #tpu.memory_space<semaphore_mem>>) {add = true}
        %dma_wait3A_361 = arith.constant 0 : i32
        %dma_wait3A_362 = tpu.memref_slice %arg8[%add3A_307, %dma_wait3A_361] : memref<79x128xi32, #tpu.memory_space<vmem>> -> memref<1x128xi32, #tpu.memory_space<vmem>>
        %dma_wait3A_363 = tpu.memref_squeeze %dma_wait3A_362 : memref<1x128xi32, #tpu.memory_space<vmem>> -> memref<128xi32, #tpu.memory_space<vmem>>
        %dma_wait3A_364 = arith.constant 0 : i32
        %dma_wait3A_365 = arith.constant 0 : i32
        %dma_wait3A_366 = tpu.memref_slice %arg6[%dma_wait3A_364, %dma_wait3A_365] : memref<10112x64xf32, #tpu.memory_space<vmem_shared>> -> memref<10112x64xf32, #tpu.memory_space<vmem_shared>>
        tpu.wait_indirect_dma semaphore(%run_scoped3A : memref<!tpu.dma_semaphore, #tpu.memory_space<semaphore_mem>>) src(%arg9 : memref<128x64xf32, #tpu.memory_space<vmem>>) dst(%dma_wait3A_366 : memref<10112x64xf32, #tpu.memory_space<vmem_shared>>)
        tpu.yield
      }) : () -> ()
      %mul3A_323 = arith.constant 3 : i32
      %mul3A_324 = arith.muli %scan3A_303, %mul3A_323 : i32
      %add3A_325 = arith.constant 1 : i32
      %add3A_326 = arith.addi %mul3A_324, %add3A_325 : i32
      %dma_wait3A_327 = arith.constant 1 : i32
      %dma_wait3A_328 = arith.constant 0 : i32
      %dma_wait3A_329 = tpu.memref_slice %arg7[%dma_wait3A_327, %dma_wait3A_328] : memref<79x128xi32, #tpu.memory_space<vmem>> -> memref<1x128xi32, #tpu.memory_space<vmem>>
      %dma_wait3A_330 = tpu.memref_squeeze %dma_wait3A_329 : memref<1x128xi32, #tpu.memory_space<vmem>> -> memref<128xi32, #tpu.memory_space<vmem>>
      %dma_wait3A_331 = arith.constant 0 : i32
      %dma_wait3A_332 = arith.constant 0 : i32
      %dma_wait3A_333 = tpu.memref_slice %arg5[%dma_wait3A_331, %dma_wait3A_332] : memref<10112x64xf32, #tpu.memory_space<vmem_shared>> -> memref<10112x64xf32, #tpu.memory_space<vmem_shared>>
      tpu.wait_indirect_dma semaphore(%arg13 : memref<!tpu.dma_semaphore, #tpu.memory_space<semaphore_mem>>) src(%dma_wait3A_333 : memref<10112x64xf32, #tpu.memory_space<vmem_shared>>) dst(%arg10 : memref<128x64xf32, #tpu.memory_space<vmem>>)
      %lt3A_334 = arith.constant 25 : i32
      %lt3A_335 = arith.cmpi slt, %scan3A_303, %lt3A_334 : i32
      %convert_element_type3A_336 = arith.extui %lt3A_335 : i1 to i32
      %cond3A_337 = arith.constant 0 : i32
      %cond3A_338 = arith.cmpi ne, %convert_element_type3A_336, %cond3A_337 : i32
      scf.if %cond3A_338 {
        %add3A_355 = arith.constant 2 : i32
        %add3A_356 = arith.addi %add3A_326, %add3A_355 : i32
        %dma_start3A_357 = arith.constant 0 : i32
        %dma_start3A_358 = tpu.memref_slice %arg7[%add3A_356, %dma_start3A_357] : memref<79x128xi32, #tpu.memory_space<vmem>> -> memref<1x128xi32, #tpu.memory_space<vmem>>
        %dma_start3A_359 = tpu.memref_squeeze %dma_start3A_358 : memref<1x128xi32, #tpu.memory_space<vmem>> -> memref<128xi32, #tpu.memory_space<vmem>>
        %dma_start3A_360 = arith.constant 0 : i32
        %dma_start3A_361 = arith.constant 0 : i32
        %dma_start3A_362 = tpu.memref_slice %arg5[%dma_start3A_360, %dma_start3A_361] : memref<10112x64xf32, #tpu.memory_space<vmem_shared>> -> memref<10112x64xf32, #tpu.memory_space<vmem_shared>>
        tpu.enqueue_indirect_dma source(%dma_start3A_362 : memref<10112x64xf32, #tpu.memory_space<vmem_shared>>) target(%arg9 : memref<128x64xf32, #tpu.memory_space<vmem>>) offsets(%dma_start3A_359 : memref<128xi32, #tpu.memory_space<vmem>>) semaphore(%arg12 : memref<!tpu.dma_semaphore, #tpu.memory_space<semaphore_mem>>)
      } else {
      }
      "tpu.region"() ({
        %run_scoped3A = tpu.sem_alloc : memref<!tpu.dma_semaphore, #tpu.memory_space<semaphore_mem>>
        %dma_start3A_355 = arith.constant 0 : i32
        %dma_start3A_356 = tpu.memref_slice %arg8[%add3A_326, %dma_start3A_355] : memref<79x128xi32, #tpu.memory_space<vmem>> -> memref<1x128xi32, #tpu.memory_space<vmem>>
        %dma_start3A_357 = tpu.memref_squeeze %dma_start3A_356 : memref<1x128xi32, #tpu.memory_space<vmem>> -> memref<128xi32, #tpu.memory_space<vmem>>
        %dma_start3A_358 = arith.constant 0 : i32
        %dma_start3A_359 = arith.constant 0 : i32
        %dma_start3A_360 = tpu.memref_slice %arg6[%dma_start3A_358, %dma_start3A_359] : memref<10112x64xf32, #tpu.memory_space<vmem_shared>> -> memref<10112x64xf32, #tpu.memory_space<vmem_shared>>
        tpu.enqueue_indirect_dma source(%arg10 : memref<128x64xf32, #tpu.memory_space<vmem>>) target(%dma_start3A_360 : memref<10112x64xf32, #tpu.memory_space<vmem_shared>>) offsets(%dma_start3A_357 : memref<128xi32, #tpu.memory_space<vmem>>) semaphore(%run_scoped3A : memref<!tpu.dma_semaphore, #tpu.memory_space<semaphore_mem>>) {add = true}
        %dma_wait3A_361 = arith.constant 0 : i32
        %dma_wait3A_362 = tpu.memref_slice %arg8[%add3A_326, %dma_wait3A_361] : memref<79x128xi32, #tpu.memory_space<vmem>> -> memref<1x128xi32, #tpu.memory_space<vmem>>
        %dma_wait3A_363 = tpu.memref_squeeze %dma_wait3A_362 : memref<1x128xi32, #tpu.memory_space<vmem>> -> memref<128xi32, #tpu.memory_space<vmem>>
        %dma_wait3A_364 = arith.constant 0 : i32
        %dma_wait3A_365 = arith.constant 0 : i32
        %dma_wait3A_366 = tpu.memref_slice %arg6[%dma_wait3A_364, %dma_wait3A_365] : memref<10112x64xf32, #tpu.memory_space<vmem_shared>> -> memref<10112x64xf32, #tpu.memory_space<vmem_shared>>
        tpu.wait_indirect_dma semaphore(%run_scoped3A : memref<!tpu.dma_semaphore, #tpu.memory_space<semaphore_mem>>) src(%arg10 : memref<128x64xf32, #tpu.memory_space<vmem>>) dst(%dma_wait3A_366 : memref<10112x64xf32, #tpu.memory_space<vmem_shared>>)
        tpu.yield
      }) : () -> ()
      %mul3A_339 = arith.constant 3 : i32
      %mul3A_340 = arith.muli %scan3A_303, %mul3A_339 : i32
      %add3A_341 = arith.constant 2 : i32
      %add3A_342 = arith.addi %mul3A_340, %add3A_341 : i32
      %dma_wait3A_343 = arith.constant 2 : i32
      %dma_wait3A_344 = arith.constant 0 : i32
      %dma_wait3A_345 = tpu.memref_slice %arg7[%dma_wait3A_343, %dma_wait3A_344] : memref<79x128xi32, #tpu.memory_space<vmem>> -> memref<1x128xi32, #tpu.memory_space<vmem>>
      %dma_wait3A_346 = tpu.memref_squeeze %dma_wait3A_345 : memref<1x128xi32, #tpu.memory_space<vmem>> -> memref<128xi32, #tpu.memory_space<vmem>>
      %dma_wait3A_347 = arith.constant 0 : i32
      %dma_wait3A_348 = arith.constant 0 : i32
      %dma_wait3A_349 = tpu.memref_slice %arg5[%dma_wait3A_347, %dma_wait3A_348] : memref<10112x64xf32, #tpu.memory_space<vmem_shared>> -> memref<10112x64xf32, #tpu.memory_space<vmem_shared>>
      tpu.wait_indirect_dma semaphore(%arg14 : memref<!tpu.dma_semaphore, #tpu.memory_space<semaphore_mem>>) src(%dma_wait3A_349 : memref<10112x64xf32, #tpu.memory_space<vmem_shared>>) dst(%arg11 : memref<128x64xf32, #tpu.memory_space<vmem>>)
      %lt3A_350 = arith.constant 25 : i32
      %lt3A_351 = arith.cmpi slt, %scan3A_303, %lt3A_350 : i32
      %convert_element_type3A_352 = arith.extui %lt3A_351 : i1 to i32
      %cond3A_353 = arith.constant 0 : i32
      %cond3A_354 = arith.cmpi ne, %convert_element_type3A_352, %cond3A_353 : i32
      scf.if %cond3A_354 {
        %add3A_355 = arith.constant 2 : i32
        %add3A_356 = arith.addi %add3A_342, %add3A_355 : i32
        %dma_start3A_357 = arith.constant 0 : i32
        %dma_start3A_358 = tpu.memref_slice %arg7[%add3A_356, %dma_start3A_357] : memref<79x128xi32, #tpu.memory_space<vmem>> -> memref<1x128xi32, #tpu.memory_space<vmem>>
        %dma_start3A_359 = tpu.memref_squeeze %dma_start3A_358 : memref<1x128xi32, #tpu.memory_space<vmem>> -> memref<128xi32, #tpu.memory_space<vmem>>
        %dma_start3A_360 = arith.constant 0 : i32
        %dma_start3A_361 = arith.constant 0 : i32
        %dma_start3A_362 = tpu.memref_slice %arg5[%dma_start3A_360, %dma_start3A_361] : memref<10112x64xf32, #tpu.memory_space<vmem_shared>> -> memref<10112x64xf32, #tpu.memory_space<vmem_shared>>
        tpu.enqueue_indirect_dma source(%dma_start3A_362 : memref<10112x64xf32, #tpu.memory_space<vmem_shared>>) target(%arg10 : memref<128x64xf32, #tpu.memory_space<vmem>>) offsets(%dma_start3A_359 : memref<128xi32, #tpu.memory_space<vmem>>) semaphore(%arg13 : memref<!tpu.dma_semaphore, #tpu.memory_space<semaphore_mem>>)
      } else {
      }
      "tpu.region"() ({
        %run_scoped3A = tpu.sem_alloc : memref<!tpu.dma_semaphore, #tpu.memory_space<semaphore_mem>>
        %dma_start3A_355 = arith.constant 0 : i32
        %dma_start3A_356 = tpu.memref_slice %arg8[%add3A_342, %dma_start3A_355] : memref<79x128xi32, #tpu.memory_space<vmem>> -> memref<1x128xi32, #tpu.memory_space<vmem>>
        %dma_start3A_357 = tpu.memref_squeeze %dma_start3A_356 : memref<1x128xi32, #tpu.memory_space<vmem>> -> memref<128xi32, #tpu.memory_space<vmem>>
        %dma_start3A_358 = arith.constant 0 : i32
        %dma_start3A_359 = arith.constant 0 : i32
        %dma_start3A_360 = tpu.memref_slice %arg6[%dma_start3A_358, %dma_start3A_359] : memref<10112x64xf32, #tpu.memory_space<vmem_shared>> -> memref<10112x64xf32, #tpu.memory_space<vmem_shared>>
        tpu.enqueue_indirect_dma source(%arg11 : memref<128x64xf32, #tpu.memory_space<vmem>>) target(%dma_start3A_360 : memref<10112x64xf32, #tpu.memory_space<vmem_shared>>) offsets(%dma_start3A_357 : memref<128xi32, #tpu.memory_space<vmem>>) semaphore(%run_scoped3A : memref<!tpu.dma_semaphore, #tpu.memory_space<semaphore_mem>>) {add = true}
        %dma_wait3A_361 = arith.constant 0 : i32
        %dma_wait3A_362 = tpu.memref_slice %arg8[%add3A_342, %dma_wait3A_361] : memref<79x128xi32, #tpu.memory_space<vmem>> -> memref<1x128xi32, #tpu.memory_space<vmem>>
        %dma_wait3A_363 = tpu.memref_squeeze %dma_wait3A_362 : memref<1x128xi32, #tpu.memory_space<vmem>> -> memref<128xi32, #tpu.memory_space<vmem>>
        %dma_wait3A_364 = arith.constant 0 : i32
        %dma_wait3A_365 = arith.constant 0 : i32
        %dma_wait3A_366 = tpu.memref_slice %arg6[%dma_wait3A_364, %dma_wait3A_365] : memref<10112x64xf32, #tpu.memory_space<vmem_shared>> -> memref<10112x64xf32, #tpu.memory_space<vmem_shared>>
        tpu.wait_indirect_dma semaphore(%run_scoped3A : memref<!tpu.dma_semaphore, #tpu.memory_space<semaphore_mem>>) src(%arg11 : memref<128x64xf32, #tpu.memory_space<vmem>>) dst(%dma_wait3A_366 : memref<10112x64xf32, #tpu.memory_space<vmem_shared>>)
        tpu.yield
      }) : () -> ()
    }
    %scan3A_279 = arith.constant 26 : i32
    %lt3A = arith.constant 4 : i32
    %lt3A_280 = arith.cmpi slt, %add3A, %lt3A : i32
    %convert_element_type3A = arith.extui %lt3A_280 : i1 to i32
    %cond3A = arith.constant 0 : i32
    %cond3A_281 = arith.cmpi ne, %convert_element_type3A, %cond3A : i32
    scf.if %cond3A_281 {
      %run_scoped3A = arith.constant 78 : i32
      "tpu.region"() ({
        %run_scoped3A_304 = tpu.sem_alloc : memref<!tpu.dma_semaphore, #tpu.memory_space<semaphore_mem>>
        %dma_start3A_305 = arith.constant 0 : i32
        %dma_start3A_306 = tpu.memref_slice %arg7[%run_scoped3A, %dma_start3A_305] : memref<79x128xi32, #tpu.memory_space<vmem>> -> memref<1x128xi32, #tpu.memory_space<vmem>>
        %dma_start3A_307 = tpu.memref_squeeze %dma_start3A_306 : memref<1x128xi32, #tpu.memory_space<vmem>> -> memref<128xi32, #tpu.memory_space<vmem>>
        %dma_start3A_308 = arith.constant 0 : i32
        %dma_start3A_309 = arith.constant 0 : i32
        %dma_start3A_310 = tpu.memref_slice %arg5[%dma_start3A_308, %dma_start3A_309] : memref<10112x64xf32, #tpu.memory_space<vmem_shared>> -> memref<10112x64xf32, #tpu.memory_space<vmem_shared>>
        tpu.enqueue_indirect_dma source(%dma_start3A_310 : memref<10112x64xf32, #tpu.memory_space<vmem_shared>>) target(%arg9 : memref<128x64xf32, #tpu.memory_space<vmem>>) offsets(%dma_start3A_307 : memref<128xi32, #tpu.memory_space<vmem>>) semaphore(%run_scoped3A_304 : memref<!tpu.dma_semaphore, #tpu.memory_space<semaphore_mem>>)
        %dma_wait3A_311 = arith.constant 0 : i32
        %dma_wait3A_312 = tpu.memref_slice %arg7[%run_scoped3A, %dma_wait3A_311] : memref<79x128xi32, #tpu.memory_space<vmem>> -> memref<1x128xi32, #tpu.memory_space<vmem>>
        %dma_wait3A_313 = tpu.memref_squeeze %dma_wait3A_312 : memref<1x128xi32, #tpu.memory_space<vmem>> -> memref<128xi32, #tpu.memory_space<vmem>>
        %dma_wait3A_314 = arith.constant 0 : i32
        %dma_wait3A_315 = arith.constant 0 : i32
        %dma_wait3A_316 = tpu.memref_slice %arg5[%dma_wait3A_314, %dma_wait3A_315] : memref<10112x64xf32, #tpu.memory_space<vmem_shared>> -> memref<10112x64xf32, #tpu.memory_space<vmem_shared>>
        tpu.wait_indirect_dma semaphore(%run_scoped3A_304 : memref<!tpu.dma_semaphore, #tpu.memory_space<semaphore_mem>>) src(%dma_wait3A_316 : memref<10112x64xf32, #tpu.memory_space<vmem_shared>>) dst(%arg9 : memref<128x64xf32, #tpu.memory_space<vmem>>)
        tpu.yield
      }) : () -> ()
      %run_scoped3A_303 = arith.constant 78 : i32
      "tpu.region"() ({
        %run_scoped3A_304 = tpu.sem_alloc : memref<!tpu.dma_semaphore, #tpu.memory_space<semaphore_mem>>
        %dma_start3A_305 = arith.constant 0 : i32
        %dma_start3A_306 = tpu.memref_slice %arg8[%run_scoped3A_303, %dma_start3A_305] : memref<79x128xi32, #tpu.memory_space<vmem>> -> memref<1x128xi32, #tpu.memory_space<vmem>>
        %dma_start3A_307 = tpu.memref_squeeze %dma_start3A_306 : memref<1x128xi32, #tpu.memory_space<vmem>> -> memref<128xi32, #tpu.memory_space<vmem>>
        %dma_start3A_308 = arith.constant 0 : i32
        %dma_start3A_309 = arith.constant 0 : i32
        %dma_start3A_310 = tpu.memref_slice %arg6[%dma_start3A_308, %dma_start3A_309] : memref<10112x64xf32, #tpu.memory_space<vmem_shared>> -> memref<10112x64xf32, #tpu.memory_space<vmem_shared>>
        tpu.enqueue_indirect_dma source(%arg9 : memref<128x64xf32, #tpu.memory_space<vmem>>) target(%dma_start3A_310 : memref<10112x64xf32, #tpu.memory_space<vmem_shared>>) offsets(%dma_start3A_307 : memref<128xi32, #tpu.memory_space<vmem>>) semaphore(%run_scoped3A_304 : memref<!tpu.dma_semaphore, #tpu.memory_space<semaphore_mem>>) {add = true}
        %dma_wait3A_311 = arith.constant 0 : i32
        %dma_wait3A_312 = tpu.memref_slice %arg8[%run_scoped3A_303, %dma_wait3A_311] : memref<79x128xi32, #tpu.memory_space<vmem>> -> memref<1x128xi32, #tpu.memory_space<vmem>>
        %dma_wait3A_313 = tpu.memref_squeeze %dma_wait3A_312 : memref<1x128xi32, #tpu.memory_space<vmem>> -> memref<128xi32, #tpu.memory_space<vmem>>
        %dma_wait3A_314 = arith.constant 0 : i32
        %dma_wait3A_315 = arith.constant 0 : i32
        %dma_wait3A_316 = tpu.memref_slice %arg6[%dma_wait3A_314, %dma_wait3A_315] : memref<10112x64xf32, #tpu.memory_space<vmem_shared>> -> memref<10112x64xf32, #tpu.memory_space<vmem_shared>>
        tpu.wait_indirect_dma semaphore(%run_scoped3A_304 : memref<!tpu.dma_semaphore, #tpu.memory_space<semaphore_mem>>) src(%arg9 : memref<128x64xf32, #tpu.memory_space<vmem>>) dst(%dma_wait3A_316 : memref<10112x64xf32, #tpu.memory_space<vmem_shared>>)
        tpu.yield
      }) : () -> ()
    } else {
    }
    %barrier3A_282 = arith.constant 0 : index
    tpu.barrier barrier_id(%barrier3A_282)
    %add3A_283 = arith.constant 0 : i32
    %add3A_284 = arith.addi %mul3A_2, %add3A_283 : i32
    "tpu.region"() ({
      %run_scoped3A = tpu.sem_alloc : memref<!tpu.dma_semaphore, #tpu.memory_space<semaphore_mem>>
      %dma_start3A_303 = arith.constant 0 : i32
      %dma_start3A_304 = arith.constant 0 : i32
      %dma_start3A_305 = tpu.memref_slice %arg9[%dma_start3A_303, %dma_start3A_304] : memref<128x64xf32, #tpu.memory_space<vmem>> -> memref<128x64xf32, #tpu.memory_space<vmem>>
      %dma_start3A_306 = arith.constant 0 : i32
      %dma_start3A_307 = tpu.memref_slice %arg6[%add3A_284, %dma_start3A_306] : memref<10112x64xf32, #tpu.memory_space<vmem_shared>> -> memref<128x64xf32, #tpu.memory_space<vmem_shared>>
      %dma_start3A_308 = arith.constant 0 : i32
      %dma_start3A_309 = arith.constant 0 : i32
      %dma_start3A_310 = tpu.memref_slice %arg9[%dma_start3A_308, %dma_start3A_309] : memref<128x64xf32, #tpu.memory_space<vmem>> -> memref<128x64xf32, #tpu.memory_space<vmem>>
      %dma_start3A_311 = arith.constant 0 : i32
      %dma_start3A_312 = tpu.memref_slice %arg6[%add3A_284, %dma_start3A_311] : memref<10112x64xf32, #tpu.memory_space<vmem_shared>> -> memref<128x64xf32, #tpu.memory_space<vmem_shared>>
      tpu.enqueue_dma source(%dma_start3A_312 : memref<128x64xf32, #tpu.memory_space<vmem_shared>>) target(%dma_start3A_310 : memref<128x64xf32, #tpu.memory_space<vmem>>) target_semaphore(%run_scoped3A : memref<!tpu.dma_semaphore, #tpu.memory_space<semaphore_mem>>)
      %dma_wait3A_313 = arith.constant 0 : i32
      %dma_wait3A_314 = arith.constant 0 : i32
      %dma_wait3A_315 = tpu.memref_slice %arg9[%dma_wait3A_313, %dma_wait3A_314] : memref<128x64xf32, #tpu.memory_space<vmem>> -> memref<128x64xf32, #tpu.memory_space<vmem>>
      %dma_wait3A_316 = arith.constant 0 : i32
      %dma_wait3A_317 = tpu.memref_slice %arg6[%add3A_284, %dma_wait3A_316] : memref<10112x64xf32, #tpu.memory_space<vmem_shared>> -> memref<128x64xf32, #tpu.memory_space<vmem_shared>>
      %dma_wait3A_318 = arith.constant 0 : i32
      %dma_wait3A_319 = arith.constant 0 : i32
      %dma_wait3A_320 = tpu.memref_slice %arg9[%dma_wait3A_318, %dma_wait3A_319] : memref<128x64xf32, #tpu.memory_space<vmem>> -> memref<128x64xf32, #tpu.memory_space<vmem>>
      %dma_wait3A_321 = arith.constant 0 : i32
      %dma_wait3A_322 = tpu.memref_slice %arg6[%add3A_284, %dma_wait3A_321] : memref<10112x64xf32, #tpu.memory_space<vmem_shared>> -> memref<128x64xf32, #tpu.memory_space<vmem_shared>>
      tpu.wait_dma2 semaphore(%run_scoped3A : memref<!tpu.dma_semaphore, #tpu.memory_space<semaphore_mem>>) src(%dma_wait3A_322 : memref<128x64xf32, #tpu.memory_space<vmem_shared>>) dst(%dma_wait3A_320 : memref<128x64xf32, #tpu.memory_space<vmem>>)
      tpu.yield
    }) : () -> ()
    %add3A_285 = arith.constant 0 : i32
    %add3A_286 = arith.addi %mul3A_2, %add3A_285 : i32
    "tpu.region"() ({
      %run_scoped3A = tpu.sem_alloc : memref<!tpu.dma_semaphore, #tpu.memory_space<semaphore_mem>>
      %dma_start3A_303 = arith.constant 0 : i32
      %dma_start3A_304 = arith.constant 0 : i32
      %dma_start3A_305 = tpu.memref_slice %arg9[%dma_start3A_303, %dma_start3A_304] : memref<128x64xf32, #tpu.memory_space<vmem>> -> memref<128x64xf32, #tpu.memory_space<vmem>>
      %dma_start3A_306 = arith.constant 0 : i32
      %dma_start3A_307 = tpu.memref_slice %arg4[%arg0, %add3A_286, %dma_start3A_306] : memref<2x10112x64xf32, #tpu.memory_space<hbm>> -> memref<1x128x64xf32, #tpu.memory_space<hbm>>
      %dma_start3A_308 = tpu.memref_squeeze %dma_start3A_307 : memref<1x128x64xf32, #tpu.memory_space<hbm>> -> memref<128x64xf32, #tpu.memory_space<hbm>>
      %dma_start3A_309 = arith.constant 0 : i32
      %dma_start3A_310 = tpu.memref_slice %arg4[%arg0, %add3A_286, %dma_start3A_309] : memref<2x10112x64xf32, #tpu.memory_space<hbm>> -> memref<1x128x64xf32, #tpu.memory_space<hbm>>
      %dma_start3A_311 = tpu.memref_squeeze %dma_start3A_310 : memref<1x128x64xf32, #tpu.memory_space<hbm>> -> memref<128x64xf32, #tpu.memory_space<hbm>>
      %dma_start3A_312 = arith.constant 0 : i32
      %dma_start3A_313 = arith.constant 0 : i32
      %dma_start3A_314 = tpu.memref_slice %arg9[%dma_start3A_312, %dma_start3A_313] : memref<128x64xf32, #tpu.memory_space<vmem>> -> memref<128x64xf32, #tpu.memory_space<vmem>>
      tpu.enqueue_dma source(%dma_start3A_314 : memref<128x64xf32, #tpu.memory_space<vmem>>) target(%dma_start3A_311 : memref<128x64xf32, #tpu.memory_space<hbm>>) target_semaphore(%run_scoped3A : memref<!tpu.dma_semaphore, #tpu.memory_space<semaphore_mem>>)
      %dma_wait3A_315 = arith.constant 0 : i32
      %dma_wait3A_316 = arith.constant 0 : i32
      %dma_wait3A_317 = tpu.memref_slice %arg9[%dma_wait3A_315, %dma_wait3A_316] : memref<128x64xf32, #tpu.memory_space<vmem>> -> memref<128x64xf32, #tpu.memory_space<vmem>>
      %dma_wait3A_318 = arith.constant 0 : i32
      %dma_wait3A_319 = tpu.memref_slice %arg4[%arg0, %add3A_286, %dma_wait3A_318] : memref<2x10112x64xf32, #tpu.memory_space<hbm>> -> memref<1x128x64xf32, #tpu.memory_space<hbm>>
      %dma_wait3A_320 = tpu.memref_squeeze %dma_wait3A_319 : memref<1x128x64xf32, #tpu.memory_space<hbm>> -> memref<128x64xf32, #tpu.memory_space<hbm>>
      %dma_wait3A_321 = arith.constant 0 : i32
      %dma_wait3A_322 = tpu.memref_slice %arg4[%arg0, %add3A_286, %dma_wait3A_321] : memref<2x10112x64xf32, #tpu.memory_space<hbm>> -> memref<1x128x64xf32, #tpu.memory_space<hbm>>
      %dma_wait3A_323 = tpu.memref_squeeze %dma_wait3A_322 : memref<1x128x64xf32, #tpu.memory_space<hbm>> -> memref<128x64xf32, #tpu.memory_space<hbm>>
      %dma_wait3A_324 = arith.constant 0 : i32
      %dma_wait3A_325 = arith.constant 0 : i32
      %dma_wait3A_326 = tpu.memref_slice %arg9[%dma_wait3A_324, %dma_wait3A_325] : memref<128x64xf32, #tpu.memory_space<vmem>> -> memref<128x64xf32, #tpu.memory_space<vmem>>
      tpu.wait_dma2 semaphore(%run_scoped3A : memref<!tpu.dma_semaphore, #tpu.memory_space<semaphore_mem>>) src(%dma_wait3A_326 : memref<128x64xf32, #tpu.memory_space<vmem>>) dst(%dma_wait3A_323 : memref<128x64xf32, #tpu.memory_space<hbm>>)
      tpu.yield
    }) : () -> ()
    %add3A_287 = arith.constant 128 : i32
    %add3A_288 = arith.addi %mul3A_2, %add3A_287 : i32
    "tpu.region"() ({
      %run_scoped3A = tpu.sem_alloc : memref<!tpu.dma_semaphore, #tpu.memory_space<semaphore_mem>>
      %dma_start3A_303 = arith.constant 0 : i32
      %dma_start3A_304 = arith.constant 0 : i32
      %dma_start3A_305 = tpu.memref_slice %arg9[%dma_start3A_303, %dma_start3A_304] : memref<128x64xf32, #tpu.memory_space<vmem>> -> memref<128x64xf32, #tpu.memory_space<vmem>>
      %dma_start3A_306 = arith.constant 0 : i32
      %dma_start3A_307 = tpu.memref_slice %arg6[%add3A_288, %dma_start3A_306] : memref<10112x64xf32, #tpu.memory_space<vmem_shared>> -> memref<128x64xf32, #tpu.memory_space<vmem_shared>>
      %dma_start3A_308 = arith.constant 0 : i32
      %dma_start3A_309 = arith.constant 0 : i32
      %dma_start3A_310 = tpu.memref_slice %arg9[%dma_start3A_308, %dma_start3A_309] : memref<128x64xf32, #tpu.memory_space<vmem>> -> memref<128x64xf32, #tpu.memory_space<vmem>>
      %dma_start3A_311 = arith.constant 0 : i32
      %dma_start3A_312 = tpu.memref_slice %arg6[%add3A_288, %dma_start3A_311] : memref<10112x64xf32, #tpu.memory_space<vmem_shared>> -> memref<128x64xf32, #tpu.memory_space<vmem_shared>>
      tpu.enqueue_dma source(%dma_start3A_312 : memref<128x64xf32, #tpu.memory_space<vmem_shared>>) target(%dma_start3A_310 : memref<128x64xf32, #tpu.memory_space<vmem>>) target_semaphore(%run_scoped3A : memref<!tpu.dma_semaphore, #tpu.memory_space<semaphore_mem>>)
      %dma_wait3A_313 = arith.constant 0 : i32
      %dma_wait3A_314 = arith.constant 0 : i32
      %dma_wait3A_315 = tpu.memref_slice %arg9[%dma_wait3A_313, %dma_wait3A_314] : memref<128x64xf32, #tpu.memory_space<vmem>> -> memref<128x64xf32, #tpu.memory_space<vmem>>
      %dma_wait3A_316 = arith.constant 0 : i32
      %dma_wait3A_317 = tpu.memref_slice %arg6[%add3A_288, %dma_wait3A_316] : memref<10112x64xf32, #tpu.memory_space<vmem_shared>> -> memref<128x64xf32, #tpu.memory_space<vmem_shared>>
      %dma_wait3A_318 = arith.constant 0 : i32
      %dma_wait3A_319 = arith.constant 0 : i32
      %dma_wait3A_320 = tpu.memref_slice %arg9[%dma_wait3A_318, %dma_wait3A_319] : memref<128x64xf32, #tpu.memory_space<vmem>> -> memref<128x64xf32, #tpu.memory_space<vmem>>
      %dma_wait3A_321 = arith.constant 0 : i32
      %dma_wait3A_322 = tpu.memref_slice %arg6[%add3A_288, %dma_wait3A_321] : memref<10112x64xf32, #tpu.memory_space<vmem_shared>> -> memref<128x64xf32, #tpu.memory_space<vmem_shared>>
      tpu.wait_dma2 semaphore(%run_scoped3A : memref<!tpu.dma_semaphore, #tpu.memory_space<semaphore_mem>>) src(%dma_wait3A_322 : memref<128x64xf32, #tpu.memory_space<vmem_shared>>) dst(%dma_wait3A_320 : memref<128x64xf32, #tpu.memory_space<vmem>>)
      tpu.yield
    }) : () -> ()
    %add3A_289 = arith.constant 128 : i32
    %add3A_290 = arith.addi %mul3A_2, %add3A_289 : i32
    "tpu.region"() ({
      %run_scoped3A = tpu.sem_alloc : memref<!tpu.dma_semaphore, #tpu.memory_space<semaphore_mem>>
      %dma_start3A_303 = arith.constant 0 : i32
      %dma_start3A_304 = arith.constant 0 : i32
      %dma_start3A_305 = tpu.memref_slice %arg9[%dma_start3A_303, %dma_start3A_304] : memref<128x64xf32, #tpu.memory_space<vmem>> -> memref<128x64xf32, #tpu.memory_space<vmem>>
      %dma_start3A_306 = arith.constant 0 : i32
      %dma_start3A_307 = tpu.memref_slice %arg4[%arg0, %add3A_290, %dma_start3A_306] : memref<2x10112x64xf32, #tpu.memory_space<hbm>> -> memref<1x128x64xf32, #tpu.memory_space<hbm>>
      %dma_start3A_308 = tpu.memref_squeeze %dma_start3A_307 : memref<1x128x64xf32, #tpu.memory_space<hbm>> -> memref<128x64xf32, #tpu.memory_space<hbm>>
      %dma_start3A_309 = arith.constant 0 : i32
      %dma_start3A_310 = tpu.memref_slice %arg4[%arg0, %add3A_290, %dma_start3A_309] : memref<2x10112x64xf32, #tpu.memory_space<hbm>> -> memref<1x128x64xf32, #tpu.memory_space<hbm>>
      %dma_start3A_311 = tpu.memref_squeeze %dma_start3A_310 : memref<1x128x64xf32, #tpu.memory_space<hbm>> -> memref<128x64xf32, #tpu.memory_space<hbm>>
      %dma_start3A_312 = arith.constant 0 : i32
      %dma_start3A_313 = arith.constant 0 : i32
      %dma_start3A_314 = tpu.memref_slice %arg9[%dma_start3A_312, %dma_start3A_313] : memref<128x64xf32, #tpu.memory_space<vmem>> -> memref<128x64xf32, #tpu.memory_space<vmem>>
      tpu.enqueue_dma source(%dma_start3A_314 : memref<128x64xf32, #tpu.memory_space<vmem>>) target(%dma_start3A_311 : memref<128x64xf32, #tpu.memory_space<hbm>>) target_semaphore(%run_scoped3A : memref<!tpu.dma_semaphore, #tpu.memory_space<semaphore_mem>>)
      %dma_wait3A_315 = arith.constant 0 : i32
      %dma_wait3A_316 = arith.constant 0 : i32
      %dma_wait3A_317 = tpu.memref_slice %arg9[%dma_wait3A_315, %dma_wait3A_316] : memref<128x64xf32, #tpu.memory_space<vmem>> -> memref<128x64xf32, #tpu.memory_space<vmem>>
      %dma_wait3A_318 = arith.constant 0 : i32
      %dma_wait3A_319 = tpu.memref_slice %arg4[%arg0, %add3A_290, %dma_wait3A_318] : memref<2x10112x64xf32, #tpu.memory_space<hbm>> -> memref<1x128x64xf32, #tpu.memory_space<hbm>>
      %dma_wait3A_320 = tpu.memref_squeeze %dma_wait3A_319 : memref<1x128x64xf32, #tpu.memory_space<hbm>> -> memref<128x64xf32, #tpu.memory_space<hbm>>
      %dma_wait3A_321 = arith.constant 0 : i32
      %dma_wait3A_322 = tpu.memref_slice %arg4[%arg0, %add3A_290, %dma_wait3A_321] : memref<2x10112x64xf32, #tpu.memory_space<hbm>> -> memref<1x128x64xf32, #tpu.memory_space<hbm>>
      %dma_wait3A_323 = tpu.memref_squeeze %dma_wait3A_322 : memref<1x128x64xf32, #tpu.memory_space<hbm>> -> memref<128x64xf32, #tpu.memory_space<hbm>>
      %dma_wait3A_324 = arith.constant 0 : i32
      %dma_wait3A_325 = arith.constant 0 : i32
      %dma_wait3A_326 = tpu.memref_slice %arg9[%dma_wait3A_324, %dma_wait3A_325] : memref<128x64xf32, #tpu.memory_space<vmem>> -> memref<128x64xf32, #tpu.memory_space<vmem>>
      tpu.wait_dma2 semaphore(%run_scoped3A : memref<!tpu.dma_semaphore, #tpu.memory_space<semaphore_mem>>) src(%dma_wait3A_326 : memref<128x64xf32, #tpu.memory_space<vmem>>) dst(%dma_wait3A_323 : memref<128x64xf32, #tpu.memory_space<hbm>>)
      tpu.yield
    }) : () -> ()
    %add3A_291 = arith.constant 256 : i32
    %add3A_292 = arith.addi %mul3A_2, %add3A_291 : i32
    "tpu.region"() ({
      %run_scoped3A = tpu.sem_alloc : memref<!tpu.dma_semaphore, #tpu.memory_space<semaphore_mem>>
      %dma_start3A_303 = arith.constant 0 : i32
      %dma_start3A_304 = arith.constant 0 : i32
      %dma_start3A_305 = tpu.memref_slice %arg9[%dma_start3A_303, %dma_start3A_304] : memref<128x64xf32, #tpu.memory_space<vmem>> -> memref<128x64xf32, #tpu.memory_space<vmem>>
      %dma_start3A_306 = arith.constant 0 : i32
      %dma_start3A_307 = tpu.memref_slice %arg6[%add3A_292, %dma_start3A_306] : memref<10112x64xf32, #tpu.memory_space<vmem_shared>> -> memref<128x64xf32, #tpu.memory_space<vmem_shared>>
      %dma_start3A_308 = arith.constant 0 : i32
      %dma_start3A_309 = arith.constant 0 : i32
      %dma_start3A_310 = tpu.memref_slice %arg9[%dma_start3A_308, %dma_start3A_309] : memref<128x64xf32, #tpu.memory_space<vmem>> -> memref<128x64xf32, #tpu.memory_space<vmem>>
      %dma_start3A_311 = arith.constant 0 : i32
      %dma_start3A_312 = tpu.memref_slice %arg6[%add3A_292, %dma_start3A_311] : memref<10112x64xf32, #tpu.memory_space<vmem_shared>> -> memref<128x64xf32, #tpu.memory_space<vmem_shared>>
      tpu.enqueue_dma source(%dma_start3A_312 : memref<128x64xf32, #tpu.memory_space<vmem_shared>>) target(%dma_start3A_310 : memref<128x64xf32, #tpu.memory_space<vmem>>) target_semaphore(%run_scoped3A : memref<!tpu.dma_semaphore, #tpu.memory_space<semaphore_mem>>)
      %dma_wait3A_313 = arith.constant 0 : i32
      %dma_wait3A_314 = arith.constant 0 : i32
      %dma_wait3A_315 = tpu.memref_slice %arg9[%dma_wait3A_313, %dma_wait3A_314] : memref<128x64xf32, #tpu.memory_space<vmem>> -> memref<128x64xf32, #tpu.memory_space<vmem>>
      %dma_wait3A_316 = arith.constant 0 : i32
      %dma_wait3A_317 = tpu.memref_slice %arg6[%add3A_292, %dma_wait3A_316] : memref<10112x64xf32, #tpu.memory_space<vmem_shared>> -> memref<128x64xf32, #tpu.memory_space<vmem_shared>>
      %dma_wait3A_318 = arith.constant 0 : i32
      %dma_wait3A_319 = arith.constant 0 : i32
      %dma_wait3A_320 = tpu.memref_slice %arg9[%dma_wait3A_318, %dma_wait3A_319] : memref<128x64xf32, #tpu.memory_space<vmem>> -> memref<128x64xf32, #tpu.memory_space<vmem>>
      %dma_wait3A_321 = arith.constant 0 : i32
      %dma_wait3A_322 = tpu.memref_slice %arg6[%add3A_292, %dma_wait3A_321] : memref<10112x64xf32, #tpu.memory_space<vmem_shared>> -> memref<128x64xf32, #tpu.memory_space<vmem_shared>>
      tpu.wait_dma2 semaphore(%run_scoped3A : memref<!tpu.dma_semaphore, #tpu.memory_space<semaphore_mem>>) src(%dma_wait3A_322 : memref<128x64xf32, #tpu.memory_space<vmem_shared>>) dst(%dma_wait3A_320 : memref<128x64xf32, #tpu.memory_space<vmem>>)
      tpu.yield
    }) : () -> ()
    %add3A_293 = arith.constant 256 : i32
    %add3A_294 = arith.addi %mul3A_2, %add3A_293 : i32
    "tpu.region"() ({
      %run_scoped3A = tpu.sem_alloc : memref<!tpu.dma_semaphore, #tpu.memory_space<semaphore_mem>>
      %dma_start3A_303 = arith.constant 0 : i32
      %dma_start3A_304 = arith.constant 0 : i32
      %dma_start3A_305 = tpu.memref_slice %arg9[%dma_start3A_303, %dma_start3A_304] : memref<128x64xf32, #tpu.memory_space<vmem>> -> memref<128x64xf32, #tpu.memory_space<vmem>>
      %dma_start3A_306 = arith.constant 0 : i32
      %dma_start3A_307 = tpu.memref_slice %arg4[%arg0, %add3A_294, %dma_start3A_306] : memref<2x10112x64xf32, #tpu.memory_space<hbm>> -> memref<1x128x64xf32, #tpu.memory_space<hbm>>
      %dma_start3A_308 = tpu.memref_squeeze %dma_start3A_307 : memref<1x128x64xf32, #tpu.memory_space<hbm>> -> memref<128x64xf32, #tpu.memory_space<hbm>>
      %dma_start3A_309 = arith.constant 0 : i32
      %dma_start3A_310 = tpu.memref_slice %arg4[%arg0, %add3A_294, %dma_start3A_309] : memref<2x10112x64xf32, #tpu.memory_space<hbm>> -> memref<1x128x64xf32, #tpu.memory_space<hbm>>
      %dma_start3A_311 = tpu.memref_squeeze %dma_start3A_310 : memref<1x128x64xf32, #tpu.memory_space<hbm>> -> memref<128x64xf32, #tpu.memory_space<hbm>>
      %dma_start3A_312 = arith.constant 0 : i32
      %dma_start3A_313 = arith.constant 0 : i32
      %dma_start3A_314 = tpu.memref_slice %arg9[%dma_start3A_312, %dma_start3A_313] : memref<128x64xf32, #tpu.memory_space<vmem>> -> memref<128x64xf32, #tpu.memory_space<vmem>>
      tpu.enqueue_dma source(%dma_start3A_314 : memref<128x64xf32, #tpu.memory_space<vmem>>) target(%dma_start3A_311 : memref<128x64xf32, #tpu.memory_space<hbm>>) target_semaphore(%run_scoped3A : memref<!tpu.dma_semaphore, #tpu.memory_space<semaphore_mem>>)
      %dma_wait3A_315 = arith.constant 0 : i32
      %dma_wait3A_316 = arith.constant 0 : i32
      %dma_wait3A_317 = tpu.memref_slice %arg9[%dma_wait3A_315, %dma_wait3A_316] : memref<128x64xf32, #tpu.memory_space<vmem>> -> memref<128x64xf32, #tpu.memory_space<vmem>>
      %dma_wait3A_318 = arith.constant 0 : i32
      %dma_wait3A_319 = tpu.memref_slice %arg4[%arg0, %add3A_294, %dma_wait3A_318] : memref<2x10112x64xf32, #tpu.memory_space<hbm>> -> memref<1x128x64xf32, #tpu.memory_space<hbm>>
      %dma_wait3A_320 = tpu.memref_squeeze %dma_wait3A_319 : memref<1x128x64xf32, #tpu.memory_space<hbm>> -> memref<128x64xf32, #tpu.memory_space<hbm>>
      %dma_wait3A_321 = arith.constant 0 : i32
      %dma_wait3A_322 = tpu.memref_slice %arg4[%arg0, %add3A_294, %dma_wait3A_321] : memref<2x10112x64xf32, #tpu.memory_space<hbm>> -> memref<1x128x64xf32, #tpu.memory_space<hbm>>
      %dma_wait3A_323 = tpu.memref_squeeze %dma_wait3A_322 : memref<1x128x64xf32, #tpu.memory_space<hbm>> -> memref<128x64xf32, #tpu.memory_space<hbm>>
      %dma_wait3A_324 = arith.constant 0 : i32
      %dma_wait3A_325 = arith.constant 0 : i32
      %dma_wait3A_326 = tpu.memref_slice %arg9[%dma_wait3A_324, %dma_wait3A_325] : memref<128x64xf32, #tpu.memory_space<vmem>> -> memref<128x64xf32, #tpu.memory_space<vmem>>
      tpu.wait_dma2 semaphore(%run_scoped3A : memref<!tpu.dma_semaphore, #tpu.memory_space<semaphore_mem>>) src(%dma_wait3A_326 : memref<128x64xf32, #tpu.memory_space<vmem>>) dst(%dma_wait3A_323 : memref<128x64xf32, #tpu.memory_space<hbm>>)
      tpu.yield
    }) : () -> ()
    %add3A_295 = arith.constant 384 : i32
    %add3A_296 = arith.addi %mul3A_2, %add3A_295 : i32
    "tpu.region"() ({
      %run_scoped3A = tpu.sem_alloc : memref<!tpu.dma_semaphore, #tpu.memory_space<semaphore_mem>>
      %dma_start3A_303 = arith.constant 0 : i32
      %dma_start3A_304 = arith.constant 0 : i32
      %dma_start3A_305 = tpu.memref_slice %arg9[%dma_start3A_303, %dma_start3A_304] : memref<128x64xf32, #tpu.memory_space<vmem>> -> memref<128x64xf32, #tpu.memory_space<vmem>>
      %dma_start3A_306 = arith.constant 0 : i32
      %dma_start3A_307 = tpu.memref_slice %arg6[%add3A_296, %dma_start3A_306] : memref<10112x64xf32, #tpu.memory_space<vmem_shared>> -> memref<128x64xf32, #tpu.memory_space<vmem_shared>>
      %dma_start3A_308 = arith.constant 0 : i32
      %dma_start3A_309 = arith.constant 0 : i32
      %dma_start3A_310 = tpu.memref_slice %arg9[%dma_start3A_308, %dma_start3A_309] : memref<128x64xf32, #tpu.memory_space<vmem>> -> memref<128x64xf32, #tpu.memory_space<vmem>>
      %dma_start3A_311 = arith.constant 0 : i32
      %dma_start3A_312 = tpu.memref_slice %arg6[%add3A_296, %dma_start3A_311] : memref<10112x64xf32, #tpu.memory_space<vmem_shared>> -> memref<128x64xf32, #tpu.memory_space<vmem_shared>>
      tpu.enqueue_dma source(%dma_start3A_312 : memref<128x64xf32, #tpu.memory_space<vmem_shared>>) target(%dma_start3A_310 : memref<128x64xf32, #tpu.memory_space<vmem>>) target_semaphore(%run_scoped3A : memref<!tpu.dma_semaphore, #tpu.memory_space<semaphore_mem>>)
      %dma_wait3A_313 = arith.constant 0 : i32
      %dma_wait3A_314 = arith.constant 0 : i32
      %dma_wait3A_315 = tpu.memref_slice %arg9[%dma_wait3A_313, %dma_wait3A_314] : memref<128x64xf32, #tpu.memory_space<vmem>> -> memref<128x64xf32, #tpu.memory_space<vmem>>
      %dma_wait3A_316 = arith.constant 0 : i32
      %dma_wait3A_317 = tpu.memref_slice %arg6[%add3A_296, %dma_wait3A_316] : memref<10112x64xf32, #tpu.memory_space<vmem_shared>> -> memref<128x64xf32, #tpu.memory_space<vmem_shared>>
      %dma_wait3A_318 = arith.constant 0 : i32
      %dma_wait3A_319 = arith.constant 0 : i32
      %dma_wait3A_320 = tpu.memref_slice %arg9[%dma_wait3A_318, %dma_wait3A_319] : memref<128x64xf32, #tpu.memory_space<vmem>> -> memref<128x64xf32, #tpu.memory_space<vmem>>
      %dma_wait3A_321 = arith.constant 0 : i32
      %dma_wait3A_322 = tpu.memref_slice %arg6[%add3A_296, %dma_wait3A_321] : memref<10112x64xf32, #tpu.memory_space<vmem_shared>> -> memref<128x64xf32, #tpu.memory_space<vmem_shared>>
      tpu.wait_dma2 semaphore(%run_scoped3A : memref<!tpu.dma_semaphore, #tpu.memory_space<semaphore_mem>>) src(%dma_wait3A_322 : memref<128x64xf32, #tpu.memory_space<vmem_shared>>) dst(%dma_wait3A_320 : memref<128x64xf32, #tpu.memory_space<vmem>>)
      tpu.yield
    }) : () -> ()
    %add3A_297 = arith.constant 384 : i32
    %add3A_298 = arith.addi %mul3A_2, %add3A_297 : i32
    "tpu.region"() ({
      %run_scoped3A = tpu.sem_alloc : memref<!tpu.dma_semaphore, #tpu.memory_space<semaphore_mem>>
      %dma_start3A_303 = arith.constant 0 : i32
      %dma_start3A_304 = arith.constant 0 : i32
      %dma_start3A_305 = tpu.memref_slice %arg9[%dma_start3A_303, %dma_start3A_304] : memref<128x64xf32, #tpu.memory_space<vmem>> -> memref<128x64xf32, #tpu.memory_space<vmem>>
      %dma_start3A_306 = arith.constant 0 : i32
      %dma_start3A_307 = tpu.memref_slice %arg4[%arg0, %add3A_298, %dma_start3A_306] : memref<2x10112x64xf32, #tpu.memory_space<hbm>> -> memref<1x128x64xf32, #tpu.memory_space<hbm>>
      %dma_start3A_308 = tpu.memref_squeeze %dma_start3A_307 : memref<1x128x64xf32, #tpu.memory_space<hbm>> -> memref<128x64xf32, #tpu.memory_space<hbm>>
      %dma_start3A_309 = arith.constant 0 : i32
      %dma_start3A_310 = tpu.memref_slice %arg4[%arg0, %add3A_298, %dma_start3A_309] : memref<2x10112x64xf32, #tpu.memory_space<hbm>> -> memref<1x128x64xf32, #tpu.memory_space<hbm>>
      %dma_start3A_311 = tpu.memref_squeeze %dma_start3A_310 : memref<1x128x64xf32, #tpu.memory_space<hbm>> -> memref<128x64xf32, #tpu.memory_space<hbm>>
      %dma_start3A_312 = arith.constant 0 : i32
      %dma_start3A_313 = arith.constant 0 : i32
      %dma_start3A_314 = tpu.memref_slice %arg9[%dma_start3A_312, %dma_start3A_313] : memref<128x64xf32, #tpu.memory_space<vmem>> -> memref<128x64xf32, #tpu.memory_space<vmem>>
      tpu.enqueue_dma source(%dma_start3A_314 : memref<128x64xf32, #tpu.memory_space<vmem>>) target(%dma_start3A_311 : memref<128x64xf32, #tpu.memory_space<hbm>>) target_semaphore(%run_scoped3A : memref<!tpu.dma_semaphore, #tpu.memory_space<semaphore_mem>>)
      %dma_wait3A_315 = arith.constant 0 : i32
      %dma_wait3A_316 = arith.constant 0 : i32
      %dma_wait3A_317 = tpu.memref_slice %arg9[%dma_wait3A_315, %dma_wait3A_316] : memref<128x64xf32, #tpu.memory_space<vmem>> -> memref<128x64xf32, #tpu.memory_space<vmem>>
      %dma_wait3A_318 = arith.constant 0 : i32
      %dma_wait3A_319 = tpu.memref_slice %arg4[%arg0, %add3A_298, %dma_wait3A_318] : memref<2x10112x64xf32, #tpu.memory_space<hbm>> -> memref<1x128x64xf32, #tpu.memory_space<hbm>>
      %dma_wait3A_320 = tpu.memref_squeeze %dma_wait3A_319 : memref<1x128x64xf32, #tpu.memory_space<hbm>> -> memref<128x64xf32, #tpu.memory_space<hbm>>
      %dma_wait3A_321 = arith.constant 0 : i32
      %dma_wait3A_322 = tpu.memref_slice %arg4[%arg0, %add3A_298, %dma_wait3A_321] : memref<2x10112x64xf32, #tpu.memory_space<hbm>> -> memref<1x128x64xf32, #tpu.memory_space<hbm>>
      %dma_wait3A_323 = tpu.memref_squeeze %dma_wait3A_322 : memref<1x128x64xf32, #tpu.memory_space<hbm>> -> memref<128x64xf32, #tpu.memory_space<hbm>>
      %dma_wait3A_324 = arith.constant 0 : i32
      %dma_wait3A_325 = arith.constant 0 : i32
      %dma_wait3A_326 = tpu.memref_slice %arg9[%dma_wait3A_324, %dma_wait3A_325] : memref<128x64xf32, #tpu.memory_space<vmem>> -> memref<128x64xf32, #tpu.memory_space<vmem>>
      tpu.wait_dma2 semaphore(%run_scoped3A : memref<!tpu.dma_semaphore, #tpu.memory_space<semaphore_mem>>) src(%dma_wait3A_326 : memref<128x64xf32, #tpu.memory_space<vmem>>) dst(%dma_wait3A_323 : memref<128x64xf32, #tpu.memory_space<hbm>>)
      tpu.yield
    }) : () -> ()
    %add3A_299 = arith.constant 512 : i32
    %add3A_300 = arith.addi %mul3A_2, %add3A_299 : i32
    "tpu.region"() ({
      %run_scoped3A = tpu.sem_alloc : memref<!tpu.dma_semaphore, #tpu.memory_space<semaphore_mem>>
      %dma_start3A_303 = arith.constant 0 : i32
      %dma_start3A_304 = arith.constant 0 : i32
      %dma_start3A_305 = tpu.memref_slice %arg9[%dma_start3A_303, %dma_start3A_304] : memref<128x64xf32, #tpu.memory_space<vmem>> -> memref<120x64xf32, #tpu.memory_space<vmem>>
      %dma_start3A_306 = arith.constant 0 : i32
      %dma_start3A_307 = tpu.memref_slice %arg6[%add3A_300, %dma_start3A_306] : memref<10112x64xf32, #tpu.memory_space<vmem_shared>> -> memref<120x64xf32, #tpu.memory_space<vmem_shared>>
      %dma_start3A_308 = arith.constant 0 : i32
      %dma_start3A_309 = arith.constant 0 : i32
      %dma_start3A_310 = tpu.memref_slice %arg9[%dma_start3A_308, %dma_start3A_309] : memref<128x64xf32, #tpu.memory_space<vmem>> -> memref<120x64xf32, #tpu.memory_space<vmem>>
      %dma_start3A_311 = arith.constant 0 : i32
      %dma_start3A_312 = tpu.memref_slice %arg6[%add3A_300, %dma_start3A_311] : memref<10112x64xf32, #tpu.memory_space<vmem_shared>> -> memref<120x64xf32, #tpu.memory_space<vmem_shared>>
      tpu.enqueue_dma source(%dma_start3A_312 : memref<120x64xf32, #tpu.memory_space<vmem_shared>>) target(%dma_start3A_310 : memref<120x64xf32, #tpu.memory_space<vmem>>) target_semaphore(%run_scoped3A : memref<!tpu.dma_semaphore, #tpu.memory_space<semaphore_mem>>)
      %dma_wait3A_313 = arith.constant 0 : i32
      %dma_wait3A_314 = arith.constant 0 : i32
      %dma_wait3A_315 = tpu.memref_slice %arg9[%dma_wait3A_313, %dma_wait3A_314] : memref<128x64xf32, #tpu.memory_space<vmem>> -> memref<120x64xf32, #tpu.memory_space<vmem>>
      %dma_wait3A_316 = arith.constant 0 : i32
      %dma_wait3A_317 = tpu.memref_slice %arg6[%add3A_300, %dma_wait3A_316] : memref<10112x64xf32, #tpu.memory_space<vmem_shared>> -> memref<120x64xf32, #tpu.memory_space<vmem_shared>>
      %dma_wait3A_318 = arith.constant 0 : i32
      %dma_wait3A_319 = arith.constant 0 : i32
      %dma_wait3A_320 = tpu.memref_slice %arg9[%dma_wait3A_318, %dma_wait3A_319] : memref<128x64xf32, #tpu.memory_space<vmem>> -> memref<120x64xf32, #tpu.memory_space<vmem>>
      %dma_wait3A_321 = arith.constant 0 : i32
      %dma_wait3A_322 = tpu.memref_slice %arg6[%add3A_300, %dma_wait3A_321] : memref<10112x64xf32, #tpu.memory_space<vmem_shared>> -> memref<120x64xf32, #tpu.memory_space<vmem_shared>>
      tpu.wait_dma2 semaphore(%run_scoped3A : memref<!tpu.dma_semaphore, #tpu.memory_space<semaphore_mem>>) src(%dma_wait3A_322 : memref<120x64xf32, #tpu.memory_space<vmem_shared>>) dst(%dma_wait3A_320 : memref<120x64xf32, #tpu.memory_space<vmem>>)
      tpu.yield
    }) : () -> ()
    %add3A_301 = arith.constant 512 : i32
    %add3A_302 = arith.addi %mul3A_2, %add3A_301 : i32
    "tpu.region"() ({
      %run_scoped3A = tpu.sem_alloc : memref<!tpu.dma_semaphore, #tpu.memory_space<semaphore_mem>>
      %dma_start3A_303 = arith.constant 0 : i32
      %dma_start3A_304 = arith.constant 0 : i32
      %dma_start3A_305 = tpu.memref_slice %arg9[%dma_start3A_303, %dma_start3A_304] : memref<128x64xf32, #tpu.memory_space<vmem>> -> memref<120x64xf32, #tpu.memory_space<vmem>>
      %dma_start3A_306 = arith.constant 0 : i32
      %dma_start3A_307 = tpu.memref_slice %arg4[%arg0, %add3A_302, %dma_start3A_306] : memref<2x10112x64xf32, #tpu.memory_space<hbm>> -> memref<1x120x64xf32, #tpu.memory_space<hbm>>
      %dma_start3A_308 = tpu.memref_squeeze %dma_start3A_307 : memref<1x120x64xf32, #tpu.memory_space<hbm>> -> memref<120x64xf32, #tpu.memory_space<hbm>>
      %dma_start3A_309 = arith.constant 0 : i32
      %dma_start3A_310 = tpu.memref_slice %arg4[%arg0, %add3A_302, %dma_start3A_309] : memref<2x10112x64xf32, #tpu.memory_space<hbm>> -> memref<1x120x64xf32, #tpu.memory_space<hbm>>
      %dma_start3A_311 = tpu.memref_squeeze %dma_start3A_310 : memref<1x120x64xf32, #tpu.memory_space<hbm>> -> memref<120x64xf32, #tpu.memory_space<hbm>>
      %dma_start3A_312 = arith.constant 0 : i32
      %dma_start3A_313 = arith.constant 0 : i32
      %dma_start3A_314 = tpu.memref_slice %arg9[%dma_start3A_312, %dma_start3A_313] : memref<128x64xf32, #tpu.memory_space<vmem>> -> memref<120x64xf32, #tpu.memory_space<vmem>>
      tpu.enqueue_dma source(%dma_start3A_314 : memref<120x64xf32, #tpu.memory_space<vmem>>) target(%dma_start3A_311 : memref<120x64xf32, #tpu.memory_space<hbm>>) target_semaphore(%run_scoped3A : memref<!tpu.dma_semaphore, #tpu.memory_space<semaphore_mem>>)
      %dma_wait3A_315 = arith.constant 0 : i32
      %dma_wait3A_316 = arith.constant 0 : i32
      %dma_wait3A_317 = tpu.memref_slice %arg9[%dma_wait3A_315, %dma_wait3A_316] : memref<128x64xf32, #tpu.memory_space<vmem>> -> memref<120x64xf32, #tpu.memory_space<vmem>>
      %dma_wait3A_318 = arith.constant 0 : i32
      %dma_wait3A_319 = tpu.memref_slice %arg4[%arg0, %add3A_302, %dma_wait3A_318] : memref<2x10112x64xf32, #tpu.memory_space<hbm>> -> memref<1x120x64xf32, #tpu.memory_space<hbm>>
      %dma_wait3A_320 = tpu.memref_squeeze %dma_wait3A_319 : memref<1x120x64xf32, #tpu.memory_space<hbm>> -> memref<120x64xf32, #tpu.memory_space<hbm>>
      %dma_wait3A_321 = arith.constant 0 : i32
      %dma_wait3A_322 = tpu.memref_slice %arg4[%arg0, %add3A_302, %dma_wait3A_321] : memref<2x10112x64xf32, #tpu.memory_space<hbm>> -> memref<1x120x64xf32, #tpu.memory_space<hbm>>
      %dma_wait3A_323 = tpu.memref_squeeze %dma_wait3A_322 : memref<1x120x64xf32, #tpu.memory_space<hbm>> -> memref<120x64xf32, #tpu.memory_space<hbm>>
      %dma_wait3A_324 = arith.constant 0 : i32
      %dma_wait3A_325 = arith.constant 0 : i32
      %dma_wait3A_326 = tpu.memref_slice %arg9[%dma_wait3A_324, %dma_wait3A_325] : memref<128x64xf32, #tpu.memory_space<vmem>> -> memref<120x64xf32, #tpu.memory_space<vmem>>
      tpu.wait_dma2 semaphore(%run_scoped3A : memref<!tpu.dma_semaphore, #tpu.memory_space<semaphore_mem>>) src(%dma_wait3A_326 : memref<120x64xf32, #tpu.memory_space<vmem>>) dst(%dma_wait3A_323 : memref<120x64xf32, #tpu.memory_space<hbm>>)
      tpu.yield
    }) : () -> ()
    return
  }
}

#map = affine_map<(d0, d1) -> (0, 0)>
#map1 = affine_map<(d0, d1) -> (0, 0, 0)>
#map2 = affine_map<(d0, d1) -> (0)>
module attributes {stable_mosaic.version = 14 : i64} {
  func.func @body(%arg0: i32, %arg1: i32, %arg2: memref<10112x64xf32, #tpu.memory_space<hbm>>, %arg3: memref<2x2500x128xi32, #tpu.memory_space<hbm>>, %arg4: memref<2x10112x64xf32, #tpu.memory_space<hbm>>, %arg5: memref<20224xf32, #tpu.memory_space<hbm>>, %arg6: memref<10112x64xf32, #tpu.memory_space<vmem_shared>>, %arg7: memref<10112x64xf32, #tpu.memory_space<vmem_shared>>, %arg8: memref<79x128xi32, #tpu.memory_space<vmem>>, %arg9: memref<79x128xi32, #tpu.memory_space<vmem>>, %arg10: memref<128x64xf32, #tpu.memory_space<vmem>>, %arg11: memref<128x64xf32, #tpu.memory_space<vmem>>, %arg12: memref<128x64xf32, #tpu.memory_space<vmem>>, %arg13: memref<!tpu.dma_semaphore, #tpu.memory_space<semaphore_mem>>, %arg14: memref<!tpu.dma_semaphore, #tpu.memory_space<semaphore_mem>>, %arg15: memref<!tpu.dma_semaphore, #tpu.memory_space<semaphore_mem>>, %arg16: memref<10112xf32, #tpu.memory_space<vmem_shared>>, %arg17: memref<128xf32, #tpu.memory_space<vmem>>, %arg18: memref<632xf32, #tpu.memory_space<vmem>>, %arg19: memref<!tpu.dma_semaphore, #tpu.memory_space<semaphore_mem>>) attributes {dimension_semantics = [#tpu.dimension_semantics<core_parallel>, #tpu.dimension_semantics<subcore_parallel>], iteration_bounds = array<i64: 2, 16>, scalar_prefetch = 0 : i64, scratch_operands = 14 : i64, tpu.core_type = #tpu.core_type<sc_vector_subcore>, window_params = [{transform_indices = #map}, {transform_indices = #map1}, {transform_indices = #map1}, {transform_indices = #map2}]} {
    %mul3A = arith.constant 2 : i32
    %mul3A_0 = arith.muli %arg1, %mul3A : i32
    %add3A = arith.addi %mul3A_0, %arg0 : i32
    %mul3A_1 = arith.constant 632 : i32
    %mul3A_2 = arith.muli %arg1, %mul3A_1 : i32
    %mul3A_3 = arith.constant 78 : i32
    %mul3A_4 = arith.muli %add3A, %mul3A_3 : i32
    %add3A_5 = arith.constant 2496 : i32
    %add3A_6 = arith.addi %add3A_5, %add3A : i32
    %min3A = arith.constant 2499 : i32
    %min3A_7 = arith.minsi %add3A_6, %min3A : i32
    %dma_start3A = arith.constant 0 : i32
    %dma_start3A_8 = arith.constant 0 : i32
    %dma_start3A_9 = arith.constant 0 : i32
    %dma_start3A_10 = tpu.memref_slice %arg8[%dma_start3A_8, %dma_start3A_9] : memref<79x128xi32, #tpu.memory_space<vmem>> -> memref<78x128xi32, #tpu.memory_space<vmem>>
    %dma_start3A_11 = arith.constant 0 : i32
    %dma_start3A_12 = tpu.memref_slice %arg3[%dma_start3A, %mul3A_4, %dma_start3A_11] : memref<2x2500x128xi32, #tpu.memory_space<hbm>> -> memref<1x78x128xi32, #tpu.memory_space<hbm>>
    %dma_start3A_13 = tpu.memref_squeeze %dma_start3A_12 : memref<1x78x128xi32, #tpu.memory_space<hbm>> -> memref<78x128xi32, #tpu.memory_space<hbm>>
    %dma_start3A_14 = arith.constant 0 : i32
    %dma_start3A_15 = arith.constant 0 : i32
    %dma_start3A_16 = tpu.memref_slice %arg8[%dma_start3A_14, %dma_start3A_15] : memref<79x128xi32, #tpu.memory_space<vmem>> -> memref<78x128xi32, #tpu.memory_space<vmem>>
    %dma_start3A_17 = arith.constant 0 : i32
    %dma_start3A_18 = tpu.memref_slice %arg3[%dma_start3A, %mul3A_4, %dma_start3A_17] : memref<2x2500x128xi32, #tpu.memory_space<hbm>> -> memref<1x78x128xi32, #tpu.memory_space<hbm>>
    %dma_start3A_19 = tpu.memref_squeeze %dma_start3A_18 : memref<1x78x128xi32, #tpu.memory_space<hbm>> -> memref<78x128xi32, #tpu.memory_space<hbm>>
    tpu.enqueue_dma source(%dma_start3A_19 : memref<78x128xi32, #tpu.memory_space<hbm>>) target(%dma_start3A_16 : memref<78x128xi32, #tpu.memory_space<vmem>>) target_semaphore(%arg15 : memref<!tpu.dma_semaphore, #tpu.memory_space<semaphore_mem>>)
    %dma_start3A_20 = arith.constant 1 : i32
    %dma_start3A_21 = arith.constant 0 : i32
    %dma_start3A_22 = arith.constant 0 : i32
    %dma_start3A_23 = tpu.memref_slice %arg9[%dma_start3A_21, %dma_start3A_22] : memref<79x128xi32, #tpu.memory_space<vmem>> -> memref<78x128xi32, #tpu.memory_space<vmem>>
    %dma_start3A_24 = arith.constant 0 : i32
    %dma_start3A_25 = tpu.memref_slice %arg3[%dma_start3A_20, %mul3A_4, %dma_start3A_24] : memref<2x2500x128xi32, #tpu.memory_space<hbm>> -> memref<1x78x128xi32, #tpu.memory_space<hbm>>
    %dma_start3A_26 = tpu.memref_squeeze %dma_start3A_25 : memref<1x78x128xi32, #tpu.memory_space<hbm>> -> memref<78x128xi32, #tpu.memory_space<hbm>>
    %dma_start3A_27 = arith.constant 0 : i32
    %dma_start3A_28 = arith.constant 0 : i32
    %dma_start3A_29 = tpu.memref_slice %arg9[%dma_start3A_27, %dma_start3A_28] : memref<79x128xi32, #tpu.memory_space<vmem>> -> memref<78x128xi32, #tpu.memory_space<vmem>>
    %dma_start3A_30 = arith.constant 0 : i32
    %dma_start3A_31 = tpu.memref_slice %arg3[%dma_start3A_20, %mul3A_4, %dma_start3A_30] : memref<2x2500x128xi32, #tpu.memory_space<hbm>> -> memref<1x78x128xi32, #tpu.memory_space<hbm>>
    %dma_start3A_32 = tpu.memref_squeeze %dma_start3A_31 : memref<1x78x128xi32, #tpu.memory_space<hbm>> -> memref<78x128xi32, #tpu.memory_space<hbm>>
    tpu.enqueue_dma source(%dma_start3A_32 : memref<78x128xi32, #tpu.memory_space<hbm>>) target(%dma_start3A_29 : memref<78x128xi32, #tpu.memory_space<vmem>>) target_semaphore(%arg15 : memref<!tpu.dma_semaphore, #tpu.memory_space<semaphore_mem>>)
    %dma_start3A_33 = arith.constant 0 : i32
    %dma_start3A_34 = arith.constant 78 : i32
    %dma_start3A_35 = arith.constant 0 : i32
    %dma_start3A_36 = tpu.memref_slice %arg8[%dma_start3A_34, %dma_start3A_35] : memref<79x128xi32, #tpu.memory_space<vmem>> -> memref<1x128xi32, #tpu.memory_space<vmem>>
    %dma_start3A_37 = tpu.memref_squeeze %dma_start3A_36 : memref<1x128xi32, #tpu.memory_space<vmem>> -> memref<128xi32, #tpu.memory_space<vmem>>
    %dma_start3A_38 = arith.constant 0 : i32
    %dma_start3A_39 = tpu.memref_slice %arg3[%dma_start3A_33, %min3A_7, %dma_start3A_38] : memref<2x2500x128xi32, #tpu.memory_space<hbm>> -> memref<1x1x128xi32, #tpu.memory_space<hbm>>
    %dma_start3A_40 = tpu.memref_squeeze %dma_start3A_39 : memref<1x1x128xi32, #tpu.memory_space<hbm>> -> memref<128xi32, #tpu.memory_space<hbm>>
    %dma_start3A_41 = arith.constant 0 : i32
    %dma_start3A_42 = tpu.memref_slice %arg8[%dma_start3A_34, %dma_start3A_41] : memref<79x128xi32, #tpu.memory_space<vmem>> -> memref<1x128xi32, #tpu.memory_space<vmem>>
    %dma_start3A_43 = tpu.memref_squeeze %dma_start3A_42 : memref<1x128xi32, #tpu.memory_space<vmem>> -> memref<128xi32, #tpu.memory_space<vmem>>
    %dma_start3A_44 = arith.constant 0 : i32
    %dma_start3A_45 = tpu.memref_slice %arg3[%dma_start3A_33, %min3A_7, %dma_start3A_44] : memref<2x2500x128xi32, #tpu.memory_space<hbm>> -> memref<1x1x128xi32, #tpu.memory_space<hbm>>
    %dma_start3A_46 = tpu.memref_squeeze %dma_start3A_45 : memref<1x1x128xi32, #tpu.memory_space<hbm>> -> memref<128xi32, #tpu.memory_space<hbm>>
    tpu.enqueue_dma source(%dma_start3A_46 : memref<128xi32, #tpu.memory_space<hbm>>) target(%dma_start3A_43 : memref<128xi32, #tpu.memory_space<vmem>>) target_semaphore(%arg15 : memref<!tpu.dma_semaphore, #tpu.memory_space<semaphore_mem>>)
    %dma_start3A_47 = arith.constant 1 : i32
    %dma_start3A_48 = arith.constant 78 : i32
    %dma_start3A_49 = arith.constant 0 : i32
    %dma_start3A_50 = tpu.memref_slice %arg9[%dma_start3A_48, %dma_start3A_49] : memref<79x128xi32, #tpu.memory_space<vmem>> -> memref<1x128xi32, #tpu.memory_space<vmem>>
    %dma_start3A_51 = tpu.memref_squeeze %dma_start3A_50 : memref<1x128xi32, #tpu.memory_space<vmem>> -> memref<128xi32, #tpu.memory_space<vmem>>
    %dma_start3A_52 = arith.constant 0 : i32
    %dma_start3A_53 = tpu.memref_slice %arg3[%dma_start3A_47, %min3A_7, %dma_start3A_52] : memref<2x2500x128xi32, #tpu.memory_space<hbm>> -> memref<1x1x128xi32, #tpu.memory_space<hbm>>
    %dma_start3A_54 = tpu.memref_squeeze %dma_start3A_53 : memref<1x1x128xi32, #tpu.memory_space<hbm>> -> memref<128xi32, #tpu.memory_space<hbm>>
    %dma_start3A_55 = arith.constant 0 : i32
    %dma_start3A_56 = tpu.memref_slice %arg9[%dma_start3A_48, %dma_start3A_55] : memref<79x128xi32, #tpu.memory_space<vmem>> -> memref<1x128xi32, #tpu.memory_space<vmem>>
    %dma_start3A_57 = tpu.memref_squeeze %dma_start3A_56 : memref<1x128xi32, #tpu.memory_space<vmem>> -> memref<128xi32, #tpu.memory_space<vmem>>
    %dma_start3A_58 = arith.constant 0 : i32
    %dma_start3A_59 = tpu.memref_slice %arg3[%dma_start3A_47, %min3A_7, %dma_start3A_58] : memref<2x2500x128xi32, #tpu.memory_space<hbm>> -> memref<1x1x128xi32, #tpu.memory_space<hbm>>
    %dma_start3A_60 = tpu.memref_squeeze %dma_start3A_59 : memref<1x1x128xi32, #tpu.memory_space<hbm>> -> memref<128xi32, #tpu.memory_space<hbm>>
    tpu.enqueue_dma source(%dma_start3A_60 : memref<128xi32, #tpu.memory_space<hbm>>) target(%dma_start3A_57 : memref<128xi32, #tpu.memory_space<vmem>>) target_semaphore(%arg15 : memref<!tpu.dma_semaphore, #tpu.memory_space<semaphore_mem>>)
    %broadcast_in_dim3A = arith.constant 0.000000e+00 : f32
    %broadcast_in_dim3A_61 = vector.broadcast %broadcast_in_dim3A : f32 to vector<16xf32>
    %scan3A = arith.constant 0 : i32
    %scan3A_62 = arith.constant 0 : i32
    %scan3A_63 = arith.constant 128 : i32
    %scan3A_64 = arith.addi %scan3A_62, %scan3A_63 : i32
    %scan3A_65 = arith.constant 1 : i32
    scf.for %scan3A_551 = %scan3A_62 to %scan3A_64 step %scan3A_65  : i32 {
      %swap3A_552 = arith.index_cast %scan3A_551 : i32 to index
      %swap3A_553 = arith.constant 0 : index
      %swap3A_554 = tpu.vector_load %arg11[%swap3A_552, %swap3A_553] {strides = array<i32>} : memref<128x64xf32, #tpu.memory_space<vmem>>, vector<1x16xf32>,
      %swap3A_555 = vector.shape_cast %swap3A_554 : vector<1x16xf32> to vector<16xf32>
      %swap3A_556 = vector.shape_cast %broadcast_in_dim3A_61 : vector<16xf32> to vector<1x16xf32>
      tpu.vector_store %arg11[%swap3A_552, %swap3A_553], %swap3A_556 {strides = array<i32>} : memref<128x64xf32, #tpu.memory_space<vmem>>, vector<1x16xf32>,
      %swap3A_557 = arith.index_cast %scan3A_551 : i32 to index
      %swap3A_558 = arith.constant 16 : index
      %swap3A_559 = tpu.vector_load %arg11[%swap3A_557, %swap3A_558] {strides = array<i32>} : memref<128x64xf32, #tpu.memory_space<vmem>>, vector<1x16xf32>,
      %swap3A_560 = vector.shape_cast %swap3A_559 : vector<1x16xf32> to vector<16xf32>
      %swap3A_561 = vector.shape_cast %broadcast_in_dim3A_61 : vector<16xf32> to vector<1x16xf32>
      tpu.vector_store %arg11[%swap3A_557, %swap3A_558], %swap3A_561 {strides = array<i32>} : memref<128x64xf32, #tpu.memory_space<vmem>>, vector<1x16xf32>,
      %swap3A_562 = arith.index_cast %scan3A_551 : i32 to index
      %swap3A_563 = arith.constant 32 : index
      %swap3A_564 = tpu.vector_load %arg11[%swap3A_562, %swap3A_563] {strides = array<i32>} : memref<128x64xf32, #tpu.memory_space<vmem>>, vector<1x16xf32>,
      %swap3A_565 = vector.shape_cast %swap3A_564 : vector<1x16xf32> to vector<16xf32>
      %swap3A_566 = vector.shape_cast %broadcast_in_dim3A_61 : vector<16xf32> to vector<1x16xf32>
      tpu.vector_store %arg11[%swap3A_562, %swap3A_563], %swap3A_566 {strides = array<i32>} : memref<128x64xf32, #tpu.memory_space<vmem>>, vector<1x16xf32>,
      %swap3A_567 = arith.index_cast %scan3A_551 : i32 to index
      %swap3A_568 = arith.constant 48 : index
      %swap3A_569 = tpu.vector_load %arg11[%swap3A_567, %swap3A_568] {strides = array<i32>} : memref<128x64xf32, #tpu.memory_space<vmem>>, vector<1x16xf32>,
      %swap3A_570 = vector.shape_cast %swap3A_569 : vector<1x16xf32> to vector<16xf32>
      %swap3A_571 = vector.shape_cast %broadcast_in_dim3A_61 : vector<16xf32> to vector<1x16xf32>
      tpu.vector_store %arg11[%swap3A_567, %swap3A_568], %swap3A_571 {strides = array<i32>} : memref<128x64xf32, #tpu.memory_space<vmem>>, vector<1x16xf32>,
    }
    %scan3A_66 = arith.constant 128 : i32
    %add3A_67 = arith.constant 0 : i32
    %add3A_68 = arith.addi %mul3A_2, %add3A_67 : i32
    %dma_start3A_69 = arith.constant 0 : i32
    %dma_start3A_70 = arith.constant 0 : i32
    %dma_start3A_71 = tpu.memref_slice %arg10[%dma_start3A_69, %dma_start3A_70] : memref<128x64xf32, #tpu.memory_space<vmem>> -> memref<128x64xf32, #tpu.memory_space<vmem>>
    %dma_start3A_72 = arith.constant 0 : i32
    %dma_start3A_73 = tpu.memref_slice %arg2[%add3A_68, %dma_start3A_72] : memref<10112x64xf32, #tpu.memory_space<hbm>> -> memref<128x64xf32, #tpu.memory_space<hbm>>
    %dma_start3A_74 = arith.constant 0 : i32
    %dma_start3A_75 = arith.constant 0 : i32
    %dma_start3A_76 = tpu.memref_slice %arg10[%dma_start3A_74, %dma_start3A_75] : memref<128x64xf32, #tpu.memory_space<vmem>> -> memref<128x64xf32, #tpu.memory_space<vmem>>
    %dma_start3A_77 = arith.constant 0 : i32
    %dma_start3A_78 = tpu.memref_slice %arg2[%add3A_68, %dma_start3A_77] : memref<10112x64xf32, #tpu.memory_space<hbm>> -> memref<128x64xf32, #tpu.memory_space<hbm>>
    tpu.enqueue_dma source(%dma_start3A_78 : memref<128x64xf32, #tpu.memory_space<hbm>>) target(%dma_start3A_76 : memref<128x64xf32, #tpu.memory_space<vmem>>) target_semaphore(%arg13 : memref<!tpu.dma_semaphore, #tpu.memory_space<semaphore_mem>>)
    %add3A_79 = arith.constant 0 : i32
    %add3A_80 = arith.addi %mul3A_2, %add3A_79 : i32
    %dma_wait3A = arith.constant 0 : i32
    %dma_wait3A_81 = arith.constant 0 : i32
    %dma_wait3A_82 = tpu.memref_slice %arg10[%dma_wait3A, %dma_wait3A_81] : memref<128x64xf32, #tpu.memory_space<vmem>> -> memref<128x64xf32, #tpu.memory_space<vmem>>
    %dma_wait3A_83 = arith.constant 0 : i32
    %dma_wait3A_84 = tpu.memref_slice %arg2[%add3A_80, %dma_wait3A_83] : memref<10112x64xf32, #tpu.memory_space<hbm>> -> memref<128x64xf32, #tpu.memory_space<hbm>>
    %dma_wait3A_85 = arith.constant 0 : i32
    %dma_wait3A_86 = arith.constant 0 : i32
    %dma_wait3A_87 = tpu.memref_slice %arg10[%dma_wait3A_85, %dma_wait3A_86] : memref<128x64xf32, #tpu.memory_space<vmem>> -> memref<128x64xf32, #tpu.memory_space<vmem>>
    %dma_wait3A_88 = arith.constant 0 : i32
    %dma_wait3A_89 = tpu.memref_slice %arg2[%add3A_80, %dma_wait3A_88] : memref<10112x64xf32, #tpu.memory_space<hbm>> -> memref<128x64xf32, #tpu.memory_space<hbm>>
    tpu.wait_dma2 semaphore(%arg13 : memref<!tpu.dma_semaphore, #tpu.memory_space<semaphore_mem>>) src(%dma_wait3A_89 : memref<128x64xf32, #tpu.memory_space<hbm>>) dst(%dma_wait3A_87 : memref<128x64xf32, #tpu.memory_space<vmem>>)
    %add3A_90 = arith.constant 128 : i32
    %add3A_91 = arith.addi %mul3A_2, %add3A_90 : i32
    %dma_start3A_92 = arith.constant 0 : i32
    %dma_start3A_93 = arith.constant 0 : i32
    %dma_start3A_94 = tpu.memref_slice %arg12[%dma_start3A_92, %dma_start3A_93] : memref<128x64xf32, #tpu.memory_space<vmem>> -> memref<128x64xf32, #tpu.memory_space<vmem>>
    %dma_start3A_95 = arith.constant 0 : i32
    %dma_start3A_96 = tpu.memref_slice %arg2[%add3A_91, %dma_start3A_95] : memref<10112x64xf32, #tpu.memory_space<hbm>> -> memref<128x64xf32, #tpu.memory_space<hbm>>
    %dma_start3A_97 = arith.constant 0 : i32
    %dma_start3A_98 = arith.constant 0 : i32
    %dma_start3A_99 = tpu.memref_slice %arg12[%dma_start3A_97, %dma_start3A_98] : memref<128x64xf32, #tpu.memory_space<vmem>> -> memref<128x64xf32, #tpu.memory_space<vmem>>
    %dma_start3A_100 = arith.constant 0 : i32
    %dma_start3A_101 = tpu.memref_slice %arg2[%add3A_91, %dma_start3A_100] : memref<10112x64xf32, #tpu.memory_space<hbm>> -> memref<128x64xf32, #tpu.memory_space<hbm>>
    tpu.enqueue_dma source(%dma_start3A_101 : memref<128x64xf32, #tpu.memory_space<hbm>>) target(%dma_start3A_99 : memref<128x64xf32, #tpu.memory_space<vmem>>) target_semaphore(%arg14 : memref<!tpu.dma_semaphore, #tpu.memory_space<semaphore_mem>>)
    %add3A_102 = arith.constant 0 : i32
    %add3A_103 = arith.addi %mul3A_2, %add3A_102 : i32
    "tpu.region"() ({
      %run_scoped3A = tpu.sem_alloc : memref<!tpu.dma_semaphore, #tpu.memory_space<semaphore_mem>>
      %dma_start3A_551 = arith.constant 0 : i32
      %dma_start3A_552 = arith.constant 0 : i32
      %dma_start3A_553 = tpu.memref_slice %arg10[%dma_start3A_551, %dma_start3A_552] : memref<128x64xf32, #tpu.memory_space<vmem>> -> memref<128x64xf32, #tpu.memory_space<vmem>>
      %dma_start3A_554 = arith.constant 0 : i32
      %dma_start3A_555 = tpu.memref_slice %arg6[%add3A_103, %dma_start3A_554] : memref<10112x64xf32, #tpu.memory_space<vmem_shared>> -> memref<128x64xf32, #tpu.memory_space<vmem_shared>>
      %dma_start3A_556 = arith.constant 0 : i32
      %dma_start3A_557 = tpu.memref_slice %arg6[%add3A_103, %dma_start3A_556] : memref<10112x64xf32, #tpu.memory_space<vmem_shared>> -> memref<128x64xf32, #tpu.memory_space<vmem_shared>>
      %dma_start3A_558 = arith.constant 0 : i32
      %dma_start3A_559 = arith.constant 0 : i32
      %dma_start3A_560 = tpu.memref_slice %arg10[%dma_start3A_558, %dma_start3A_559] : memref<128x64xf32, #tpu.memory_space<vmem>> -> memref<128x64xf32, #tpu.memory_space<vmem>>
      tpu.enqueue_dma source(%dma_start3A_560 : memref<128x64xf32, #tpu.memory_space<vmem>>) target(%dma_start3A_557 : memref<128x64xf32, #tpu.memory_space<vmem_shared>>) target_semaphore(%run_scoped3A : memref<!tpu.dma_semaphore, #tpu.memory_space<semaphore_mem>>)
      %dma_wait3A_561 = arith.constant 0 : i32
      %dma_wait3A_562 = arith.constant 0 : i32
      %dma_wait3A_563 = tpu.memref_slice %arg10[%dma_wait3A_561, %dma_wait3A_562] : memref<128x64xf32, #tpu.memory_space<vmem>> -> memref<128x64xf32, #tpu.memory_space<vmem>>
      %dma_wait3A_564 = arith.constant 0 : i32
      %dma_wait3A_565 = tpu.memref_slice %arg6[%add3A_103, %dma_wait3A_564] : memref<10112x64xf32, #tpu.memory_space<vmem_shared>> -> memref<128x64xf32, #tpu.memory_space<vmem_shared>>
      %dma_wait3A_566 = arith.constant 0 : i32
      %dma_wait3A_567 = tpu.memref_slice %arg6[%add3A_103, %dma_wait3A_566] : memref<10112x64xf32, #tpu.memory_space<vmem_shared>> -> memref<128x64xf32, #tpu.memory_space<vmem_shared>>
      %dma_wait3A_568 = arith.constant 0 : i32
      %dma_wait3A_569 = arith.constant 0 : i32
      %dma_wait3A_570 = tpu.memref_slice %arg10[%dma_wait3A_568, %dma_wait3A_569] : memref<128x64xf32, #tpu.memory_space<vmem>> -> memref<128x64xf32, #tpu.memory_space<vmem>>
      tpu.wait_dma2 semaphore(%run_scoped3A : memref<!tpu.dma_semaphore, #tpu.memory_space<semaphore_mem>>) src(%dma_wait3A_570 : memref<128x64xf32, #tpu.memory_space<vmem>>) dst(%dma_wait3A_567 : memref<128x64xf32, #tpu.memory_space<vmem_shared>>)
      tpu.yield
    }) : () -> ()
    %add3A_104 = arith.constant 0 : i32
    %add3A_105 = arith.addi %mul3A_2, %add3A_104 : i32
    "tpu.region"() ({
      %run_scoped3A = tpu.sem_alloc : memref<!tpu.dma_semaphore, #tpu.memory_space<semaphore_mem>>
      %dma_start3A_551 = arith.constant 0 : i32
      %dma_start3A_552 = arith.constant 0 : i32
      %dma_start3A_553 = tpu.memref_slice %arg11[%dma_start3A_551, %dma_start3A_552] : memref<128x64xf32, #tpu.memory_space<vmem>> -> memref<128x64xf32, #tpu.memory_space<vmem>>
      %dma_start3A_554 = arith.constant 0 : i32
      %dma_start3A_555 = tpu.memref_slice %arg7[%add3A_105, %dma_start3A_554] : memref<10112x64xf32, #tpu.memory_space<vmem_shared>> -> memref<128x64xf32, #tpu.memory_space<vmem_shared>>
      %dma_start3A_556 = arith.constant 0 : i32
      %dma_start3A_557 = tpu.memref_slice %arg7[%add3A_105, %dma_start3A_556] : memref<10112x64xf32, #tpu.memory_space<vmem_shared>> -> memref<128x64xf32, #tpu.memory_space<vmem_shared>>
      %dma_start3A_558 = arith.constant 0 : i32
      %dma_start3A_559 = arith.constant 0 : i32
      %dma_start3A_560 = tpu.memref_slice %arg11[%dma_start3A_558, %dma_start3A_559] : memref<128x64xf32, #tpu.memory_space<vmem>> -> memref<128x64xf32, #tpu.memory_space<vmem>>
      tpu.enqueue_dma source(%dma_start3A_560 : memref<128x64xf32, #tpu.memory_space<vmem>>) target(%dma_start3A_557 : memref<128x64xf32, #tpu.memory_space<vmem_shared>>) target_semaphore(%run_scoped3A : memref<!tpu.dma_semaphore, #tpu.memory_space<semaphore_mem>>)
      %dma_wait3A_561 = arith.constant 0 : i32
      %dma_wait3A_562 = arith.constant 0 : i32
      %dma_wait3A_563 = tpu.memref_slice %arg11[%dma_wait3A_561, %dma_wait3A_562] : memref<128x64xf32, #tpu.memory_space<vmem>> -> memref<128x64xf32, #tpu.memory_space<vmem>>
      %dma_wait3A_564 = arith.constant 0 : i32
      %dma_wait3A_565 = tpu.memref_slice %arg7[%add3A_105, %dma_wait3A_564] : memref<10112x64xf32, #tpu.memory_space<vmem_shared>> -> memref<128x64xf32, #tpu.memory_space<vmem_shared>>
      %dma_wait3A_566 = arith.constant 0 : i32
      %dma_wait3A_567 = tpu.memref_slice %arg7[%add3A_105, %dma_wait3A_566] : memref<10112x64xf32, #tpu.memory_space<vmem_shared>> -> memref<128x64xf32, #tpu.memory_space<vmem_shared>>
      %dma_wait3A_568 = arith.constant 0 : i32
      %dma_wait3A_569 = arith.constant 0 : i32
      %dma_wait3A_570 = tpu.memref_slice %arg11[%dma_wait3A_568, %dma_wait3A_569] : memref<128x64xf32, #tpu.memory_space<vmem>> -> memref<128x64xf32, #tpu.memory_space<vmem>>
      tpu.wait_dma2 semaphore(%run_scoped3A : memref<!tpu.dma_semaphore, #tpu.memory_space<semaphore_mem>>) src(%dma_wait3A_570 : memref<128x64xf32, #tpu.memory_space<vmem>>) dst(%dma_wait3A_567 : memref<128x64xf32, #tpu.memory_space<vmem_shared>>)
      tpu.yield
    }) : () -> ()
    %add3A_106 = arith.constant 128 : i32
    %add3A_107 = arith.addi %mul3A_2, %add3A_106 : i32
    %dma_wait3A_108 = arith.constant 0 : i32
    %dma_wait3A_109 = arith.constant 0 : i32
    %dma_wait3A_110 = tpu.memref_slice %arg12[%dma_wait3A_108, %dma_wait3A_109] : memref<128x64xf32, #tpu.memory_space<vmem>> -> memref<128x64xf32, #tpu.memory_space<vmem>>
    %dma_wait3A_111 = arith.constant 0 : i32
    %dma_wait3A_112 = tpu.memref_slice %arg2[%add3A_107, %dma_wait3A_111] : memref<10112x64xf32, #tpu.memory_space<hbm>> -> memref<128x64xf32, #tpu.memory_space<hbm>>
    %dma_wait3A_113 = arith.constant 0 : i32
    %dma_wait3A_114 = arith.constant 0 : i32
    %dma_wait3A_115 = tpu.memref_slice %arg12[%dma_wait3A_113, %dma_wait3A_114] : memref<128x64xf32, #tpu.memory_space<vmem>> -> memref<128x64xf32, #tpu.memory_space<vmem>>
    %dma_wait3A_116 = arith.constant 0 : i32
    %dma_wait3A_117 = tpu.memref_slice %arg2[%add3A_107, %dma_wait3A_116] : memref<10112x64xf32, #tpu.memory_space<hbm>> -> memref<128x64xf32, #tpu.memory_space<hbm>>
    tpu.wait_dma2 semaphore(%arg14 : memref<!tpu.dma_semaphore, #tpu.memory_space<semaphore_mem>>) src(%dma_wait3A_117 : memref<128x64xf32, #tpu.memory_space<hbm>>) dst(%dma_wait3A_115 : memref<128x64xf32, #tpu.memory_space<vmem>>)
    %add3A_118 = arith.constant 256 : i32
    %add3A_119 = arith.addi %mul3A_2, %add3A_118 : i32
    %dma_start3A_120 = arith.constant 0 : i32
    %dma_start3A_121 = arith.constant 0 : i32
    %dma_start3A_122 = tpu.memref_slice %arg10[%dma_start3A_120, %dma_start3A_121] : memref<128x64xf32, #tpu.memory_space<vmem>> -> memref<128x64xf32, #tpu.memory_space<vmem>>
    %dma_start3A_123 = arith.constant 0 : i32
    %dma_start3A_124 = tpu.memref_slice %arg2[%add3A_119, %dma_start3A_123] : memref<10112x64xf32, #tpu.memory_space<hbm>> -> memref<128x64xf32, #tpu.memory_space<hbm>>
    %dma_start3A_125 = arith.constant 0 : i32
    %dma_start3A_126 = arith.constant 0 : i32
    %dma_start3A_127 = tpu.memref_slice %arg10[%dma_start3A_125, %dma_start3A_126] : memref<128x64xf32, #tpu.memory_space<vmem>> -> memref<128x64xf32, #tpu.memory_space<vmem>>
    %dma_start3A_128 = arith.constant 0 : i32
    %dma_start3A_129 = tpu.memref_slice %arg2[%add3A_119, %dma_start3A_128] : memref<10112x64xf32, #tpu.memory_space<hbm>> -> memref<128x64xf32, #tpu.memory_space<hbm>>
    tpu.enqueue_dma source(%dma_start3A_129 : memref<128x64xf32, #tpu.memory_space<hbm>>) target(%dma_start3A_127 : memref<128x64xf32, #tpu.memory_space<vmem>>) target_semaphore(%arg13 : memref<!tpu.dma_semaphore, #tpu.memory_space<semaphore_mem>>)
    %add3A_130 = arith.constant 128 : i32
    %add3A_131 = arith.addi %mul3A_2, %add3A_130 : i32
    "tpu.region"() ({
      %run_scoped3A = tpu.sem_alloc : memref<!tpu.dma_semaphore, #tpu.memory_space<semaphore_mem>>
      %dma_start3A_551 = arith.constant 0 : i32
      %dma_start3A_552 = arith.constant 0 : i32
      %dma_start3A_553 = tpu.memref_slice %arg12[%dma_start3A_551, %dma_start3A_552] : memref<128x64xf32, #tpu.memory_space<vmem>> -> memref<128x64xf32, #tpu.memory_space<vmem>>
      %dma_start3A_554 = arith.constant 0 : i32
      %dma_start3A_555 = tpu.memref_slice %arg6[%add3A_131, %dma_start3A_554] : memref<10112x64xf32, #tpu.memory_space<vmem_shared>> -> memref<128x64xf32, #tpu.memory_space<vmem_shared>>
      %dma_start3A_556 = arith.constant 0 : i32
      %dma_start3A_557 = tpu.memref_slice %arg6[%add3A_131, %dma_start3A_556] : memref<10112x64xf32, #tpu.memory_space<vmem_shared>> -> memref<128x64xf32, #tpu.memory_space<vmem_shared>>
      %dma_start3A_558 = arith.constant 0 : i32
      %dma_start3A_559 = arith.constant 0 : i32
      %dma_start3A_560 = tpu.memref_slice %arg12[%dma_start3A_558, %dma_start3A_559] : memref<128x64xf32, #tpu.memory_space<vmem>> -> memref<128x64xf32, #tpu.memory_space<vmem>>
      tpu.enqueue_dma source(%dma_start3A_560 : memref<128x64xf32, #tpu.memory_space<vmem>>) target(%dma_start3A_557 : memref<128x64xf32, #tpu.memory_space<vmem_shared>>) target_semaphore(%run_scoped3A : memref<!tpu.dma_semaphore, #tpu.memory_space<semaphore_mem>>)
      %dma_wait3A_561 = arith.constant 0 : i32
      %dma_wait3A_562 = arith.constant 0 : i32
      %dma_wait3A_563 = tpu.memref_slice %arg12[%dma_wait3A_561, %dma_wait3A_562] : memref<128x64xf32, #tpu.memory_space<vmem>> -> memref<128x64xf32, #tpu.memory_space<vmem>>
      %dma_wait3A_564 = arith.constant 0 : i32
      %dma_wait3A_565 = tpu.memref_slice %arg6[%add3A_131, %dma_wait3A_564] : memref<10112x64xf32, #tpu.memory_space<vmem_shared>> -> memref<128x64xf32, #tpu.memory_space<vmem_shared>>
      %dma_wait3A_566 = arith.constant 0 : i32
      %dma_wait3A_567 = tpu.memref_slice %arg6[%add3A_131, %dma_wait3A_566] : memref<10112x64xf32, #tpu.memory_space<vmem_shared>> -> memref<128x64xf32, #tpu.memory_space<vmem_shared>>
      %dma_wait3A_568 = arith.constant 0 : i32
      %dma_wait3A_569 = arith.constant 0 : i32
      %dma_wait3A_570 = tpu.memref_slice %arg12[%dma_wait3A_568, %dma_wait3A_569] : memref<128x64xf32, #tpu.memory_space<vmem>> -> memref<128x64xf32, #tpu.memory_space<vmem>>
      tpu.wait_dma2 semaphore(%run_scoped3A : memref<!tpu.dma_semaphore, #tpu.memory_space<semaphore_mem>>) src(%dma_wait3A_570 : memref<128x64xf32, #tpu.memory_space<vmem>>) dst(%dma_wait3A_567 : memref<128x64xf32, #tpu.memory_space<vmem_shared>>)
      tpu.yield
    }) : () -> ()
    %add3A_132 = arith.constant 128 : i32
    %add3A_133 = arith.addi %mul3A_2, %add3A_132 : i32
    "tpu.region"() ({
      %run_scoped3A = tpu.sem_alloc : memref<!tpu.dma_semaphore, #tpu.memory_space<semaphore_mem>>
      %dma_start3A_551 = arith.constant 0 : i32
      %dma_start3A_552 = arith.constant 0 : i32
      %dma_start3A_553 = tpu.memref_slice %arg11[%dma_start3A_551, %dma_start3A_552] : memref<128x64xf32, #tpu.memory_space<vmem>> -> memref<128x64xf32, #tpu.memory_space<vmem>>
      %dma_start3A_554 = arith.constant 0 : i32
      %dma_start3A_555 = tpu.memref_slice %arg7[%add3A_133, %dma_start3A_554] : memref<10112x64xf32, #tpu.memory_space<vmem_shared>> -> memref<128x64xf32, #tpu.memory_space<vmem_shared>>
      %dma_start3A_556 = arith.constant 0 : i32
      %dma_start3A_557 = tpu.memref_slice %arg7[%add3A_133, %dma_start3A_556] : memref<10112x64xf32, #tpu.memory_space<vmem_shared>> -> memref<128x64xf32, #tpu.memory_space<vmem_shared>>
      %dma_start3A_558 = arith.constant 0 : i32
      %dma_start3A_559 = arith.constant 0 : i32
      %dma_start3A_560 = tpu.memref_slice %arg11[%dma_start3A_558, %dma_start3A_559] : memref<128x64xf32, #tpu.memory_space<vmem>> -> memref<128x64xf32, #tpu.memory_space<vmem>>
      tpu.enqueue_dma source(%dma_start3A_560 : memref<128x64xf32, #tpu.memory_space<vmem>>) target(%dma_start3A_557 : memref<128x64xf32, #tpu.memory_space<vmem_shared>>) target_semaphore(%run_scoped3A : memref<!tpu.dma_semaphore, #tpu.memory_space<semaphore_mem>>)
      %dma_wait3A_561 = arith.constant 0 : i32
      %dma_wait3A_562 = arith.constant 0 : i32
      %dma_wait3A_563 = tpu.memref_slice %arg11[%dma_wait3A_561, %dma_wait3A_562] : memref<128x64xf32, #tpu.memory_space<vmem>> -> memref<128x64xf32, #tpu.memory_space<vmem>>
      %dma_wait3A_564 = arith.constant 0 : i32
      %dma_wait3A_565 = tpu.memref_slice %arg7[%add3A_133, %dma_wait3A_564] : memref<10112x64xf32, #tpu.memory_space<vmem_shared>> -> memref<128x64xf32, #tpu.memory_space<vmem_shared>>
      %dma_wait3A_566 = arith.constant 0 : i32
      %dma_wait3A_567 = tpu.memref_slice %arg7[%add3A_133, %dma_wait3A_566] : memref<10112x64xf32, #tpu.memory_space<vmem_shared>> -> memref<128x64xf32, #tpu.memory_space<vmem_shared>>
      %dma_wait3A_568 = arith.constant 0 : i32
      %dma_wait3A_569 = arith.constant 0 : i32
      %dma_wait3A_570 = tpu.memref_slice %arg11[%dma_wait3A_568, %dma_wait3A_569] : memref<128x64xf32, #tpu.memory_space<vmem>> -> memref<128x64xf32, #tpu.memory_space<vmem>>
      tpu.wait_dma2 semaphore(%run_scoped3A : memref<!tpu.dma_semaphore, #tpu.memory_space<semaphore_mem>>) src(%dma_wait3A_570 : memref<128x64xf32, #tpu.memory_space<vmem>>) dst(%dma_wait3A_567 : memref<128x64xf32, #tpu.memory_space<vmem_shared>>)
      tpu.yield
    }) : () -> ()
    %add3A_134 = arith.constant 256 : i32
    %add3A_135 = arith.addi %mul3A_2, %add3A_134 : i32
    %dma_wait3A_136 = arith.constant 0 : i32
    %dma_wait3A_137 = arith.constant 0 : i32
    %dma_wait3A_138 = tpu.memref_slice %arg10[%dma_wait3A_136, %dma_wait3A_137] : memref<128x64xf32, #tpu.memory_space<vmem>> -> memref<128x64xf32, #tpu.memory_space<vmem>>
    %dma_wait3A_139 = arith.constant 0 : i32
    %dma_wait3A_140 = tpu.memref_slice %arg2[%add3A_135, %dma_wait3A_139] : memref<10112x64xf32, #tpu.memory_space<hbm>> -> memref<128x64xf32, #tpu.memory_space<hbm>>
    %dma_wait3A_141 = arith.constant 0 : i32
    %dma_wait3A_142 = arith.constant 0 : i32
    %dma_wait3A_143 = tpu.memref_slice %arg10[%dma_wait3A_141, %dma_wait3A_142] : memref<128x64xf32, #tpu.memory_space<vmem>> -> memref<128x64xf32, #tpu.memory_space<vmem>>
    %dma_wait3A_144 = arith.constant 0 : i32
    %dma_wait3A_145 = tpu.memref_slice %arg2[%add3A_135, %dma_wait3A_144] : memref<10112x64xf32, #tpu.memory_space<hbm>> -> memref<128x64xf32, #tpu.memory_space<hbm>>
    tpu.wait_dma2 semaphore(%arg13 : memref<!tpu.dma_semaphore, #tpu.memory_space<semaphore_mem>>) src(%dma_wait3A_145 : memref<128x64xf32, #tpu.memory_space<hbm>>) dst(%dma_wait3A_143 : memref<128x64xf32, #tpu.memory_space<vmem>>)
    %add3A_146 = arith.constant 384 : i32
    %add3A_147 = arith.addi %mul3A_2, %add3A_146 : i32
    %dma_start3A_148 = arith.constant 0 : i32
    %dma_start3A_149 = arith.constant 0 : i32
    %dma_start3A_150 = tpu.memref_slice %arg12[%dma_start3A_148, %dma_start3A_149] : memref<128x64xf32, #tpu.memory_space<vmem>> -> memref<128x64xf32, #tpu.memory_space<vmem>>
    %dma_start3A_151 = arith.constant 0 : i32
    %dma_start3A_152 = tpu.memref_slice %arg2[%add3A_147, %dma_start3A_151] : memref<10112x64xf32, #tpu.memory_space<hbm>> -> memref<128x64xf32, #tpu.memory_space<hbm>>
    %dma_start3A_153 = arith.constant 0 : i32
    %dma_start3A_154 = arith.constant 0 : i32
    %dma_start3A_155 = tpu.memref_slice %arg12[%dma_start3A_153, %dma_start3A_154] : memref<128x64xf32, #tpu.memory_space<vmem>> -> memref<128x64xf32, #tpu.memory_space<vmem>>
    %dma_start3A_156 = arith.constant 0 : i32
    %dma_start3A_157 = tpu.memref_slice %arg2[%add3A_147, %dma_start3A_156] : memref<10112x64xf32, #tpu.memory_space<hbm>> -> memref<128x64xf32, #tpu.memory_space<hbm>>
    tpu.enqueue_dma source(%dma_start3A_157 : memref<128x64xf32, #tpu.memory_space<hbm>>) target(%dma_start3A_155 : memref<128x64xf32, #tpu.memory_space<vmem>>) target_semaphore(%arg14 : memref<!tpu.dma_semaphore, #tpu.memory_space<semaphore_mem>>)
    %add3A_158 = arith.constant 256 : i32
    %add3A_159 = arith.addi %mul3A_2, %add3A_158 : i32
    "tpu.region"() ({
      %run_scoped3A = tpu.sem_alloc : memref<!tpu.dma_semaphore, #tpu.memory_space<semaphore_mem>>
      %dma_start3A_551 = arith.constant 0 : i32
      %dma_start3A_552 = arith.constant 0 : i32
      %dma_start3A_553 = tpu.memref_slice %arg10[%dma_start3A_551, %dma_start3A_552] : memref<128x64xf32, #tpu.memory_space<vmem>> -> memref<128x64xf32, #tpu.memory_space<vmem>>
      %dma_start3A_554 = arith.constant 0 : i32
      %dma_start3A_555 = tpu.memref_slice %arg6[%add3A_159, %dma_start3A_554] : memref<10112x64xf32, #tpu.memory_space<vmem_shared>> -> memref<128x64xf32, #tpu.memory_space<vmem_shared>>
      %dma_start3A_556 = arith.constant 0 : i32
      %dma_start3A_557 = tpu.memref_slice %arg6[%add3A_159, %dma_start3A_556] : memref<10112x64xf32, #tpu.memory_space<vmem_shared>> -> memref<128x64xf32, #tpu.memory_space<vmem_shared>>
      %dma_start3A_558 = arith.constant 0 : i32
      %dma_start3A_559 = arith.constant 0 : i32
      %dma_start3A_560 = tpu.memref_slice %arg10[%dma_start3A_558, %dma_start3A_559] : memref<128x64xf32, #tpu.memory_space<vmem>> -> memref<128x64xf32, #tpu.memory_space<vmem>>
      tpu.enqueue_dma source(%dma_start3A_560 : memref<128x64xf32, #tpu.memory_space<vmem>>) target(%dma_start3A_557 : memref<128x64xf32, #tpu.memory_space<vmem_shared>>) target_semaphore(%run_scoped3A : memref<!tpu.dma_semaphore, #tpu.memory_space<semaphore_mem>>)
      %dma_wait3A_561 = arith.constant 0 : i32
      %dma_wait3A_562 = arith.constant 0 : i32
      %dma_wait3A_563 = tpu.memref_slice %arg10[%dma_wait3A_561, %dma_wait3A_562] : memref<128x64xf32, #tpu.memory_space<vmem>> -> memref<128x64xf32, #tpu.memory_space<vmem>>
      %dma_wait3A_564 = arith.constant 0 : i32
      %dma_wait3A_565 = tpu.memref_slice %arg6[%add3A_159, %dma_wait3A_564] : memref<10112x64xf32, #tpu.memory_space<vmem_shared>> -> memref<128x64xf32, #tpu.memory_space<vmem_shared>>
      %dma_wait3A_566 = arith.constant 0 : i32
      %dma_wait3A_567 = tpu.memref_slice %arg6[%add3A_159, %dma_wait3A_566] : memref<10112x64xf32, #tpu.memory_space<vmem_shared>> -> memref<128x64xf32, #tpu.memory_space<vmem_shared>>
      %dma_wait3A_568 = arith.constant 0 : i32
      %dma_wait3A_569 = arith.constant 0 : i32
      %dma_wait3A_570 = tpu.memref_slice %arg10[%dma_wait3A_568, %dma_wait3A_569] : memref<128x64xf32, #tpu.memory_space<vmem>> -> memref<128x64xf32, #tpu.memory_space<vmem>>
      tpu.wait_dma2 semaphore(%run_scoped3A : memref<!tpu.dma_semaphore, #tpu.memory_space<semaphore_mem>>) src(%dma_wait3A_570 : memref<128x64xf32, #tpu.memory_space<vmem>>) dst(%dma_wait3A_567 : memref<128x64xf32, #tpu.memory_space<vmem_shared>>)
      tpu.yield
    }) : () -> ()
    %add3A_160 = arith.constant 256 : i32
    %add3A_161 = arith.addi %mul3A_2, %add3A_160 : i32
    "tpu.region"() ({
      %run_scoped3A = tpu.sem_alloc : memref<!tpu.dma_semaphore, #tpu.memory_space<semaphore_mem>>
      %dma_start3A_551 = arith.constant 0 : i32
      %dma_start3A_552 = arith.constant 0 : i32
      %dma_start3A_553 = tpu.memref_slice %arg11[%dma_start3A_551, %dma_start3A_552] : memref<128x64xf32, #tpu.memory_space<vmem>> -> memref<128x64xf32, #tpu.memory_space<vmem>>
      %dma_start3A_554 = arith.constant 0 : i32
      %dma_start3A_555 = tpu.memref_slice %arg7[%add3A_161, %dma_start3A_554] : memref<10112x64xf32, #tpu.memory_space<vmem_shared>> -> memref<128x64xf32, #tpu.memory_space<vmem_shared>>
      %dma_start3A_556 = arith.constant 0 : i32
      %dma_start3A_557 = tpu.memref_slice %arg7[%add3A_161, %dma_start3A_556] : memref<10112x64xf32, #tpu.memory_space<vmem_shared>> -> memref<128x64xf32, #tpu.memory_space<vmem_shared>>
      %dma_start3A_558 = arith.constant 0 : i32
      %dma_start3A_559 = arith.constant 0 : i32
      %dma_start3A_560 = tpu.memref_slice %arg11[%dma_start3A_558, %dma_start3A_559] : memref<128x64xf32, #tpu.memory_space<vmem>> -> memref<128x64xf32, #tpu.memory_space<vmem>>
      tpu.enqueue_dma source(%dma_start3A_560 : memref<128x64xf32, #tpu.memory_space<vmem>>) target(%dma_start3A_557 : memref<128x64xf32, #tpu.memory_space<vmem_shared>>) target_semaphore(%run_scoped3A : memref<!tpu.dma_semaphore, #tpu.memory_space<semaphore_mem>>)
      %dma_wait3A_561 = arith.constant 0 : i32
      %dma_wait3A_562 = arith.constant 0 : i32
      %dma_wait3A_563 = tpu.memref_slice %arg11[%dma_wait3A_561, %dma_wait3A_562] : memref<128x64xf32, #tpu.memory_space<vmem>> -> memref<128x64xf32, #tpu.memory_space<vmem>>
      %dma_wait3A_564 = arith.constant 0 : i32
      %dma_wait3A_565 = tpu.memref_slice %arg7[%add3A_161, %dma_wait3A_564] : memref<10112x64xf32, #tpu.memory_space<vmem_shared>> -> memref<128x64xf32, #tpu.memory_space<vmem_shared>>
      %dma_wait3A_566 = arith.constant 0 : i32
      %dma_wait3A_567 = tpu.memref_slice %arg7[%add3A_161, %dma_wait3A_566] : memref<10112x64xf32, #tpu.memory_space<vmem_shared>> -> memref<128x64xf32, #tpu.memory_space<vmem_shared>>
      %dma_wait3A_568 = arith.constant 0 : i32
      %dma_wait3A_569 = arith.constant 0 : i32
      %dma_wait3A_570 = tpu.memref_slice %arg11[%dma_wait3A_568, %dma_wait3A_569] : memref<128x64xf32, #tpu.memory_space<vmem>> -> memref<128x64xf32, #tpu.memory_space<vmem>>
      tpu.wait_dma2 semaphore(%run_scoped3A : memref<!tpu.dma_semaphore, #tpu.memory_space<semaphore_mem>>) src(%dma_wait3A_570 : memref<128x64xf32, #tpu.memory_space<vmem>>) dst(%dma_wait3A_567 : memref<128x64xf32, #tpu.memory_space<vmem_shared>>)
      tpu.yield
    }) : () -> ()
    %add3A_162 = arith.constant 384 : i32
    %add3A_163 = arith.addi %mul3A_2, %add3A_162 : i32
    %dma_wait3A_164 = arith.constant 0 : i32
    %dma_wait3A_165 = arith.constant 0 : i32
    %dma_wait3A_166 = tpu.memref_slice %arg12[%dma_wait3A_164, %dma_wait3A_165] : memref<128x64xf32, #tpu.memory_space<vmem>> -> memref<128x64xf32, #tpu.memory_space<vmem>>
    %dma_wait3A_167 = arith.constant 0 : i32
    %dma_wait3A_168 = tpu.memref_slice %arg2[%add3A_163, %dma_wait3A_167] : memref<10112x64xf32, #tpu.memory_space<hbm>> -> memref<128x64xf32, #tpu.memory_space<hbm>>
    %dma_wait3A_169 = arith.constant 0 : i32
    %dma_wait3A_170 = arith.constant 0 : i32
    %dma_wait3A_171 = tpu.memref_slice %arg12[%dma_wait3A_169, %dma_wait3A_170] : memref<128x64xf32, #tpu.memory_space<vmem>> -> memref<128x64xf32, #tpu.memory_space<vmem>>
    %dma_wait3A_172 = arith.constant 0 : i32
    %dma_wait3A_173 = tpu.memref_slice %arg2[%add3A_163, %dma_wait3A_172] : memref<10112x64xf32, #tpu.memory_space<hbm>> -> memref<128x64xf32, #tpu.memory_space<hbm>>
    tpu.wait_dma2 semaphore(%arg14 : memref<!tpu.dma_semaphore, #tpu.memory_space<semaphore_mem>>) src(%dma_wait3A_173 : memref<128x64xf32, #tpu.memory_space<hbm>>) dst(%dma_wait3A_171 : memref<128x64xf32, #tpu.memory_space<vmem>>)
    %add3A_174 = arith.constant 512 : i32
    %add3A_175 = arith.addi %mul3A_2, %add3A_174 : i32
    %dma_start3A_176 = arith.constant 0 : i32
    %dma_start3A_177 = arith.constant 0 : i32
    %dma_start3A_178 = tpu.memref_slice %arg10[%dma_start3A_176, %dma_start3A_177] : memref<128x64xf32, #tpu.memory_space<vmem>> -> memref<120x64xf32, #tpu.memory_space<vmem>>
    %dma_start3A_179 = arith.constant 0 : i32
    %dma_start3A_180 = tpu.memref_slice %arg2[%add3A_175, %dma_start3A_179] : memref<10112x64xf32, #tpu.memory_space<hbm>> -> memref<120x64xf32, #tpu.memory_space<hbm>>
    %dma_start3A_181 = arith.constant 0 : i32
    %dma_start3A_182 = arith.constant 0 : i32
    %dma_start3A_183 = tpu.memref_slice %arg10[%dma_start3A_181, %dma_start3A_182] : memref<128x64xf32, #tpu.memory_space<vmem>> -> memref<120x64xf32, #tpu.memory_space<vmem>>
    %dma_start3A_184 = arith.constant 0 : i32
    %dma_start3A_185 = tpu.memref_slice %arg2[%add3A_175, %dma_start3A_184] : memref<10112x64xf32, #tpu.memory_space<hbm>> -> memref<120x64xf32, #tpu.memory_space<hbm>>
    tpu.enqueue_dma source(%dma_start3A_185 : memref<120x64xf32, #tpu.memory_space<hbm>>) target(%dma_start3A_183 : memref<120x64xf32, #tpu.memory_space<vmem>>) target_semaphore(%arg13 : memref<!tpu.dma_semaphore, #tpu.memory_space<semaphore_mem>>)
    %add3A_186 = arith.constant 384 : i32
    %add3A_187 = arith.addi %mul3A_2, %add3A_186 : i32
    "tpu.region"() ({
      %run_scoped3A = tpu.sem_alloc : memref<!tpu.dma_semaphore, #tpu.memory_space<semaphore_mem>>
      %dma_start3A_551 = arith.constant 0 : i32
      %dma_start3A_552 = arith.constant 0 : i32
      %dma_start3A_553 = tpu.memref_slice %arg12[%dma_start3A_551, %dma_start3A_552] : memref<128x64xf32, #tpu.memory_space<vmem>> -> memref<128x64xf32, #tpu.memory_space<vmem>>
      %dma_start3A_554 = arith.constant 0 : i32
      %dma_start3A_555 = tpu.memref_slice %arg6[%add3A_187, %dma_start3A_554] : memref<10112x64xf32, #tpu.memory_space<vmem_shared>> -> memref<128x64xf32, #tpu.memory_space<vmem_shared>>
      %dma_start3A_556 = arith.constant 0 : i32
      %dma_start3A_557 = tpu.memref_slice %arg6[%add3A_187, %dma_start3A_556] : memref<10112x64xf32, #tpu.memory_space<vmem_shared>> -> memref<128x64xf32, #tpu.memory_space<vmem_shared>>
      %dma_start3A_558 = arith.constant 0 : i32
      %dma_start3A_559 = arith.constant 0 : i32
      %dma_start3A_560 = tpu.memref_slice %arg12[%dma_start3A_558, %dma_start3A_559] : memref<128x64xf32, #tpu.memory_space<vmem>> -> memref<128x64xf32, #tpu.memory_space<vmem>>
      tpu.enqueue_dma source(%dma_start3A_560 : memref<128x64xf32, #tpu.memory_space<vmem>>) target(%dma_start3A_557 : memref<128x64xf32, #tpu.memory_space<vmem_shared>>) target_semaphore(%run_scoped3A : memref<!tpu.dma_semaphore, #tpu.memory_space<semaphore_mem>>)
      %dma_wait3A_561 = arith.constant 0 : i32
      %dma_wait3A_562 = arith.constant 0 : i32
      %dma_wait3A_563 = tpu.memref_slice %arg12[%dma_wait3A_561, %dma_wait3A_562] : memref<128x64xf32, #tpu.memory_space<vmem>> -> memref<128x64xf32, #tpu.memory_space<vmem>>
      %dma_wait3A_564 = arith.constant 0 : i32
      %dma_wait3A_565 = tpu.memref_slice %arg6[%add3A_187, %dma_wait3A_564] : memref<10112x64xf32, #tpu.memory_space<vmem_shared>> -> memref<128x64xf32, #tpu.memory_space<vmem_shared>>
      %dma_wait3A_566 = arith.constant 0 : i32
      %dma_wait3A_567 = tpu.memref_slice %arg6[%add3A_187, %dma_wait3A_566] : memref<10112x64xf32, #tpu.memory_space<vmem_shared>> -> memref<128x64xf32, #tpu.memory_space<vmem_shared>>
      %dma_wait3A_568 = arith.constant 0 : i32
      %dma_wait3A_569 = arith.constant 0 : i32
      %dma_wait3A_570 = tpu.memref_slice %arg12[%dma_wait3A_568, %dma_wait3A_569] : memref<128x64xf32, #tpu.memory_space<vmem>> -> memref<128x64xf32, #tpu.memory_space<vmem>>
      tpu.wait_dma2 semaphore(%run_scoped3A : memref<!tpu.dma_semaphore, #tpu.memory_space<semaphore_mem>>) src(%dma_wait3A_570 : memref<128x64xf32, #tpu.memory_space<vmem>>) dst(%dma_wait3A_567 : memref<128x64xf32, #tpu.memory_space<vmem_shared>>)
      tpu.yield
    }) : () -> ()
    %add3A_188 = arith.constant 384 : i32
    %add3A_189 = arith.addi %mul3A_2, %add3A_188 : i32
    "tpu.region"() ({
      %run_scoped3A = tpu.sem_alloc : memref<!tpu.dma_semaphore, #tpu.memory_space<semaphore_mem>>
      %dma_start3A_551 = arith.constant 0 : i32
      %dma_start3A_552 = arith.constant 0 : i32
      %dma_start3A_553 = tpu.memref_slice %arg11[%dma_start3A_551, %dma_start3A_552] : memref<128x64xf32, #tpu.memory_space<vmem>> -> memref<128x64xf32, #tpu.memory_space<vmem>>
      %dma_start3A_554 = arith.constant 0 : i32
      %dma_start3A_555 = tpu.memref_slice %arg7[%add3A_189, %dma_start3A_554] : memref<10112x64xf32, #tpu.memory_space<vmem_shared>> -> memref<128x64xf32, #tpu.memory_space<vmem_shared>>
      %dma_start3A_556 = arith.constant 0 : i32
      %dma_start3A_557 = tpu.memref_slice %arg7[%add3A_189, %dma_start3A_556] : memref<10112x64xf32, #tpu.memory_space<vmem_shared>> -> memref<128x64xf32, #tpu.memory_space<vmem_shared>>
      %dma_start3A_558 = arith.constant 0 : i32
      %dma_start3A_559 = arith.constant 0 : i32
      %dma_start3A_560 = tpu.memref_slice %arg11[%dma_start3A_558, %dma_start3A_559] : memref<128x64xf32, #tpu.memory_space<vmem>> -> memref<128x64xf32, #tpu.memory_space<vmem>>
      tpu.enqueue_dma source(%dma_start3A_560 : memref<128x64xf32, #tpu.memory_space<vmem>>) target(%dma_start3A_557 : memref<128x64xf32, #tpu.memory_space<vmem_shared>>) target_semaphore(%run_scoped3A : memref<!tpu.dma_semaphore, #tpu.memory_space<semaphore_mem>>)
      %dma_wait3A_561 = arith.constant 0 : i32
      %dma_wait3A_562 = arith.constant 0 : i32
      %dma_wait3A_563 = tpu.memref_slice %arg11[%dma_wait3A_561, %dma_wait3A_562] : memref<128x64xf32, #tpu.memory_space<vmem>> -> memref<128x64xf32, #tpu.memory_space<vmem>>
      %dma_wait3A_564 = arith.constant 0 : i32
      %dma_wait3A_565 = tpu.memref_slice %arg7[%add3A_189, %dma_wait3A_564] : memref<10112x64xf32, #tpu.memory_space<vmem_shared>> -> memref<128x64xf32, #tpu.memory_space<vmem_shared>>
      %dma_wait3A_566 = arith.constant 0 : i32
      %dma_wait3A_567 = tpu.memref_slice %arg7[%add3A_189, %dma_wait3A_566] : memref<10112x64xf32, #tpu.memory_space<vmem_shared>> -> memref<128x64xf32, #tpu.memory_space<vmem_shared>>
      %dma_wait3A_568 = arith.constant 0 : i32
      %dma_wait3A_569 = arith.constant 0 : i32
      %dma_wait3A_570 = tpu.memref_slice %arg11[%dma_wait3A_568, %dma_wait3A_569] : memref<128x64xf32, #tpu.memory_space<vmem>> -> memref<128x64xf32, #tpu.memory_space<vmem>>
      tpu.wait_dma2 semaphore(%run_scoped3A : memref<!tpu.dma_semaphore, #tpu.memory_space<semaphore_mem>>) src(%dma_wait3A_570 : memref<128x64xf32, #tpu.memory_space<vmem>>) dst(%dma_wait3A_567 : memref<128x64xf32, #tpu.memory_space<vmem_shared>>)
      tpu.yield
    }) : () -> ()
    %add3A_190 = arith.constant 512 : i32
    %add3A_191 = arith.addi %mul3A_2, %add3A_190 : i32
    %dma_wait3A_192 = arith.constant 0 : i32
    %dma_wait3A_193 = arith.constant 0 : i32
    %dma_wait3A_194 = tpu.memref_slice %arg10[%dma_wait3A_192, %dma_wait3A_193] : memref<128x64xf32, #tpu.memory_space<vmem>> -> memref<120x64xf32, #tpu.memory_space<vmem>>
    %dma_wait3A_195 = arith.constant 0 : i32
    %dma_wait3A_196 = tpu.memref_slice %arg2[%add3A_191, %dma_wait3A_195] : memref<10112x64xf32, #tpu.memory_space<hbm>> -> memref<120x64xf32, #tpu.memory_space<hbm>>
    %dma_wait3A_197 = arith.constant 0 : i32
    %dma_wait3A_198 = arith.constant 0 : i32
    %dma_wait3A_199 = tpu.memref_slice %arg10[%dma_wait3A_197, %dma_wait3A_198] : memref<128x64xf32, #tpu.memory_space<vmem>> -> memref<120x64xf32, #tpu.memory_space<vmem>>
    %dma_wait3A_200 = arith.constant 0 : i32
    %dma_wait3A_201 = tpu.memref_slice %arg2[%add3A_191, %dma_wait3A_200] : memref<10112x64xf32, #tpu.memory_space<hbm>> -> memref<120x64xf32, #tpu.memory_space<hbm>>
    tpu.wait_dma2 semaphore(%arg13 : memref<!tpu.dma_semaphore, #tpu.memory_space<semaphore_mem>>) src(%dma_wait3A_201 : memref<120x64xf32, #tpu.memory_space<hbm>>) dst(%dma_wait3A_199 : memref<120x64xf32, #tpu.memory_space<vmem>>)
    %add3A_202 = arith.constant 512 : i32
    %add3A_203 = arith.addi %mul3A_2, %add3A_202 : i32
    "tpu.region"() ({
      %run_scoped3A = tpu.sem_alloc : memref<!tpu.dma_semaphore, #tpu.memory_space<semaphore_mem>>
      %dma_start3A_551 = arith.constant 0 : i32
      %dma_start3A_552 = arith.constant 0 : i32
      %dma_start3A_553 = tpu.memref_slice %arg10[%dma_start3A_551, %dma_start3A_552] : memref<128x64xf32, #tpu.memory_space<vmem>> -> memref<120x64xf32, #tpu.memory_space<vmem>>
      %dma_start3A_554 = arith.constant 0 : i32
      %dma_start3A_555 = tpu.memref_slice %arg6[%add3A_203, %dma_start3A_554] : memref<10112x64xf32, #tpu.memory_space<vmem_shared>> -> memref<120x64xf32, #tpu.memory_space<vmem_shared>>
      %dma_start3A_556 = arith.constant 0 : i32
      %dma_start3A_557 = tpu.memref_slice %arg6[%add3A_203, %dma_start3A_556] : memref<10112x64xf32, #tpu.memory_space<vmem_shared>> -> memref<120x64xf32, #tpu.memory_space<vmem_shared>>
      %dma_start3A_558 = arith.constant 0 : i32
      %dma_start3A_559 = arith.constant 0 : i32
      %dma_start3A_560 = tpu.memref_slice %arg10[%dma_start3A_558, %dma_start3A_559] : memref<128x64xf32, #tpu.memory_space<vmem>> -> memref<120x64xf32, #tpu.memory_space<vmem>>
      tpu.enqueue_dma source(%dma_start3A_560 : memref<120x64xf32, #tpu.memory_space<vmem>>) target(%dma_start3A_557 : memref<120x64xf32, #tpu.memory_space<vmem_shared>>) target_semaphore(%run_scoped3A : memref<!tpu.dma_semaphore, #tpu.memory_space<semaphore_mem>>)
      %dma_wait3A_561 = arith.constant 0 : i32
      %dma_wait3A_562 = arith.constant 0 : i32
      %dma_wait3A_563 = tpu.memref_slice %arg10[%dma_wait3A_561, %dma_wait3A_562] : memref<128x64xf32, #tpu.memory_space<vmem>> -> memref<120x64xf32, #tpu.memory_space<vmem>>
      %dma_wait3A_564 = arith.constant 0 : i32
      %dma_wait3A_565 = tpu.memref_slice %arg6[%add3A_203, %dma_wait3A_564] : memref<10112x64xf32, #tpu.memory_space<vmem_shared>> -> memref<120x64xf32, #tpu.memory_space<vmem_shared>>
      %dma_wait3A_566 = arith.constant 0 : i32
      %dma_wait3A_567 = tpu.memref_slice %arg6[%add3A_203, %dma_wait3A_566] : memref<10112x64xf32, #tpu.memory_space<vmem_shared>> -> memref<120x64xf32, #tpu.memory_space<vmem_shared>>
      %dma_wait3A_568 = arith.constant 0 : i32
      %dma_wait3A_569 = arith.constant 0 : i32
      %dma_wait3A_570 = tpu.memref_slice %arg10[%dma_wait3A_568, %dma_wait3A_569] : memref<128x64xf32, #tpu.memory_space<vmem>> -> memref<120x64xf32, #tpu.memory_space<vmem>>
      tpu.wait_dma2 semaphore(%run_scoped3A : memref<!tpu.dma_semaphore, #tpu.memory_space<semaphore_mem>>) src(%dma_wait3A_570 : memref<120x64xf32, #tpu.memory_space<vmem>>) dst(%dma_wait3A_567 : memref<120x64xf32, #tpu.memory_space<vmem_shared>>)
      tpu.yield
    }) : () -> ()
    %add3A_204 = arith.constant 512 : i32
    %add3A_205 = arith.addi %mul3A_2, %add3A_204 : i32
    "tpu.region"() ({
      %run_scoped3A = tpu.sem_alloc : memref<!tpu.dma_semaphore, #tpu.memory_space<semaphore_mem>>
      %dma_start3A_551 = arith.constant 0 : i32
      %dma_start3A_552 = arith.constant 0 : i32
      %dma_start3A_553 = tpu.memref_slice %arg11[%dma_start3A_551, %dma_start3A_552] : memref<128x64xf32, #tpu.memory_space<vmem>> -> memref<120x64xf32, #tpu.memory_space<vmem>>
      %dma_start3A_554 = arith.constant 0 : i32
      %dma_start3A_555 = tpu.memref_slice %arg7[%add3A_205, %dma_start3A_554] : memref<10112x64xf32, #tpu.memory_space<vmem_shared>> -> memref<120x64xf32, #tpu.memory_space<vmem_shared>>
      %dma_start3A_556 = arith.constant 0 : i32
      %dma_start3A_557 = tpu.memref_slice %arg7[%add3A_205, %dma_start3A_556] : memref<10112x64xf32, #tpu.memory_space<vmem_shared>> -> memref<120x64xf32, #tpu.memory_space<vmem_shared>>
      %dma_start3A_558 = arith.constant 0 : i32
      %dma_start3A_559 = arith.constant 0 : i32
      %dma_start3A_560 = tpu.memref_slice %arg11[%dma_start3A_558, %dma_start3A_559] : memref<128x64xf32, #tpu.memory_space<vmem>> -> memref<120x64xf32, #tpu.memory_space<vmem>>
      tpu.enqueue_dma source(%dma_start3A_560 : memref<120x64xf32, #tpu.memory_space<vmem>>) target(%dma_start3A_557 : memref<120x64xf32, #tpu.memory_space<vmem_shared>>) target_semaphore(%run_scoped3A : memref<!tpu.dma_semaphore, #tpu.memory_space<semaphore_mem>>)
      %dma_wait3A_561 = arith.constant 0 : i32
      %dma_wait3A_562 = arith.constant 0 : i32
      %dma_wait3A_563 = tpu.memref_slice %arg11[%dma_wait3A_561, %dma_wait3A_562] : memref<128x64xf32, #tpu.memory_space<vmem>> -> memref<120x64xf32, #tpu.memory_space<vmem>>
      %dma_wait3A_564 = arith.constant 0 : i32
      %dma_wait3A_565 = tpu.memref_slice %arg7[%add3A_205, %dma_wait3A_564] : memref<10112x64xf32, #tpu.memory_space<vmem_shared>> -> memref<120x64xf32, #tpu.memory_space<vmem_shared>>
      %dma_wait3A_566 = arith.constant 0 : i32
      %dma_wait3A_567 = tpu.memref_slice %arg7[%add3A_205, %dma_wait3A_566] : memref<10112x64xf32, #tpu.memory_space<vmem_shared>> -> memref<120x64xf32, #tpu.memory_space<vmem_shared>>
      %dma_wait3A_568 = arith.constant 0 : i32
      %dma_wait3A_569 = arith.constant 0 : i32
      %dma_wait3A_570 = tpu.memref_slice %arg11[%dma_wait3A_568, %dma_wait3A_569] : memref<128x64xf32, #tpu.memory_space<vmem>> -> memref<120x64xf32, #tpu.memory_space<vmem>>
      tpu.wait_dma2 semaphore(%run_scoped3A : memref<!tpu.dma_semaphore, #tpu.memory_space<semaphore_mem>>) src(%dma_wait3A_570 : memref<120x64xf32, #tpu.memory_space<vmem>>) dst(%dma_wait3A_567 : memref<120x64xf32, #tpu.memory_space<vmem_shared>>)
      tpu.yield
    }) : () -> ()
    %dma_wait3A_206 = arith.constant 0 : i32
    %dma_wait3A_207 = arith.constant 0 : i32
    %dma_wait3A_208 = arith.constant 0 : i32
    %dma_wait3A_209 = tpu.memref_slice %arg8[%dma_wait3A_207, %dma_wait3A_208] : memref<79x128xi32, #tpu.memory_space<vmem>> -> memref<78x128xi32, #tpu.memory_space<vmem>>
    %dma_wait3A_210 = arith.constant 0 : i32
    %dma_wait3A_211 = tpu.memref_slice %arg3[%dma_wait3A_206, %mul3A_4, %dma_wait3A_210] : memref<2x2500x128xi32, #tpu.memory_space<hbm>> -> memref<1x78x128xi32, #tpu.memory_space<hbm>>
    %dma_wait3A_212 = tpu.memref_squeeze %dma_wait3A_211 : memref<1x78x128xi32, #tpu.memory_space<hbm>> -> memref<78x128xi32, #tpu.memory_space<hbm>>
    %dma_wait3A_213 = arith.constant 0 : i32
    %dma_wait3A_214 = arith.constant 0 : i32
    %dma_wait3A_215 = tpu.memref_slice %arg8[%dma_wait3A_213, %dma_wait3A_214] : memref<79x128xi32, #tpu.memory_space<vmem>> -> memref<78x128xi32, #tpu.memory_space<vmem>>
    %dma_wait3A_216 = arith.constant 0 : i32
    %dma_wait3A_217 = tpu.memref_slice %arg3[%dma_wait3A_206, %mul3A_4, %dma_wait3A_216] : memref<2x2500x128xi32, #tpu.memory_space<hbm>> -> memref<1x78x128xi32, #tpu.memory_space<hbm>>
    %dma_wait3A_218 = tpu.memref_squeeze %dma_wait3A_217 : memref<1x78x128xi32, #tpu.memory_space<hbm>> -> memref<78x128xi32, #tpu.memory_space<hbm>>
    tpu.wait_dma2 semaphore(%arg15 : memref<!tpu.dma_semaphore, #tpu.memory_space<semaphore_mem>>) src(%dma_wait3A_218 : memref<78x128xi32, #tpu.memory_space<hbm>>) dst(%dma_wait3A_215 : memref<78x128xi32, #tpu.memory_space<vmem>>)
    %dma_wait3A_219 = arith.constant 1 : i32
    %dma_wait3A_220 = arith.constant 0 : i32
    %dma_wait3A_221 = arith.constant 0 : i32
    %dma_wait3A_222 = tpu.memref_slice %arg9[%dma_wait3A_220, %dma_wait3A_221] : memref<79x128xi32, #tpu.memory_space<vmem>> -> memref<78x128xi32, #tpu.memory_space<vmem>>
    %dma_wait3A_223 = arith.constant 0 : i32
    %dma_wait3A_224 = tpu.memref_slice %arg3[%dma_wait3A_219, %mul3A_4, %dma_wait3A_223] : memref<2x2500x128xi32, #tpu.memory_space<hbm>> -> memref<1x78x128xi32, #tpu.memory_space<hbm>>
    %dma_wait3A_225 = tpu.memref_squeeze %dma_wait3A_224 : memref<1x78x128xi32, #tpu.memory_space<hbm>> -> memref<78x128xi32, #tpu.memory_space<hbm>>
    %dma_wait3A_226 = arith.constant 0 : i32
    %dma_wait3A_227 = arith.constant 0 : i32
    %dma_wait3A_228 = tpu.memref_slice %arg9[%dma_wait3A_226, %dma_wait3A_227] : memref<79x128xi32, #tpu.memory_space<vmem>> -> memref<78x128xi32, #tpu.memory_space<vmem>>
    %dma_wait3A_229 = arith.constant 0 : i32
    %dma_wait3A_230 = tpu.memref_slice %arg3[%dma_wait3A_219, %mul3A_4, %dma_wait3A_229] : memref<2x2500x128xi32, #tpu.memory_space<hbm>> -> memref<1x78x128xi32, #tpu.memory_space<hbm>>
    %dma_wait3A_231 = tpu.memref_squeeze %dma_wait3A_230 : memref<1x78x128xi32, #tpu.memory_space<hbm>> -> memref<78x128xi32, #tpu.memory_space<hbm>>
    tpu.wait_dma2 semaphore(%arg15 : memref<!tpu.dma_semaphore, #tpu.memory_space<semaphore_mem>>) src(%dma_wait3A_231 : memref<78x128xi32, #tpu.memory_space<hbm>>) dst(%dma_wait3A_228 : memref<78x128xi32, #tpu.memory_space<vmem>>)
    %dma_wait3A_232 = arith.constant 0 : i32
    %dma_wait3A_233 = arith.constant 78 : i32
    %dma_wait3A_234 = arith.constant 0 : i32
    %dma_wait3A_235 = tpu.memref_slice %arg8[%dma_wait3A_233, %dma_wait3A_234] : memref<79x128xi32, #tpu.memory_space<vmem>> -> memref<1x128xi32, #tpu.memory_space<vmem>>
    %dma_wait3A_236 = tpu.memref_squeeze %dma_wait3A_235 : memref<1x128xi32, #tpu.memory_space<vmem>> -> memref<128xi32, #tpu.memory_space<vmem>>
    %dma_wait3A_237 = arith.constant 0 : i32
    %dma_wait3A_238 = tpu.memref_slice %arg3[%dma_wait3A_232, %min3A_7, %dma_wait3A_237] : memref<2x2500x128xi32, #tpu.memory_space<hbm>> -> memref<1x1x128xi32, #tpu.memory_space<hbm>>
    %dma_wait3A_239 = tpu.memref_squeeze %dma_wait3A_238 : memref<1x1x128xi32, #tpu.memory_space<hbm>> -> memref<128xi32, #tpu.memory_space<hbm>>
    %dma_wait3A_240 = arith.constant 0 : i32
    %dma_wait3A_241 = tpu.memref_slice %arg8[%dma_wait3A_233, %dma_wait3A_240] : memref<79x128xi32, #tpu.memory_space<vmem>> -> memref<1x128xi32, #tpu.memory_space<vmem>>
    %dma_wait3A_242 = tpu.memref_squeeze %dma_wait3A_241 : memref<1x128xi32, #tpu.memory_space<vmem>> -> memref<128xi32, #tpu.memory_space<vmem>>
    %dma_wait3A_243 = arith.constant 0 : i32
    %dma_wait3A_244 = tpu.memref_slice %arg3[%dma_wait3A_232, %min3A_7, %dma_wait3A_243] : memref<2x2500x128xi32, #tpu.memory_space<hbm>> -> memref<1x1x128xi32, #tpu.memory_space<hbm>>
    %dma_wait3A_245 = tpu.memref_squeeze %dma_wait3A_244 : memref<1x1x128xi32, #tpu.memory_space<hbm>> -> memref<128xi32, #tpu.memory_space<hbm>>
    tpu.wait_dma2 semaphore(%arg15 : memref<!tpu.dma_semaphore, #tpu.memory_space<semaphore_mem>>) src(%dma_wait3A_245 : memref<128xi32, #tpu.memory_space<hbm>>) dst(%dma_wait3A_242 : memref<128xi32, #tpu.memory_space<vmem>>)
    %dma_wait3A_246 = arith.constant 1 : i32
    %dma_wait3A_247 = arith.constant 78 : i32
    %dma_wait3A_248 = arith.constant 0 : i32
    %dma_wait3A_249 = tpu.memref_slice %arg9[%dma_wait3A_247, %dma_wait3A_248] : memref<79x128xi32, #tpu.memory_space<vmem>> -> memref<1x128xi32, #tpu.memory_space<vmem>>
    %dma_wait3A_250 = tpu.memref_squeeze %dma_wait3A_249 : memref<1x128xi32, #tpu.memory_space<vmem>> -> memref<128xi32, #tpu.memory_space<vmem>>
    %dma_wait3A_251 = arith.constant 0 : i32
    %dma_wait3A_252 = tpu.memref_slice %arg3[%dma_wait3A_246, %min3A_7, %dma_wait3A_251] : memref<2x2500x128xi32, #tpu.memory_space<hbm>> -> memref<1x1x128xi32, #tpu.memory_space<hbm>>
    %dma_wait3A_253 = tpu.memref_squeeze %dma_wait3A_252 : memref<1x1x128xi32, #tpu.memory_space<hbm>> -> memref<128xi32, #tpu.memory_space<hbm>>
    %dma_wait3A_254 = arith.constant 0 : i32
    %dma_wait3A_255 = tpu.memref_slice %arg9[%dma_wait3A_247, %dma_wait3A_254] : memref<79x128xi32, #tpu.memory_space<vmem>> -> memref<1x128xi32, #tpu.memory_space<vmem>>
    %dma_wait3A_256 = tpu.memref_squeeze %dma_wait3A_255 : memref<1x128xi32, #tpu.memory_space<vmem>> -> memref<128xi32, #tpu.memory_space<vmem>>
    %dma_wait3A_257 = arith.constant 0 : i32
    %dma_wait3A_258 = tpu.memref_slice %arg3[%dma_wait3A_246, %min3A_7, %dma_wait3A_257] : memref<2x2500x128xi32, #tpu.memory_space<hbm>> -> memref<1x1x128xi32, #tpu.memory_space<hbm>>
    %dma_wait3A_259 = tpu.memref_squeeze %dma_wait3A_258 : memref<1x1x128xi32, #tpu.memory_space<hbm>> -> memref<128xi32, #tpu.memory_space<hbm>>
    tpu.wait_dma2 semaphore(%arg15 : memref<!tpu.dma_semaphore, #tpu.memory_space<semaphore_mem>>) src(%dma_wait3A_259 : memref<128xi32, #tpu.memory_space<hbm>>) dst(%dma_wait3A_256 : memref<128xi32, #tpu.memory_space<vmem>>)
    %broadcast_in_dim3A_260 = arith.constant 1.000000e+00 : f32
    %broadcast_in_dim3A_261 = vector.broadcast %broadcast_in_dim3A_260 : f32 to vector<16xf32>
    %swap3A = arith.constant 0 : index
    %swap3A_262 = tpu.vector_load %arg17[%swap3A] {strides = array<i32>} : memref<128xf32, #tpu.memory_space<vmem>>, vector<16xf32>,
    %swap3A_263 = vector.shape_cast %swap3A_262 : vector<16xf32> to vector<16xf32>
    %swap3A_264 = vector.shape_cast %broadcast_in_dim3A_261 : vector<16xf32> to vector<16xf32>
    tpu.vector_store %arg17[%swap3A], %swap3A_264 {strides = array<i32>} : memref<128xf32, #tpu.memory_space<vmem>>, vector<16xf32>,
    %broadcast_in_dim3A_265 = arith.constant 1.000000e+00 : f32
    %broadcast_in_dim3A_266 = vector.broadcast %broadcast_in_dim3A_265 : f32 to vector<16xf32>
    %swap3A_267 = arith.constant 16 : index
    %swap3A_268 = tpu.vector_load %arg17[%swap3A_267] {strides = array<i32>} : memref<128xf32, #tpu.memory_space<vmem>>, vector<16xf32>,
    %swap3A_269 = vector.shape_cast %swap3A_268 : vector<16xf32> to vector<16xf32>
    %swap3A_270 = vector.shape_cast %broadcast_in_dim3A_266 : vector<16xf32> to vector<16xf32>
    tpu.vector_store %arg17[%swap3A_267], %swap3A_270 {strides = array<i32>} : memref<128xf32, #tpu.memory_space<vmem>>, vector<16xf32>,
    %broadcast_in_dim3A_271 = arith.constant 1.000000e+00 : f32
    %broadcast_in_dim3A_272 = vector.broadcast %broadcast_in_dim3A_271 : f32 to vector<16xf32>
    %swap3A_273 = arith.constant 32 : index
    %swap3A_274 = tpu.vector_load %arg17[%swap3A_273] {strides = array<i32>} : memref<128xf32, #tpu.memory_space<vmem>>, vector<16xf32>,
    %swap3A_275 = vector.shape_cast %swap3A_274 : vector<16xf32> to vector<16xf32>
    %swap3A_276 = vector.shape_cast %broadcast_in_dim3A_272 : vector<16xf32> to vector<16xf32>
    tpu.vector_store %arg17[%swap3A_273], %swap3A_276 {strides = array<i32>} : memref<128xf32, #tpu.memory_space<vmem>>, vector<16xf32>,
    %broadcast_in_dim3A_277 = arith.constant 1.000000e+00 : f32
    %broadcast_in_dim3A_278 = vector.broadcast %broadcast_in_dim3A_277 : f32 to vector<16xf32>
    %swap3A_279 = arith.constant 48 : index
    %swap3A_280 = tpu.vector_load %arg17[%swap3A_279] {strides = array<i32>} : memref<128xf32, #tpu.memory_space<vmem>>, vector<16xf32>,
    %swap3A_281 = vector.shape_cast %swap3A_280 : vector<16xf32> to vector<16xf32>
    %swap3A_282 = vector.shape_cast %broadcast_in_dim3A_278 : vector<16xf32> to vector<16xf32>
    tpu.vector_store %arg17[%swap3A_279], %swap3A_282 {strides = array<i32>} : memref<128xf32, #tpu.memory_space<vmem>>, vector<16xf32>,
    %broadcast_in_dim3A_283 = arith.constant 1.000000e+00 : f32
    %broadcast_in_dim3A_284 = vector.broadcast %broadcast_in_dim3A_283 : f32 to vector<16xf32>
    %swap3A_285 = arith.constant 64 : index
    %swap3A_286 = tpu.vector_load %arg17[%swap3A_285] {strides = array<i32>} : memref<128xf32, #tpu.memory_space<vmem>>, vector<16xf32>,
    %swap3A_287 = vector.shape_cast %swap3A_286 : vector<16xf32> to vector<16xf32>
    %swap3A_288 = vector.shape_cast %broadcast_in_dim3A_284 : vector<16xf32> to vector<16xf32>
    tpu.vector_store %arg17[%swap3A_285], %swap3A_288 {strides = array<i32>} : memref<128xf32, #tpu.memory_space<vmem>>, vector<16xf32>,
    %broadcast_in_dim3A_289 = arith.constant 1.000000e+00 : f32
    %broadcast_in_dim3A_290 = vector.broadcast %broadcast_in_dim3A_289 : f32 to vector<16xf32>
    %swap3A_291 = arith.constant 80 : index
    %swap3A_292 = tpu.vector_load %arg17[%swap3A_291] {strides = array<i32>} : memref<128xf32, #tpu.memory_space<vmem>>, vector<16xf32>,
    %swap3A_293 = vector.shape_cast %swap3A_292 : vector<16xf32> to vector<16xf32>
    %swap3A_294 = vector.shape_cast %broadcast_in_dim3A_290 : vector<16xf32> to vector<16xf32>
    tpu.vector_store %arg17[%swap3A_291], %swap3A_294 {strides = array<i32>} : memref<128xf32, #tpu.memory_space<vmem>>, vector<16xf32>,
    %broadcast_in_dim3A_295 = arith.constant 1.000000e+00 : f32
    %broadcast_in_dim3A_296 = vector.broadcast %broadcast_in_dim3A_295 : f32 to vector<16xf32>
    %swap3A_297 = arith.constant 96 : index
    %swap3A_298 = tpu.vector_load %arg17[%swap3A_297] {strides = array<i32>} : memref<128xf32, #tpu.memory_space<vmem>>, vector<16xf32>,
    %swap3A_299 = vector.shape_cast %swap3A_298 : vector<16xf32> to vector<16xf32>
    %swap3A_300 = vector.shape_cast %broadcast_in_dim3A_296 : vector<16xf32> to vector<16xf32>
    tpu.vector_store %arg17[%swap3A_297], %swap3A_300 {strides = array<i32>} : memref<128xf32, #tpu.memory_space<vmem>>, vector<16xf32>,
    %broadcast_in_dim3A_301 = arith.constant 1.000000e+00 : f32
    %broadcast_in_dim3A_302 = vector.broadcast %broadcast_in_dim3A_301 : f32 to vector<16xf32>
    %swap3A_303 = arith.constant 112 : index
    %swap3A_304 = tpu.vector_load %arg17[%swap3A_303] {strides = array<i32>} : memref<128xf32, #tpu.memory_space<vmem>>, vector<16xf32>,
    %swap3A_305 = vector.shape_cast %swap3A_304 : vector<16xf32> to vector<16xf32>
    %swap3A_306 = vector.shape_cast %broadcast_in_dim3A_302 : vector<16xf32> to vector<16xf32>
    tpu.vector_store %arg17[%swap3A_303], %swap3A_306 {strides = array<i32>} : memref<128xf32, #tpu.memory_space<vmem>>, vector<16xf32>,
    %broadcast_in_dim3A_307 = arith.constant 0.000000e+00 : f32
    %broadcast_in_dim3A_308 = vector.broadcast %broadcast_in_dim3A_307 : f32 to vector<16xf32>
    %swap3A_309 = arith.constant 0 : index
    %swap3A_310 = tpu.vector_load %arg18[%swap3A_309] {strides = array<i32>} : memref<632xf32, #tpu.memory_space<vmem>>, vector<16xf32>,
    %swap3A_311 = vector.shape_cast %swap3A_310 : vector<16xf32> to vector<16xf32>
    %swap3A_312 = vector.shape_cast %broadcast_in_dim3A_308 : vector<16xf32> to vector<16xf32>
    tpu.vector_store %arg18[%swap3A_309], %swap3A_312 {strides = array<i32>} : memref<632xf32, #tpu.memory_space<vmem>>, vector<16xf32>,
    %swap3A_313 = arith.constant 16 : index
    %swap3A_314 = tpu.vector_load %arg18[%swap3A_313] {strides = array<i32>} : memref<632xf32, #tpu.memory_space<vmem>>, vector<16xf32>,
    %swap3A_315 = vector.shape_cast %swap3A_314 : vector<16xf32> to vector<16xf32>
    %swap3A_316 = vector.shape_cast %broadcast_in_dim3A_308 : vector<16xf32> to vector<16xf32>
    tpu.vector_store %arg18[%swap3A_313], %swap3A_316 {strides = array<i32>} : memref<632xf32, #tpu.memory_space<vmem>>, vector<16xf32>,
    %swap3A_317 = arith.constant 32 : index
    %swap3A_318 = tpu.vector_load %arg18[%swap3A_317] {strides = array<i32>} : memref<632xf32, #tpu.memory_space<vmem>>, vector<16xf32>,
    %swap3A_319 = vector.shape_cast %swap3A_318 : vector<16xf32> to vector<16xf32>
    %swap3A_320 = vector.shape_cast %broadcast_in_dim3A_308 : vector<16xf32> to vector<16xf32>
    tpu.vector_store %arg18[%swap3A_317], %swap3A_320 {strides = array<i32>} : memref<632xf32, #tpu.memory_space<vmem>>, vector<16xf32>,
    %swap3A_321 = arith.constant 48 : index
    %swap3A_322 = tpu.vector_load %arg18[%swap3A_321] {strides = array<i32>} : memref<632xf32, #tpu.memory_space<vmem>>, vector<16xf32>,
    %swap3A_323 = vector.shape_cast %swap3A_322 : vector<16xf32> to vector<16xf32>
    %swap3A_324 = vector.shape_cast %broadcast_in_dim3A_308 : vector<16xf32> to vector<16xf32>
    tpu.vector_store %arg18[%swap3A_321], %swap3A_324 {strides = array<i32>} : memref<632xf32, #tpu.memory_space<vmem>>, vector<16xf32>,
    %swap3A_325 = arith.constant 64 : index
    %swap3A_326 = tpu.vector_load %arg18[%swap3A_325] {strides = array<i32>} : memref<632xf32, #tpu.memory_space<vmem>>, vector<16xf32>,
    %swap3A_327 = vector.shape_cast %swap3A_326 : vector<16xf32> to vector<16xf32>
    %swap3A_328 = vector.shape_cast %broadcast_in_dim3A_308 : vector<16xf32> to vector<16xf32>
    tpu.vector_store %arg18[%swap3A_325], %swap3A_328 {strides = array<i32>} : memref<632xf32, #tpu.memory_space<vmem>>, vector<16xf32>,
    %swap3A_329 = arith.constant 80 : index
    %swap3A_330 = tpu.vector_load %arg18[%swap3A_329] {strides = array<i32>} : memref<632xf32, #tpu.memory_space<vmem>>, vector<16xf32>,
    %swap3A_331 = vector.shape_cast %swap3A_330 : vector<16xf32> to vector<16xf32>
    %swap3A_332 = vector.shape_cast %broadcast_in_dim3A_308 : vector<16xf32> to vector<16xf32>
    tpu.vector_store %arg18[%swap3A_329], %swap3A_332 {strides = array<i32>} : memref<632xf32, #tpu.memory_space<vmem>>, vector<16xf32>,
    %swap3A_333 = arith.constant 96 : index
    %swap3A_334 = tpu.vector_load %arg18[%swap3A_333] {strides = array<i32>} : memref<632xf32, #tpu.memory_space<vmem>>, vector<16xf32>,
    %swap3A_335 = vector.shape_cast %swap3A_334 : vector<16xf32> to vector<16xf32>
    %swap3A_336 = vector.shape_cast %broadcast_in_dim3A_308 : vector<16xf32> to vector<16xf32>
    tpu.vector_store %arg18[%swap3A_333], %swap3A_336 {strides = array<i32>} : memref<632xf32, #tpu.memory_space<vmem>>, vector<16xf32>,
    %swap3A_337 = arith.constant 112 : index
    %swap3A_338 = tpu.vector_load %arg18[%swap3A_337] {strides = array<i32>} : memref<632xf32, #tpu.memory_space<vmem>>, vector<16xf32>,
    %swap3A_339 = vector.shape_cast %swap3A_338 : vector<16xf32> to vector<16xf32>
    %swap3A_340 = vector.shape_cast %broadcast_in_dim3A_308 : vector<16xf32> to vector<16xf32>
    tpu.vector_store %arg18[%swap3A_337], %swap3A_340 {strides = array<i32>} : memref<632xf32, #tpu.memory_space<vmem>>, vector<16xf32>,
    %swap3A_341 = arith.constant 128 : index
    %swap3A_342 = tpu.vector_load %arg18[%swap3A_341] {strides = array<i32>} : memref<632xf32, #tpu.memory_space<vmem>>, vector<16xf32>,
    %swap3A_343 = vector.shape_cast %swap3A_342 : vector<16xf32> to vector<16xf32>
    %swap3A_344 = vector.shape_cast %broadcast_in_dim3A_308 : vector<16xf32> to vector<16xf32>
    tpu.vector_store %arg18[%swap3A_341], %swap3A_344 {strides = array<i32>} : memref<632xf32, #tpu.memory_space<vmem>>, vector<16xf32>,
    %swap3A_345 = arith.constant 144 : index
    %swap3A_346 = tpu.vector_load %arg18[%swap3A_345] {strides = array<i32>} : memref<632xf32, #tpu.memory_space<vmem>>, vector<16xf32>,
    %swap3A_347 = vector.shape_cast %swap3A_346 : vector<16xf32> to vector<16xf32>
    %swap3A_348 = vector.shape_cast %broadcast_in_dim3A_308 : vector<16xf32> to vector<16xf32>
    tpu.vector_store %arg18[%swap3A_345], %swap3A_348 {strides = array<i32>} : memref<632xf32, #tpu.memory_space<vmem>>, vector<16xf32>,
    %swap3A_349 = arith.constant 160 : index
    %swap3A_350 = tpu.vector_load %arg18[%swap3A_349] {strides = array<i32>} : memref<632xf32, #tpu.memory_space<vmem>>, vector<16xf32>,
    %swap3A_351 = vector.shape_cast %swap3A_350 : vector<16xf32> to vector<16xf32>
    %swap3A_352 = vector.shape_cast %broadcast_in_dim3A_308 : vector<16xf32> to vector<16xf32>
    tpu.vector_store %arg18[%swap3A_349], %swap3A_352 {strides = array<i32>} : memref<632xf32, #tpu.memory_space<vmem>>, vector<16xf32>,
    %swap3A_353 = arith.constant 176 : index
    %swap3A_354 = tpu.vector_load %arg18[%swap3A_353] {strides = array<i32>} : memref<632xf32, #tpu.memory_space<vmem>>, vector<16xf32>,
    %swap3A_355 = vector.shape_cast %swap3A_354 : vector<16xf32> to vector<16xf32>
    %swap3A_356 = vector.shape_cast %broadcast_in_dim3A_308 : vector<16xf32> to vector<16xf32>
    tpu.vector_store %arg18[%swap3A_353], %swap3A_356 {strides = array<i32>} : memref<632xf32, #tpu.memory_space<vmem>>, vector<16xf32>,
    %swap3A_357 = arith.constant 192 : index
    %swap3A_358 = tpu.vector_load %arg18[%swap3A_357] {strides = array<i32>} : memref<632xf32, #tpu.memory_space<vmem>>, vector<16xf32>,
    %swap3A_359 = vector.shape_cast %swap3A_358 : vector<16xf32> to vector<16xf32>
    %swap3A_360 = vector.shape_cast %broadcast_in_dim3A_308 : vector<16xf32> to vector<16xf32>
    tpu.vector_store %arg18[%swap3A_357], %swap3A_360 {strides = array<i32>} : memref<632xf32, #tpu.memory_space<vmem>>, vector<16xf32>,
    %swap3A_361 = arith.constant 208 : index
    %swap3A_362 = tpu.vector_load %arg18[%swap3A_361] {strides = array<i32>} : memref<632xf32, #tpu.memory_space<vmem>>, vector<16xf32>,
    %swap3A_363 = vector.shape_cast %swap3A_362 : vector<16xf32> to vector<16xf32>
    %swap3A_364 = vector.shape_cast %broadcast_in_dim3A_308 : vector<16xf32> to vector<16xf32>
    tpu.vector_store %arg18[%swap3A_361], %swap3A_364 {strides = array<i32>} : memref<632xf32, #tpu.memory_space<vmem>>, vector<16xf32>,
    %swap3A_365 = arith.constant 224 : index
    %swap3A_366 = tpu.vector_load %arg18[%swap3A_365] {strides = array<i32>} : memref<632xf32, #tpu.memory_space<vmem>>, vector<16xf32>,
    %swap3A_367 = vector.shape_cast %swap3A_366 : vector<16xf32> to vector<16xf32>
    %swap3A_368 = vector.shape_cast %broadcast_in_dim3A_308 : vector<16xf32> to vector<16xf32>
    tpu.vector_store %arg18[%swap3A_365], %swap3A_368 {strides = array<i32>} : memref<632xf32, #tpu.memory_space<vmem>>, vector<16xf32>,
    %swap3A_369 = arith.constant 240 : index
    %swap3A_370 = tpu.vector_load %arg18[%swap3A_369] {strides = array<i32>} : memref<632xf32, #tpu.memory_space<vmem>>, vector<16xf32>,
    %swap3A_371 = vector.shape_cast %swap3A_370 : vector<16xf32> to vector<16xf32>
    %swap3A_372 = vector.shape_cast %broadcast_in_dim3A_308 : vector<16xf32> to vector<16xf32>
    tpu.vector_store %arg18[%swap3A_369], %swap3A_372 {strides = array<i32>} : memref<632xf32, #tpu.memory_space<vmem>>, vector<16xf32>,
    %swap3A_373 = arith.constant 256 : index
    %swap3A_374 = tpu.vector_load %arg18[%swap3A_373] {strides = array<i32>} : memref<632xf32, #tpu.memory_space<vmem>>, vector<16xf32>,
    %swap3A_375 = vector.shape_cast %swap3A_374 : vector<16xf32> to vector<16xf32>
    %swap3A_376 = vector.shape_cast %broadcast_in_dim3A_308 : vector<16xf32> to vector<16xf32>
    tpu.vector_store %arg18[%swap3A_373], %swap3A_376 {strides = array<i32>} : memref<632xf32, #tpu.memory_space<vmem>>, vector<16xf32>,
    %swap3A_377 = arith.constant 272 : index
    %swap3A_378 = tpu.vector_load %arg18[%swap3A_377] {strides = array<i32>} : memref<632xf32, #tpu.memory_space<vmem>>, vector<16xf32>,
    %swap3A_379 = vector.shape_cast %swap3A_378 : vector<16xf32> to vector<16xf32>
    %swap3A_380 = vector.shape_cast %broadcast_in_dim3A_308 : vector<16xf32> to vector<16xf32>
    tpu.vector_store %arg18[%swap3A_377], %swap3A_380 {strides = array<i32>} : memref<632xf32, #tpu.memory_space<vmem>>, vector<16xf32>,
    %swap3A_381 = arith.constant 288 : index
    %swap3A_382 = tpu.vector_load %arg18[%swap3A_381] {strides = array<i32>} : memref<632xf32, #tpu.memory_space<vmem>>, vector<16xf32>,
    %swap3A_383 = vector.shape_cast %swap3A_382 : vector<16xf32> to vector<16xf32>
    %swap3A_384 = vector.shape_cast %broadcast_in_dim3A_308 : vector<16xf32> to vector<16xf32>
    tpu.vector_store %arg18[%swap3A_381], %swap3A_384 {strides = array<i32>} : memref<632xf32, #tpu.memory_space<vmem>>, vector<16xf32>,
    %swap3A_385 = arith.constant 304 : index
    %swap3A_386 = tpu.vector_load %arg18[%swap3A_385] {strides = array<i32>} : memref<632xf32, #tpu.memory_space<vmem>>, vector<16xf32>,
    %swap3A_387 = vector.shape_cast %swap3A_386 : vector<16xf32> to vector<16xf32>
    %swap3A_388 = vector.shape_cast %broadcast_in_dim3A_308 : vector<16xf32> to vector<16xf32>
    tpu.vector_store %arg18[%swap3A_385], %swap3A_388 {strides = array<i32>} : memref<632xf32, #tpu.memory_space<vmem>>, vector<16xf32>,
    %swap3A_389 = arith.constant 320 : index
    %swap3A_390 = tpu.vector_load %arg18[%swap3A_389] {strides = array<i32>} : memref<632xf32, #tpu.memory_space<vmem>>, vector<16xf32>,
    %swap3A_391 = vector.shape_cast %swap3A_390 : vector<16xf32> to vector<16xf32>
    %swap3A_392 = vector.shape_cast %broadcast_in_dim3A_308 : vector<16xf32> to vector<16xf32>
    tpu.vector_store %arg18[%swap3A_389], %swap3A_392 {strides = array<i32>} : memref<632xf32, #tpu.memory_space<vmem>>, vector<16xf32>,
    %swap3A_393 = arith.constant 336 : index
    %swap3A_394 = tpu.vector_load %arg18[%swap3A_393] {strides = array<i32>} : memref<632xf32, #tpu.memory_space<vmem>>, vector<16xf32>,
    %swap3A_395 = vector.shape_cast %swap3A_394 : vector<16xf32> to vector<16xf32>
    %swap3A_396 = vector.shape_cast %broadcast_in_dim3A_308 : vector<16xf32> to vector<16xf32>
    tpu.vector_store %arg18[%swap3A_393], %swap3A_396 {strides = array<i32>} : memref<632xf32, #tpu.memory_space<vmem>>, vector<16xf32>,
    %swap3A_397 = arith.constant 352 : index
    %swap3A_398 = tpu.vector_load %arg18[%swap3A_397] {strides = array<i32>} : memref<632xf32, #tpu.memory_space<vmem>>, vector<16xf32>,
    %swap3A_399 = vector.shape_cast %swap3A_398 : vector<16xf32> to vector<16xf32>
    %swap3A_400 = vector.shape_cast %broadcast_in_dim3A_308 : vector<16xf32> to vector<16xf32>
    tpu.vector_store %arg18[%swap3A_397], %swap3A_400 {strides = array<i32>} : memref<632xf32, #tpu.memory_space<vmem>>, vector<16xf32>,
    %swap3A_401 = arith.constant 368 : index
    %swap3A_402 = tpu.vector_load %arg18[%swap3A_401] {strides = array<i32>} : memref<632xf32, #tpu.memory_space<vmem>>, vector<16xf32>,
    %swap3A_403 = vector.shape_cast %swap3A_402 : vector<16xf32> to vector<16xf32>
    %swap3A_404 = vector.shape_cast %broadcast_in_dim3A_308 : vector<16xf32> to vector<16xf32>
    tpu.vector_store %arg18[%swap3A_401], %swap3A_404 {strides = array<i32>} : memref<632xf32, #tpu.memory_space<vmem>>, vector<16xf32>,
    %swap3A_405 = arith.constant 384 : index
    %swap3A_406 = tpu.vector_load %arg18[%swap3A_405] {strides = array<i32>} : memref<632xf32, #tpu.memory_space<vmem>>, vector<16xf32>,
    %swap3A_407 = vector.shape_cast %swap3A_406 : vector<16xf32> to vector<16xf32>
    %swap3A_408 = vector.shape_cast %broadcast_in_dim3A_308 : vector<16xf32> to vector<16xf32>
    tpu.vector_store %arg18[%swap3A_405], %swap3A_408 {strides = array<i32>} : memref<632xf32, #tpu.memory_space<vmem>>, vector<16xf32>,
    %swap3A_409 = arith.constant 400 : index
    %swap3A_410 = tpu.vector_load %arg18[%swap3A_409] {strides = array<i32>} : memref<632xf32, #tpu.memory_space<vmem>>, vector<16xf32>,
    %swap3A_411 = vector.shape_cast %swap3A_410 : vector<16xf32> to vector<16xf32>
    %swap3A_412 = vector.shape_cast %broadcast_in_dim3A_308 : vector<16xf32> to vector<16xf32>
    tpu.vector_store %arg18[%swap3A_409], %swap3A_412 {strides = array<i32>} : memref<632xf32, #tpu.memory_space<vmem>>, vector<16xf32>,
    %swap3A_413 = arith.constant 416 : index
    %swap3A_414 = tpu.vector_load %arg18[%swap3A_413] {strides = array<i32>} : memref<632xf32, #tpu.memory_space<vmem>>, vector<16xf32>,
    %swap3A_415 = vector.shape_cast %swap3A_414 : vector<16xf32> to vector<16xf32>
    %swap3A_416 = vector.shape_cast %broadcast_in_dim3A_308 : vector<16xf32> to vector<16xf32>
    tpu.vector_store %arg18[%swap3A_413], %swap3A_416 {strides = array<i32>} : memref<632xf32, #tpu.memory_space<vmem>>, vector<16xf32>,
    %swap3A_417 = arith.constant 432 : index
    %swap3A_418 = tpu.vector_load %arg18[%swap3A_417] {strides = array<i32>} : memref<632xf32, #tpu.memory_space<vmem>>, vector<16xf32>,
    %swap3A_419 = vector.shape_cast %swap3A_418 : vector<16xf32> to vector<16xf32>
    %swap3A_420 = vector.shape_cast %broadcast_in_dim3A_308 : vector<16xf32> to vector<16xf32>
    tpu.vector_store %arg18[%swap3A_417], %swap3A_420 {strides = array<i32>} : memref<632xf32, #tpu.memory_space<vmem>>, vector<16xf32>,
    %swap3A_421 = arith.constant 448 : index
    %swap3A_422 = tpu.vector_load %arg18[%swap3A_421] {strides = array<i32>} : memref<632xf32, #tpu.memory_space<vmem>>, vector<16xf32>,
    %swap3A_423 = vector.shape_cast %swap3A_422 : vector<16xf32> to vector<16xf32>
    %swap3A_424 = vector.shape_cast %broadcast_in_dim3A_308 : vector<16xf32> to vector<16xf32>
    tpu.vector_store %arg18[%swap3A_421], %swap3A_424 {strides = array<i32>} : memref<632xf32, #tpu.memory_space<vmem>>, vector<16xf32>,
    %swap3A_425 = arith.constant 464 : index
    %swap3A_426 = tpu.vector_load %arg18[%swap3A_425] {strides = array<i32>} : memref<632xf32, #tpu.memory_space<vmem>>, vector<16xf32>,
    %swap3A_427 = vector.shape_cast %swap3A_426 : vector<16xf32> to vector<16xf32>
    %swap3A_428 = vector.shape_cast %broadcast_in_dim3A_308 : vector<16xf32> to vector<16xf32>
    tpu.vector_store %arg18[%swap3A_425], %swap3A_428 {strides = array<i32>} : memref<632xf32, #tpu.memory_space<vmem>>, vector<16xf32>,
    %swap3A_429 = arith.constant 480 : index
    %swap3A_430 = tpu.vector_load %arg18[%swap3A_429] {strides = array<i32>} : memref<632xf32, #tpu.memory_space<vmem>>, vector<16xf32>,
    %swap3A_431 = vector.shape_cast %swap3A_430 : vector<16xf32> to vector<16xf32>
    %swap3A_432 = vector.shape_cast %broadcast_in_dim3A_308 : vector<16xf32> to vector<16xf32>
    tpu.vector_store %arg18[%swap3A_429], %swap3A_432 {strides = array<i32>} : memref<632xf32, #tpu.memory_space<vmem>>, vector<16xf32>,
    %swap3A_433 = arith.constant 496 : index
    %swap3A_434 = tpu.vector_load %arg18[%swap3A_433] {strides = array<i32>} : memref<632xf32, #tpu.memory_space<vmem>>, vector<16xf32>,
    %swap3A_435 = vector.shape_cast %swap3A_434 : vector<16xf32> to vector<16xf32>
    %swap3A_436 = vector.shape_cast %broadcast_in_dim3A_308 : vector<16xf32> to vector<16xf32>
    tpu.vector_store %arg18[%swap3A_433], %swap3A_436 {strides = array<i32>} : memref<632xf32, #tpu.memory_space<vmem>>, vector<16xf32>,
    %swap3A_437 = arith.constant 512 : index
    %swap3A_438 = tpu.vector_load %arg18[%swap3A_437] {strides = array<i32>} : memref<632xf32, #tpu.memory_space<vmem>>, vector<16xf32>,
    %swap3A_439 = vector.shape_cast %swap3A_438 : vector<16xf32> to vector<16xf32>
    %swap3A_440 = vector.shape_cast %broadcast_in_dim3A_308 : vector<16xf32> to vector<16xf32>
    tpu.vector_store %arg18[%swap3A_437], %swap3A_440 {strides = array<i32>} : memref<632xf32, #tpu.memory_space<vmem>>, vector<16xf32>,
    %swap3A_441 = arith.constant 528 : index
    %swap3A_442 = tpu.vector_load %arg18[%swap3A_441] {strides = array<i32>} : memref<632xf32, #tpu.memory_space<vmem>>, vector<16xf32>,
    %swap3A_443 = vector.shape_cast %swap3A_442 : vector<16xf32> to vector<16xf32>
    %swap3A_444 = vector.shape_cast %broadcast_in_dim3A_308 : vector<16xf32> to vector<16xf32>
    tpu.vector_store %arg18[%swap3A_441], %swap3A_444 {strides = array<i32>} : memref<632xf32, #tpu.memory_space<vmem>>, vector<16xf32>,
    %swap3A_445 = arith.constant 544 : index
    %swap3A_446 = tpu.vector_load %arg18[%swap3A_445] {strides = array<i32>} : memref<632xf32, #tpu.memory_space<vmem>>, vector<16xf32>,
    %swap3A_447 = vector.shape_cast %swap3A_446 : vector<16xf32> to vector<16xf32>
    %swap3A_448 = vector.shape_cast %broadcast_in_dim3A_308 : vector<16xf32> to vector<16xf32>
    tpu.vector_store %arg18[%swap3A_445], %swap3A_448 {strides = array<i32>} : memref<632xf32, #tpu.memory_space<vmem>>, vector<16xf32>,
    %swap3A_449 = arith.constant 560 : index
    %swap3A_450 = tpu.vector_load %arg18[%swap3A_449] {strides = array<i32>} : memref<632xf32, #tpu.memory_space<vmem>>, vector<16xf32>,
    %swap3A_451 = vector.shape_cast %swap3A_450 : vector<16xf32> to vector<16xf32>
    %swap3A_452 = vector.shape_cast %broadcast_in_dim3A_308 : vector<16xf32> to vector<16xf32>
    tpu.vector_store %arg18[%swap3A_449], %swap3A_452 {strides = array<i32>} : memref<632xf32, #tpu.memory_space<vmem>>, vector<16xf32>,
    %swap3A_453 = arith.constant 576 : index
    %swap3A_454 = tpu.vector_load %arg18[%swap3A_453] {strides = array<i32>} : memref<632xf32, #tpu.memory_space<vmem>>, vector<16xf32>,
    %swap3A_455 = vector.shape_cast %swap3A_454 : vector<16xf32> to vector<16xf32>
    %swap3A_456 = vector.shape_cast %broadcast_in_dim3A_308 : vector<16xf32> to vector<16xf32>
    tpu.vector_store %arg18[%swap3A_453], %swap3A_456 {strides = array<i32>} : memref<632xf32, #tpu.memory_space<vmem>>, vector<16xf32>,
    %swap3A_457 = arith.constant 592 : index
    %swap3A_458 = tpu.vector_load %arg18[%swap3A_457] {strides = array<i32>} : memref<632xf32, #tpu.memory_space<vmem>>, vector<16xf32>,
    %swap3A_459 = vector.shape_cast %swap3A_458 : vector<16xf32> to vector<16xf32>
    %swap3A_460 = vector.shape_cast %broadcast_in_dim3A_308 : vector<16xf32> to vector<16xf32>
    tpu.vector_store %arg18[%swap3A_457], %swap3A_460 {strides = array<i32>} : memref<632xf32, #tpu.memory_space<vmem>>, vector<16xf32>,
    %swap3A_461 = arith.constant 608 : index
    %swap3A_462 = tpu.vector_load %arg18[%swap3A_461] {strides = array<i32>} : memref<632xf32, #tpu.memory_space<vmem>>, vector<16xf32>,
    %swap3A_463 = vector.shape_cast %swap3A_462 : vector<16xf32> to vector<16xf32>
    %swap3A_464 = vector.shape_cast %broadcast_in_dim3A_308 : vector<16xf32> to vector<16xf32>
    tpu.vector_store %arg18[%swap3A_461], %swap3A_464 {strides = array<i32>} : memref<632xf32, #tpu.memory_space<vmem>>, vector<16xf32>,
    %swap3A_465 = arith.constant 616 : index
    %swap3A_466 = tpu.vector_load %arg18[%swap3A_465] {strides = array<i32>} : memref<632xf32, #tpu.memory_space<vmem>>, vector<16xf32>,
    %swap3A_467 = vector.shape_cast %swap3A_466 : vector<16xf32> to vector<16xf32>
    %swap3A_468 = vector.shape_cast %broadcast_in_dim3A_308 : vector<16xf32> to vector<16xf32>
    tpu.vector_store %arg18[%swap3A_465], %swap3A_468 {strides = array<i32>} : memref<632xf32, #tpu.memory_space<vmem>>, vector<16xf32>,
    "tpu.region"() ({
      %run_scoped3A = tpu.sem_alloc : memref<!tpu.dma_semaphore, #tpu.memory_space<semaphore_mem>>
      %dma_start3A_551 = tpu.memref_slice %arg16[%mul3A_2] : memref<10112xf32, #tpu.memory_space<vmem_shared>> -> memref<632xf32, #tpu.memory_space<vmem_shared>>
      %dma_start3A_552 = tpu.memref_slice %arg16[%mul3A_2] : memref<10112xf32, #tpu.memory_space<vmem_shared>> -> memref<632xf32, #tpu.memory_space<vmem_shared>>
      tpu.enqueue_dma source(%arg18 : memref<632xf32, #tpu.memory_space<vmem>>) target(%dma_start3A_552 : memref<632xf32, #tpu.memory_space<vmem_shared>>) target_semaphore(%run_scoped3A : memref<!tpu.dma_semaphore, #tpu.memory_space<semaphore_mem>>)
      %dma_wait3A_553 = tpu.memref_slice %arg16[%mul3A_2] : memref<10112xf32, #tpu.memory_space<vmem_shared>> -> memref<632xf32, #tpu.memory_space<vmem_shared>>
      %dma_wait3A_554 = tpu.memref_slice %arg16[%mul3A_2] : memref<10112xf32, #tpu.memory_space<vmem_shared>> -> memref<632xf32, #tpu.memory_space<vmem_shared>>
      tpu.wait_dma2 semaphore(%run_scoped3A : memref<!tpu.dma_semaphore, #tpu.memory_space<semaphore_mem>>) src(%arg18 : memref<632xf32, #tpu.memory_space<vmem>>) dst(%dma_wait3A_554 : memref<632xf32, #tpu.memory_space<vmem_shared>>)
      tpu.yield
    }) : () -> ()
    %barrier3A = arith.constant 0 : index
    tpu.barrier barrier_id(%barrier3A)
    %dma_start3A_469 = arith.constant 0 : i32
    %dma_start3A_470 = arith.constant 0 : i32
    %dma_start3A_471 = tpu.memref_slice %arg8[%dma_start3A_469, %dma_start3A_470] : memref<79x128xi32, #tpu.memory_space<vmem>> -> memref<1x128xi32, #tpu.memory_space<vmem>>
    %dma_start3A_472 = tpu.memref_squeeze %dma_start3A_471 : memref<1x128xi32, #tpu.memory_space<vmem>> -> memref<128xi32, #tpu.memory_space<vmem>>
    %dma_start3A_473 = arith.constant 0 : i32
    %dma_start3A_474 = arith.constant 0 : i32
    %dma_start3A_475 = tpu.memref_slice %arg6[%dma_start3A_473, %dma_start3A_474] : memref<10112x64xf32, #tpu.memory_space<vmem_shared>> -> memref<10112x64xf32, #tpu.memory_space<vmem_shared>>
    tpu.enqueue_indirect_dma source(%dma_start3A_475 : memref<10112x64xf32, #tpu.memory_space<vmem_shared>>) target(%arg10 : memref<128x64xf32, #tpu.memory_space<vmem>>) offsets(%dma_start3A_472 : memref<128xi32, #tpu.memory_space<vmem>>) semaphore(%arg13 : memref<!tpu.dma_semaphore, #tpu.memory_space<semaphore_mem>>)
    %dma_start3A_476 = arith.constant 1 : i32
    %dma_start3A_477 = arith.constant 0 : i32
    %dma_start3A_478 = tpu.memref_slice %arg8[%dma_start3A_476, %dma_start3A_477] : memref<79x128xi32, #tpu.memory_space<vmem>> -> memref<1x128xi32, #tpu.memory_space<vmem>>
    %dma_start3A_479 = tpu.memref_squeeze %dma_start3A_478 : memref<1x128xi32, #tpu.memory_space<vmem>> -> memref<128xi32, #tpu.memory_space<vmem>>
    %dma_start3A_480 = arith.constant 0 : i32
    %dma_start3A_481 = arith.constant 0 : i32
    %dma_start3A_482 = tpu.memref_slice %arg6[%dma_start3A_480, %dma_start3A_481] : memref<10112x64xf32, #tpu.memory_space<vmem_shared>> -> memref<10112x64xf32, #tpu.memory_space<vmem_shared>>
    tpu.enqueue_indirect_dma source(%dma_start3A_482 : memref<10112x64xf32, #tpu.memory_space<vmem_shared>>) target(%arg11 : memref<128x64xf32, #tpu.memory_space<vmem>>) offsets(%dma_start3A_479 : memref<128xi32, #tpu.memory_space<vmem>>) semaphore(%arg14 : memref<!tpu.dma_semaphore, #tpu.memory_space<semaphore_mem>>)
    %scan3A_483 = arith.constant 0 : i32
    %scan3A_484 = arith.constant 0 : i32
    %scan3A_485 = arith.constant 26 : i32
    %scan3A_486 = arith.addi %scan3A_484, %scan3A_485 : i32
    %scan3A_487 = arith.constant 1 : i32
    scf.for %scan3A_551 = %scan3A_484 to %scan3A_486 step %scan3A_487  : i32 {
      %mul3A_552 = arith.constant 3 : i32
      %mul3A_553 = arith.muli %scan3A_551, %mul3A_552 : i32
      %add3A_554 = arith.constant 0 : i32
      %add3A_555 = arith.addi %mul3A_553, %add3A_554 : i32
      %dma_wait3A_556 = arith.constant 0 : i32
      %dma_wait3A_557 = arith.constant 0 : i32
      %dma_wait3A_558 = tpu.memref_slice %arg8[%dma_wait3A_556, %dma_wait3A_557] : memref<79x128xi32, #tpu.memory_space<vmem>> -> memref<1x128xi32, #tpu.memory_space<vmem>>
      %dma_wait3A_559 = tpu.memref_squeeze %dma_wait3A_558 : memref<1x128xi32, #tpu.memory_space<vmem>> -> memref<128xi32, #tpu.memory_space<vmem>>
      %dma_wait3A_560 = arith.constant 0 : i32
      %dma_wait3A_561 = arith.constant 0 : i32
      %dma_wait3A_562 = tpu.memref_slice %arg6[%dma_wait3A_560, %dma_wait3A_561] : memref<10112x64xf32, #tpu.memory_space<vmem_shared>> -> memref<10112x64xf32, #tpu.memory_space<vmem_shared>>
      tpu.wait_indirect_dma semaphore(%arg13 : memref<!tpu.dma_semaphore, #tpu.memory_space<semaphore_mem>>) src(%dma_wait3A_562 : memref<10112x64xf32, #tpu.memory_space<vmem_shared>>) dst(%arg10 : memref<128x64xf32, #tpu.memory_space<vmem>>)
      %add3A_563 = arith.constant 2 : i32
      %add3A_564 = arith.addi %add3A_555, %add3A_563 : i32
      %dma_start3A_565 = arith.constant 0 : i32
      %dma_start3A_566 = tpu.memref_slice %arg8[%add3A_564, %dma_start3A_565] : memref<79x128xi32, #tpu.memory_space<vmem>> -> memref<1x128xi32, #tpu.memory_space<vmem>>
      %dma_start3A_567 = tpu.memref_squeeze %dma_start3A_566 : memref<1x128xi32, #tpu.memory_space<vmem>> -> memref<128xi32, #tpu.memory_space<vmem>>
      %dma_start3A_568 = arith.constant 0 : i32
      %dma_start3A_569 = arith.constant 0 : i32
      %dma_start3A_570 = tpu.memref_slice %arg6[%dma_start3A_568, %dma_start3A_569] : memref<10112x64xf32, #tpu.memory_space<vmem_shared>> -> memref<10112x64xf32, #tpu.memory_space<vmem_shared>>
      tpu.enqueue_indirect_dma source(%dma_start3A_570 : memref<10112x64xf32, #tpu.memory_space<vmem_shared>>) target(%arg12 : memref<128x64xf32, #tpu.memory_space<vmem>>) offsets(%dma_start3A_567 : memref<128xi32, #tpu.memory_space<vmem>>) semaphore(%arg15 : memref<!tpu.dma_semaphore, #tpu.memory_space<semaphore_mem>>)
      "tpu.region"() ({
        %run_scoped3A = tpu.sem_alloc : memref<!tpu.dma_semaphore, #tpu.memory_space<semaphore_mem>>
        %dma_start3A_632 = arith.constant 0 : i32
        %dma_start3A_633 = tpu.memref_slice %arg9[%add3A_555, %dma_start3A_632] : memref<79x128xi32, #tpu.memory_space<vmem>> -> memref<1x128xi32, #tpu.memory_space<vmem>>
        %dma_start3A_634 = tpu.memref_squeeze %dma_start3A_633 : memref<1x128xi32, #tpu.memory_space<vmem>> -> memref<128xi32, #tpu.memory_space<vmem>>
        %dma_start3A_635 = arith.constant 0 : i32
        %dma_start3A_636 = arith.constant 0 : i32
        %dma_start3A_637 = tpu.memref_slice %arg7[%dma_start3A_635, %dma_start3A_636] : memref<10112x64xf32, #tpu.memory_space<vmem_shared>> -> memref<10112x64xf32, #tpu.memory_space<vmem_shared>>
        tpu.enqueue_indirect_dma source(%arg10 : memref<128x64xf32, #tpu.memory_space<vmem>>) target(%dma_start3A_637 : memref<10112x64xf32, #tpu.memory_space<vmem_shared>>) offsets(%dma_start3A_634 : memref<128xi32, #tpu.memory_space<vmem>>) semaphore(%run_scoped3A : memref<!tpu.dma_semaphore, #tpu.memory_space<semaphore_mem>>) {add = true}
        %dma_wait3A_638 = arith.constant 0 : i32
        %dma_wait3A_639 = tpu.memref_slice %arg9[%add3A_555, %dma_wait3A_638] : memref<79x128xi32, #tpu.memory_space<vmem>> -> memref<1x128xi32, #tpu.memory_space<vmem>>
        %dma_wait3A_640 = tpu.memref_squeeze %dma_wait3A_639 : memref<1x128xi32, #tpu.memory_space<vmem>> -> memref<128xi32, #tpu.memory_space<vmem>>
        %dma_wait3A_641 = arith.constant 0 : i32
        %dma_wait3A_642 = arith.constant 0 : i32
        %dma_wait3A_643 = tpu.memref_slice %arg7[%dma_wait3A_641, %dma_wait3A_642] : memref<10112x64xf32, #tpu.memory_space<vmem_shared>> -> memref<10112x64xf32, #tpu.memory_space<vmem_shared>>
        tpu.wait_indirect_dma semaphore(%run_scoped3A : memref<!tpu.dma_semaphore, #tpu.memory_space<semaphore_mem>>) src(%arg10 : memref<128x64xf32, #tpu.memory_space<vmem>>) dst(%dma_wait3A_643 : memref<10112x64xf32, #tpu.memory_space<vmem_shared>>)
        tpu.yield
      }) : () -> ()
      %dma_start3A_571 = arith.constant 0 : i32
      %dma_start3A_572 = tpu.memref_slice %arg9[%add3A_555, %dma_start3A_571] : memref<79x128xi32, #tpu.memory_space<vmem>> -> memref<1x128xi32, #tpu.memory_space<vmem>>
      %dma_start3A_573 = tpu.memref_squeeze %dma_start3A_572 : memref<1x128xi32, #tpu.memory_space<vmem>> -> memref<128xi32, #tpu.memory_space<vmem>>
      %dma_start3A_574 = arith.constant 0 : i32
      %dma_start3A_575 = tpu.memref_slice %arg16[%dma_start3A_574] : memref<10112xf32, #tpu.memory_space<vmem_shared>> -> memref<10112xf32, #tpu.memory_space<vmem_shared>>
      tpu.enqueue_indirect_dma source(%arg17 : memref<128xf32, #tpu.memory_space<vmem>>) target(%dma_start3A_575 : memref<10112xf32, #tpu.memory_space<vmem_shared>>) offsets(%dma_start3A_573 : memref<128xi32, #tpu.memory_space<vmem>>) semaphore(%arg19 : memref<!tpu.dma_semaphore, #tpu.memory_space<semaphore_mem>>) {add = true}
      %ge3A = arith.constant 2 : i32
      %ge3A_576 = arith.cmpi sge, %scan3A_551, %ge3A : i32
      %convert_element_type3A_577 = arith.extui %ge3A_576 : i1 to i32
      %cond3A_578 = arith.constant 0 : i32
      %cond3A_579 = arith.cmpi ne, %convert_element_type3A_577, %cond3A_578 : i32
      scf.if %cond3A_579 {
        %dma_wait3A_632 = arith.constant 0 : i32
        %dma_wait3A_633 = arith.constant 0 : i32
        %dma_wait3A_634 = tpu.memref_slice %arg9[%dma_wait3A_632, %dma_wait3A_633] : memref<79x128xi32, #tpu.memory_space<vmem>> -> memref<1x128xi32, #tpu.memory_space<vmem>>
        %dma_wait3A_635 = tpu.memref_squeeze %dma_wait3A_634 : memref<1x128xi32, #tpu.memory_space<vmem>> -> memref<128xi32, #tpu.memory_space<vmem>>
        %dma_wait3A_636 = arith.constant 0 : i32
        %dma_wait3A_637 = tpu.memref_slice %arg16[%dma_wait3A_636] : memref<10112xf32, #tpu.memory_space<vmem_shared>> -> memref<10112xf32, #tpu.memory_space<vmem_shared>>
        tpu.wait_indirect_dma semaphore(%arg19 : memref<!tpu.dma_semaphore, #tpu.memory_space<semaphore_mem>>) src(%arg17 : memref<128xf32, #tpu.memory_space<vmem>>) dst(%dma_wait3A_637 : memref<10112xf32, #tpu.memory_space<vmem_shared>>)
      } else {
      }
      %mul3A_580 = arith.constant 3 : i32
      %mul3A_581 = arith.muli %scan3A_551, %mul3A_580 : i32
      %add3A_582 = arith.constant 1 : i32
      %add3A_583 = arith.addi %mul3A_581, %add3A_582 : i32
      %dma_wait3A_584 = arith.constant 1 : i32
      %dma_wait3A_585 = arith.constant 0 : i32
      %dma_wait3A_586 = tpu.memref_slice %arg8[%dma_wait3A_584, %dma_wait3A_585] : memref<79x128xi32, #tpu.memory_space<vmem>> -> memref<1x128xi32, #tpu.memory_space<vmem>>
      %dma_wait3A_587 = tpu.memref_squeeze %dma_wait3A_586 : memref<1x128xi32, #tpu.memory_space<vmem>> -> memref<128xi32, #tpu.memory_space<vmem>>
      %dma_wait3A_588 = arith.constant 0 : i32
      %dma_wait3A_589 = arith.constant 0 : i32
      %dma_wait3A_590 = tpu.memref_slice %arg6[%dma_wait3A_588, %dma_wait3A_589] : memref<10112x64xf32, #tpu.memory_space<vmem_shared>> -> memref<10112x64xf32, #tpu.memory_space<vmem_shared>>
      tpu.wait_indirect_dma semaphore(%arg14 : memref<!tpu.dma_semaphore, #tpu.memory_space<semaphore_mem>>) src(%dma_wait3A_590 : memref<10112x64xf32, #tpu.memory_space<vmem_shared>>) dst(%arg11 : memref<128x64xf32, #tpu.memory_space<vmem>>)
      %lt3A_591 = arith.constant 25 : i32
      %lt3A_592 = arith.cmpi slt, %scan3A_551, %lt3A_591 : i32
      %convert_element_type3A_593 = arith.extui %lt3A_592 : i1 to i32
      %cond3A_594 = arith.constant 0 : i32
      %cond3A_595 = arith.cmpi ne, %convert_element_type3A_593, %cond3A_594 : i32
      scf.if %cond3A_595 {
        %add3A_632 = arith.constant 2 : i32
        %add3A_633 = arith.addi %add3A_583, %add3A_632 : i32
        %dma_start3A_634 = arith.constant 0 : i32
        %dma_start3A_635 = tpu.memref_slice %arg8[%add3A_633, %dma_start3A_634] : memref<79x128xi32, #tpu.memory_space<vmem>> -> memref<1x128xi32, #tpu.memory_space<vmem>>
        %dma_start3A_636 = tpu.memref_squeeze %dma_start3A_635 : memref<1x128xi32, #tpu.memory_space<vmem>> -> memref<128xi32, #tpu.memory_space<vmem>>
        %dma_start3A_637 = arith.constant 0 : i32
        %dma_start3A_638 = arith.constant 0 : i32
        %dma_start3A_639 = tpu.memref_slice %arg6[%dma_start3A_637, %dma_start3A_638] : memref<10112x64xf32, #tpu.memory_space<vmem_shared>> -> memref<10112x64xf32, #tpu.memory_space<vmem_shared>>
        tpu.enqueue_indirect_dma source(%dma_start3A_639 : memref<10112x64xf32, #tpu.memory_space<vmem_shared>>) target(%arg10 : memref<128x64xf32, #tpu.memory_space<vmem>>) offsets(%dma_start3A_636 : memref<128xi32, #tpu.memory_space<vmem>>) semaphore(%arg13 : memref<!tpu.dma_semaphore, #tpu.memory_space<semaphore_mem>>)
      } else {
      }
      "tpu.region"() ({
        %run_scoped3A = tpu.sem_alloc : memref<!tpu.dma_semaphore, #tpu.memory_space<semaphore_mem>>
        %dma_start3A_632 = arith.constant 0 : i32
        %dma_start3A_633 = tpu.memref_slice %arg9[%add3A_583, %dma_start3A_632] : memref<79x128xi32, #tpu.memory_space<vmem>> -> memref<1x128xi32, #tpu.memory_space<vmem>>
        %dma_start3A_634 = tpu.memref_squeeze %dma_start3A_633 : memref<1x128xi32, #tpu.memory_space<vmem>> -> memref<128xi32, #tpu.memory_space<vmem>>
        %dma_start3A_635 = arith.constant 0 : i32
        %dma_start3A_636 = arith.constant 0 : i32
        %dma_start3A_637 = tpu.memref_slice %arg7[%dma_start3A_635, %dma_start3A_636] : memref<10112x64xf32, #tpu.memory_space<vmem_shared>> -> memref<10112x64xf32, #tpu.memory_space<vmem_shared>>
        tpu.enqueue_indirect_dma source(%arg11 : memref<128x64xf32, #tpu.memory_space<vmem>>) target(%dma_start3A_637 : memref<10112x64xf32, #tpu.memory_space<vmem_shared>>) offsets(%dma_start3A_634 : memref<128xi32, #tpu.memory_space<vmem>>) semaphore(%run_scoped3A : memref<!tpu.dma_semaphore, #tpu.memory_space<semaphore_mem>>) {add = true}
        %dma_wait3A_638 = arith.constant 0 : i32
        %dma_wait3A_639 = tpu.memref_slice %arg9[%add3A_583, %dma_wait3A_638] : memref<79x128xi32, #tpu.memory_space<vmem>> -> memref<1x128xi32, #tpu.memory_space<vmem>>
        %dma_wait3A_640 = tpu.memref_squeeze %dma_wait3A_639 : memref<1x128xi32, #tpu.memory_space<vmem>> -> memref<128xi32, #tpu.memory_space<vmem>>
        %dma_wait3A_641 = arith.constant 0 : i32
        %dma_wait3A_642 = arith.constant 0 : i32
        %dma_wait3A_643 = tpu.memref_slice %arg7[%dma_wait3A_641, %dma_wait3A_642] : memref<10112x64xf32, #tpu.memory_space<vmem_shared>> -> memref<10112x64xf32, #tpu.memory_space<vmem_shared>>
        tpu.wait_indirect_dma semaphore(%run_scoped3A : memref<!tpu.dma_semaphore, #tpu.memory_space<semaphore_mem>>) src(%arg11 : memref<128x64xf32, #tpu.memory_space<vmem>>) dst(%dma_wait3A_643 : memref<10112x64xf32, #tpu.memory_space<vmem_shared>>)
        tpu.yield
      }) : () -> ()
      %dma_start3A_596 = arith.constant 0 : i32
      %dma_start3A_597 = tpu.memref_slice %arg9[%add3A_583, %dma_start3A_596] : memref<79x128xi32, #tpu.memory_space<vmem>> -> memref<1x128xi32, #tpu.memory_space<vmem>>
      %dma_start3A_598 = tpu.memref_squeeze %dma_start3A_597 : memref<1x128xi32, #tpu.memory_space<vmem>> -> memref<128xi32, #tpu.memory_space<vmem>>
      %dma_start3A_599 = arith.constant 0 : i32
      %dma_start3A_600 = tpu.memref_slice %arg16[%dma_start3A_599] : memref<10112xf32, #tpu.memory_space<vmem_shared>> -> memref<10112xf32, #tpu.memory_space<vmem_shared>>
      tpu.enqueue_indirect_dma source(%arg17 : memref<128xf32, #tpu.memory_space<vmem>>) target(%dma_start3A_600 : memref<10112xf32, #tpu.memory_space<vmem_shared>>) offsets(%dma_start3A_598 : memref<128xi32, #tpu.memory_space<vmem>>) semaphore(%arg19 : memref<!tpu.dma_semaphore, #tpu.memory_space<semaphore_mem>>) {add = true}
      %ge3A_601 = arith.constant 2 : i32
      %ge3A_602 = arith.cmpi sge, %scan3A_551, %ge3A_601 : i32
      %convert_element_type3A_603 = arith.extui %ge3A_602 : i1 to i32
      %cond3A_604 = arith.constant 0 : i32
      %cond3A_605 = arith.cmpi ne, %convert_element_type3A_603, %cond3A_604 : i32
      scf.if %cond3A_605 {
        %dma_wait3A_632 = arith.constant 0 : i32
        %dma_wait3A_633 = arith.constant 0 : i32
        %dma_wait3A_634 = tpu.memref_slice %arg9[%dma_wait3A_632, %dma_wait3A_633] : memref<79x128xi32, #tpu.memory_space<vmem>> -> memref<1x128xi32, #tpu.memory_space<vmem>>
        %dma_wait3A_635 = tpu.memref_squeeze %dma_wait3A_634 : memref<1x128xi32, #tpu.memory_space<vmem>> -> memref<128xi32, #tpu.memory_space<vmem>>
        %dma_wait3A_636 = arith.constant 0 : i32
        %dma_wait3A_637 = tpu.memref_slice %arg16[%dma_wait3A_636] : memref<10112xf32, #tpu.memory_space<vmem_shared>> -> memref<10112xf32, #tpu.memory_space<vmem_shared>>
        tpu.wait_indirect_dma semaphore(%arg19 : memref<!tpu.dma_semaphore, #tpu.memory_space<semaphore_mem>>) src(%arg17 : memref<128xf32, #tpu.memory_space<vmem>>) dst(%dma_wait3A_637 : memref<10112xf32, #tpu.memory_space<vmem_shared>>)
      } else {
      }
      %mul3A_606 = arith.constant 3 : i32
      %mul3A_607 = arith.muli %scan3A_551, %mul3A_606 : i32
      %add3A_608 = arith.constant 2 : i32
      %add3A_609 = arith.addi %mul3A_607, %add3A_608 : i32
      %dma_wait3A_610 = arith.constant 2 : i32
      %dma_wait3A_611 = arith.constant 0 : i32
      %dma_wait3A_612 = tpu.memref_slice %arg8[%dma_wait3A_610, %dma_wait3A_611] : memref<79x128xi32, #tpu.memory_space<vmem>> -> memref<1x128xi32, #tpu.memory_space<vmem>>
      %dma_wait3A_613 = tpu.memref_squeeze %dma_wait3A_612 : memref<1x128xi32, #tpu.memory_space<vmem>> -> memref<128xi32, #tpu.memory_space<vmem>>
      %dma_wait3A_614 = arith.constant 0 : i32
      %dma_wait3A_615 = arith.constant 0 : i32
      %dma_wait3A_616 = tpu.memref_slice %arg6[%dma_wait3A_614, %dma_wait3A_615] : memref<10112x64xf32, #tpu.memory_space<vmem_shared>> -> memref<10112x64xf32, #tpu.memory_space<vmem_shared>>
      tpu.wait_indirect_dma semaphore(%arg15 : memref<!tpu.dma_semaphore, #tpu.memory_space<semaphore_mem>>) src(%dma_wait3A_616 : memref<10112x64xf32, #tpu.memory_space<vmem_shared>>) dst(%arg12 : memref<128x64xf32, #tpu.memory_space<vmem>>)
      %lt3A_617 = arith.constant 25 : i32
      %lt3A_618 = arith.cmpi slt, %scan3A_551, %lt3A_617 : i32
      %convert_element_type3A_619 = arith.extui %lt3A_618 : i1 to i32
      %cond3A_620 = arith.constant 0 : i32
      %cond3A_621 = arith.cmpi ne, %convert_element_type3A_619, %cond3A_620 : i32
      scf.if %cond3A_621 {
        %add3A_632 = arith.constant 2 : i32
        %add3A_633 = arith.addi %add3A_609, %add3A_632 : i32
        %dma_start3A_634 = arith.constant 0 : i32
        %dma_start3A_635 = tpu.memref_slice %arg8[%add3A_633, %dma_start3A_634] : memref<79x128xi32, #tpu.memory_space<vmem>> -> memref<1x128xi32, #tpu.memory_space<vmem>>
        %dma_start3A_636 = tpu.memref_squeeze %dma_start3A_635 : memref<1x128xi32, #tpu.memory_space<vmem>> -> memref<128xi32, #tpu.memory_space<vmem>>
        %dma_start3A_637 = arith.constant 0 : i32
        %dma_start3A_638 = arith.constant 0 : i32
        %dma_start3A_639 = tpu.memref_slice %arg6[%dma_start3A_637, %dma_start3A_638] : memref<10112x64xf32, #tpu.memory_space<vmem_shared>> -> memref<10112x64xf32, #tpu.memory_space<vmem_shared>>
        tpu.enqueue_indirect_dma source(%dma_start3A_639 : memref<10112x64xf32, #tpu.memory_space<vmem_shared>>) target(%arg11 : memref<128x64xf32, #tpu.memory_space<vmem>>) offsets(%dma_start3A_636 : memref<128xi32, #tpu.memory_space<vmem>>) semaphore(%arg14 : memref<!tpu.dma_semaphore, #tpu.memory_space<semaphore_mem>>)
      } else {
      }
      "tpu.region"() ({
        %run_scoped3A = tpu.sem_alloc : memref<!tpu.dma_semaphore, #tpu.memory_space<semaphore_mem>>
        %dma_start3A_632 = arith.constant 0 : i32
        %dma_start3A_633 = tpu.memref_slice %arg9[%add3A_609, %dma_start3A_632] : memref<79x128xi32, #tpu.memory_space<vmem>> -> memref<1x128xi32, #tpu.memory_space<vmem>>
        %dma_start3A_634 = tpu.memref_squeeze %dma_start3A_633 : memref<1x128xi32, #tpu.memory_space<vmem>> -> memref<128xi32, #tpu.memory_space<vmem>>
        %dma_start3A_635 = arith.constant 0 : i32
        %dma_start3A_636 = arith.constant 0 : i32
        %dma_start3A_637 = tpu.memref_slice %arg7[%dma_start3A_635, %dma_start3A_636] : memref<10112x64xf32, #tpu.memory_space<vmem_shared>> -> memref<10112x64xf32, #tpu.memory_space<vmem_shared>>
        tpu.enqueue_indirect_dma source(%arg12 : memref<128x64xf32, #tpu.memory_space<vmem>>) target(%dma_start3A_637 : memref<10112x64xf32, #tpu.memory_space<vmem_shared>>) offsets(%dma_start3A_634 : memref<128xi32, #tpu.memory_space<vmem>>) semaphore(%run_scoped3A : memref<!tpu.dma_semaphore, #tpu.memory_space<semaphore_mem>>) {add = true}
        %dma_wait3A_638 = arith.constant 0 : i32
        %dma_wait3A_639 = tpu.memref_slice %arg9[%add3A_609, %dma_wait3A_638] : memref<79x128xi32, #tpu.memory_space<vmem>> -> memref<1x128xi32, #tpu.memory_space<vmem>>
        %dma_wait3A_640 = tpu.memref_squeeze %dma_wait3A_639 : memref<1x128xi32, #tpu.memory_space<vmem>> -> memref<128xi32, #tpu.memory_space<vmem>>
        %dma_wait3A_641 = arith.constant 0 : i32
        %dma_wait3A_642 = arith.constant 0 : i32
        %dma_wait3A_643 = tpu.memref_slice %arg7[%dma_wait3A_641, %dma_wait3A_642] : memref<10112x64xf32, #tpu.memory_space<vmem_shared>> -> memref<10112x64xf32, #tpu.memory_space<vmem_shared>>
        tpu.wait_indirect_dma semaphore(%run_scoped3A : memref<!tpu.dma_semaphore, #tpu.memory_space<semaphore_mem>>) src(%arg12 : memref<128x64xf32, #tpu.memory_space<vmem>>) dst(%dma_wait3A_643 : memref<10112x64xf32, #tpu.memory_space<vmem_shared>>)
        tpu.yield
      }) : () -> ()
      %dma_start3A_622 = arith.constant 0 : i32
      %dma_start3A_623 = tpu.memref_slice %arg9[%add3A_609, %dma_start3A_622] : memref<79x128xi32, #tpu.memory_space<vmem>> -> memref<1x128xi32, #tpu.memory_space<vmem>>
      %dma_start3A_624 = tpu.memref_squeeze %dma_start3A_623 : memref<1x128xi32, #tpu.memory_space<vmem>> -> memref<128xi32, #tpu.memory_space<vmem>>
      %dma_start3A_625 = arith.constant 0 : i32
      %dma_start3A_626 = tpu.memref_slice %arg16[%dma_start3A_625] : memref<10112xf32, #tpu.memory_space<vmem_shared>> -> memref<10112xf32, #tpu.memory_space<vmem_shared>>
      tpu.enqueue_indirect_dma source(%arg17 : memref<128xf32, #tpu.memory_space<vmem>>) target(%dma_start3A_626 : memref<10112xf32, #tpu.memory_space<vmem_shared>>) offsets(%dma_start3A_624 : memref<128xi32, #tpu.memory_space<vmem>>) semaphore(%arg19 : memref<!tpu.dma_semaphore, #tpu.memory_space<semaphore_mem>>) {add = true}
      %ge3A_627 = arith.constant 2 : i32
      %ge3A_628 = arith.cmpi sge, %scan3A_551, %ge3A_627 : i32
      %convert_element_type3A_629 = arith.extui %ge3A_628 : i1 to i32
      %cond3A_630 = arith.constant 0 : i32
      %cond3A_631 = arith.cmpi ne, %convert_element_type3A_629, %cond3A_630 : i32
      scf.if %cond3A_631 {
        %dma_wait3A_632 = arith.constant 0 : i32
        %dma_wait3A_633 = arith.constant 0 : i32
        %dma_wait3A_634 = tpu.memref_slice %arg9[%dma_wait3A_632, %dma_wait3A_633] : memref<79x128xi32, #tpu.memory_space<vmem>> -> memref<1x128xi32, #tpu.memory_space<vmem>>
        %dma_wait3A_635 = tpu.memref_squeeze %dma_wait3A_634 : memref<1x128xi32, #tpu.memory_space<vmem>> -> memref<128xi32, #tpu.memory_space<vmem>>
        %dma_wait3A_636 = arith.constant 0 : i32
        %dma_wait3A_637 = tpu.memref_slice %arg16[%dma_wait3A_636] : memref<10112xf32, #tpu.memory_space<vmem_shared>> -> memref<10112xf32, #tpu.memory_space<vmem_shared>>
        tpu.wait_indirect_dma semaphore(%arg19 : memref<!tpu.dma_semaphore, #tpu.memory_space<semaphore_mem>>) src(%arg17 : memref<128xf32, #tpu.memory_space<vmem>>) dst(%dma_wait3A_637 : memref<10112xf32, #tpu.memory_space<vmem_shared>>)
      } else {
      }
    }
    %scan3A_488 = arith.constant 26 : i32
    %dma_wait3A_489 = arith.constant 0 : i32
    %dma_wait3A_490 = arith.constant 0 : i32
    %dma_wait3A_491 = tpu.memref_slice %arg9[%dma_wait3A_489, %dma_wait3A_490] : memref<79x128xi32, #tpu.memory_space<vmem>> -> memref<1x128xi32, #tpu.memory_space<vmem>>
    %dma_wait3A_492 = tpu.memref_squeeze %dma_wait3A_491 : memref<1x128xi32, #tpu.memory_space<vmem>> -> memref<128xi32, #tpu.memory_space<vmem>>
    %dma_wait3A_493 = arith.constant 0 : i32
    %dma_wait3A_494 = tpu.memref_slice %arg16[%dma_wait3A_493] : memref<10112xf32, #tpu.memory_space<vmem_shared>> -> memref<10112xf32, #tpu.memory_space<vmem_shared>>
    tpu.wait_indirect_dma semaphore(%arg19 : memref<!tpu.dma_semaphore, #tpu.memory_space<semaphore_mem>>) src(%arg17 : memref<128xf32, #tpu.memory_space<vmem>>) dst(%dma_wait3A_494 : memref<10112xf32, #tpu.memory_space<vmem_shared>>)
    %dma_wait3A_495 = arith.constant 0 : i32
    %dma_wait3A_496 = arith.constant 0 : i32
    %dma_wait3A_497 = tpu.memref_slice %arg9[%dma_wait3A_495, %dma_wait3A_496] : memref<79x128xi32, #tpu.memory_space<vmem>> -> memref<1x128xi32, #tpu.memory_space<vmem>>
    %dma_wait3A_498 = tpu.memref_squeeze %dma_wait3A_497 : memref<1x128xi32, #tpu.memory_space<vmem>> -> memref<128xi32, #tpu.memory_space<vmem>>
    %dma_wait3A_499 = arith.constant 0 : i32
    %dma_wait3A_500 = tpu.memref_slice %arg16[%dma_wait3A_499] : memref<10112xf32, #tpu.memory_space<vmem_shared>> -> memref<10112xf32, #tpu.memory_space<vmem_shared>>
    tpu.wait_indirect_dma semaphore(%arg19 : memref<!tpu.dma_semaphore, #tpu.memory_space<semaphore_mem>>) src(%arg17 : memref<128xf32, #tpu.memory_space<vmem>>) dst(%dma_wait3A_500 : memref<10112xf32, #tpu.memory_space<vmem_shared>>)
    %dma_wait3A_501 = arith.constant 0 : i32
    %dma_wait3A_502 = arith.constant 0 : i32
    %dma_wait3A_503 = tpu.memref_slice %arg9[%dma_wait3A_501, %dma_wait3A_502] : memref<79x128xi32, #tpu.memory_space<vmem>> -> memref<1x128xi32, #tpu.memory_space<vmem>>
    %dma_wait3A_504 = tpu.memref_squeeze %dma_wait3A_503 : memref<1x128xi32, #tpu.memory_space<vmem>> -> memref<128xi32, #tpu.memory_space<vmem>>
    %dma_wait3A_505 = arith.constant 0 : i32
    %dma_wait3A_506 = tpu.memref_slice %arg16[%dma_wait3A_505] : memref<10112xf32, #tpu.memory_space<vmem_shared>> -> memref<10112xf32, #tpu.memory_space<vmem_shared>>
    tpu.wait_indirect_dma semaphore(%arg19 : memref<!tpu.dma_semaphore, #tpu.memory_space<semaphore_mem>>) src(%arg17 : memref<128xf32, #tpu.memory_space<vmem>>) dst(%dma_wait3A_506 : memref<10112xf32, #tpu.memory_space<vmem_shared>>)
    %dma_wait3A_507 = arith.constant 0 : i32
    %dma_wait3A_508 = arith.constant 0 : i32
    %dma_wait3A_509 = tpu.memref_slice %arg9[%dma_wait3A_507, %dma_wait3A_508] : memref<79x128xi32, #tpu.memory_space<vmem>> -> memref<1x128xi32, #tpu.memory_space<vmem>>
    %dma_wait3A_510 = tpu.memref_squeeze %dma_wait3A_509 : memref<1x128xi32, #tpu.memory_space<vmem>> -> memref<128xi32, #tpu.memory_space<vmem>>
    %dma_wait3A_511 = arith.constant 0 : i32
    %dma_wait3A_512 = tpu.memref_slice %arg16[%dma_wait3A_511] : memref<10112xf32, #tpu.memory_space<vmem_shared>> -> memref<10112xf32, #tpu.memory_space<vmem_shared>>
    tpu.wait_indirect_dma semaphore(%arg19 : memref<!tpu.dma_semaphore, #tpu.memory_space<semaphore_mem>>) src(%arg17 : memref<128xf32, #tpu.memory_space<vmem>>) dst(%dma_wait3A_512 : memref<10112xf32, #tpu.memory_space<vmem_shared>>)
    %dma_wait3A_513 = arith.constant 0 : i32
    %dma_wait3A_514 = arith.constant 0 : i32
    %dma_wait3A_515 = tpu.memref_slice %arg9[%dma_wait3A_513, %dma_wait3A_514] : memref<79x128xi32, #tpu.memory_space<vmem>> -> memref<1x128xi32, #tpu.memory_space<vmem>>
    %dma_wait3A_516 = tpu.memref_squeeze %dma_wait3A_515 : memref<1x128xi32, #tpu.memory_space<vmem>> -> memref<128xi32, #tpu.memory_space<vmem>>
    %dma_wait3A_517 = arith.constant 0 : i32
    %dma_wait3A_518 = tpu.memref_slice %arg16[%dma_wait3A_517] : memref<10112xf32, #tpu.memory_space<vmem_shared>> -> memref<10112xf32, #tpu.memory_space<vmem_shared>>
    tpu.wait_indirect_dma semaphore(%arg19 : memref<!tpu.dma_semaphore, #tpu.memory_space<semaphore_mem>>) src(%arg17 : memref<128xf32, #tpu.memory_space<vmem>>) dst(%dma_wait3A_518 : memref<10112xf32, #tpu.memory_space<vmem_shared>>)
    %dma_wait3A_519 = arith.constant 0 : i32
    %dma_wait3A_520 = arith.constant 0 : i32
    %dma_wait3A_521 = tpu.memref_slice %arg9[%dma_wait3A_519, %dma_wait3A_520] : memref<79x128xi32, #tpu.memory_space<vmem>> -> memref<1x128xi32, #tpu.memory_space<vmem>>
    %dma_wait3A_522 = tpu.memref_squeeze %dma_wait3A_521 : memref<1x128xi32, #tpu.memory_space<vmem>> -> memref<128xi32, #tpu.memory_space<vmem>>
    %dma_wait3A_523 = arith.constant 0 : i32
    %dma_wait3A_524 = tpu.memref_slice %arg16[%dma_wait3A_523] : memref<10112xf32, #tpu.memory_space<vmem_shared>> -> memref<10112xf32, #tpu.memory_space<vmem_shared>>
    tpu.wait_indirect_dma semaphore(%arg19 : memref<!tpu.dma_semaphore, #tpu.memory_space<semaphore_mem>>) src(%arg17 : memref<128xf32, #tpu.memory_space<vmem>>) dst(%dma_wait3A_524 : memref<10112xf32, #tpu.memory_space<vmem_shared>>)
    %lt3A = arith.constant 4 : i32
    %lt3A_525 = arith.cmpi slt, %add3A, %lt3A : i32
    %convert_element_type3A = arith.extui %lt3A_525 : i1 to i32
    %cond3A = arith.constant 0 : i32
    %cond3A_526 = arith.cmpi ne, %convert_element_type3A, %cond3A : i32
    scf.if %cond3A_526 {
      %run_scoped3A = arith.constant 78 : i32
      "tpu.region"() ({
        %run_scoped3A_553 = tpu.sem_alloc : memref<!tpu.dma_semaphore, #tpu.memory_space<semaphore_mem>>
        %dma_start3A_554 = arith.constant 0 : i32
        %dma_start3A_555 = tpu.memref_slice %arg8[%run_scoped3A, %dma_start3A_554] : memref<79x128xi32, #tpu.memory_space<vmem>> -> memref<1x128xi32, #tpu.memory_space<vmem>>
        %dma_start3A_556 = tpu.memref_squeeze %dma_start3A_555 : memref<1x128xi32, #tpu.memory_space<vmem>> -> memref<128xi32, #tpu.memory_space<vmem>>
        %dma_start3A_557 = arith.constant 0 : i32
        %dma_start3A_558 = arith.constant 0 : i32
        %dma_start3A_559 = tpu.memref_slice %arg6[%dma_start3A_557, %dma_start3A_558] : memref<10112x64xf32, #tpu.memory_space<vmem_shared>> -> memref<10112x64xf32, #tpu.memory_space<vmem_shared>>
        tpu.enqueue_indirect_dma source(%dma_start3A_559 : memref<10112x64xf32, #tpu.memory_space<vmem_shared>>) target(%arg10 : memref<128x64xf32, #tpu.memory_space<vmem>>) offsets(%dma_start3A_556 : memref<128xi32, #tpu.memory_space<vmem>>) semaphore(%run_scoped3A_553 : memref<!tpu.dma_semaphore, #tpu.memory_space<semaphore_mem>>)
        %dma_wait3A_560 = arith.constant 0 : i32
        %dma_wait3A_561 = tpu.memref_slice %arg8[%run_scoped3A, %dma_wait3A_560] : memref<79x128xi32, #tpu.memory_space<vmem>> -> memref<1x128xi32, #tpu.memory_space<vmem>>
        %dma_wait3A_562 = tpu.memref_squeeze %dma_wait3A_561 : memref<1x128xi32, #tpu.memory_space<vmem>> -> memref<128xi32, #tpu.memory_space<vmem>>
        %dma_wait3A_563 = arith.constant 0 : i32
        %dma_wait3A_564 = arith.constant 0 : i32
        %dma_wait3A_565 = tpu.memref_slice %arg6[%dma_wait3A_563, %dma_wait3A_564] : memref<10112x64xf32, #tpu.memory_space<vmem_shared>> -> memref<10112x64xf32, #tpu.memory_space<vmem_shared>>
        tpu.wait_indirect_dma semaphore(%run_scoped3A_553 : memref<!tpu.dma_semaphore, #tpu.memory_space<semaphore_mem>>) src(%dma_wait3A_565 : memref<10112x64xf32, #tpu.memory_space<vmem_shared>>) dst(%arg10 : memref<128x64xf32, #tpu.memory_space<vmem>>)
        tpu.yield
      }) : () -> ()
      %run_scoped3A_551 = arith.constant 78 : i32
      "tpu.region"() ({
        %run_scoped3A_553 = tpu.sem_alloc : memref<!tpu.dma_semaphore, #tpu.memory_space<semaphore_mem>>
        %dma_start3A_554 = arith.constant 0 : i32
        %dma_start3A_555 = tpu.memref_slice %arg9[%run_scoped3A_551, %dma_start3A_554] : memref<79x128xi32, #tpu.memory_space<vmem>> -> memref<1x128xi32, #tpu.memory_space<vmem>>
        %dma_start3A_556 = tpu.memref_squeeze %dma_start3A_555 : memref<1x128xi32, #tpu.memory_space<vmem>> -> memref<128xi32, #tpu.memory_space<vmem>>
        %dma_start3A_557 = arith.constant 0 : i32
        %dma_start3A_558 = arith.constant 0 : i32
        %dma_start3A_559 = tpu.memref_slice %arg7[%dma_start3A_557, %dma_start3A_558] : memref<10112x64xf32, #tpu.memory_space<vmem_shared>> -> memref<10112x64xf32, #tpu.memory_space<vmem_shared>>
        tpu.enqueue_indirect_dma source(%arg10 : memref<128x64xf32, #tpu.memory_space<vmem>>) target(%dma_start3A_559 : memref<10112x64xf32, #tpu.memory_space<vmem_shared>>) offsets(%dma_start3A_556 : memref<128xi32, #tpu.memory_space<vmem>>) semaphore(%run_scoped3A_553 : memref<!tpu.dma_semaphore, #tpu.memory_space<semaphore_mem>>) {add = true}
        %dma_wait3A_560 = arith.constant 0 : i32
        %dma_wait3A_561 = tpu.memref_slice %arg9[%run_scoped3A_551, %dma_wait3A_560] : memref<79x128xi32, #tpu.memory_space<vmem>> -> memref<1x128xi32, #tpu.memory_space<vmem>>
        %dma_wait3A_562 = tpu.memref_squeeze %dma_wait3A_561 : memref<1x128xi32, #tpu.memory_space<vmem>> -> memref<128xi32, #tpu.memory_space<vmem>>
        %dma_wait3A_563 = arith.constant 0 : i32
        %dma_wait3A_564 = arith.constant 0 : i32
        %dma_wait3A_565 = tpu.memref_slice %arg7[%dma_wait3A_563, %dma_wait3A_564] : memref<10112x64xf32, #tpu.memory_space<vmem_shared>> -> memref<10112x64xf32, #tpu.memory_space<vmem_shared>>
        tpu.wait_indirect_dma semaphore(%run_scoped3A_553 : memref<!tpu.dma_semaphore, #tpu.memory_space<semaphore_mem>>) src(%arg10 : memref<128x64xf32, #tpu.memory_space<vmem>>) dst(%dma_wait3A_565 : memref<10112x64xf32, #tpu.memory_space<vmem_shared>>)
        tpu.yield
      }) : () -> ()
      %run_scoped3A_552 = arith.constant 78 : i32
      "tpu.region"() ({
        %run_scoped3A_553 = tpu.sem_alloc : memref<!tpu.dma_semaphore, #tpu.memory_space<semaphore_mem>>
        %dma_start3A_554 = arith.constant 0 : i32
        %dma_start3A_555 = tpu.memref_slice %arg9[%run_scoped3A_552, %dma_start3A_554] : memref<79x128xi32, #tpu.memory_space<vmem>> -> memref<1x128xi32, #tpu.memory_space<vmem>>
        %dma_start3A_556 = tpu.memref_squeeze %dma_start3A_555 : memref<1x128xi32, #tpu.memory_space<vmem>> -> memref<128xi32, #tpu.memory_space<vmem>>
        %dma_start3A_557 = arith.constant 0 : i32
        %dma_start3A_558 = tpu.memref_slice %arg16[%dma_start3A_557] : memref<10112xf32, #tpu.memory_space<vmem_shared>> -> memref<10112xf32, #tpu.memory_space<vmem_shared>>
        tpu.enqueue_indirect_dma source(%arg17 : memref<128xf32, #tpu.memory_space<vmem>>) target(%dma_start3A_558 : memref<10112xf32, #tpu.memory_space<vmem_shared>>) offsets(%dma_start3A_556 : memref<128xi32, #tpu.memory_space<vmem>>) semaphore(%run_scoped3A_553 : memref<!tpu.dma_semaphore, #tpu.memory_space<semaphore_mem>>) {add = true}
        %dma_wait3A_559 = arith.constant 0 : i32
        %dma_wait3A_560 = tpu.memref_slice %arg9[%run_scoped3A_552, %dma_wait3A_559] : memref<79x128xi32, #tpu.memory_space<vmem>> -> memref<1x128xi32, #tpu.memory_space<vmem>>
        %dma_wait3A_561 = tpu.memref_squeeze %dma_wait3A_560 : memref<1x128xi32, #tpu.memory_space<vmem>> -> memref<128xi32, #tpu.memory_space<vmem>>
        %dma_wait3A_562 = arith.constant 0 : i32
        %dma_wait3A_563 = tpu.memref_slice %arg16[%dma_wait3A_562] : memref<10112xf32, #tpu.memory_space<vmem_shared>> -> memref<10112xf32, #tpu.memory_space<vmem_shared>>
        tpu.wait_indirect_dma semaphore(%run_scoped3A_553 : memref<!tpu.dma_semaphore, #tpu.memory_space<semaphore_mem>>) src(%arg17 : memref<128xf32, #tpu.memory_space<vmem>>) dst(%dma_wait3A_563 : memref<10112xf32, #tpu.memory_space<vmem_shared>>)
        tpu.yield
      }) : () -> ()
    } else {
    }
    %barrier3A_527 = arith.constant 0 : index
    tpu.barrier barrier_id(%barrier3A_527)
    %add3A_528 = arith.constant 0 : i32
    %add3A_529 = arith.addi %mul3A_2, %add3A_528 : i32
    "tpu.region"() ({
      %run_scoped3A = tpu.sem_alloc : memref<!tpu.dma_semaphore, #tpu.memory_space<semaphore_mem>>
      %dma_start3A_551 = arith.constant 0 : i32
      %dma_start3A_552 = arith.constant 0 : i32
      %dma_start3A_553 = tpu.memref_slice %arg10[%dma_start3A_551, %dma_start3A_552] : memref<128x64xf32, #tpu.memory_space<vmem>> -> memref<128x64xf32, #tpu.memory_space<vmem>>
      %dma_start3A_554 = arith.constant 0 : i32
      %dma_start3A_555 = tpu.memref_slice %arg7[%add3A_529, %dma_start3A_554] : memref<10112x64xf32, #tpu.memory_space<vmem_shared>> -> memref<128x64xf32, #tpu.memory_space<vmem_shared>>
      %dma_start3A_556 = arith.constant 0 : i32
      %dma_start3A_557 = arith.constant 0 : i32
      %dma_start3A_558 = tpu.memref_slice %arg10[%dma_start3A_556, %dma_start3A_557] : memref<128x64xf32, #tpu.memory_space<vmem>> -> memref<128x64xf32, #tpu.memory_space<vmem>>
      %dma_start3A_559 = arith.constant 0 : i32
      %dma_start3A_560 = tpu.memref_slice %arg7[%add3A_529, %dma_start3A_559] : memref<10112x64xf32, #tpu.memory_space<vmem_shared>> -> memref<128x64xf32, #tpu.memory_space<vmem_shared>>
      tpu.enqueue_dma source(%dma_start3A_560 : memref<128x64xf32, #tpu.memory_space<vmem_shared>>) target(%dma_start3A_558 : memref<128x64xf32, #tpu.memory_space<vmem>>) target_semaphore(%run_scoped3A : memref<!tpu.dma_semaphore, #tpu.memory_space<semaphore_mem>>)
      %dma_wait3A_561 = arith.constant 0 : i32
      %dma_wait3A_562 = arith.constant 0 : i32
      %dma_wait3A_563 = tpu.memref_slice %arg10[%dma_wait3A_561, %dma_wait3A_562] : memref<128x64xf32, #tpu.memory_space<vmem>> -> memref<128x64xf32, #tpu.memory_space<vmem>>
      %dma_wait3A_564 = arith.constant 0 : i32
      %dma_wait3A_565 = tpu.memref_slice %arg7[%add3A_529, %dma_wait3A_564] : memref<10112x64xf32, #tpu.memory_space<vmem_shared>> -> memref<128x64xf32, #tpu.memory_space<vmem_shared>>
      %dma_wait3A_566 = arith.constant 0 : i32
      %dma_wait3A_567 = arith.constant 0 : i32
      %dma_wait3A_568 = tpu.memref_slice %arg10[%dma_wait3A_566, %dma_wait3A_567] : memref<128x64xf32, #tpu.memory_space<vmem>> -> memref<128x64xf32, #tpu.memory_space<vmem>>
      %dma_wait3A_569 = arith.constant 0 : i32
      %dma_wait3A_570 = tpu.memref_slice %arg7[%add3A_529, %dma_wait3A_569] : memref<10112x64xf32, #tpu.memory_space<vmem_shared>> -> memref<128x64xf32, #tpu.memory_space<vmem_shared>>
      tpu.wait_dma2 semaphore(%run_scoped3A : memref<!tpu.dma_semaphore, #tpu.memory_space<semaphore_mem>>) src(%dma_wait3A_570 : memref<128x64xf32, #tpu.memory_space<vmem_shared>>) dst(%dma_wait3A_568 : memref<128x64xf32, #tpu.memory_space<vmem>>)
      tpu.yield
    }) : () -> ()
    %add3A_530 = arith.constant 0 : i32
    %add3A_531 = arith.addi %mul3A_2, %add3A_530 : i32
    "tpu.region"() ({
      %run_scoped3A = tpu.sem_alloc : memref<!tpu.dma_semaphore, #tpu.memory_space<semaphore_mem>>
      %dma_start3A_551 = arith.constant 0 : i32
      %dma_start3A_552 = arith.constant 0 : i32
      %dma_start3A_553 = tpu.memref_slice %arg10[%dma_start3A_551, %dma_start3A_552] : memref<128x64xf32, #tpu.memory_space<vmem>> -> memref<128x64xf32, #tpu.memory_space<vmem>>
      %dma_start3A_554 = arith.constant 0 : i32
      %dma_start3A_555 = tpu.memref_slice %arg4[%arg0, %add3A_531, %dma_start3A_554] : memref<2x10112x64xf32, #tpu.memory_space<hbm>> -> memref<1x128x64xf32, #tpu.memory_space<hbm>>
      %dma_start3A_556 = tpu.memref_squeeze %dma_start3A_555 : memref<1x128x64xf32, #tpu.memory_space<hbm>> -> memref<128x64xf32, #tpu.memory_space<hbm>>
      %dma_start3A_557 = arith.constant 0 : i32
      %dma_start3A_558 = tpu.memref_slice %arg4[%arg0, %add3A_531, %dma_start3A_557] : memref<2x10112x64xf32, #tpu.memory_space<hbm>> -> memref<1x128x64xf32, #tpu.memory_space<hbm>>
      %dma_start3A_559 = tpu.memref_squeeze %dma_start3A_558 : memref<1x128x64xf32, #tpu.memory_space<hbm>> -> memref<128x64xf32, #tpu.memory_space<hbm>>
      %dma_start3A_560 = arith.constant 0 : i32
      %dma_start3A_561 = arith.constant 0 : i32
      %dma_start3A_562 = tpu.memref_slice %arg10[%dma_start3A_560, %dma_start3A_561] : memref<128x64xf32, #tpu.memory_space<vmem>> -> memref<128x64xf32, #tpu.memory_space<vmem>>
      tpu.enqueue_dma source(%dma_start3A_562 : memref<128x64xf32, #tpu.memory_space<vmem>>) target(%dma_start3A_559 : memref<128x64xf32, #tpu.memory_space<hbm>>) target_semaphore(%run_scoped3A : memref<!tpu.dma_semaphore, #tpu.memory_space<semaphore_mem>>)
      %dma_wait3A_563 = arith.constant 0 : i32
      %dma_wait3A_564 = arith.constant 0 : i32
      %dma_wait3A_565 = tpu.memref_slice %arg10[%dma_wait3A_563, %dma_wait3A_564] : memref<128x64xf32, #tpu.memory_space<vmem>> -> memref<128x64xf32, #tpu.memory_space<vmem>>
      %dma_wait3A_566 = arith.constant 0 : i32
      %dma_wait3A_567 = tpu.memref_slice %arg4[%arg0, %add3A_531, %dma_wait3A_566] : memref<2x10112x64xf32, #tpu.memory_space<hbm>> -> memref<1x128x64xf32, #tpu.memory_space<hbm>>
      %dma_wait3A_568 = tpu.memref_squeeze %dma_wait3A_567 : memref<1x128x64xf32, #tpu.memory_space<hbm>> -> memref<128x64xf32, #tpu.memory_space<hbm>>
      %dma_wait3A_569 = arith.constant 0 : i32
      %dma_wait3A_570 = tpu.memref_slice %arg4[%arg0, %add3A_531, %dma_wait3A_569] : memref<2x10112x64xf32, #tpu.memory_space<hbm>> -> memref<1x128x64xf32, #tpu.memory_space<hbm>>
      %dma_wait3A_571 = tpu.memref_squeeze %dma_wait3A_570 : memref<1x128x64xf32, #tpu.memory_space<hbm>> -> memref<128x64xf32, #tpu.memory_space<hbm>>
      %dma_wait3A_572 = arith.constant 0 : i32
      %dma_wait3A_573 = arith.constant 0 : i32
      %dma_wait3A_574 = tpu.memref_slice %arg10[%dma_wait3A_572, %dma_wait3A_573] : memref<128x64xf32, #tpu.memory_space<vmem>> -> memref<128x64xf32, #tpu.memory_space<vmem>>
      tpu.wait_dma2 semaphore(%run_scoped3A : memref<!tpu.dma_semaphore, #tpu.memory_space<semaphore_mem>>) src(%dma_wait3A_574 : memref<128x64xf32, #tpu.memory_space<vmem>>) dst(%dma_wait3A_571 : memref<128x64xf32, #tpu.memory_space<hbm>>)
      tpu.yield
    }) : () -> ()
    %add3A_532 = arith.constant 128 : i32
    %add3A_533 = arith.addi %mul3A_2, %add3A_532 : i32
    "tpu.region"() ({
      %run_scoped3A = tpu.sem_alloc : memref<!tpu.dma_semaphore, #tpu.memory_space<semaphore_mem>>
      %dma_start3A_551 = arith.constant 0 : i32
      %dma_start3A_552 = arith.constant 0 : i32
      %dma_start3A_553 = tpu.memref_slice %arg10[%dma_start3A_551, %dma_start3A_552] : memref<128x64xf32, #tpu.memory_space<vmem>> -> memref<128x64xf32, #tpu.memory_space<vmem>>
      %dma_start3A_554 = arith.constant 0 : i32
      %dma_start3A_555 = tpu.memref_slice %arg7[%add3A_533, %dma_start3A_554] : memref<10112x64xf32, #tpu.memory_space<vmem_shared>> -> memref<128x64xf32, #tpu.memory_space<vmem_shared>>
      %dma_start3A_556 = arith.constant 0 : i32
      %dma_start3A_557 = arith.constant 0 : i32
      %dma_start3A_558 = tpu.memref_slice %arg10[%dma_start3A_556, %dma_start3A_557] : memref<128x64xf32, #tpu.memory_space<vmem>> -> memref<128x64xf32, #tpu.memory_space<vmem>>
      %dma_start3A_559 = arith.constant 0 : i32
      %dma_start3A_560 = tpu.memref_slice %arg7[%add3A_533, %dma_start3A_559] : memref<10112x64xf32, #tpu.memory_space<vmem_shared>> -> memref<128x64xf32, #tpu.memory_space<vmem_shared>>
      tpu.enqueue_dma source(%dma_start3A_560 : memref<128x64xf32, #tpu.memory_space<vmem_shared>>) target(%dma_start3A_558 : memref<128x64xf32, #tpu.memory_space<vmem>>) target_semaphore(%run_scoped3A : memref<!tpu.dma_semaphore, #tpu.memory_space<semaphore_mem>>)
      %dma_wait3A_561 = arith.constant 0 : i32
      %dma_wait3A_562 = arith.constant 0 : i32
      %dma_wait3A_563 = tpu.memref_slice %arg10[%dma_wait3A_561, %dma_wait3A_562] : memref<128x64xf32, #tpu.memory_space<vmem>> -> memref<128x64xf32, #tpu.memory_space<vmem>>
      %dma_wait3A_564 = arith.constant 0 : i32
      %dma_wait3A_565 = tpu.memref_slice %arg7[%add3A_533, %dma_wait3A_564] : memref<10112x64xf32, #tpu.memory_space<vmem_shared>> -> memref<128x64xf32, #tpu.memory_space<vmem_shared>>
      %dma_wait3A_566 = arith.constant 0 : i32
      %dma_wait3A_567 = arith.constant 0 : i32
      %dma_wait3A_568 = tpu.memref_slice %arg10[%dma_wait3A_566, %dma_wait3A_567] : memref<128x64xf32, #tpu.memory_space<vmem>> -> memref<128x64xf32, #tpu.memory_space<vmem>>
      %dma_wait3A_569 = arith.constant 0 : i32
      %dma_wait3A_570 = tpu.memref_slice %arg7[%add3A_533, %dma_wait3A_569] : memref<10112x64xf32, #tpu.memory_space<vmem_shared>> -> memref<128x64xf32, #tpu.memory_space<vmem_shared>>
      tpu.wait_dma2 semaphore(%run_scoped3A : memref<!tpu.dma_semaphore, #tpu.memory_space<semaphore_mem>>) src(%dma_wait3A_570 : memref<128x64xf32, #tpu.memory_space<vmem_shared>>) dst(%dma_wait3A_568 : memref<128x64xf32, #tpu.memory_space<vmem>>)
      tpu.yield
    }) : () -> ()
    %add3A_534 = arith.constant 128 : i32
    %add3A_535 = arith.addi %mul3A_2, %add3A_534 : i32
    "tpu.region"() ({
      %run_scoped3A = tpu.sem_alloc : memref<!tpu.dma_semaphore, #tpu.memory_space<semaphore_mem>>
      %dma_start3A_551 = arith.constant 0 : i32
      %dma_start3A_552 = arith.constant 0 : i32
      %dma_start3A_553 = tpu.memref_slice %arg10[%dma_start3A_551, %dma_start3A_552] : memref<128x64xf32, #tpu.memory_space<vmem>> -> memref<128x64xf32, #tpu.memory_space<vmem>>
      %dma_start3A_554 = arith.constant 0 : i32
      %dma_start3A_555 = tpu.memref_slice %arg4[%arg0, %add3A_535, %dma_start3A_554] : memref<2x10112x64xf32, #tpu.memory_space<hbm>> -> memref<1x128x64xf32, #tpu.memory_space<hbm>>
      %dma_start3A_556 = tpu.memref_squeeze %dma_start3A_555 : memref<1x128x64xf32, #tpu.memory_space<hbm>> -> memref<128x64xf32, #tpu.memory_space<hbm>>
      %dma_start3A_557 = arith.constant 0 : i32
      %dma_start3A_558 = tpu.memref_slice %arg4[%arg0, %add3A_535, %dma_start3A_557] : memref<2x10112x64xf32, #tpu.memory_space<hbm>> -> memref<1x128x64xf32, #tpu.memory_space<hbm>>
      %dma_start3A_559 = tpu.memref_squeeze %dma_start3A_558 : memref<1x128x64xf32, #tpu.memory_space<hbm>> -> memref<128x64xf32, #tpu.memory_space<hbm>>
      %dma_start3A_560 = arith.constant 0 : i32
      %dma_start3A_561 = arith.constant 0 : i32
      %dma_start3A_562 = tpu.memref_slice %arg10[%dma_start3A_560, %dma_start3A_561] : memref<128x64xf32, #tpu.memory_space<vmem>> -> memref<128x64xf32, #tpu.memory_space<vmem>>
      tpu.enqueue_dma source(%dma_start3A_562 : memref<128x64xf32, #tpu.memory_space<vmem>>) target(%dma_start3A_559 : memref<128x64xf32, #tpu.memory_space<hbm>>) target_semaphore(%run_scoped3A : memref<!tpu.dma_semaphore, #tpu.memory_space<semaphore_mem>>)
      %dma_wait3A_563 = arith.constant 0 : i32
      %dma_wait3A_564 = arith.constant 0 : i32
      %dma_wait3A_565 = tpu.memref_slice %arg10[%dma_wait3A_563, %dma_wait3A_564] : memref<128x64xf32, #tpu.memory_space<vmem>> -> memref<128x64xf32, #tpu.memory_space<vmem>>
      %dma_wait3A_566 = arith.constant 0 : i32
      %dma_wait3A_567 = tpu.memref_slice %arg4[%arg0, %add3A_535, %dma_wait3A_566] : memref<2x10112x64xf32, #tpu.memory_space<hbm>> -> memref<1x128x64xf32, #tpu.memory_space<hbm>>
      %dma_wait3A_568 = tpu.memref_squeeze %dma_wait3A_567 : memref<1x128x64xf32, #tpu.memory_space<hbm>> -> memref<128x64xf32, #tpu.memory_space<hbm>>
      %dma_wait3A_569 = arith.constant 0 : i32
      %dma_wait3A_570 = tpu.memref_slice %arg4[%arg0, %add3A_535, %dma_wait3A_569] : memref<2x10112x64xf32, #tpu.memory_space<hbm>> -> memref<1x128x64xf32, #tpu.memory_space<hbm>>
      %dma_wait3A_571 = tpu.memref_squeeze %dma_wait3A_570 : memref<1x128x64xf32, #tpu.memory_space<hbm>> -> memref<128x64xf32, #tpu.memory_space<hbm>>
      %dma_wait3A_572 = arith.constant 0 : i32
      %dma_wait3A_573 = arith.constant 0 : i32
      %dma_wait3A_574 = tpu.memref_slice %arg10[%dma_wait3A_572, %dma_wait3A_573] : memref<128x64xf32, #tpu.memory_space<vmem>> -> memref<128x64xf32, #tpu.memory_space<vmem>>
      tpu.wait_dma2 semaphore(%run_scoped3A : memref<!tpu.dma_semaphore, #tpu.memory_space<semaphore_mem>>) src(%dma_wait3A_574 : memref<128x64xf32, #tpu.memory_space<vmem>>) dst(%dma_wait3A_571 : memref<128x64xf32, #tpu.memory_space<hbm>>)
      tpu.yield
    }) : () -> ()
    %add3A_536 = arith.constant 256 : i32
    %add3A_537 = arith.addi %mul3A_2, %add3A_536 : i32
    "tpu.region"() ({
      %run_scoped3A = tpu.sem_alloc : memref<!tpu.dma_semaphore, #tpu.memory_space<semaphore_mem>>
      %dma_start3A_551 = arith.constant 0 : i32
      %dma_start3A_552 = arith.constant 0 : i32
      %dma_start3A_553 = tpu.memref_slice %arg10[%dma_start3A_551, %dma_start3A_552] : memref<128x64xf32, #tpu.memory_space<vmem>> -> memref<128x64xf32, #tpu.memory_space<vmem>>
      %dma_start3A_554 = arith.constant 0 : i32
      %dma_start3A_555 = tpu.memref_slice %arg7[%add3A_537, %dma_start3A_554] : memref<10112x64xf32, #tpu.memory_space<vmem_shared>> -> memref<128x64xf32, #tpu.memory_space<vmem_shared>>
      %dma_start3A_556 = arith.constant 0 : i32
      %dma_start3A_557 = arith.constant 0 : i32
      %dma_start3A_558 = tpu.memref_slice %arg10[%dma_start3A_556, %dma_start3A_557] : memref<128x64xf32, #tpu.memory_space<vmem>> -> memref<128x64xf32, #tpu.memory_space<vmem>>
      %dma_start3A_559 = arith.constant 0 : i32
      %dma_start3A_560 = tpu.memref_slice %arg7[%add3A_537, %dma_start3A_559] : memref<10112x64xf32, #tpu.memory_space<vmem_shared>> -> memref<128x64xf32, #tpu.memory_space<vmem_shared>>
      tpu.enqueue_dma source(%dma_start3A_560 : memref<128x64xf32, #tpu.memory_space<vmem_shared>>) target(%dma_start3A_558 : memref<128x64xf32, #tpu.memory_space<vmem>>) target_semaphore(%run_scoped3A : memref<!tpu.dma_semaphore, #tpu.memory_space<semaphore_mem>>)
      %dma_wait3A_561 = arith.constant 0 : i32
      %dma_wait3A_562 = arith.constant 0 : i32
      %dma_wait3A_563 = tpu.memref_slice %arg10[%dma_wait3A_561, %dma_wait3A_562] : memref<128x64xf32, #tpu.memory_space<vmem>> -> memref<128x64xf32, #tpu.memory_space<vmem>>
      %dma_wait3A_564 = arith.constant 0 : i32
      %dma_wait3A_565 = tpu.memref_slice %arg7[%add3A_537, %dma_wait3A_564] : memref<10112x64xf32, #tpu.memory_space<vmem_shared>> -> memref<128x64xf32, #tpu.memory_space<vmem_shared>>
      %dma_wait3A_566 = arith.constant 0 : i32
      %dma_wait3A_567 = arith.constant 0 : i32
      %dma_wait3A_568 = tpu.memref_slice %arg10[%dma_wait3A_566, %dma_wait3A_567] : memref<128x64xf32, #tpu.memory_space<vmem>> -> memref<128x64xf32, #tpu.memory_space<vmem>>
      %dma_wait3A_569 = arith.constant 0 : i32
      %dma_wait3A_570 = tpu.memref_slice %arg7[%add3A_537, %dma_wait3A_569] : memref<10112x64xf32, #tpu.memory_space<vmem_shared>> -> memref<128x64xf32, #tpu.memory_space<vmem_shared>>
      tpu.wait_dma2 semaphore(%run_scoped3A : memref<!tpu.dma_semaphore, #tpu.memory_space<semaphore_mem>>) src(%dma_wait3A_570 : memref<128x64xf32, #tpu.memory_space<vmem_shared>>) dst(%dma_wait3A_568 : memref<128x64xf32, #tpu.memory_space<vmem>>)
      tpu.yield
    }) : () -> ()
    %add3A_538 = arith.constant 256 : i32
    %add3A_539 = arith.addi %mul3A_2, %add3A_538 : i32
    "tpu.region"() ({
      %run_scoped3A = tpu.sem_alloc : memref<!tpu.dma_semaphore, #tpu.memory_space<semaphore_mem>>
      %dma_start3A_551 = arith.constant 0 : i32
      %dma_start3A_552 = arith.constant 0 : i32
      %dma_start3A_553 = tpu.memref_slice %arg10[%dma_start3A_551, %dma_start3A_552] : memref<128x64xf32, #tpu.memory_space<vmem>> -> memref<128x64xf32, #tpu.memory_space<vmem>>
      %dma_start3A_554 = arith.constant 0 : i32
      %dma_start3A_555 = tpu.memref_slice %arg4[%arg0, %add3A_539, %dma_start3A_554] : memref<2x10112x64xf32, #tpu.memory_space<hbm>> -> memref<1x128x64xf32, #tpu.memory_space<hbm>>
      %dma_start3A_556 = tpu.memref_squeeze %dma_start3A_555 : memref<1x128x64xf32, #tpu.memory_space<hbm>> -> memref<128x64xf32, #tpu.memory_space<hbm>>
      %dma_start3A_557 = arith.constant 0 : i32
      %dma_start3A_558 = tpu.memref_slice %arg4[%arg0, %add3A_539, %dma_start3A_557] : memref<2x10112x64xf32, #tpu.memory_space<hbm>> -> memref<1x128x64xf32, #tpu.memory_space<hbm>>
      %dma_start3A_559 = tpu.memref_squeeze %dma_start3A_558 : memref<1x128x64xf32, #tpu.memory_space<hbm>> -> memref<128x64xf32, #tpu.memory_space<hbm>>
      %dma_start3A_560 = arith.constant 0 : i32
      %dma_start3A_561 = arith.constant 0 : i32
      %dma_start3A_562 = tpu.memref_slice %arg10[%dma_start3A_560, %dma_start3A_561] : memref<128x64xf32, #tpu.memory_space<vmem>> -> memref<128x64xf32, #tpu.memory_space<vmem>>
      tpu.enqueue_dma source(%dma_start3A_562 : memref<128x64xf32, #tpu.memory_space<vmem>>) target(%dma_start3A_559 : memref<128x64xf32, #tpu.memory_space<hbm>>) target_semaphore(%run_scoped3A : memref<!tpu.dma_semaphore, #tpu.memory_space<semaphore_mem>>)
      %dma_wait3A_563 = arith.constant 0 : i32
      %dma_wait3A_564 = arith.constant 0 : i32
      %dma_wait3A_565 = tpu.memref_slice %arg10[%dma_wait3A_563, %dma_wait3A_564] : memref<128x64xf32, #tpu.memory_space<vmem>> -> memref<128x64xf32, #tpu.memory_space<vmem>>
      %dma_wait3A_566 = arith.constant 0 : i32
      %dma_wait3A_567 = tpu.memref_slice %arg4[%arg0, %add3A_539, %dma_wait3A_566] : memref<2x10112x64xf32, #tpu.memory_space<hbm>> -> memref<1x128x64xf32, #tpu.memory_space<hbm>>
      %dma_wait3A_568 = tpu.memref_squeeze %dma_wait3A_567 : memref<1x128x64xf32, #tpu.memory_space<hbm>> -> memref<128x64xf32, #tpu.memory_space<hbm>>
      %dma_wait3A_569 = arith.constant 0 : i32
      %dma_wait3A_570 = tpu.memref_slice %arg4[%arg0, %add3A_539, %dma_wait3A_569] : memref<2x10112x64xf32, #tpu.memory_space<hbm>> -> memref<1x128x64xf32, #tpu.memory_space<hbm>>
      %dma_wait3A_571 = tpu.memref_squeeze %dma_wait3A_570 : memref<1x128x64xf32, #tpu.memory_space<hbm>> -> memref<128x64xf32, #tpu.memory_space<hbm>>
      %dma_wait3A_572 = arith.constant 0 : i32
      %dma_wait3A_573 = arith.constant 0 : i32
      %dma_wait3A_574 = tpu.memref_slice %arg10[%dma_wait3A_572, %dma_wait3A_573] : memref<128x64xf32, #tpu.memory_space<vmem>> -> memref<128x64xf32, #tpu.memory_space<vmem>>
      tpu.wait_dma2 semaphore(%run_scoped3A : memref<!tpu.dma_semaphore, #tpu.memory_space<semaphore_mem>>) src(%dma_wait3A_574 : memref<128x64xf32, #tpu.memory_space<vmem>>) dst(%dma_wait3A_571 : memref<128x64xf32, #tpu.memory_space<hbm>>)
      tpu.yield
    }) : () -> ()
    %add3A_540 = arith.constant 384 : i32
    %add3A_541 = arith.addi %mul3A_2, %add3A_540 : i32
    "tpu.region"() ({
      %run_scoped3A = tpu.sem_alloc : memref<!tpu.dma_semaphore, #tpu.memory_space<semaphore_mem>>
      %dma_start3A_551 = arith.constant 0 : i32
      %dma_start3A_552 = arith.constant 0 : i32
      %dma_start3A_553 = tpu.memref_slice %arg10[%dma_start3A_551, %dma_start3A_552] : memref<128x64xf32, #tpu.memory_space<vmem>> -> memref<128x64xf32, #tpu.memory_space<vmem>>
      %dma_start3A_554 = arith.constant 0 : i32
      %dma_start3A_555 = tpu.memref_slice %arg7[%add3A_541, %dma_start3A_554] : memref<10112x64xf32, #tpu.memory_space<vmem_shared>> -> memref<128x64xf32, #tpu.memory_space<vmem_shared>>
      %dma_start3A_556 = arith.constant 0 : i32
      %dma_start3A_557 = arith.constant 0 : i32
      %dma_start3A_558 = tpu.memref_slice %arg10[%dma_start3A_556, %dma_start3A_557] : memref<128x64xf32, #tpu.memory_space<vmem>> -> memref<128x64xf32, #tpu.memory_space<vmem>>
      %dma_start3A_559 = arith.constant 0 : i32
      %dma_start3A_560 = tpu.memref_slice %arg7[%add3A_541, %dma_start3A_559] : memref<10112x64xf32, #tpu.memory_space<vmem_shared>> -> memref<128x64xf32, #tpu.memory_space<vmem_shared>>
      tpu.enqueue_dma source(%dma_start3A_560 : memref<128x64xf32, #tpu.memory_space<vmem_shared>>) target(%dma_start3A_558 : memref<128x64xf32, #tpu.memory_space<vmem>>) target_semaphore(%run_scoped3A : memref<!tpu.dma_semaphore, #tpu.memory_space<semaphore_mem>>)
      %dma_wait3A_561 = arith.constant 0 : i32
      %dma_wait3A_562 = arith.constant 0 : i32
      %dma_wait3A_563 = tpu.memref_slice %arg10[%dma_wait3A_561, %dma_wait3A_562] : memref<128x64xf32, #tpu.memory_space<vmem>> -> memref<128x64xf32, #tpu.memory_space<vmem>>
      %dma_wait3A_564 = arith.constant 0 : i32
      %dma_wait3A_565 = tpu.memref_slice %arg7[%add3A_541, %dma_wait3A_564] : memref<10112x64xf32, #tpu.memory_space<vmem_shared>> -> memref<128x64xf32, #tpu.memory_space<vmem_shared>>
      %dma_wait3A_566 = arith.constant 0 : i32
      %dma_wait3A_567 = arith.constant 0 : i32
      %dma_wait3A_568 = tpu.memref_slice %arg10[%dma_wait3A_566, %dma_wait3A_567] : memref<128x64xf32, #tpu.memory_space<vmem>> -> memref<128x64xf32, #tpu.memory_space<vmem>>
      %dma_wait3A_569 = arith.constant 0 : i32
      %dma_wait3A_570 = tpu.memref_slice %arg7[%add3A_541, %dma_wait3A_569] : memref<10112x64xf32, #tpu.memory_space<vmem_shared>> -> memref<128x64xf32, #tpu.memory_space<vmem_shared>>
      tpu.wait_dma2 semaphore(%run_scoped3A : memref<!tpu.dma_semaphore, #tpu.memory_space<semaphore_mem>>) src(%dma_wait3A_570 : memref<128x64xf32, #tpu.memory_space<vmem_shared>>) dst(%dma_wait3A_568 : memref<128x64xf32, #tpu.memory_space<vmem>>)
      tpu.yield
    }) : () -> ()
    %add3A_542 = arith.constant 384 : i32
    %add3A_543 = arith.addi %mul3A_2, %add3A_542 : i32
    "tpu.region"() ({
      %run_scoped3A = tpu.sem_alloc : memref<!tpu.dma_semaphore, #tpu.memory_space<semaphore_mem>>
      %dma_start3A_551 = arith.constant 0 : i32
      %dma_start3A_552 = arith.constant 0 : i32
      %dma_start3A_553 = tpu.memref_slice %arg10[%dma_start3A_551, %dma_start3A_552] : memref<128x64xf32, #tpu.memory_space<vmem>> -> memref<128x64xf32, #tpu.memory_space<vmem>>
      %dma_start3A_554 = arith.constant 0 : i32
      %dma_start3A_555 = tpu.memref_slice %arg4[%arg0, %add3A_543, %dma_start3A_554] : memref<2x10112x64xf32, #tpu.memory_space<hbm>> -> memref<1x128x64xf32, #tpu.memory_space<hbm>>
      %dma_start3A_556 = tpu.memref_squeeze %dma_start3A_555 : memref<1x128x64xf32, #tpu.memory_space<hbm>> -> memref<128x64xf32, #tpu.memory_space<hbm>>
      %dma_start3A_557 = arith.constant 0 : i32
      %dma_start3A_558 = tpu.memref_slice %arg4[%arg0, %add3A_543, %dma_start3A_557] : memref<2x10112x64xf32, #tpu.memory_space<hbm>> -> memref<1x128x64xf32, #tpu.memory_space<hbm>>
      %dma_start3A_559 = tpu.memref_squeeze %dma_start3A_558 : memref<1x128x64xf32, #tpu.memory_space<hbm>> -> memref<128x64xf32, #tpu.memory_space<hbm>>
      %dma_start3A_560 = arith.constant 0 : i32
      %dma_start3A_561 = arith.constant 0 : i32
      %dma_start3A_562 = tpu.memref_slice %arg10[%dma_start3A_560, %dma_start3A_561] : memref<128x64xf32, #tpu.memory_space<vmem>> -> memref<128x64xf32, #tpu.memory_space<vmem>>
      tpu.enqueue_dma source(%dma_start3A_562 : memref<128x64xf32, #tpu.memory_space<vmem>>) target(%dma_start3A_559 : memref<128x64xf32, #tpu.memory_space<hbm>>) target_semaphore(%run_scoped3A : memref<!tpu.dma_semaphore, #tpu.memory_space<semaphore_mem>>)
      %dma_wait3A_563 = arith.constant 0 : i32
      %dma_wait3A_564 = arith.constant 0 : i32
      %dma_wait3A_565 = tpu.memref_slice %arg10[%dma_wait3A_563, %dma_wait3A_564] : memref<128x64xf32, #tpu.memory_space<vmem>> -> memref<128x64xf32, #tpu.memory_space<vmem>>
      %dma_wait3A_566 = arith.constant 0 : i32
      %dma_wait3A_567 = tpu.memref_slice %arg4[%arg0, %add3A_543, %dma_wait3A_566] : memref<2x10112x64xf32, #tpu.memory_space<hbm>> -> memref<1x128x64xf32, #tpu.memory_space<hbm>>
      %dma_wait3A_568 = tpu.memref_squeeze %dma_wait3A_567 : memref<1x128x64xf32, #tpu.memory_space<hbm>> -> memref<128x64xf32, #tpu.memory_space<hbm>>
      %dma_wait3A_569 = arith.constant 0 : i32
      %dma_wait3A_570 = tpu.memref_slice %arg4[%arg0, %add3A_543, %dma_wait3A_569] : memref<2x10112x64xf32, #tpu.memory_space<hbm>> -> memref<1x128x64xf32, #tpu.memory_space<hbm>>
      %dma_wait3A_571 = tpu.memref_squeeze %dma_wait3A_570 : memref<1x128x64xf32, #tpu.memory_space<hbm>> -> memref<128x64xf32, #tpu.memory_space<hbm>>
      %dma_wait3A_572 = arith.constant 0 : i32
      %dma_wait3A_573 = arith.constant 0 : i32
      %dma_wait3A_574 = tpu.memref_slice %arg10[%dma_wait3A_572, %dma_wait3A_573] : memref<128x64xf32, #tpu.memory_space<vmem>> -> memref<128x64xf32, #tpu.memory_space<vmem>>
      tpu.wait_dma2 semaphore(%run_scoped3A : memref<!tpu.dma_semaphore, #tpu.memory_space<semaphore_mem>>) src(%dma_wait3A_574 : memref<128x64xf32, #tpu.memory_space<vmem>>) dst(%dma_wait3A_571 : memref<128x64xf32, #tpu.memory_space<hbm>>)
      tpu.yield
    }) : () -> ()
    %add3A_544 = arith.constant 512 : i32
    %add3A_545 = arith.addi %mul3A_2, %add3A_544 : i32
    "tpu.region"() ({
      %run_scoped3A = tpu.sem_alloc : memref<!tpu.dma_semaphore, #tpu.memory_space<semaphore_mem>>
      %dma_start3A_551 = arith.constant 0 : i32
      %dma_start3A_552 = arith.constant 0 : i32
      %dma_start3A_553 = tpu.memref_slice %arg10[%dma_start3A_551, %dma_start3A_552] : memref<128x64xf32, #tpu.memory_space<vmem>> -> memref<120x64xf32, #tpu.memory_space<vmem>>
      %dma_start3A_554 = arith.constant 0 : i32
      %dma_start3A_555 = tpu.memref_slice %arg7[%add3A_545, %dma_start3A_554] : memref<10112x64xf32, #tpu.memory_space<vmem_shared>> -> memref<120x64xf32, #tpu.memory_space<vmem_shared>>
      %dma_start3A_556 = arith.constant 0 : i32
      %dma_start3A_557 = arith.constant 0 : i32
      %dma_start3A_558 = tpu.memref_slice %arg10[%dma_start3A_556, %dma_start3A_557] : memref<128x64xf32, #tpu.memory_space<vmem>> -> memref<120x64xf32, #tpu.memory_space<vmem>>
      %dma_start3A_559 = arith.constant 0 : i32
      %dma_start3A_560 = tpu.memref_slice %arg7[%add3A_545, %dma_start3A_559] : memref<10112x64xf32, #tpu.memory_space<vmem_shared>> -> memref<120x64xf32, #tpu.memory_space<vmem_shared>>
      tpu.enqueue_dma source(%dma_start3A_560 : memref<120x64xf32, #tpu.memory_space<vmem_shared>>) target(%dma_start3A_558 : memref<120x64xf32, #tpu.memory_space<vmem>>) target_semaphore(%run_scoped3A : memref<!tpu.dma_semaphore, #tpu.memory_space<semaphore_mem>>)
      %dma_wait3A_561 = arith.constant 0 : i32
      %dma_wait3A_562 = arith.constant 0 : i32
      %dma_wait3A_563 = tpu.memref_slice %arg10[%dma_wait3A_561, %dma_wait3A_562] : memref<128x64xf32, #tpu.memory_space<vmem>> -> memref<120x64xf32, #tpu.memory_space<vmem>>
      %dma_wait3A_564 = arith.constant 0 : i32
      %dma_wait3A_565 = tpu.memref_slice %arg7[%add3A_545, %dma_wait3A_564] : memref<10112x64xf32, #tpu.memory_space<vmem_shared>> -> memref<120x64xf32, #tpu.memory_space<vmem_shared>>
      %dma_wait3A_566 = arith.constant 0 : i32
      %dma_wait3A_567 = arith.constant 0 : i32
      %dma_wait3A_568 = tpu.memref_slice %arg10[%dma_wait3A_566, %dma_wait3A_567] : memref<128x64xf32, #tpu.memory_space<vmem>> -> memref<120x64xf32, #tpu.memory_space<vmem>>
      %dma_wait3A_569 = arith.constant 0 : i32
      %dma_wait3A_570 = tpu.memref_slice %arg7[%add3A_545, %dma_wait3A_569] : memref<10112x64xf32, #tpu.memory_space<vmem_shared>> -> memref<120x64xf32, #tpu.memory_space<vmem_shared>>
      tpu.wait_dma2 semaphore(%run_scoped3A : memref<!tpu.dma_semaphore, #tpu.memory_space<semaphore_mem>>) src(%dma_wait3A_570 : memref<120x64xf32, #tpu.memory_space<vmem_shared>>) dst(%dma_wait3A_568 : memref<120x64xf32, #tpu.memory_space<vmem>>)
      tpu.yield
    }) : () -> ()
    %add3A_546 = arith.constant 512 : i32
    %add3A_547 = arith.addi %mul3A_2, %add3A_546 : i32
    "tpu.region"() ({
      %run_scoped3A = tpu.sem_alloc : memref<!tpu.dma_semaphore, #tpu.memory_space<semaphore_mem>>
      %dma_start3A_551 = arith.constant 0 : i32
      %dma_start3A_552 = arith.constant 0 : i32
      %dma_start3A_553 = tpu.memref_slice %arg10[%dma_start3A_551, %dma_start3A_552] : memref<128x64xf32, #tpu.memory_space<vmem>> -> memref<120x64xf32, #tpu.memory_space<vmem>>
      %dma_start3A_554 = arith.constant 0 : i32
      %dma_start3A_555 = tpu.memref_slice %arg4[%arg0, %add3A_547, %dma_start3A_554] : memref<2x10112x64xf32, #tpu.memory_space<hbm>> -> memref<1x120x64xf32, #tpu.memory_space<hbm>>
      %dma_start3A_556 = tpu.memref_squeeze %dma_start3A_555 : memref<1x120x64xf32, #tpu.memory_space<hbm>> -> memref<120x64xf32, #tpu.memory_space<hbm>>
      %dma_start3A_557 = arith.constant 0 : i32
      %dma_start3A_558 = tpu.memref_slice %arg4[%arg0, %add3A_547, %dma_start3A_557] : memref<2x10112x64xf32, #tpu.memory_space<hbm>> -> memref<1x120x64xf32, #tpu.memory_space<hbm>>
      %dma_start3A_559 = tpu.memref_squeeze %dma_start3A_558 : memref<1x120x64xf32, #tpu.memory_space<hbm>> -> memref<120x64xf32, #tpu.memory_space<hbm>>
      %dma_start3A_560 = arith.constant 0 : i32
      %dma_start3A_561 = arith.constant 0 : i32
      %dma_start3A_562 = tpu.memref_slice %arg10[%dma_start3A_560, %dma_start3A_561] : memref<128x64xf32, #tpu.memory_space<vmem>> -> memref<120x64xf32, #tpu.memory_space<vmem>>
      tpu.enqueue_dma source(%dma_start3A_562 : memref<120x64xf32, #tpu.memory_space<vmem>>) target(%dma_start3A_559 : memref<120x64xf32, #tpu.memory_space<hbm>>) target_semaphore(%run_scoped3A : memref<!tpu.dma_semaphore, #tpu.memory_space<semaphore_mem>>)
      %dma_wait3A_563 = arith.constant 0 : i32
      %dma_wait3A_564 = arith.constant 0 : i32
      %dma_wait3A_565 = tpu.memref_slice %arg10[%dma_wait3A_563, %dma_wait3A_564] : memref<128x64xf32, #tpu.memory_space<vmem>> -> memref<120x64xf32, #tpu.memory_space<vmem>>
      %dma_wait3A_566 = arith.constant 0 : i32
      %dma_wait3A_567 = tpu.memref_slice %arg4[%arg0, %add3A_547, %dma_wait3A_566] : memref<2x10112x64xf32, #tpu.memory_space<hbm>> -> memref<1x120x64xf32, #tpu.memory_space<hbm>>
      %dma_wait3A_568 = tpu.memref_squeeze %dma_wait3A_567 : memref<1x120x64xf32, #tpu.memory_space<hbm>> -> memref<120x64xf32, #tpu.memory_space<hbm>>
      %dma_wait3A_569 = arith.constant 0 : i32
      %dma_wait3A_570 = tpu.memref_slice %arg4[%arg0, %add3A_547, %dma_wait3A_569] : memref<2x10112x64xf32, #tpu.memory_space<hbm>> -> memref<1x120x64xf32, #tpu.memory_space<hbm>>
      %dma_wait3A_571 = tpu.memref_squeeze %dma_wait3A_570 : memref<1x120x64xf32, #tpu.memory_space<hbm>> -> memref<120x64xf32, #tpu.memory_space<hbm>>
      %dma_wait3A_572 = arith.constant 0 : i32
      %dma_wait3A_573 = arith.constant 0 : i32
      %dma_wait3A_574 = tpu.memref_slice %arg10[%dma_wait3A_572, %dma_wait3A_573] : memref<128x64xf32, #tpu.memory_space<vmem>> -> memref<120x64xf32, #tpu.memory_space<vmem>>
      tpu.wait_dma2 semaphore(%run_scoped3A : memref<!tpu.dma_semaphore, #tpu.memory_space<semaphore_mem>>) src(%dma_wait3A_574 : memref<120x64xf32, #tpu.memory_space<vmem>>) dst(%dma_wait3A_571 : memref<120x64xf32, #tpu.memory_space<hbm>>)
      tpu.yield
    }) : () -> ()
    "tpu.region"() ({
      %run_scoped3A = tpu.sem_alloc : memref<!tpu.dma_semaphore, #tpu.memory_space<semaphore_mem>>
      %dma_start3A_551 = tpu.memref_slice %arg16[%mul3A_2] : memref<10112xf32, #tpu.memory_space<vmem_shared>> -> memref<632xf32, #tpu.memory_space<vmem_shared>>
      %dma_start3A_552 = tpu.memref_slice %arg16[%mul3A_2] : memref<10112xf32, #tpu.memory_space<vmem_shared>> -> memref<632xf32, #tpu.memory_space<vmem_shared>>
      tpu.enqueue_dma source(%dma_start3A_552 : memref<632xf32, #tpu.memory_space<vmem_shared>>) target(%arg18 : memref<632xf32, #tpu.memory_space<vmem>>) target_semaphore(%run_scoped3A : memref<!tpu.dma_semaphore, #tpu.memory_space<semaphore_mem>>)
      %dma_wait3A_553 = tpu.memref_slice %arg16[%mul3A_2] : memref<10112xf32, #tpu.memory_space<vmem_shared>> -> memref<632xf32, #tpu.memory_space<vmem_shared>>
      %dma_wait3A_554 = tpu.memref_slice %arg16[%mul3A_2] : memref<10112xf32, #tpu.memory_space<vmem_shared>> -> memref<632xf32, #tpu.memory_space<vmem_shared>>
      tpu.wait_dma2 semaphore(%run_scoped3A : memref<!tpu.dma_semaphore, #tpu.memory_space<semaphore_mem>>) src(%dma_wait3A_554 : memref<632xf32, #tpu.memory_space<vmem_shared>>) dst(%arg18 : memref<632xf32, #tpu.memory_space<vmem>>)
      tpu.yield
    }) : () -> ()
    %mul3A_548 = arith.constant 10112 : i32
    %mul3A_549 = arith.muli %arg0, %mul3A_548 : i32
    %add3A_550 = arith.addi %mul3A_549, %mul3A_2 : i32
    "tpu.region"() ({
      %run_scoped3A = tpu.sem_alloc : memref<!tpu.dma_semaphore, #tpu.memory_space<semaphore_mem>>
      %dma_start3A_551 = tpu.memref_slice %arg5[%add3A_550] : memref<20224xf32, #tpu.memory_space<hbm>> -> memref<632xf32, #tpu.memory_space<hbm>>
      %dma_start3A_552 = tpu.memref_slice %arg5[%add3A_550] : memref<20224xf32, #tpu.memory_space<hbm>> -> memref<632xf32, #tpu.memory_space<hbm>>
      tpu.enqueue_dma source(%arg18 : memref<632xf32, #tpu.memory_space<vmem>>) target(%dma_start3A_552 : memref<632xf32, #tpu.memory_space<hbm>>) target_semaphore(%run_scoped3A : memref<!tpu.dma_semaphore, #tpu.memory_space<semaphore_mem>>)
      %dma_wait3A_553 = tpu.memref_slice %arg5[%add3A_550] : memref<20224xf32, #tpu.memory_space<hbm>> -> memref<632xf32, #tpu.memory_space<hbm>>
      %dma_wait3A_554 = tpu.memref_slice %arg5[%add3A_550] : memref<20224xf32, #tpu.memory_space<hbm>> -> memref<632xf32, #tpu.memory_space<hbm>>
      tpu.wait_dma2 semaphore(%run_scoped3A : memref<!tpu.dma_semaphore, #tpu.memory_space<semaphore_mem>>) src(%arg18 : memref<632xf32, #tpu.memory_space<vmem>>) dst(%dma_wait3A_554 : memref<632xf32, #tpu.memory_space<hbm>>)
      tpu.yield
    }) : () -> ()
    return
  }
}

#map = affine_map<(d0, d1) -> (0)>
#map1 = affine_map<(d0, d1) -> (0, 0, 0)>
module attributes {stable_mosaic.version = 14 : i64} {
  func.func @body(%arg0: i32, %arg1: i32, %arg2: memref<10112xf32, #tpu.memory_space<hbm>>, %arg3: memref<2x2500x128xi32, #tpu.memory_space<hbm>>, %arg4: memref<20224xf32, #tpu.memory_space<hbm>>, %arg5: memref<10112xf32, #tpu.memory_space<vmem_shared>>, %arg6: memref<10112xf32, #tpu.memory_space<vmem_shared>>, %arg7: memref<79x128xi32, #tpu.memory_space<vmem>>, %arg8: memref<79x128xi32, #tpu.memory_space<vmem>>, %arg9: memref<632xf32, #tpu.memory_space<vmem>>, %arg10: memref<128xf32, #tpu.memory_space<vmem>>, %arg11: memref<128xf32, #tpu.memory_space<vmem>>, %arg12: memref<128xf32, #tpu.memory_space<vmem>>, %arg13: memref<!tpu.dma_semaphore, #tpu.memory_space<semaphore_mem>>, %arg14: memref<!tpu.dma_semaphore, #tpu.memory_space<semaphore_mem>>, %arg15: memref<!tpu.dma_semaphore, #tpu.memory_space<semaphore_mem>>) attributes {dimension_semantics = [#tpu.dimension_semantics<core_parallel>, #tpu.dimension_semantics<subcore_parallel>], iteration_bounds = array<i64: 2, 16>, scalar_prefetch = 0 : i64, scratch_operands = 11 : i64, tpu.core_type = #tpu.core_type<sc_vector_subcore>, window_params = [{transform_indices = #map}, {transform_indices = #map1}, {transform_indices = #map}]} {
    %mul3A = arith.constant 2 : i32
    %mul3A_0 = arith.muli %arg1, %mul3A : i32
    %add3A = arith.addi %mul3A_0, %arg0 : i32
    %mul3A_1 = arith.constant 632 : i32
    %mul3A_2 = arith.muli %arg1, %mul3A_1 : i32
    %mul3A_3 = arith.constant 78 : i32
    %mul3A_4 = arith.muli %add3A, %mul3A_3 : i32
    %add3A_5 = arith.constant 2496 : i32
    %add3A_6 = arith.addi %add3A_5, %add3A : i32
    %min3A = arith.constant 2499 : i32
    %min3A_7 = arith.minsi %add3A_6, %min3A : i32
    %dma_start3A = arith.constant 0 : i32
    %dma_start3A_8 = arith.constant 0 : i32
    %dma_start3A_9 = arith.constant 0 : i32
    %dma_start3A_10 = tpu.memref_slice %arg7[%dma_start3A_8, %dma_start3A_9] : memref<79x128xi32, #tpu.memory_space<vmem>> -> memref<78x128xi32, #tpu.memory_space<vmem>>
    %dma_start3A_11 = arith.constant 0 : i32
    %dma_start3A_12 = tpu.memref_slice %arg3[%dma_start3A, %mul3A_4, %dma_start3A_11] : memref<2x2500x128xi32, #tpu.memory_space<hbm>> -> memref<1x78x128xi32, #tpu.memory_space<hbm>>
    %dma_start3A_13 = tpu.memref_squeeze %dma_start3A_12 : memref<1x78x128xi32, #tpu.memory_space<hbm>> -> memref<78x128xi32, #tpu.memory_space<hbm>>
    %dma_start3A_14 = arith.constant 0 : i32
    %dma_start3A_15 = arith.constant 0 : i32
    %dma_start3A_16 = tpu.memref_slice %arg7[%dma_start3A_14, %dma_start3A_15] : memref<79x128xi32, #tpu.memory_space<vmem>> -> memref<78x128xi32, #tpu.memory_space<vmem>>
    %dma_start3A_17 = arith.constant 0 : i32
    %dma_start3A_18 = tpu.memref_slice %arg3[%dma_start3A, %mul3A_4, %dma_start3A_17] : memref<2x2500x128xi32, #tpu.memory_space<hbm>> -> memref<1x78x128xi32, #tpu.memory_space<hbm>>
    %dma_start3A_19 = tpu.memref_squeeze %dma_start3A_18 : memref<1x78x128xi32, #tpu.memory_space<hbm>> -> memref<78x128xi32, #tpu.memory_space<hbm>>
    tpu.enqueue_dma source(%dma_start3A_19 : memref<78x128xi32, #tpu.memory_space<hbm>>) target(%dma_start3A_16 : memref<78x128xi32, #tpu.memory_space<vmem>>) target_semaphore(%arg15 : memref<!tpu.dma_semaphore, #tpu.memory_space<semaphore_mem>>)
    %dma_start3A_20 = arith.constant 1 : i32
    %dma_start3A_21 = arith.constant 0 : i32
    %dma_start3A_22 = arith.constant 0 : i32
    %dma_start3A_23 = tpu.memref_slice %arg8[%dma_start3A_21, %dma_start3A_22] : memref<79x128xi32, #tpu.memory_space<vmem>> -> memref<78x128xi32, #tpu.memory_space<vmem>>
    %dma_start3A_24 = arith.constant 0 : i32
    %dma_start3A_25 = tpu.memref_slice %arg3[%dma_start3A_20, %mul3A_4, %dma_start3A_24] : memref<2x2500x128xi32, #tpu.memory_space<hbm>> -> memref<1x78x128xi32, #tpu.memory_space<hbm>>
    %dma_start3A_26 = tpu.memref_squeeze %dma_start3A_25 : memref<1x78x128xi32, #tpu.memory_space<hbm>> -> memref<78x128xi32, #tpu.memory_space<hbm>>
    %dma_start3A_27 = arith.constant 0 : i32
    %dma_start3A_28 = arith.constant 0 : i32
    %dma_start3A_29 = tpu.memref_slice %arg8[%dma_start3A_27, %dma_start3A_28] : memref<79x128xi32, #tpu.memory_space<vmem>> -> memref<78x128xi32, #tpu.memory_space<vmem>>
    %dma_start3A_30 = arith.constant 0 : i32
    %dma_start3A_31 = tpu.memref_slice %arg3[%dma_start3A_20, %mul3A_4, %dma_start3A_30] : memref<2x2500x128xi32, #tpu.memory_space<hbm>> -> memref<1x78x128xi32, #tpu.memory_space<hbm>>
    %dma_start3A_32 = tpu.memref_squeeze %dma_start3A_31 : memref<1x78x128xi32, #tpu.memory_space<hbm>> -> memref<78x128xi32, #tpu.memory_space<hbm>>
    tpu.enqueue_dma source(%dma_start3A_32 : memref<78x128xi32, #tpu.memory_space<hbm>>) target(%dma_start3A_29 : memref<78x128xi32, #tpu.memory_space<vmem>>) target_semaphore(%arg15 : memref<!tpu.dma_semaphore, #tpu.memory_space<semaphore_mem>>)
    %dma_start3A_33 = arith.constant 0 : i32
    %dma_start3A_34 = arith.constant 78 : i32
    %dma_start3A_35 = arith.constant 0 : i32
    %dma_start3A_36 = tpu.memref_slice %arg7[%dma_start3A_34, %dma_start3A_35] : memref<79x128xi32, #tpu.memory_space<vmem>> -> memref<1x128xi32, #tpu.memory_space<vmem>>
    %dma_start3A_37 = tpu.memref_squeeze %dma_start3A_36 : memref<1x128xi32, #tpu.memory_space<vmem>> -> memref<128xi32, #tpu.memory_space<vmem>>
    %dma_start3A_38 = arith.constant 0 : i32
    %dma_start3A_39 = tpu.memref_slice %arg3[%dma_start3A_33, %min3A_7, %dma_start3A_38] : memref<2x2500x128xi32, #tpu.memory_space<hbm>> -> memref<1x1x128xi32, #tpu.memory_space<hbm>>
    %dma_start3A_40 = tpu.memref_squeeze %dma_start3A_39 : memref<1x1x128xi32, #tpu.memory_space<hbm>> -> memref<128xi32, #tpu.memory_space<hbm>>
    %dma_start3A_41 = arith.constant 0 : i32
    %dma_start3A_42 = tpu.memref_slice %arg7[%dma_start3A_34, %dma_start3A_41] : memref<79x128xi32, #tpu.memory_space<vmem>> -> memref<1x128xi32, #tpu.memory_space<vmem>>
    %dma_start3A_43 = tpu.memref_squeeze %dma_start3A_42 : memref<1x128xi32, #tpu.memory_space<vmem>> -> memref<128xi32, #tpu.memory_space<vmem>>
    %dma_start3A_44 = arith.constant 0 : i32
    %dma_start3A_45 = tpu.memref_slice %arg3[%dma_start3A_33, %min3A_7, %dma_start3A_44] : memref<2x2500x128xi32, #tpu.memory_space<hbm>> -> memref<1x1x128xi32, #tpu.memory_space<hbm>>
    %dma_start3A_46 = tpu.memref_squeeze %dma_start3A_45 : memref<1x1x128xi32, #tpu.memory_space<hbm>> -> memref<128xi32, #tpu.memory_space<hbm>>
    tpu.enqueue_dma source(%dma_start3A_46 : memref<128xi32, #tpu.memory_space<hbm>>) target(%dma_start3A_43 : memref<128xi32, #tpu.memory_space<vmem>>) target_semaphore(%arg15 : memref<!tpu.dma_semaphore, #tpu.memory_space<semaphore_mem>>)
    %dma_start3A_47 = arith.constant 1 : i32
    %dma_start3A_48 = arith.constant 78 : i32
    %dma_start3A_49 = arith.constant 0 : i32
    %dma_start3A_50 = tpu.memref_slice %arg8[%dma_start3A_48, %dma_start3A_49] : memref<79x128xi32, #tpu.memory_space<vmem>> -> memref<1x128xi32, #tpu.memory_space<vmem>>
    %dma_start3A_51 = tpu.memref_squeeze %dma_start3A_50 : memref<1x128xi32, #tpu.memory_space<vmem>> -> memref<128xi32, #tpu.memory_space<vmem>>
    %dma_start3A_52 = arith.constant 0 : i32
    %dma_start3A_53 = tpu.memref_slice %arg3[%dma_start3A_47, %min3A_7, %dma_start3A_52] : memref<2x2500x128xi32, #tpu.memory_space<hbm>> -> memref<1x1x128xi32, #tpu.memory_space<hbm>>
    %dma_start3A_54 = tpu.memref_squeeze %dma_start3A_53 : memref<1x1x128xi32, #tpu.memory_space<hbm>> -> memref<128xi32, #tpu.memory_space<hbm>>
    %dma_start3A_55 = arith.constant 0 : i32
    %dma_start3A_56 = tpu.memref_slice %arg8[%dma_start3A_48, %dma_start3A_55] : memref<79x128xi32, #tpu.memory_space<vmem>> -> memref<1x128xi32, #tpu.memory_space<vmem>>
    %dma_start3A_57 = tpu.memref_squeeze %dma_start3A_56 : memref<1x128xi32, #tpu.memory_space<vmem>> -> memref<128xi32, #tpu.memory_space<vmem>>
    %dma_start3A_58 = arith.constant 0 : i32
    %dma_start3A_59 = tpu.memref_slice %arg3[%dma_start3A_47, %min3A_7, %dma_start3A_58] : memref<2x2500x128xi32, #tpu.memory_space<hbm>> -> memref<1x1x128xi32, #tpu.memory_space<hbm>>
    %dma_start3A_60 = tpu.memref_squeeze %dma_start3A_59 : memref<1x1x128xi32, #tpu.memory_space<hbm>> -> memref<128xi32, #tpu.memory_space<hbm>>
    tpu.enqueue_dma source(%dma_start3A_60 : memref<128xi32, #tpu.memory_space<hbm>>) target(%dma_start3A_57 : memref<128xi32, #tpu.memory_space<vmem>>) target_semaphore(%arg15 : memref<!tpu.dma_semaphore, #tpu.memory_space<semaphore_mem>>)
    "tpu.region"() ({
      %run_scoped3A = tpu.sem_alloc : memref<!tpu.dma_semaphore, #tpu.memory_space<semaphore_mem>>
      %dma_start3A_297 = tpu.memref_slice %arg2[%mul3A_2] : memref<10112xf32, #tpu.memory_space<hbm>> -> memref<632xf32, #tpu.memory_space<hbm>>
      %dma_start3A_298 = tpu.memref_slice %arg2[%mul3A_2] : memref<10112xf32, #tpu.memory_space<hbm>> -> memref<632xf32, #tpu.memory_space<hbm>>
      tpu.enqueue_dma source(%dma_start3A_298 : memref<632xf32, #tpu.memory_space<hbm>>) target(%arg9 : memref<632xf32, #tpu.memory_space<vmem>>) target_semaphore(%run_scoped3A : memref<!tpu.dma_semaphore, #tpu.memory_space<semaphore_mem>>)
      %dma_wait3A_299 = tpu.memref_slice %arg2[%mul3A_2] : memref<10112xf32, #tpu.memory_space<hbm>> -> memref<632xf32, #tpu.memory_space<hbm>>
      %dma_wait3A_300 = tpu.memref_slice %arg2[%mul3A_2] : memref<10112xf32, #tpu.memory_space<hbm>> -> memref<632xf32, #tpu.memory_space<hbm>>
      tpu.wait_dma2 semaphore(%run_scoped3A : memref<!tpu.dma_semaphore, #tpu.memory_space<semaphore_mem>>) src(%dma_wait3A_300 : memref<632xf32, #tpu.memory_space<hbm>>) dst(%arg9 : memref<632xf32, #tpu.memory_space<vmem>>)
      tpu.yield
    }) : () -> ()
    "tpu.region"() ({
      %run_scoped3A = tpu.sem_alloc : memref<!tpu.dma_semaphore, #tpu.memory_space<semaphore_mem>>
      %dma_start3A_297 = tpu.memref_slice %arg5[%mul3A_2] : memref<10112xf32, #tpu.memory_space<vmem_shared>> -> memref<632xf32, #tpu.memory_space<vmem_shared>>
      %dma_start3A_298 = tpu.memref_slice %arg5[%mul3A_2] : memref<10112xf32, #tpu.memory_space<vmem_shared>> -> memref<632xf32, #tpu.memory_space<vmem_shared>>
      tpu.enqueue_dma source(%arg9 : memref<632xf32, #tpu.memory_space<vmem>>) target(%dma_start3A_298 : memref<632xf32, #tpu.memory_space<vmem_shared>>) target_semaphore(%run_scoped3A : memref<!tpu.dma_semaphore, #tpu.memory_space<semaphore_mem>>)
      %dma_wait3A_299 = tpu.memref_slice %arg5[%mul3A_2] : memref<10112xf32, #tpu.memory_space<vmem_shared>> -> memref<632xf32, #tpu.memory_space<vmem_shared>>
      %dma_wait3A_300 = tpu.memref_slice %arg5[%mul3A_2] : memref<10112xf32, #tpu.memory_space<vmem_shared>> -> memref<632xf32, #tpu.memory_space<vmem_shared>>
      tpu.wait_dma2 semaphore(%run_scoped3A : memref<!tpu.dma_semaphore, #tpu.memory_space<semaphore_mem>>) src(%arg9 : memref<632xf32, #tpu.memory_space<vmem>>) dst(%dma_wait3A_300 : memref<632xf32, #tpu.memory_space<vmem_shared>>)
      tpu.yield
    }) : () -> ()
    %broadcast_in_dim3A = arith.constant 0.000000e+00 : f32
    %broadcast_in_dim3A_61 = vector.broadcast %broadcast_in_dim3A : f32 to vector<16xf32>
    %swap3A = arith.constant 0 : index
    %swap3A_62 = tpu.vector_load %arg9[%swap3A] {strides = array<i32>} : memref<632xf32, #tpu.memory_space<vmem>>, vector<16xf32>,
    %swap3A_63 = vector.shape_cast %swap3A_62 : vector<16xf32> to vector<16xf32>
    %swap3A_64 = vector.shape_cast %broadcast_in_dim3A_61 : vector<16xf32> to vector<16xf32>
    tpu.vector_store %arg9[%swap3A], %swap3A_64 {strides = array<i32>} : memref<632xf32, #tpu.memory_space<vmem>>, vector<16xf32>,
    %swap3A_65 = arith.constant 16 : index
    %swap3A_66 = tpu.vector_load %arg9[%swap3A_65] {strides = array<i32>} : memref<632xf32, #tpu.memory_space<vmem>>, vector<16xf32>,
    %swap3A_67 = vector.shape_cast %swap3A_66 : vector<16xf32> to vector<16xf32>
    %swap3A_68 = vector.shape_cast %broadcast_in_dim3A_61 : vector<16xf32> to vector<16xf32>
    tpu.vector_store %arg9[%swap3A_65], %swap3A_68 {strides = array<i32>} : memref<632xf32, #tpu.memory_space<vmem>>, vector<16xf32>,
    %swap3A_69 = arith.constant 32 : index
    %swap3A_70 = tpu.vector_load %arg9[%swap3A_69] {strides = array<i32>} : memref<632xf32, #tpu.memory_space<vmem>>, vector<16xf32>,
    %swap3A_71 = vector.shape_cast %swap3A_70 : vector<16xf32> to vector<16xf32>
    %swap3A_72 = vector.shape_cast %broadcast_in_dim3A_61 : vector<16xf32> to vector<16xf32>
    tpu.vector_store %arg9[%swap3A_69], %swap3A_72 {strides = array<i32>} : memref<632xf32, #tpu.memory_space<vmem>>, vector<16xf32>,
    %swap3A_73 = arith.constant 48 : index
    %swap3A_74 = tpu.vector_load %arg9[%swap3A_73] {strides = array<i32>} : memref<632xf32, #tpu.memory_space<vmem>>, vector<16xf32>,
    %swap3A_75 = vector.shape_cast %swap3A_74 : vector<16xf32> to vector<16xf32>
    %swap3A_76 = vector.shape_cast %broadcast_in_dim3A_61 : vector<16xf32> to vector<16xf32>
    tpu.vector_store %arg9[%swap3A_73], %swap3A_76 {strides = array<i32>} : memref<632xf32, #tpu.memory_space<vmem>>, vector<16xf32>,
    %swap3A_77 = arith.constant 64 : index
    %swap3A_78 = tpu.vector_load %arg9[%swap3A_77] {strides = array<i32>} : memref<632xf32, #tpu.memory_space<vmem>>, vector<16xf32>,
    %swap3A_79 = vector.shape_cast %swap3A_78 : vector<16xf32> to vector<16xf32>
    %swap3A_80 = vector.shape_cast %broadcast_in_dim3A_61 : vector<16xf32> to vector<16xf32>
    tpu.vector_store %arg9[%swap3A_77], %swap3A_80 {strides = array<i32>} : memref<632xf32, #tpu.memory_space<vmem>>, vector<16xf32>,
    %swap3A_81 = arith.constant 80 : index
    %swap3A_82 = tpu.vector_load %arg9[%swap3A_81] {strides = array<i32>} : memref<632xf32, #tpu.memory_space<vmem>>, vector<16xf32>,
    %swap3A_83 = vector.shape_cast %swap3A_82 : vector<16xf32> to vector<16xf32>
    %swap3A_84 = vector.shape_cast %broadcast_in_dim3A_61 : vector<16xf32> to vector<16xf32>
    tpu.vector_store %arg9[%swap3A_81], %swap3A_84 {strides = array<i32>} : memref<632xf32, #tpu.memory_space<vmem>>, vector<16xf32>,
    %swap3A_85 = arith.constant 96 : index
    %swap3A_86 = tpu.vector_load %arg9[%swap3A_85] {strides = array<i32>} : memref<632xf32, #tpu.memory_space<vmem>>, vector<16xf32>,
    %swap3A_87 = vector.shape_cast %swap3A_86 : vector<16xf32> to vector<16xf32>
    %swap3A_88 = vector.shape_cast %broadcast_in_dim3A_61 : vector<16xf32> to vector<16xf32>
    tpu.vector_store %arg9[%swap3A_85], %swap3A_88 {strides = array<i32>} : memref<632xf32, #tpu.memory_space<vmem>>, vector<16xf32>,
    %swap3A_89 = arith.constant 112 : index
    %swap3A_90 = tpu.vector_load %arg9[%swap3A_89] {strides = array<i32>} : memref<632xf32, #tpu.memory_space<vmem>>, vector<16xf32>,
    %swap3A_91 = vector.shape_cast %swap3A_90 : vector<16xf32> to vector<16xf32>
    %swap3A_92 = vector.shape_cast %broadcast_in_dim3A_61 : vector<16xf32> to vector<16xf32>
    tpu.vector_store %arg9[%swap3A_89], %swap3A_92 {strides = array<i32>} : memref<632xf32, #tpu.memory_space<vmem>>, vector<16xf32>,
    %swap3A_93 = arith.constant 128 : index
    %swap3A_94 = tpu.vector_load %arg9[%swap3A_93] {strides = array<i32>} : memref<632xf32, #tpu.memory_space<vmem>>, vector<16xf32>,
    %swap3A_95 = vector.shape_cast %swap3A_94 : vector<16xf32> to vector<16xf32>
    %swap3A_96 = vector.shape_cast %broadcast_in_dim3A_61 : vector<16xf32> to vector<16xf32>
    tpu.vector_store %arg9[%swap3A_93], %swap3A_96 {strides = array<i32>} : memref<632xf32, #tpu.memory_space<vmem>>, vector<16xf32>,
    %swap3A_97 = arith.constant 144 : index
    %swap3A_98 = tpu.vector_load %arg9[%swap3A_97] {strides = array<i32>} : memref<632xf32, #tpu.memory_space<vmem>>, vector<16xf32>,
    %swap3A_99 = vector.shape_cast %swap3A_98 : vector<16xf32> to vector<16xf32>
    %swap3A_100 = vector.shape_cast %broadcast_in_dim3A_61 : vector<16xf32> to vector<16xf32>
    tpu.vector_store %arg9[%swap3A_97], %swap3A_100 {strides = array<i32>} : memref<632xf32, #tpu.memory_space<vmem>>, vector<16xf32>,
    %swap3A_101 = arith.constant 160 : index
    %swap3A_102 = tpu.vector_load %arg9[%swap3A_101] {strides = array<i32>} : memref<632xf32, #tpu.memory_space<vmem>>, vector<16xf32>,
    %swap3A_103 = vector.shape_cast %swap3A_102 : vector<16xf32> to vector<16xf32>
    %swap3A_104 = vector.shape_cast %broadcast_in_dim3A_61 : vector<16xf32> to vector<16xf32>
    tpu.vector_store %arg9[%swap3A_101], %swap3A_104 {strides = array<i32>} : memref<632xf32, #tpu.memory_space<vmem>>, vector<16xf32>,
    %swap3A_105 = arith.constant 176 : index
    %swap3A_106 = tpu.vector_load %arg9[%swap3A_105] {strides = array<i32>} : memref<632xf32, #tpu.memory_space<vmem>>, vector<16xf32>,
    %swap3A_107 = vector.shape_cast %swap3A_106 : vector<16xf32> to vector<16xf32>
    %swap3A_108 = vector.shape_cast %broadcast_in_dim3A_61 : vector<16xf32> to vector<16xf32>
    tpu.vector_store %arg9[%swap3A_105], %swap3A_108 {strides = array<i32>} : memref<632xf32, #tpu.memory_space<vmem>>, vector<16xf32>,
    %swap3A_109 = arith.constant 192 : index
    %swap3A_110 = tpu.vector_load %arg9[%swap3A_109] {strides = array<i32>} : memref<632xf32, #tpu.memory_space<vmem>>, vector<16xf32>,
    %swap3A_111 = vector.shape_cast %swap3A_110 : vector<16xf32> to vector<16xf32>
    %swap3A_112 = vector.shape_cast %broadcast_in_dim3A_61 : vector<16xf32> to vector<16xf32>
    tpu.vector_store %arg9[%swap3A_109], %swap3A_112 {strides = array<i32>} : memref<632xf32, #tpu.memory_space<vmem>>, vector<16xf32>,
    %swap3A_113 = arith.constant 208 : index
    %swap3A_114 = tpu.vector_load %arg9[%swap3A_113] {strides = array<i32>} : memref<632xf32, #tpu.memory_space<vmem>>, vector<16xf32>,
    %swap3A_115 = vector.shape_cast %swap3A_114 : vector<16xf32> to vector<16xf32>
    %swap3A_116 = vector.shape_cast %broadcast_in_dim3A_61 : vector<16xf32> to vector<16xf32>
    tpu.vector_store %arg9[%swap3A_113], %swap3A_116 {strides = array<i32>} : memref<632xf32, #tpu.memory_space<vmem>>, vector<16xf32>,
    %swap3A_117 = arith.constant 224 : index
    %swap3A_118 = tpu.vector_load %arg9[%swap3A_117] {strides = array<i32>} : memref<632xf32, #tpu.memory_space<vmem>>, vector<16xf32>,
    %swap3A_119 = vector.shape_cast %swap3A_118 : vector<16xf32> to vector<16xf32>
    %swap3A_120 = vector.shape_cast %broadcast_in_dim3A_61 : vector<16xf32> to vector<16xf32>
    tpu.vector_store %arg9[%swap3A_117], %swap3A_120 {strides = array<i32>} : memref<632xf32, #tpu.memory_space<vmem>>, vector<16xf32>,
    %swap3A_121 = arith.constant 240 : index
    %swap3A_122 = tpu.vector_load %arg9[%swap3A_121] {strides = array<i32>} : memref<632xf32, #tpu.memory_space<vmem>>, vector<16xf32>,
    %swap3A_123 = vector.shape_cast %swap3A_122 : vector<16xf32> to vector<16xf32>
    %swap3A_124 = vector.shape_cast %broadcast_in_dim3A_61 : vector<16xf32> to vector<16xf32>
    tpu.vector_store %arg9[%swap3A_121], %swap3A_124 {strides = array<i32>} : memref<632xf32, #tpu.memory_space<vmem>>, vector<16xf32>,
    %swap3A_125 = arith.constant 256 : index
    %swap3A_126 = tpu.vector_load %arg9[%swap3A_125] {strides = array<i32>} : memref<632xf32, #tpu.memory_space<vmem>>, vector<16xf32>,
    %swap3A_127 = vector.shape_cast %swap3A_126 : vector<16xf32> to vector<16xf32>
    %swap3A_128 = vector.shape_cast %broadcast_in_dim3A_61 : vector<16xf32> to vector<16xf32>
    tpu.vector_store %arg9[%swap3A_125], %swap3A_128 {strides = array<i32>} : memref<632xf32, #tpu.memory_space<vmem>>, vector<16xf32>,
    %swap3A_129 = arith.constant 272 : index
    %swap3A_130 = tpu.vector_load %arg9[%swap3A_129] {strides = array<i32>} : memref<632xf32, #tpu.memory_space<vmem>>, vector<16xf32>,
    %swap3A_131 = vector.shape_cast %swap3A_130 : vector<16xf32> to vector<16xf32>
    %swap3A_132 = vector.shape_cast %broadcast_in_dim3A_61 : vector<16xf32> to vector<16xf32>
    tpu.vector_store %arg9[%swap3A_129], %swap3A_132 {strides = array<i32>} : memref<632xf32, #tpu.memory_space<vmem>>, vector<16xf32>,
    %swap3A_133 = arith.constant 288 : index
    %swap3A_134 = tpu.vector_load %arg9[%swap3A_133] {strides = array<i32>} : memref<632xf32, #tpu.memory_space<vmem>>, vector<16xf32>,
    %swap3A_135 = vector.shape_cast %swap3A_134 : vector<16xf32> to vector<16xf32>
    %swap3A_136 = vector.shape_cast %broadcast_in_dim3A_61 : vector<16xf32> to vector<16xf32>
    tpu.vector_store %arg9[%swap3A_133], %swap3A_136 {strides = array<i32>} : memref<632xf32, #tpu.memory_space<vmem>>, vector<16xf32>,
    %swap3A_137 = arith.constant 304 : index
    %swap3A_138 = tpu.vector_load %arg9[%swap3A_137] {strides = array<i32>} : memref<632xf32, #tpu.memory_space<vmem>>, vector<16xf32>,
    %swap3A_139 = vector.shape_cast %swap3A_138 : vector<16xf32> to vector<16xf32>
    %swap3A_140 = vector.shape_cast %broadcast_in_dim3A_61 : vector<16xf32> to vector<16xf32>
    tpu.vector_store %arg9[%swap3A_137], %swap3A_140 {strides = array<i32>} : memref<632xf32, #tpu.memory_space<vmem>>, vector<16xf32>,
    %swap3A_141 = arith.constant 320 : index
    %swap3A_142 = tpu.vector_load %arg9[%swap3A_141] {strides = array<i32>} : memref<632xf32, #tpu.memory_space<vmem>>, vector<16xf32>,
    %swap3A_143 = vector.shape_cast %swap3A_142 : vector<16xf32> to vector<16xf32>
    %swap3A_144 = vector.shape_cast %broadcast_in_dim3A_61 : vector<16xf32> to vector<16xf32>
    tpu.vector_store %arg9[%swap3A_141], %swap3A_144 {strides = array<i32>} : memref<632xf32, #tpu.memory_space<vmem>>, vector<16xf32>,
    %swap3A_145 = arith.constant 336 : index
    %swap3A_146 = tpu.vector_load %arg9[%swap3A_145] {strides = array<i32>} : memref<632xf32, #tpu.memory_space<vmem>>, vector<16xf32>,
    %swap3A_147 = vector.shape_cast %swap3A_146 : vector<16xf32> to vector<16xf32>
    %swap3A_148 = vector.shape_cast %broadcast_in_dim3A_61 : vector<16xf32> to vector<16xf32>
    tpu.vector_store %arg9[%swap3A_145], %swap3A_148 {strides = array<i32>} : memref<632xf32, #tpu.memory_space<vmem>>, vector<16xf32>,
    %swap3A_149 = arith.constant 352 : index
    %swap3A_150 = tpu.vector_load %arg9[%swap3A_149] {strides = array<i32>} : memref<632xf32, #tpu.memory_space<vmem>>, vector<16xf32>,
    %swap3A_151 = vector.shape_cast %swap3A_150 : vector<16xf32> to vector<16xf32>
    %swap3A_152 = vector.shape_cast %broadcast_in_dim3A_61 : vector<16xf32> to vector<16xf32>
    tpu.vector_store %arg9[%swap3A_149], %swap3A_152 {strides = array<i32>} : memref<632xf32, #tpu.memory_space<vmem>>, vector<16xf32>,
    %swap3A_153 = arith.constant 368 : index
    %swap3A_154 = tpu.vector_load %arg9[%swap3A_153] {strides = array<i32>} : memref<632xf32, #tpu.memory_space<vmem>>, vector<16xf32>,
    %swap3A_155 = vector.shape_cast %swap3A_154 : vector<16xf32> to vector<16xf32>
    %swap3A_156 = vector.shape_cast %broadcast_in_dim3A_61 : vector<16xf32> to vector<16xf32>
    tpu.vector_store %arg9[%swap3A_153], %swap3A_156 {strides = array<i32>} : memref<632xf32, #tpu.memory_space<vmem>>, vector<16xf32>,
    %swap3A_157 = arith.constant 384 : index
    %swap3A_158 = tpu.vector_load %arg9[%swap3A_157] {strides = array<i32>} : memref<632xf32, #tpu.memory_space<vmem>>, vector<16xf32>,
    %swap3A_159 = vector.shape_cast %swap3A_158 : vector<16xf32> to vector<16xf32>
    %swap3A_160 = vector.shape_cast %broadcast_in_dim3A_61 : vector<16xf32> to vector<16xf32>
    tpu.vector_store %arg9[%swap3A_157], %swap3A_160 {strides = array<i32>} : memref<632xf32, #tpu.memory_space<vmem>>, vector<16xf32>,
    %swap3A_161 = arith.constant 400 : index
    %swap3A_162 = tpu.vector_load %arg9[%swap3A_161] {strides = array<i32>} : memref<632xf32, #tpu.memory_space<vmem>>, vector<16xf32>,
    %swap3A_163 = vector.shape_cast %swap3A_162 : vector<16xf32> to vector<16xf32>
    %swap3A_164 = vector.shape_cast %broadcast_in_dim3A_61 : vector<16xf32> to vector<16xf32>
    tpu.vector_store %arg9[%swap3A_161], %swap3A_164 {strides = array<i32>} : memref<632xf32, #tpu.memory_space<vmem>>, vector<16xf32>,
    %swap3A_165 = arith.constant 416 : index
    %swap3A_166 = tpu.vector_load %arg9[%swap3A_165] {strides = array<i32>} : memref<632xf32, #tpu.memory_space<vmem>>, vector<16xf32>,
    %swap3A_167 = vector.shape_cast %swap3A_166 : vector<16xf32> to vector<16xf32>
    %swap3A_168 = vector.shape_cast %broadcast_in_dim3A_61 : vector<16xf32> to vector<16xf32>
    tpu.vector_store %arg9[%swap3A_165], %swap3A_168 {strides = array<i32>} : memref<632xf32, #tpu.memory_space<vmem>>, vector<16xf32>,
    %swap3A_169 = arith.constant 432 : index
    %swap3A_170 = tpu.vector_load %arg9[%swap3A_169] {strides = array<i32>} : memref<632xf32, #tpu.memory_space<vmem>>, vector<16xf32>,
    %swap3A_171 = vector.shape_cast %swap3A_170 : vector<16xf32> to vector<16xf32>
    %swap3A_172 = vector.shape_cast %broadcast_in_dim3A_61 : vector<16xf32> to vector<16xf32>
    tpu.vector_store %arg9[%swap3A_169], %swap3A_172 {strides = array<i32>} : memref<632xf32, #tpu.memory_space<vmem>>, vector<16xf32>,
    %swap3A_173 = arith.constant 448 : index
    %swap3A_174 = tpu.vector_load %arg9[%swap3A_173] {strides = array<i32>} : memref<632xf32, #tpu.memory_space<vmem>>, vector<16xf32>,
    %swap3A_175 = vector.shape_cast %swap3A_174 : vector<16xf32> to vector<16xf32>
    %swap3A_176 = vector.shape_cast %broadcast_in_dim3A_61 : vector<16xf32> to vector<16xf32>
    tpu.vector_store %arg9[%swap3A_173], %swap3A_176 {strides = array<i32>} : memref<632xf32, #tpu.memory_space<vmem>>, vector<16xf32>,
    %swap3A_177 = arith.constant 464 : index
    %swap3A_178 = tpu.vector_load %arg9[%swap3A_177] {strides = array<i32>} : memref<632xf32, #tpu.memory_space<vmem>>, vector<16xf32>,
    %swap3A_179 = vector.shape_cast %swap3A_178 : vector<16xf32> to vector<16xf32>
    %swap3A_180 = vector.shape_cast %broadcast_in_dim3A_61 : vector<16xf32> to vector<16xf32>
    tpu.vector_store %arg9[%swap3A_177], %swap3A_180 {strides = array<i32>} : memref<632xf32, #tpu.memory_space<vmem>>, vector<16xf32>,
    %swap3A_181 = arith.constant 480 : index
    %swap3A_182 = tpu.vector_load %arg9[%swap3A_181] {strides = array<i32>} : memref<632xf32, #tpu.memory_space<vmem>>, vector<16xf32>,
    %swap3A_183 = vector.shape_cast %swap3A_182 : vector<16xf32> to vector<16xf32>
    %swap3A_184 = vector.shape_cast %broadcast_in_dim3A_61 : vector<16xf32> to vector<16xf32>
    tpu.vector_store %arg9[%swap3A_181], %swap3A_184 {strides = array<i32>} : memref<632xf32, #tpu.memory_space<vmem>>, vector<16xf32>,
    %swap3A_185 = arith.constant 496 : index
    %swap3A_186 = tpu.vector_load %arg9[%swap3A_185] {strides = array<i32>} : memref<632xf32, #tpu.memory_space<vmem>>, vector<16xf32>,
    %swap3A_187 = vector.shape_cast %swap3A_186 : vector<16xf32> to vector<16xf32>
    %swap3A_188 = vector.shape_cast %broadcast_in_dim3A_61 : vector<16xf32> to vector<16xf32>
    tpu.vector_store %arg9[%swap3A_185], %swap3A_188 {strides = array<i32>} : memref<632xf32, #tpu.memory_space<vmem>>, vector<16xf32>,
    %swap3A_189 = arith.constant 512 : index
    %swap3A_190 = tpu.vector_load %arg9[%swap3A_189] {strides = array<i32>} : memref<632xf32, #tpu.memory_space<vmem>>, vector<16xf32>,
    %swap3A_191 = vector.shape_cast %swap3A_190 : vector<16xf32> to vector<16xf32>
    %swap3A_192 = vector.shape_cast %broadcast_in_dim3A_61 : vector<16xf32> to vector<16xf32>
    tpu.vector_store %arg9[%swap3A_189], %swap3A_192 {strides = array<i32>} : memref<632xf32, #tpu.memory_space<vmem>>, vector<16xf32>,
    %swap3A_193 = arith.constant 528 : index
    %swap3A_194 = tpu.vector_load %arg9[%swap3A_193] {strides = array<i32>} : memref<632xf32, #tpu.memory_space<vmem>>, vector<16xf32>,
    %swap3A_195 = vector.shape_cast %swap3A_194 : vector<16xf32> to vector<16xf32>
    %swap3A_196 = vector.shape_cast %broadcast_in_dim3A_61 : vector<16xf32> to vector<16xf32>
    tpu.vector_store %arg9[%swap3A_193], %swap3A_196 {strides = array<i32>} : memref<632xf32, #tpu.memory_space<vmem>>, vector<16xf32>,
    %swap3A_197 = arith.constant 544 : index
    %swap3A_198 = tpu.vector_load %arg9[%swap3A_197] {strides = array<i32>} : memref<632xf32, #tpu.memory_space<vmem>>, vector<16xf32>,
    %swap3A_199 = vector.shape_cast %swap3A_198 : vector<16xf32> to vector<16xf32>
    %swap3A_200 = vector.shape_cast %broadcast_in_dim3A_61 : vector<16xf32> to vector<16xf32>
    tpu.vector_store %arg9[%swap3A_197], %swap3A_200 {strides = array<i32>} : memref<632xf32, #tpu.memory_space<vmem>>, vector<16xf32>,
    %swap3A_201 = arith.constant 560 : index
    %swap3A_202 = tpu.vector_load %arg9[%swap3A_201] {strides = array<i32>} : memref<632xf32, #tpu.memory_space<vmem>>, vector<16xf32>,
    %swap3A_203 = vector.shape_cast %swap3A_202 : vector<16xf32> to vector<16xf32>
    %swap3A_204 = vector.shape_cast %broadcast_in_dim3A_61 : vector<16xf32> to vector<16xf32>
    tpu.vector_store %arg9[%swap3A_201], %swap3A_204 {strides = array<i32>} : memref<632xf32, #tpu.memory_space<vmem>>, vector<16xf32>,
    %swap3A_205 = arith.constant 576 : index
    %swap3A_206 = tpu.vector_load %arg9[%swap3A_205] {strides = array<i32>} : memref<632xf32, #tpu.memory_space<vmem>>, vector<16xf32>,
    %swap3A_207 = vector.shape_cast %swap3A_206 : vector<16xf32> to vector<16xf32>
    %swap3A_208 = vector.shape_cast %broadcast_in_dim3A_61 : vector<16xf32> to vector<16xf32>
    tpu.vector_store %arg9[%swap3A_205], %swap3A_208 {strides = array<i32>} : memref<632xf32, #tpu.memory_space<vmem>>, vector<16xf32>,
    %swap3A_209 = arith.constant 592 : index
    %swap3A_210 = tpu.vector_load %arg9[%swap3A_209] {strides = array<i32>} : memref<632xf32, #tpu.memory_space<vmem>>, vector<16xf32>,
    %swap3A_211 = vector.shape_cast %swap3A_210 : vector<16xf32> to vector<16xf32>
    %swap3A_212 = vector.shape_cast %broadcast_in_dim3A_61 : vector<16xf32> to vector<16xf32>
    tpu.vector_store %arg9[%swap3A_209], %swap3A_212 {strides = array<i32>} : memref<632xf32, #tpu.memory_space<vmem>>, vector<16xf32>,
    %swap3A_213 = arith.constant 608 : index
    %swap3A_214 = tpu.vector_load %arg9[%swap3A_213] {strides = array<i32>} : memref<632xf32, #tpu.memory_space<vmem>>, vector<16xf32>,
    %swap3A_215 = vector.shape_cast %swap3A_214 : vector<16xf32> to vector<16xf32>
    %swap3A_216 = vector.shape_cast %broadcast_in_dim3A_61 : vector<16xf32> to vector<16xf32>
    tpu.vector_store %arg9[%swap3A_213], %swap3A_216 {strides = array<i32>} : memref<632xf32, #tpu.memory_space<vmem>>, vector<16xf32>,
    %swap3A_217 = arith.constant 616 : index
    %swap3A_218 = tpu.vector_load %arg9[%swap3A_217] {strides = array<i32>} : memref<632xf32, #tpu.memory_space<vmem>>, vector<16xf32>,
    %swap3A_219 = vector.shape_cast %swap3A_218 : vector<16xf32> to vector<16xf32>
    %swap3A_220 = vector.shape_cast %broadcast_in_dim3A_61 : vector<16xf32> to vector<16xf32>
    tpu.vector_store %arg9[%swap3A_217], %swap3A_220 {strides = array<i32>} : memref<632xf32, #tpu.memory_space<vmem>>, vector<16xf32>,
    "tpu.region"() ({
      %run_scoped3A = tpu.sem_alloc : memref<!tpu.dma_semaphore, #tpu.memory_space<semaphore_mem>>
      %dma_start3A_297 = tpu.memref_slice %arg6[%mul3A_2] : memref<10112xf32, #tpu.memory_space<vmem_shared>> -> memref<632xf32, #tpu.memory_space<vmem_shared>>
      %dma_start3A_298 = tpu.memref_slice %arg6[%mul3A_2] : memref<10112xf32, #tpu.memory_space<vmem_shared>> -> memref<632xf32, #tpu.memory_space<vmem_shared>>
      tpu.enqueue_dma source(%arg9 : memref<632xf32, #tpu.memory_space<vmem>>) target(%dma_start3A_298 : memref<632xf32, #tpu.memory_space<vmem_shared>>) target_semaphore(%run_scoped3A : memref<!tpu.dma_semaphore, #tpu.memory_space<semaphore_mem>>)
      %dma_wait3A_299 = tpu.memref_slice %arg6[%mul3A_2] : memref<10112xf32, #tpu.memory_space<vmem_shared>> -> memref<632xf32, #tpu.memory_space<vmem_shared>>
      %dma_wait3A_300 = tpu.memref_slice %arg6[%mul3A_2] : memref<10112xf32, #tpu.memory_space<vmem_shared>> -> memref<632xf32, #tpu.memory_space<vmem_shared>>
      tpu.wait_dma2 semaphore(%run_scoped3A : memref<!tpu.dma_semaphore, #tpu.memory_space<semaphore_mem>>) src(%arg9 : memref<632xf32, #tpu.memory_space<vmem>>) dst(%dma_wait3A_300 : memref<632xf32, #tpu.memory_space<vmem_shared>>)
      tpu.yield
    }) : () -> ()
    %dma_wait3A = arith.constant 0 : i32
    %dma_wait3A_221 = arith.constant 0 : i32
    %dma_wait3A_222 = arith.constant 0 : i32
    %dma_wait3A_223 = tpu.memref_slice %arg7[%dma_wait3A_221, %dma_wait3A_222] : memref<79x128xi32, #tpu.memory_space<vmem>> -> memref<78x128xi32, #tpu.memory_space<vmem>>
    %dma_wait3A_224 = arith.constant 0 : i32
    %dma_wait3A_225 = tpu.memref_slice %arg3[%dma_wait3A, %mul3A_4, %dma_wait3A_224] : memref<2x2500x128xi32, #tpu.memory_space<hbm>> -> memref<1x78x128xi32, #tpu.memory_space<hbm>>
    %dma_wait3A_226 = tpu.memref_squeeze %dma_wait3A_225 : memref<1x78x128xi32, #tpu.memory_space<hbm>> -> memref<78x128xi32, #tpu.memory_space<hbm>>
    %dma_wait3A_227 = arith.constant 0 : i32
    %dma_wait3A_228 = arith.constant 0 : i32
    %dma_wait3A_229 = tpu.memref_slice %arg7[%dma_wait3A_227, %dma_wait3A_228] : memref<79x128xi32, #tpu.memory_space<vmem>> -> memref<78x128xi32, #tpu.memory_space<vmem>>
    %dma_wait3A_230 = arith.constant 0 : i32
    %dma_wait3A_231 = tpu.memref_slice %arg3[%dma_wait3A, %mul3A_4, %dma_wait3A_230] : memref<2x2500x128xi32, #tpu.memory_space<hbm>> -> memref<1x78x128xi32, #tpu.memory_space<hbm>>
    %dma_wait3A_232 = tpu.memref_squeeze %dma_wait3A_231 : memref<1x78x128xi32, #tpu.memory_space<hbm>> -> memref<78x128xi32, #tpu.memory_space<hbm>>
    tpu.wait_dma2 semaphore(%arg15 : memref<!tpu.dma_semaphore, #tpu.memory_space<semaphore_mem>>) src(%dma_wait3A_232 : memref<78x128xi32, #tpu.memory_space<hbm>>) dst(%dma_wait3A_229 : memref<78x128xi32, #tpu.memory_space<vmem>>)
    %dma_wait3A_233 = arith.constant 1 : i32
    %dma_wait3A_234 = arith.constant 0 : i32
    %dma_wait3A_235 = arith.constant 0 : i32
    %dma_wait3A_236 = tpu.memref_slice %arg8[%dma_wait3A_234, %dma_wait3A_235] : memref<79x128xi32, #tpu.memory_space<vmem>> -> memref<78x128xi32, #tpu.memory_space<vmem>>
    %dma_wait3A_237 = arith.constant 0 : i32
    %dma_wait3A_238 = tpu.memref_slice %arg3[%dma_wait3A_233, %mul3A_4, %dma_wait3A_237] : memref<2x2500x128xi32, #tpu.memory_space<hbm>> -> memref<1x78x128xi32, #tpu.memory_space<hbm>>
    %dma_wait3A_239 = tpu.memref_squeeze %dma_wait3A_238 : memref<1x78x128xi32, #tpu.memory_space<hbm>> -> memref<78x128xi32, #tpu.memory_space<hbm>>
    %dma_wait3A_240 = arith.constant 0 : i32
    %dma_wait3A_241 = arith.constant 0 : i32
    %dma_wait3A_242 = tpu.memref_slice %arg8[%dma_wait3A_240, %dma_wait3A_241] : memref<79x128xi32, #tpu.memory_space<vmem>> -> memref<78x128xi32, #tpu.memory_space<vmem>>
    %dma_wait3A_243 = arith.constant 0 : i32
    %dma_wait3A_244 = tpu.memref_slice %arg3[%dma_wait3A_233, %mul3A_4, %dma_wait3A_243] : memref<2x2500x128xi32, #tpu.memory_space<hbm>> -> memref<1x78x128xi32, #tpu.memory_space<hbm>>
    %dma_wait3A_245 = tpu.memref_squeeze %dma_wait3A_244 : memref<1x78x128xi32, #tpu.memory_space<hbm>> -> memref<78x128xi32, #tpu.memory_space<hbm>>
    tpu.wait_dma2 semaphore(%arg15 : memref<!tpu.dma_semaphore, #tpu.memory_space<semaphore_mem>>) src(%dma_wait3A_245 : memref<78x128xi32, #tpu.memory_space<hbm>>) dst(%dma_wait3A_242 : memref<78x128xi32, #tpu.memory_space<vmem>>)
    %dma_wait3A_246 = arith.constant 0 : i32
    %dma_wait3A_247 = arith.constant 78 : i32
    %dma_wait3A_248 = arith.constant 0 : i32
    %dma_wait3A_249 = tpu.memref_slice %arg7[%dma_wait3A_247, %dma_wait3A_248] : memref<79x128xi32, #tpu.memory_space<vmem>> -> memref<1x128xi32, #tpu.memory_space<vmem>>
    %dma_wait3A_250 = tpu.memref_squeeze %dma_wait3A_249 : memref<1x128xi32, #tpu.memory_space<vmem>> -> memref<128xi32, #tpu.memory_space<vmem>>
    %dma_wait3A_251 = arith.constant 0 : i32
    %dma_wait3A_252 = tpu.memref_slice %arg3[%dma_wait3A_246, %min3A_7, %dma_wait3A_251] : memref<2x2500x128xi32, #tpu.memory_space<hbm>> -> memref<1x1x128xi32, #tpu.memory_space<hbm>>
    %dma_wait3A_253 = tpu.memref_squeeze %dma_wait3A_252 : memref<1x1x128xi32, #tpu.memory_space<hbm>> -> memref<128xi32, #tpu.memory_space<hbm>>
    %dma_wait3A_254 = arith.constant 0 : i32
    %dma_wait3A_255 = tpu.memref_slice %arg7[%dma_wait3A_247, %dma_wait3A_254] : memref<79x128xi32, #tpu.memory_space<vmem>> -> memref<1x128xi32, #tpu.memory_space<vmem>>
    %dma_wait3A_256 = tpu.memref_squeeze %dma_wait3A_255 : memref<1x128xi32, #tpu.memory_space<vmem>> -> memref<128xi32, #tpu.memory_space<vmem>>
    %dma_wait3A_257 = arith.constant 0 : i32
    %dma_wait3A_258 = tpu.memref_slice %arg3[%dma_wait3A_246, %min3A_7, %dma_wait3A_257] : memref<2x2500x128xi32, #tpu.memory_space<hbm>> -> memref<1x1x128xi32, #tpu.memory_space<hbm>>
    %dma_wait3A_259 = tpu.memref_squeeze %dma_wait3A_258 : memref<1x1x128xi32, #tpu.memory_space<hbm>> -> memref<128xi32, #tpu.memory_space<hbm>>
    tpu.wait_dma2 semaphore(%arg15 : memref<!tpu.dma_semaphore, #tpu.memory_space<semaphore_mem>>) src(%dma_wait3A_259 : memref<128xi32, #tpu.memory_space<hbm>>) dst(%dma_wait3A_256 : memref<128xi32, #tpu.memory_space<vmem>>)
    %dma_wait3A_260 = arith.constant 1 : i32
    %dma_wait3A_261 = arith.constant 78 : i32
    %dma_wait3A_262 = arith.constant 0 : i32
    %dma_wait3A_263 = tpu.memref_slice %arg8[%dma_wait3A_261, %dma_wait3A_262] : memref<79x128xi32, #tpu.memory_space<vmem>> -> memref<1x128xi32, #tpu.memory_space<vmem>>
    %dma_wait3A_264 = tpu.memref_squeeze %dma_wait3A_263 : memref<1x128xi32, #tpu.memory_space<vmem>> -> memref<128xi32, #tpu.memory_space<vmem>>
    %dma_wait3A_265 = arith.constant 0 : i32
    %dma_wait3A_266 = tpu.memref_slice %arg3[%dma_wait3A_260, %min3A_7, %dma_wait3A_265] : memref<2x2500x128xi32, #tpu.memory_space<hbm>> -> memref<1x1x128xi32, #tpu.memory_space<hbm>>
    %dma_wait3A_267 = tpu.memref_squeeze %dma_wait3A_266 : memref<1x1x128xi32, #tpu.memory_space<hbm>> -> memref<128xi32, #tpu.memory_space<hbm>>
    %dma_wait3A_268 = arith.constant 0 : i32
    %dma_wait3A_269 = tpu.memref_slice %arg8[%dma_wait3A_261, %dma_wait3A_268] : memref<79x128xi32, #tpu.memory_space<vmem>> -> memref<1x128xi32, #tpu.memory_space<vmem>>
    %dma_wait3A_270 = tpu.memref_squeeze %dma_wait3A_269 : memref<1x128xi32, #tpu.memory_space<vmem>> -> memref<128xi32, #tpu.memory_space<vmem>>
    %dma_wait3A_271 = arith.constant 0 : i32
    %dma_wait3A_272 = tpu.memref_slice %arg3[%dma_wait3A_260, %min3A_7, %dma_wait3A_271] : memref<2x2500x128xi32, #tpu.memory_space<hbm>> -> memref<1x1x128xi32, #tpu.memory_space<hbm>>
    %dma_wait3A_273 = tpu.memref_squeeze %dma_wait3A_272 : memref<1x1x128xi32, #tpu.memory_space<hbm>> -> memref<128xi32, #tpu.memory_space<hbm>>
    tpu.wait_dma2 semaphore(%arg15 : memref<!tpu.dma_semaphore, #tpu.memory_space<semaphore_mem>>) src(%dma_wait3A_273 : memref<128xi32, #tpu.memory_space<hbm>>) dst(%dma_wait3A_270 : memref<128xi32, #tpu.memory_space<vmem>>)
    %barrier3A = arith.constant 0 : index
    tpu.barrier barrier_id(%barrier3A)
    %dma_start3A_274 = arith.constant 0 : i32
    %dma_start3A_275 = arith.constant 0 : i32
    %dma_start3A_276 = tpu.memref_slice %arg7[%dma_start3A_274, %dma_start3A_275] : memref<79x128xi32, #tpu.memory_space<vmem>> -> memref<1x128xi32, #tpu.memory_space<vmem>>
    %dma_start3A_277 = tpu.memref_squeeze %dma_start3A_276 : memref<1x128xi32, #tpu.memory_space<vmem>> -> memref<128xi32, #tpu.memory_space<vmem>>
    %dma_start3A_278 = arith.constant 0 : i32
    %dma_start3A_279 = tpu.memref_slice %arg5[%dma_start3A_278] : memref<10112xf32, #tpu.memory_space<vmem_shared>> -> memref<10112xf32, #tpu.memory_space<vmem_shared>>
    tpu.enqueue_indirect_dma source(%dma_start3A_279 : memref<10112xf32, #tpu.memory_space<vmem_shared>>) target(%arg10 : memref<128xf32, #tpu.memory_space<vmem>>) offsets(%dma_start3A_277 : memref<128xi32, #tpu.memory_space<vmem>>) semaphore(%arg13 : memref<!tpu.dma_semaphore, #tpu.memory_space<semaphore_mem>>)
    %dma_start3A_280 = arith.constant 1 : i32
    %dma_start3A_281 = arith.constant 0 : i32
    %dma_start3A_282 = tpu.memref_slice %arg7[%dma_start3A_280, %dma_start3A_281] : memref<79x128xi32, #tpu.memory_space<vmem>> -> memref<1x128xi32, #tpu.memory_space<vmem>>
    %dma_start3A_283 = tpu.memref_squeeze %dma_start3A_282 : memref<1x128xi32, #tpu.memory_space<vmem>> -> memref<128xi32, #tpu.memory_space<vmem>>
    %dma_start3A_284 = arith.constant 0 : i32
    %dma_start3A_285 = tpu.memref_slice %arg5[%dma_start3A_284] : memref<10112xf32, #tpu.memory_space<vmem_shared>> -> memref<10112xf32, #tpu.memory_space<vmem_shared>>
    tpu.enqueue_indirect_dma source(%dma_start3A_285 : memref<10112xf32, #tpu.memory_space<vmem_shared>>) target(%arg11 : memref<128xf32, #tpu.memory_space<vmem>>) offsets(%dma_start3A_283 : memref<128xi32, #tpu.memory_space<vmem>>) semaphore(%arg14 : memref<!tpu.dma_semaphore, #tpu.memory_space<semaphore_mem>>)
    %scan3A = arith.constant 0 : i32
    %scan3A_286 = arith.constant 0 : i32
    %scan3A_287 = arith.constant 26 : i32
    %scan3A_288 = arith.addi %scan3A_286, %scan3A_287 : i32
    %scan3A_289 = arith.constant 1 : i32
    scf.for %scan3A_297 = %scan3A_286 to %scan3A_288 step %scan3A_289  : i32 {
      %mul3A_298 = arith.constant 3 : i32
      %mul3A_299 = arith.muli %scan3A_297, %mul3A_298 : i32
      %add3A_300 = arith.constant 0 : i32
      %add3A_301 = arith.addi %mul3A_299, %add3A_300 : i32
      %dma_wait3A_302 = arith.constant 0 : i32
      %dma_wait3A_303 = arith.constant 0 : i32
      %dma_wait3A_304 = tpu.memref_slice %arg7[%dma_wait3A_302, %dma_wait3A_303] : memref<79x128xi32, #tpu.memory_space<vmem>> -> memref<1x128xi32, #tpu.memory_space<vmem>>
      %dma_wait3A_305 = tpu.memref_squeeze %dma_wait3A_304 : memref<1x128xi32, #tpu.memory_space<vmem>> -> memref<128xi32, #tpu.memory_space<vmem>>
      %dma_wait3A_306 = arith.constant 0 : i32
      %dma_wait3A_307 = tpu.memref_slice %arg5[%dma_wait3A_306] : memref<10112xf32, #tpu.memory_space<vmem_shared>> -> memref<10112xf32, #tpu.memory_space<vmem_shared>>
      tpu.wait_indirect_dma semaphore(%arg13 : memref<!tpu.dma_semaphore, #tpu.memory_space<semaphore_mem>>) src(%dma_wait3A_307 : memref<10112xf32, #tpu.memory_space<vmem_shared>>) dst(%arg10 : memref<128xf32, #tpu.memory_space<vmem>>)
      %add3A_308 = arith.constant 2 : i32
      %add3A_309 = arith.addi %add3A_301, %add3A_308 : i32
      %dma_start3A_310 = arith.constant 0 : i32
      %dma_start3A_311 = tpu.memref_slice %arg7[%add3A_309, %dma_start3A_310] : memref<79x128xi32, #tpu.memory_space<vmem>> -> memref<1x128xi32, #tpu.memory_space<vmem>>
      %dma_start3A_312 = tpu.memref_squeeze %dma_start3A_311 : memref<1x128xi32, #tpu.memory_space<vmem>> -> memref<128xi32, #tpu.memory_space<vmem>>
      %dma_start3A_313 = arith.constant 0 : i32
      %dma_start3A_314 = tpu.memref_slice %arg5[%dma_start3A_313] : memref<10112xf32, #tpu.memory_space<vmem_shared>> -> memref<10112xf32, #tpu.memory_space<vmem_shared>>
      tpu.enqueue_indirect_dma source(%dma_start3A_314 : memref<10112xf32, #tpu.memory_space<vmem_shared>>) target(%arg12 : memref<128xf32, #tpu.memory_space<vmem>>) offsets(%dma_start3A_312 : memref<128xi32, #tpu.memory_space<vmem>>) semaphore(%arg15 : memref<!tpu.dma_semaphore, #tpu.memory_space<semaphore_mem>>)
      "tpu.region"() ({
        %run_scoped3A = tpu.sem_alloc : memref<!tpu.dma_semaphore, #tpu.memory_space<semaphore_mem>>
        %dma_start3A_345 = arith.constant 0 : i32
        %dma_start3A_346 = tpu.memref_slice %arg8[%add3A_301, %dma_start3A_345] : memref<79x128xi32, #tpu.memory_space<vmem>> -> memref<1x128xi32, #tpu.memory_space<vmem>>
        %dma_start3A_347 = tpu.memref_squeeze %dma_start3A_346 : memref<1x128xi32, #tpu.memory_space<vmem>> -> memref<128xi32, #tpu.memory_space<vmem>>
        %dma_start3A_348 = arith.constant 0 : i32
        %dma_start3A_349 = tpu.memref_slice %arg6[%dma_start3A_348] : memref<10112xf32, #tpu.memory_space<vmem_shared>> -> memref<10112xf32, #tpu.memory_space<vmem_shared>>
        tpu.enqueue_indirect_dma source(%arg10 : memref<128xf32, #tpu.memory_space<vmem>>) target(%dma_start3A_349 : memref<10112xf32, #tpu.memory_space<vmem_shared>>) offsets(%dma_start3A_347 : memref<128xi32, #tpu.memory_space<vmem>>) semaphore(%run_scoped3A : memref<!tpu.dma_semaphore, #tpu.memory_space<semaphore_mem>>) {add = true}
        %dma_wait3A_350 = arith.constant 0 : i32
        %dma_wait3A_351 = tpu.memref_slice %arg8[%add3A_301, %dma_wait3A_350] : memref<79x128xi32, #tpu.memory_space<vmem>> -> memref<1x128xi32, #tpu.memory_space<vmem>>
        %dma_wait3A_352 = tpu.memref_squeeze %dma_wait3A_351 : memref<1x128xi32, #tpu.memory_space<vmem>> -> memref<128xi32, #tpu.memory_space<vmem>>
        %dma_wait3A_353 = arith.constant 0 : i32
        %dma_wait3A_354 = tpu.memref_slice %arg6[%dma_wait3A_353] : memref<10112xf32, #tpu.memory_space<vmem_shared>> -> memref<10112xf32, #tpu.memory_space<vmem_shared>>
        tpu.wait_indirect_dma semaphore(%run_scoped3A : memref<!tpu.dma_semaphore, #tpu.memory_space<semaphore_mem>>) src(%arg10 : memref<128xf32, #tpu.memory_space<vmem>>) dst(%dma_wait3A_354 : memref<10112xf32, #tpu.memory_space<vmem_shared>>)
        tpu.yield
      }) : () -> ()
      %mul3A_315 = arith.constant 3 : i32
      %mul3A_316 = arith.muli %scan3A_297, %mul3A_315 : i32
      %add3A_317 = arith.constant 1 : i32
      %add3A_318 = arith.addi %mul3A_316, %add3A_317 : i32
      %dma_wait3A_319 = arith.constant 1 : i32
      %dma_wait3A_320 = arith.constant 0 : i32
      %dma_wait3A_321 = tpu.memref_slice %arg7[%dma_wait3A_319, %dma_wait3A_320] : memref<79x128xi32, #tpu.memory_space<vmem>> -> memref<1x128xi32, #tpu.memory_space<vmem>>
      %dma_wait3A_322 = tpu.memref_squeeze %dma_wait3A_321 : memref<1x128xi32, #tpu.memory_space<vmem>> -> memref<128xi32, #tpu.memory_space<vmem>>
      %dma_wait3A_323 = arith.constant 0 : i32
      %dma_wait3A_324 = tpu.memref_slice %arg5[%dma_wait3A_323] : memref<10112xf32, #tpu.memory_space<vmem_shared>> -> memref<10112xf32, #tpu.memory_space<vmem_shared>>
      tpu.wait_indirect_dma semaphore(%arg14 : memref<!tpu.dma_semaphore, #tpu.memory_space<semaphore_mem>>) src(%dma_wait3A_324 : memref<10112xf32, #tpu.memory_space<vmem_shared>>) dst(%arg11 : memref<128xf32, #tpu.memory_space<vmem>>)
      %lt3A_325 = arith.constant 25 : i32
      %lt3A_326 = arith.cmpi slt, %scan3A_297, %lt3A_325 : i32
      %convert_element_type3A_327 = arith.extui %lt3A_326 : i1 to i32
      %cond3A_328 = arith.constant 0 : i32
      %cond3A_329 = arith.cmpi ne, %convert_element_type3A_327, %cond3A_328 : i32
      scf.if %cond3A_329 {
        %add3A_345 = arith.constant 2 : i32
        %add3A_346 = arith.addi %add3A_318, %add3A_345 : i32
        %dma_start3A_347 = arith.constant 0 : i32
        %dma_start3A_348 = tpu.memref_slice %arg7[%add3A_346, %dma_start3A_347] : memref<79x128xi32, #tpu.memory_space<vmem>> -> memref<1x128xi32, #tpu.memory_space<vmem>>
        %dma_start3A_349 = tpu.memref_squeeze %dma_start3A_348 : memref<1x128xi32, #tpu.memory_space<vmem>> -> memref<128xi32, #tpu.memory_space<vmem>>
        %dma_start3A_350 = arith.constant 0 : i32
        %dma_start3A_351 = tpu.memref_slice %arg5[%dma_start3A_350] : memref<10112xf32, #tpu.memory_space<vmem_shared>> -> memref<10112xf32, #tpu.memory_space<vmem_shared>>
        tpu.enqueue_indirect_dma source(%dma_start3A_351 : memref<10112xf32, #tpu.memory_space<vmem_shared>>) target(%arg10 : memref<128xf32, #tpu.memory_space<vmem>>) offsets(%dma_start3A_349 : memref<128xi32, #tpu.memory_space<vmem>>) semaphore(%arg13 : memref<!tpu.dma_semaphore, #tpu.memory_space<semaphore_mem>>)
      } else {
      }
      "tpu.region"() ({
        %run_scoped3A = tpu.sem_alloc : memref<!tpu.dma_semaphore, #tpu.memory_space<semaphore_mem>>
        %dma_start3A_345 = arith.constant 0 : i32
        %dma_start3A_346 = tpu.memref_slice %arg8[%add3A_318, %dma_start3A_345] : memref<79x128xi32, #tpu.memory_space<vmem>> -> memref<1x128xi32, #tpu.memory_space<vmem>>
        %dma_start3A_347 = tpu.memref_squeeze %dma_start3A_346 : memref<1x128xi32, #tpu.memory_space<vmem>> -> memref<128xi32, #tpu.memory_space<vmem>>
        %dma_start3A_348 = arith.constant 0 : i32
        %dma_start3A_349 = tpu.memref_slice %arg6[%dma_start3A_348] : memref<10112xf32, #tpu.memory_space<vmem_shared>> -> memref<10112xf32, #tpu.memory_space<vmem_shared>>
        tpu.enqueue_indirect_dma source(%arg11 : memref<128xf32, #tpu.memory_space<vmem>>) target(%dma_start3A_349 : memref<10112xf32, #tpu.memory_space<vmem_shared>>) offsets(%dma_start3A_347 : memref<128xi32, #tpu.memory_space<vmem>>) semaphore(%run_scoped3A : memref<!tpu.dma_semaphore, #tpu.memory_space<semaphore_mem>>) {add = true}
        %dma_wait3A_350 = arith.constant 0 : i32
        %dma_wait3A_351 = tpu.memref_slice %arg8[%add3A_318, %dma_wait3A_350] : memref<79x128xi32, #tpu.memory_space<vmem>> -> memref<1x128xi32, #tpu.memory_space<vmem>>
        %dma_wait3A_352 = tpu.memref_squeeze %dma_wait3A_351 : memref<1x128xi32, #tpu.memory_space<vmem>> -> memref<128xi32, #tpu.memory_space<vmem>>
        %dma_wait3A_353 = arith.constant 0 : i32
        %dma_wait3A_354 = tpu.memref_slice %arg6[%dma_wait3A_353] : memref<10112xf32, #tpu.memory_space<vmem_shared>> -> memref<10112xf32, #tpu.memory_space<vmem_shared>>
        tpu.wait_indirect_dma semaphore(%run_scoped3A : memref<!tpu.dma_semaphore, #tpu.memory_space<semaphore_mem>>) src(%arg11 : memref<128xf32, #tpu.memory_space<vmem>>) dst(%dma_wait3A_354 : memref<10112xf32, #tpu.memory_space<vmem_shared>>)
        tpu.yield
      }) : () -> ()
      %mul3A_330 = arith.constant 3 : i32
      %mul3A_331 = arith.muli %scan3A_297, %mul3A_330 : i32
      %add3A_332 = arith.constant 2 : i32
      %add3A_333 = arith.addi %mul3A_331, %add3A_332 : i32
      %dma_wait3A_334 = arith.constant 2 : i32
      %dma_wait3A_335 = arith.constant 0 : i32
      %dma_wait3A_336 = tpu.memref_slice %arg7[%dma_wait3A_334, %dma_wait3A_335] : memref<79x128xi32, #tpu.memory_space<vmem>> -> memref<1x128xi32, #tpu.memory_space<vmem>>
      %dma_wait3A_337 = tpu.memref_squeeze %dma_wait3A_336 : memref<1x128xi32, #tpu.memory_space<vmem>> -> memref<128xi32, #tpu.memory_space<vmem>>
      %dma_wait3A_338 = arith.constant 0 : i32
      %dma_wait3A_339 = tpu.memref_slice %arg5[%dma_wait3A_338] : memref<10112xf32, #tpu.memory_space<vmem_shared>> -> memref<10112xf32, #tpu.memory_space<vmem_shared>>
      tpu.wait_indirect_dma semaphore(%arg15 : memref<!tpu.dma_semaphore, #tpu.memory_space<semaphore_mem>>) src(%dma_wait3A_339 : memref<10112xf32, #tpu.memory_space<vmem_shared>>) dst(%arg12 : memref<128xf32, #tpu.memory_space<vmem>>)
      %lt3A_340 = arith.constant 25 : i32
      %lt3A_341 = arith.cmpi slt, %scan3A_297, %lt3A_340 : i32
      %convert_element_type3A_342 = arith.extui %lt3A_341 : i1 to i32
      %cond3A_343 = arith.constant 0 : i32
      %cond3A_344 = arith.cmpi ne, %convert_element_type3A_342, %cond3A_343 : i32
      scf.if %cond3A_344 {
        %add3A_345 = arith.constant 2 : i32
        %add3A_346 = arith.addi %add3A_333, %add3A_345 : i32
        %dma_start3A_347 = arith.constant 0 : i32
        %dma_start3A_348 = tpu.memref_slice %arg7[%add3A_346, %dma_start3A_347] : memref<79x128xi32, #tpu.memory_space<vmem>> -> memref<1x128xi32, #tpu.memory_space<vmem>>
        %dma_start3A_349 = tpu.memref_squeeze %dma_start3A_348 : memref<1x128xi32, #tpu.memory_space<vmem>> -> memref<128xi32, #tpu.memory_space<vmem>>
        %dma_start3A_350 = arith.constant 0 : i32
        %dma_start3A_351 = tpu.memref_slice %arg5[%dma_start3A_350] : memref<10112xf32, #tpu.memory_space<vmem_shared>> -> memref<10112xf32, #tpu.memory_space<vmem_shared>>
        tpu.enqueue_indirect_dma source(%dma_start3A_351 : memref<10112xf32, #tpu.memory_space<vmem_shared>>) target(%arg11 : memref<128xf32, #tpu.memory_space<vmem>>) offsets(%dma_start3A_349 : memref<128xi32, #tpu.memory_space<vmem>>) semaphore(%arg14 : memref<!tpu.dma_semaphore, #tpu.memory_space<semaphore_mem>>)
      } else {
      }
      "tpu.region"() ({
        %run_scoped3A = tpu.sem_alloc : memref<!tpu.dma_semaphore, #tpu.memory_space<semaphore_mem>>
        %dma_start3A_345 = arith.constant 0 : i32
        %dma_start3A_346 = tpu.memref_slice %arg8[%add3A_333, %dma_start3A_345] : memref<79x128xi32, #tpu.memory_space<vmem>> -> memref<1x128xi32, #tpu.memory_space<vmem>>
        %dma_start3A_347 = tpu.memref_squeeze %dma_start3A_346 : memref<1x128xi32, #tpu.memory_space<vmem>> -> memref<128xi32, #tpu.memory_space<vmem>>
        %dma_start3A_348 = arith.constant 0 : i32
        %dma_start3A_349 = tpu.memref_slice %arg6[%dma_start3A_348] : memref<10112xf32, #tpu.memory_space<vmem_shared>> -> memref<10112xf32, #tpu.memory_space<vmem_shared>>
        tpu.enqueue_indirect_dma source(%arg12 : memref<128xf32, #tpu.memory_space<vmem>>) target(%dma_start3A_349 : memref<10112xf32, #tpu.memory_space<vmem_shared>>) offsets(%dma_start3A_347 : memref<128xi32, #tpu.memory_space<vmem>>) semaphore(%run_scoped3A : memref<!tpu.dma_semaphore, #tpu.memory_space<semaphore_mem>>) {add = true}
        %dma_wait3A_350 = arith.constant 0 : i32
        %dma_wait3A_351 = tpu.memref_slice %arg8[%add3A_333, %dma_wait3A_350] : memref<79x128xi32, #tpu.memory_space<vmem>> -> memref<1x128xi32, #tpu.memory_space<vmem>>
        %dma_wait3A_352 = tpu.memref_squeeze %dma_wait3A_351 : memref<1x128xi32, #tpu.memory_space<vmem>> -> memref<128xi32, #tpu.memory_space<vmem>>
        %dma_wait3A_353 = arith.constant 0 : i32
        %dma_wait3A_354 = tpu.memref_slice %arg6[%dma_wait3A_353] : memref<10112xf32, #tpu.memory_space<vmem_shared>> -> memref<10112xf32, #tpu.memory_space<vmem_shared>>
        tpu.wait_indirect_dma semaphore(%run_scoped3A : memref<!tpu.dma_semaphore, #tpu.memory_space<semaphore_mem>>) src(%arg12 : memref<128xf32, #tpu.memory_space<vmem>>) dst(%dma_wait3A_354 : memref<10112xf32, #tpu.memory_space<vmem_shared>>)
        tpu.yield
      }) : () -> ()
    }
    %scan3A_290 = arith.constant 26 : i32
    %lt3A = arith.constant 4 : i32
    %lt3A_291 = arith.cmpi slt, %add3A, %lt3A : i32
    %convert_element_type3A = arith.extui %lt3A_291 : i1 to i32
    %cond3A = arith.constant 0 : i32
    %cond3A_292 = arith.cmpi ne, %convert_element_type3A, %cond3A : i32
    scf.if %cond3A_292 {
      %run_scoped3A = arith.constant 78 : i32
      "tpu.region"() ({
        %run_scoped3A_298 = tpu.sem_alloc : memref<!tpu.dma_semaphore, #tpu.memory_space<semaphore_mem>>
        %dma_start3A_299 = arith.constant 0 : i32
        %dma_start3A_300 = tpu.memref_slice %arg7[%run_scoped3A, %dma_start3A_299] : memref<79x128xi32, #tpu.memory_space<vmem>> -> memref<1x128xi32, #tpu.memory_space<vmem>>
        %dma_start3A_301 = tpu.memref_squeeze %dma_start3A_300 : memref<1x128xi32, #tpu.memory_space<vmem>> -> memref<128xi32, #tpu.memory_space<vmem>>
        %dma_start3A_302 = arith.constant 0 : i32
        %dma_start3A_303 = tpu.memref_slice %arg5[%dma_start3A_302] : memref<10112xf32, #tpu.memory_space<vmem_shared>> -> memref<10112xf32, #tpu.memory_space<vmem_shared>>
        tpu.enqueue_indirect_dma source(%dma_start3A_303 : memref<10112xf32, #tpu.memory_space<vmem_shared>>) target(%arg10 : memref<128xf32, #tpu.memory_space<vmem>>) offsets(%dma_start3A_301 : memref<128xi32, #tpu.memory_space<vmem>>) semaphore(%run_scoped3A_298 : memref<!tpu.dma_semaphore, #tpu.memory_space<semaphore_mem>>)
        %dma_wait3A_304 = arith.constant 0 : i32
        %dma_wait3A_305 = tpu.memref_slice %arg7[%run_scoped3A, %dma_wait3A_304] : memref<79x128xi32, #tpu.memory_space<vmem>> -> memref<1x128xi32, #tpu.memory_space<vmem>>
        %dma_wait3A_306 = tpu.memref_squeeze %dma_wait3A_305 : memref<1x128xi32, #tpu.memory_space<vmem>> -> memref<128xi32, #tpu.memory_space<vmem>>
        %dma_wait3A_307 = arith.constant 0 : i32
        %dma_wait3A_308 = tpu.memref_slice %arg5[%dma_wait3A_307] : memref<10112xf32, #tpu.memory_space<vmem_shared>> -> memref<10112xf32, #tpu.memory_space<vmem_shared>>
        tpu.wait_indirect_dma semaphore(%run_scoped3A_298 : memref<!tpu.dma_semaphore, #tpu.memory_space<semaphore_mem>>) src(%dma_wait3A_308 : memref<10112xf32, #tpu.memory_space<vmem_shared>>) dst(%arg10 : memref<128xf32, #tpu.memory_space<vmem>>)
        tpu.yield
      }) : () -> ()
      %run_scoped3A_297 = arith.constant 78 : i32
      "tpu.region"() ({
        %run_scoped3A_298 = tpu.sem_alloc : memref<!tpu.dma_semaphore, #tpu.memory_space<semaphore_mem>>
        %dma_start3A_299 = arith.constant 0 : i32
        %dma_start3A_300 = tpu.memref_slice %arg8[%run_scoped3A_297, %dma_start3A_299] : memref<79x128xi32, #tpu.memory_space<vmem>> -> memref<1x128xi32, #tpu.memory_space<vmem>>
        %dma_start3A_301 = tpu.memref_squeeze %dma_start3A_300 : memref<1x128xi32, #tpu.memory_space<vmem>> -> memref<128xi32, #tpu.memory_space<vmem>>
        %dma_start3A_302 = arith.constant 0 : i32
        %dma_start3A_303 = tpu.memref_slice %arg6[%dma_start3A_302] : memref<10112xf32, #tpu.memory_space<vmem_shared>> -> memref<10112xf32, #tpu.memory_space<vmem_shared>>
        tpu.enqueue_indirect_dma source(%arg10 : memref<128xf32, #tpu.memory_space<vmem>>) target(%dma_start3A_303 : memref<10112xf32, #tpu.memory_space<vmem_shared>>) offsets(%dma_start3A_301 : memref<128xi32, #tpu.memory_space<vmem>>) semaphore(%run_scoped3A_298 : memref<!tpu.dma_semaphore, #tpu.memory_space<semaphore_mem>>) {add = true}
        %dma_wait3A_304 = arith.constant 0 : i32
        %dma_wait3A_305 = tpu.memref_slice %arg8[%run_scoped3A_297, %dma_wait3A_304] : memref<79x128xi32, #tpu.memory_space<vmem>> -> memref<1x128xi32, #tpu.memory_space<vmem>>
        %dma_wait3A_306 = tpu.memref_squeeze %dma_wait3A_305 : memref<1x128xi32, #tpu.memory_space<vmem>> -> memref<128xi32, #tpu.memory_space<vmem>>
        %dma_wait3A_307 = arith.constant 0 : i32
        %dma_wait3A_308 = tpu.memref_slice %arg6[%dma_wait3A_307] : memref<10112xf32, #tpu.memory_space<vmem_shared>> -> memref<10112xf32, #tpu.memory_space<vmem_shared>>
        tpu.wait_indirect_dma semaphore(%run_scoped3A_298 : memref<!tpu.dma_semaphore, #tpu.memory_space<semaphore_mem>>) src(%arg10 : memref<128xf32, #tpu.memory_space<vmem>>) dst(%dma_wait3A_308 : memref<10112xf32, #tpu.memory_space<vmem_shared>>)
        tpu.yield
      }) : () -> ()
    } else {
    }
    %barrier3A_293 = arith.constant 0 : index
    tpu.barrier barrier_id(%barrier3A_293)
    "tpu.region"() ({
      %run_scoped3A = tpu.sem_alloc : memref<!tpu.dma_semaphore, #tpu.memory_space<semaphore_mem>>
      %dma_start3A_297 = tpu.memref_slice %arg6[%mul3A_2] : memref<10112xf32, #tpu.memory_space<vmem_shared>> -> memref<632xf32, #tpu.memory_space<vmem_shared>>
      %dma_start3A_298 = tpu.memref_slice %arg6[%mul3A_2] : memref<10112xf32, #tpu.memory_space<vmem_shared>> -> memref<632xf32, #tpu.memory_space<vmem_shared>>
      tpu.enqueue_dma source(%dma_start3A_298 : memref<632xf32, #tpu.memory_space<vmem_shared>>) target(%arg9 : memref<632xf32, #tpu.memory_space<vmem>>) target_semaphore(%run_scoped3A : memref<!tpu.dma_semaphore, #tpu.memory_space<semaphore_mem>>)
      %dma_wait3A_299 = tpu.memref_slice %arg6[%mul3A_2] : memref<10112xf32, #tpu.memory_space<vmem_shared>> -> memref<632xf32, #tpu.memory_space<vmem_shared>>
      %dma_wait3A_300 = tpu.memref_slice %arg6[%mul3A_2] : memref<10112xf32, #tpu.memory_space<vmem_shared>> -> memref<632xf32, #tpu.memory_space<vmem_shared>>
      tpu.wait_dma2 semaphore(%run_scoped3A : memref<!tpu.dma_semaphore, #tpu.memory_space<semaphore_mem>>) src(%dma_wait3A_300 : memref<632xf32, #tpu.memory_space<vmem_shared>>) dst(%arg9 : memref<632xf32, #tpu.memory_space<vmem>>)
      tpu.yield
    }) : () -> ()
    %mul3A_294 = arith.constant 10112 : i32
    %mul3A_295 = arith.muli %arg0, %mul3A_294 : i32
    %add3A_296 = arith.addi %mul3A_295, %mul3A_2 : i32
    "tpu.region"() ({
      %run_scoped3A = tpu.sem_alloc : memref<!tpu.dma_semaphore, #tpu.memory_space<semaphore_mem>>
      %dma_start3A_297 = tpu.memref_slice %arg4[%add3A_296] : memref<20224xf32, #tpu.memory_space<hbm>> -> memref<632xf32, #tpu.memory_space<hbm>>
      %dma_start3A_298 = tpu.memref_slice %arg4[%add3A_296] : memref<20224xf32, #tpu.memory_space<hbm>> -> memref<632xf32, #tpu.memory_space<hbm>>
      tpu.enqueue_dma source(%arg9 : memref<632xf32, #tpu.memory_space<vmem>>) target(%dma_start3A_298 : memref<632xf32, #tpu.memory_space<hbm>>) target_semaphore(%run_scoped3A : memref<!tpu.dma_semaphore, #tpu.memory_space<semaphore_mem>>)
      %dma_wait3A_299 = tpu.memref_slice %arg4[%add3A_296] : memref<20224xf32, #tpu.memory_space<hbm>> -> memref<632xf32, #tpu.memory_space<hbm>>
      %dma_wait3A_300 = tpu.memref_slice %arg4[%add3A_296] : memref<20224xf32, #tpu.memory_space<hbm>> -> memref<632xf32, #tpu.memory_space<hbm>>
      tpu.wait_dma2 semaphore(%run_scoped3A : memref<!tpu.dma_semaphore, #tpu.memory_space<semaphore_mem>>) src(%arg9 : memref<632xf32, #tpu.memory_space<vmem>>) dst(%dma_wait3A_300 : memref<632xf32, #tpu.memory_space<hbm>>)
      tpu.yield
    }) : () -> ()
    return
  }
}

module attributes {stable_mosaic.version = 14 : i64} {
  func.func @_k1_body(%arg0: memref<10000x128xf32, #tpu.memory_space<vmem>>, %arg1: memref<128x64xf32, #tpu.memory_space<vmem>>, %arg2: memref<128x64xf32, #tpu.memory_space<vmem>>, %arg3: memref<64xf32, #tpu.memory_space<vmem>>, %arg4: memref<10112x64xf32, #tpu.memory_space<vmem>>, %arg5: memref<10000x64xf32, #tpu.memory_space<vmem>>) attributes {dimension_semantics = [], scalar_prefetch = 0 : i64, scratch_operands = 0 : i64, tpu.core_type = #tpu.core_type<tc>} {
    %get3A = arith.constant 0 : index
    %get3A_0 = arith.constant 0 : index
    %get3A_1 = vector.load %arg0[%get3A, %get3A_0] : memref<10000x128xf32, #tpu.memory_space<vmem>>, vector<10000x128xf32>
    %get3A_2 = arith.constant 0 : index
    %get3A_3 = arith.constant 0 : index
    %get3A_4 = vector.load %arg1[%get3A_2, %get3A_3] : memref<128x64xf32, #tpu.memory_space<vmem>>, vector<128x64xf32>
    %dot_general3A = arith.constant dense<0.000000e+00> : vector<10000x64xf32>
    %dot_general3A_5 = tpu.matmul %get3A_1, %get3A_4, %dot_general3A {dimension_numbers = #tpu.dot_dimension_numbers<[1], [0], [0], [1], [0, 0, 1, 1], [], []>, transpose_lhs_hint = false} : vector<10000x128xf32>, vector<128x64xf32>, vector<10000x64xf32> -> vector<10000x64xf32>
    %swap3A = arith.constant 0 : index
    %swap3A_6 = arith.constant 0 : index
    %swap3A_7 = vector.load %arg4[%swap3A, %swap3A_6] : memref<10112x64xf32, #tpu.memory_space<vmem>>, vector<10000x64xf32>
    tpu.vector_store %arg4[%swap3A, %swap3A_6], %dot_general3A_5 {strides = array<i32>} : memref<10112x64xf32, #tpu.memory_space<vmem>>, vector<10000x64xf32>,
    %broadcast_in_dim3A = arith.constant 0.000000e+00 : f32
    %broadcast_in_dim3A_8 = vector.broadcast %broadcast_in_dim3A : f32 to vector<112x64xf32>
    %swap3A_9 = arith.constant 10000 : index
    %swap3A_10 = arith.constant 0 : index
    %swap3A_11 = vector.load %arg4[%swap3A_9, %swap3A_10] : memref<10112x64xf32, #tpu.memory_space<vmem>>, vector<112x64xf32>
    tpu.vector_store %arg4[%swap3A_9, %swap3A_10], %broadcast_in_dim3A_8 {strides = array<i32>} : memref<10112x64xf32, #tpu.memory_space<vmem>>, vector<112x64xf32>,
    %get3A_12 = arith.constant 0 : index
    %get3A_13 = arith.constant 0 : index
    %get3A_14 = vector.load %arg2[%get3A_12, %get3A_13] : memref<128x64xf32, #tpu.memory_space<vmem>>, vector<128x64xf32>
    %dot_general3A_15 = arith.constant dense<0.000000e+00> : vector<10000x64xf32>
    %dot_general3A_16 = tpu.matmul %get3A_1, %get3A_14, %dot_general3A_15 {dimension_numbers = #tpu.dot_dimension_numbers<[1], [0], [0], [1], [0, 0, 1, 1], [], []>, transpose_lhs_hint = false} : vector<10000x128xf32>, vector<128x64xf32>, vector<10000x64xf32> -> vector<10000x64xf32>
    %get3A_17 = arith.constant 0 : index
    %get3A_18 = vector.load %arg3[%get3A_17] : memref<64xf32, #tpu.memory_space<vmem>>, vector<64xf32>
    %broadcast_in_dim3A_19 = vector.shape_cast %get3A_18 : vector<64xf32> to vector<1x64xf32>
    %add3A = vector.broadcast %broadcast_in_dim3A_19 : vector<1x64xf32> to vector<10000x64xf32>
    %add3A_20 = arith.addf %dot_general3A_16, %add3A : vector<10000x64xf32>
    %swap3A_21 = arith.constant 0 : index
    %swap3A_22 = arith.constant 0 : index
    %swap3A_23 = vector.load %arg5[%swap3A_21, %swap3A_22] : memref<10000x64xf32, #tpu.memory_space<vmem>>, vector<10000x64xf32>
    tpu.vector_store %arg5[%swap3A_21, %swap3A_22], %add3A_20 {strides = array<i32>} : memref<10000x64xf32, #tpu.memory_space<vmem>>, vector<10000x64xf32>,
    return
  }
}

module attributes {stable_mosaic.version = 14 : i64} {
  func.func @_k2_body(%arg0: memref<2x10112x64xf32, #tpu.memory_space<vmem>>, %arg1: memref<2x10112xf32, #tpu.memory_space<vmem>>, %arg2: memref<10000x64xf32, #tpu.memory_space<vmem>>, %arg3: memref<64xf32, #tpu.memory_space<vmem>>, %arg4: memref<64xf32, #tpu.memory_space<vmem>>, %arg5: memref<64x64xf32, #tpu.memory_space<vmem>>, %arg6: memref<10000x64xf32, #tpu.memory_space<vmem>>, %arg7: memref<10112x64xf32, #tpu.memory_space<vmem>>, %arg8: memref<10000xf32, #tpu.memory_space<vmem>>) attributes {dimension_semantics = [], scalar_prefetch = 0 : i64, scratch_operands = 0 : i64, tpu.core_type = #tpu.core_type<tc>} {
    %get3A = arith.constant 0 : index
    %get3A_0 = arith.constant 0 : index
    %get3A_1 = arith.constant 0 : index
    %get3A_2 = vector.load %arg0[%get3A, %get3A_0, %get3A_1] : memref<2x10112x64xf32, #tpu.memory_space<vmem>>, vector<1x10000x64xf32>
    %get3A_3 = vector.shape_cast %get3A_2 : vector<1x10000x64xf32> to vector<10000x64xf32>
    %get3A_4 = arith.constant 1 : index
    %get3A_5 = arith.constant 0 : index
    %get3A_6 = arith.constant 0 : index
    %get3A_7 = vector.load %arg0[%get3A_4, %get3A_5, %get3A_6] : memref<2x10112x64xf32, #tpu.memory_space<vmem>>, vector<1x10000x64xf32>
    %get3A_8 = vector.shape_cast %get3A_7 : vector<1x10000x64xf32> to vector<10000x64xf32>
    %add3A = arith.addf %get3A_3, %get3A_8 : vector<10000x64xf32>
    %get3A_9 = arith.constant 0 : index
    %get3A_10 = arith.constant 0 : index
    %get3A_11 = vector.load %arg1[%get3A_9, %get3A_10] : memref<2x10112xf32, #tpu.memory_space<vmem>>, vector<1x10000xf32>
    %get3A_12 = vector.shape_cast %get3A_11 : vector<1x10000xf32> to vector<10000xf32>
    %get3A_13 = arith.constant 1 : index
    %get3A_14 = arith.constant 0 : index
    %get3A_15 = vector.load %arg1[%get3A_13, %get3A_14] : memref<2x10112xf32, #tpu.memory_space<vmem>>, vector<1x10000xf32>
    %get3A_16 = vector.shape_cast %get3A_15 : vector<1x10000xf32> to vector<10000xf32>
    %add3A_17 = arith.addf %get3A_12, %get3A_16 : vector<10000xf32>
    %max3A = arith.constant 1.000000e+00 : f32
    %max3A_18 = vector.broadcast %max3A : f32 to vector<10000xf32>
    %max3A_19 = arith.maximumf %add3A_17, %max3A_18 : vector<10000xf32>
    %div3A = arith.constant 1.000000e+00 : f32
    %div3A_20 = vector.broadcast %div3A : f32 to vector<10000xf32>
    %div3A_21 = arith.divf %div3A_20, %max3A_19 : vector<10000xf32>
    %broadcast_in_dim3A = vector.shape_cast %div3A_21 : vector<10000xf32> to vector<10000x1xf32>
    %mul3A = vector.broadcast %broadcast_in_dim3A : vector<10000x1xf32> to vector<10000x64xf32>
    %mul3A_22 = arith.mulf %add3A, %mul3A : vector<10000x64xf32>
    %get3A_23 = arith.constant 0 : index
    %get3A_24 = arith.constant 0 : index
    %get3A_25 = vector.load %arg2[%get3A_23, %get3A_24] : memref<10000x64xf32, #tpu.memory_space<vmem>>, vector<10000x64xf32>
    %add3A_26 = arith.addf %mul3A_22, %get3A_25 : vector<10000x64xf32>
    %reduce_sum3A = arith.constant dense<0.000000e+00> : vector<64xf32>
    %reduce_sum3A_27 = vector.multi_reduction <add>, %add3A_26, %reduce_sum3A [0] : vector<10000x64xf32> to vector<64xf32>
    %div3A_28 = arith.constant 1.000000e+04 : f32
    %div3A_29 = vector.broadcast %div3A_28 : f32 to vector<64xf32>
    %div3A_30 = arith.divf %reduce_sum3A_27, %div3A_29 : vector<64xf32>
    %broadcast_in_dim3A_31 = vector.shape_cast %div3A_30 : vector<64xf32> to vector<1x64xf32>
    %sub3A = vector.broadcast %broadcast_in_dim3A_31 : vector<1x64xf32> to vector<10000x64xf32>
    %sub3A_32 = arith.subf %add3A_26, %sub3A : vector<10000x64xf32>
    %integer_pow3A = arith.mulf %sub3A_32, %sub3A_32 : vector<10000x64xf32>
    %reduce_sum3A_33 = arith.constant dense<0.000000e+00> : vector<64xf32>
    %reduce_sum3A_34 = vector.multi_reduction <add>, %integer_pow3A, %reduce_sum3A_33 [0] : vector<10000x64xf32> to vector<64xf32>
    %div3A_35 = arith.constant 1.000000e+04 : f32
    %div3A_36 = vector.broadcast %div3A_35 : f32 to vector<64xf32>
    %div3A_37 = arith.divf %reduce_sum3A_34, %div3A_36 : vector<64xf32>
    %broadcast_in_dim3A_38 = vector.shape_cast %div3A_30 : vector<64xf32> to vector<1x64xf32>
    %sub3A_39 = vector.broadcast %broadcast_in_dim3A_38 : vector<1x64xf32> to vector<10000x64xf32>
    %sub3A_40 = arith.subf %add3A_26, %sub3A_39 : vector<10000x64xf32>
    %add3A_41 = arith.constant 9.99999974E-6 : f32
    %add3A_42 = vector.broadcast %add3A_41 : f32 to vector<64xf32>
    %add3A_43 = arith.addf %div3A_37, %add3A_42 : vector<64xf32>
    %rsqrt3A = math.rsqrt %add3A_43 : vector<64xf32>
    %broadcast_in_dim3A_44 = vector.shape_cast %rsqrt3A : vector<64xf32> to vector<1x64xf32>
    %mul3A_45 = vector.broadcast %broadcast_in_dim3A_44 : vector<1x64xf32> to vector<10000x64xf32>
    %mul3A_46 = arith.mulf %sub3A_40, %mul3A_45 : vector<10000x64xf32>
    %get3A_47 = arith.constant 0 : index
    %get3A_48 = vector.load %arg3[%get3A_47] : memref<64xf32, #tpu.memory_space<vmem>>, vector<64xf32>
    %broadcast_in_dim3A_49 = vector.shape_cast %get3A_48 : vector<64xf32> to vector<1x64xf32>
    %mul3A_50 = vector.broadcast %broadcast_in_dim3A_49 : vector<1x64xf32> to vector<10000x64xf32>
    %mul3A_51 = arith.mulf %mul3A_46, %mul3A_50 : vector<10000x64xf32>
    %get3A_52 = arith.constant 0 : index
    %get3A_53 = vector.load %arg4[%get3A_52] : memref<64xf32, #tpu.memory_space<vmem>>, vector<64xf32>
    %broadcast_in_dim3A_54 = vector.shape_cast %get3A_53 : vector<64xf32> to vector<1x64xf32>
    %add3A_55 = vector.broadcast %broadcast_in_dim3A_54 : vector<1x64xf32> to vector<10000x64xf32>
    %add3A_56 = arith.addf %mul3A_51, %add3A_55 : vector<10000x64xf32>
    %max3A_57 = arith.constant 0.000000e+00 : f32
    %max3A_58 = vector.broadcast %max3A_57 : f32 to vector<10000x64xf32>
    %max3A_59 = arith.maximumf %add3A_56, %max3A_58 : vector<10000x64xf32>
    %swap3A = arith.constant 0 : index
    %swap3A_60 = arith.constant 0 : index
    %swap3A_61 = vector.load %arg6[%swap3A, %swap3A_60] : memref<10000x64xf32, #tpu.memory_space<vmem>>, vector<10000x64xf32>
    tpu.vector_store %arg6[%swap3A, %swap3A_60], %max3A_59 {strides = array<i32>} : memref<10000x64xf32, #tpu.memory_space<vmem>>, vector<10000x64xf32>,
    %get3A_62 = arith.constant 0 : index
    %get3A_63 = arith.constant 0 : index
    %get3A_64 = vector.load %arg5[%get3A_62, %get3A_63] : memref<64x64xf32, #tpu.memory_space<vmem>>, vector<64x64xf32>
    %dot_general3A = arith.constant dense<0.000000e+00> : vector<10000x64xf32>
    %dot_general3A_65 = tpu.matmul %max3A_59, %get3A_64, %dot_general3A {dimension_numbers = #tpu.dot_dimension_numbers<[1], [0], [0], [1], [0, 0, 1, 1], [], []>, transpose_lhs_hint = false} : vector<10000x64xf32>, vector<64x64xf32>, vector<10000x64xf32> -> vector<10000x64xf32>
    %swap3A_66 = arith.constant 0 : index
    %swap3A_67 = arith.constant 0 : index
    %swap3A_68 = vector.load %arg7[%swap3A_66, %swap3A_67] : memref<10112x64xf32, #tpu.memory_space<vmem>>, vector<10000x64xf32>
    tpu.vector_store %arg7[%swap3A_66, %swap3A_67], %dot_general3A_65 {strides = array<i32>} : memref<10112x64xf32, #tpu.memory_space<vmem>>, vector<10000x64xf32>,
    %broadcast_in_dim3A_69 = arith.constant 0.000000e+00 : f32
    %broadcast_in_dim3A_70 = vector.broadcast %broadcast_in_dim3A_69 : f32 to vector<112x64xf32>
    %swap3A_71 = arith.constant 10000 : index
    %swap3A_72 = arith.constant 0 : index
    %swap3A_73 = vector.load %arg7[%swap3A_71, %swap3A_72] : memref<10112x64xf32, #tpu.memory_space<vmem>>, vector<112x64xf32>
    tpu.vector_store %arg7[%swap3A_71, %swap3A_72], %broadcast_in_dim3A_70 {strides = array<i32>} : memref<10112x64xf32, #tpu.memory_space<vmem>>, vector<112x64xf32>,
    %swap3A_74 = arith.constant 0 : index
    %swap3A_75 = vector.load %arg8[%swap3A_74] : memref<10000xf32, #tpu.memory_space<vmem>>, vector<10000xf32>
    tpu.vector_store %arg8[%swap3A_74], %div3A_21 {strides = array<i32>} : memref<10000xf32, #tpu.memory_space<vmem>>, vector<10000xf32>,
    return
  }
}

module attributes {stable_mosaic.version = 14 : i64} {
  func.func @_k3_body(%arg0: memref<2x10112x64xf32, #tpu.memory_space<vmem>>, %arg1: memref<10000xf32, #tpu.memory_space<vmem>>, %arg2: memref<10000x64xf32, #tpu.memory_space<vmem>>, %arg3: memref<64x64xf32, #tpu.memory_space<vmem>>, %arg4: memref<64xf32, #tpu.memory_space<vmem>>, %arg5: memref<64xf32, #tpu.memory_space<vmem>>, %arg6: memref<64xf32, #tpu.memory_space<vmem>>, %arg7: memref<1x64xf32, #tpu.memory_space<vmem>>, %arg8: memref<1x64xf32, #tpu.memory_space<vmem>>, %arg9: memref<1xf32, #tpu.memory_space<vmem>>, %arg10: memref<10112xf32, #tpu.memory_space<vmem>>, %arg11: memref<10000xf32, #tpu.memory_space<vmem>>) attributes {dimension_semantics = [], scalar_prefetch = 0 : i64, scratch_operands = 0 : i64, tpu.core_type = #tpu.core_type<tc>} {
    %get3A = arith.constant 0 : index
    %get3A_0 = arith.constant 0 : index
    %get3A_1 = arith.constant 0 : index
    %get3A_2 = vector.load %arg0[%get3A, %get3A_0, %get3A_1] : memref<2x10112x64xf32, #tpu.memory_space<vmem>>, vector<1x10000x64xf32>
    %get3A_3 = vector.shape_cast %get3A_2 : vector<1x10000x64xf32> to vector<10000x64xf32>
    %get3A_4 = arith.constant 1 : index
    %get3A_5 = arith.constant 0 : index
    %get3A_6 = arith.constant 0 : index
    %get3A_7 = vector.load %arg0[%get3A_4, %get3A_5, %get3A_6] : memref<2x10112x64xf32, #tpu.memory_space<vmem>>, vector<1x10000x64xf32>
    %get3A_8 = vector.shape_cast %get3A_7 : vector<1x10000x64xf32> to vector<10000x64xf32>
    %add3A = arith.addf %get3A_3, %get3A_8 : vector<10000x64xf32>
    %get3A_9 = arith.constant 0 : index
    %get3A_10 = vector.load %arg1[%get3A_9] : memref<10000xf32, #tpu.memory_space<vmem>>, vector<10000xf32>
    %get3A_11 = arith.constant 0 : index
    %get3A_12 = arith.constant 0 : index
    %get3A_13 = vector.load %arg2[%get3A_11, %get3A_12] : memref<10000x64xf32, #tpu.memory_space<vmem>>, vector<10000x64xf32>
    %get3A_14 = arith.constant 0 : index
    %get3A_15 = arith.constant 0 : index
    %get3A_16 = vector.load %arg3[%get3A_14, %get3A_15] : memref<64x64xf32, #tpu.memory_space<vmem>>, vector<64x64xf32>
    %dot_general3A = arith.constant dense<0.000000e+00> : vector<10000x64xf32>
    %dot_general3A_17 = tpu.matmul %get3A_13, %get3A_16, %dot_general3A {dimension_numbers = #tpu.dot_dimension_numbers<[1], [0], [0], [1], [0, 0, 1, 1], [], []>, transpose_lhs_hint = false} : vector<10000x64xf32>, vector<64x64xf32>, vector<10000x64xf32> -> vector<10000x64xf32>
    %get3A_18 = arith.constant 0 : index
    %get3A_19 = vector.load %arg4[%get3A_18] : memref<64xf32, #tpu.memory_space<vmem>>, vector<64xf32>
    %broadcast_in_dim3A = vector.shape_cast %get3A_19 : vector<64xf32> to vector<1x64xf32>
    %add3A_20 = vector.broadcast %broadcast_in_dim3A : vector<1x64xf32> to vector<10000x64xf32>
    %add3A_21 = arith.addf %dot_general3A_17, %add3A_20 : vector<10000x64xf32>
    %broadcast_in_dim3A_22 = vector.shape_cast %get3A_10 : vector<10000xf32> to vector<10000x1xf32>
    %mul3A = vector.broadcast %broadcast_in_dim3A_22 : vector<10000x1xf32> to vector<10000x64xf32>
    %mul3A_23 = arith.mulf %add3A, %mul3A : vector<10000x64xf32>
    %add3A_24 = arith.addf %mul3A_23, %add3A_21 : vector<10000x64xf32>
    %reduce_sum3A = arith.constant dense<0.000000e+00> : vector<64xf32>
    %reduce_sum3A_25 = vector.multi_reduction <add>, %add3A_24, %reduce_sum3A [0] : vector<10000x64xf32> to vector<64xf32>
    %div3A = arith.constant 1.000000e+04 : f32
    %div3A_26 = vector.broadcast %div3A : f32 to vector<64xf32>
    %div3A_27 = arith.divf %reduce_sum3A_25, %div3A_26 : vector<64xf32>
    %broadcast_in_dim3A_28 = vector.shape_cast %div3A_27 : vector<64xf32> to vector<1x64xf32>
    %sub3A = vector.broadcast %broadcast_in_dim3A_28 : vector<1x64xf32> to vector<10000x64xf32>
    %sub3A_29 = arith.subf %add3A_24, %sub3A : vector<10000x64xf32>
    %integer_pow3A = arith.mulf %sub3A_29, %sub3A_29 : vector<10000x64xf32>
    %reduce_sum3A_30 = arith.constant dense<0.000000e+00> : vector<64xf32>
    %reduce_sum3A_31 = vector.multi_reduction <add>, %integer_pow3A, %reduce_sum3A_30 [0] : vector<10000x64xf32> to vector<64xf32>
    %div3A_32 = arith.constant 1.000000e+04 : f32
    %div3A_33 = vector.broadcast %div3A_32 : f32 to vector<64xf32>
    %div3A_34 = arith.divf %reduce_sum3A_31, %div3A_33 : vector<64xf32>
    %broadcast_in_dim3A_35 = vector.shape_cast %div3A_27 : vector<64xf32> to vector<1x64xf32>
    %sub3A_36 = vector.broadcast %broadcast_in_dim3A_35 : vector<1x64xf32> to vector<10000x64xf32>
    %sub3A_37 = arith.subf %add3A_24, %sub3A_36 : vector<10000x64xf32>
    %add3A_38 = arith.constant 9.99999974E-6 : f32
    %add3A_39 = vector.broadcast %add3A_38 : f32 to vector<64xf32>
    %add3A_40 = arith.addf %div3A_34, %add3A_39 : vector<64xf32>
    %rsqrt3A = math.rsqrt %add3A_40 : vector<64xf32>
    %broadcast_in_dim3A_41 = vector.shape_cast %rsqrt3A : vector<64xf32> to vector<1x64xf32>
    %mul3A_42 = vector.broadcast %broadcast_in_dim3A_41 : vector<1x64xf32> to vector<10000x64xf32>
    %mul3A_43 = arith.mulf %sub3A_37, %mul3A_42 : vector<10000x64xf32>
    %get3A_44 = arith.constant 0 : index
    %get3A_45 = vector.load %arg5[%get3A_44] : memref<64xf32, #tpu.memory_space<vmem>>, vector<64xf32>
    %broadcast_in_dim3A_46 = vector.shape_cast %get3A_45 : vector<64xf32> to vector<1x64xf32>
    %mul3A_47 = vector.broadcast %broadcast_in_dim3A_46 : vector<1x64xf32> to vector<10000x64xf32>
    %mul3A_48 = arith.mulf %mul3A_43, %mul3A_47 : vector<10000x64xf32>
    %get3A_49 = arith.constant 0 : index
    %get3A_50 = vector.load %arg6[%get3A_49] : memref<64xf32, #tpu.memory_space<vmem>>, vector<64xf32>
    %broadcast_in_dim3A_51 = vector.shape_cast %get3A_50 : vector<64xf32> to vector<1x64xf32>
    %add3A_52 = vector.broadcast %broadcast_in_dim3A_51 : vector<1x64xf32> to vector<10000x64xf32>
    %add3A_53 = arith.addf %mul3A_48, %add3A_52 : vector<10000x64xf32>
    %max3A = arith.constant 0.000000e+00 : f32
    %max3A_54 = vector.broadcast %max3A : f32 to vector<10000x64xf32>
    %max3A_55 = arith.maximumf %add3A_53, %max3A_54 : vector<10000x64xf32>
    %add3A_56 = arith.addf %max3A_55, %get3A_13 : vector<10000x64xf32>
    %get3A_57 = arith.constant 0 : index
    %get3A_58 = arith.constant 0 : index
    %get3A_59 = vector.load %arg7[%get3A_57, %get3A_58] : memref<1x64xf32, #tpu.memory_space<vmem>>, vector<1x64xf32>
    %get3A_60 = vector.shape_cast %get3A_59 : vector<1x64xf32> to vector<64xf32>
    %broadcast_in_dim3A_61 = vector.shape_cast %get3A_60 : vector<64xf32> to vector<1x64xf32>
    %mul3A_62 = vector.broadcast %broadcast_in_dim3A_61 : vector<1x64xf32> to vector<10000x64xf32>
    %mul3A_63 = arith.mulf %add3A_56, %mul3A_62 : vector<10000x64xf32>
    %reduce_sum3A_64 = arith.constant dense<0.000000e+00> : vector<10000xf32>
    %reduce_sum3A_65 = vector.multi_reduction <add>, %mul3A_63, %reduce_sum3A_64 [1] : vector<10000x64xf32> to vector<10000xf32>
    %swap3A = arith.constant 0 : index
    %swap3A_66 = vector.load %arg10[%swap3A] : memref<10112xf32, #tpu.memory_space<vmem>>, vector<10000xf32>
    tpu.vector_store %arg10[%swap3A], %reduce_sum3A_65 {strides = array<i32>} : memref<10112xf32, #tpu.memory_space<vmem>>, vector<10000xf32>,
    %broadcast_in_dim3A_67 = arith.constant 0.000000e+00 : f32
    %broadcast_in_dim3A_68 = vector.broadcast %broadcast_in_dim3A_67 : f32 to vector<112xf32>
    %swap3A_69 = arith.constant 10000 : index
    %swap3A_70 = vector.load %arg10[%swap3A_69] : memref<10112xf32, #tpu.memory_space<vmem>>, vector<112xf32>
    tpu.vector_store %arg10[%swap3A_69], %broadcast_in_dim3A_68 {strides = array<i32>} : memref<10112xf32, #tpu.memory_space<vmem>>, vector<112xf32>,
    %get3A_71 = arith.constant 0 : index
    %get3A_72 = arith.constant 0 : index
    %get3A_73 = vector.load %arg8[%get3A_71, %get3A_72] : memref<1x64xf32, #tpu.memory_space<vmem>>, vector<1x64xf32>
    %get3A_74 = vector.shape_cast %get3A_73 : vector<1x64xf32> to vector<64xf32>
    %broadcast_in_dim3A_75 = vector.shape_cast %get3A_74 : vector<64xf32> to vector<1x64xf32>
    %mul3A_76 = vector.broadcast %broadcast_in_dim3A_75 : vector<1x64xf32> to vector<10000x64xf32>
    %mul3A_77 = arith.mulf %add3A_56, %mul3A_76 : vector<10000x64xf32>
    %reduce_sum3A_78 = arith.constant dense<0.000000e+00> : vector<10000xf32>
    %reduce_sum3A_79 = vector.multi_reduction <add>, %mul3A_77, %reduce_sum3A_78 [1] : vector<10000x64xf32> to vector<10000xf32>
    %get3A_80 = arith.constant 0 : index
    %get3A_81 = vector.load %arg9[%get3A_80] : memref<1xf32, #tpu.memory_space<vmem>>, vector<1xf32>
    %get3A_82 = vector.extract %get3A_81[0] : f32 from vector<1xf32>
    %add3A_83 = vector.broadcast %get3A_82 : f32 to vector<10000xf32>
    %add3A_84 = arith.addf %reduce_sum3A_79, %add3A_83 : vector<10000xf32>
    %swap3A_85 = arith.constant 0 : index
    %swap3A_86 = vector.load %arg11[%swap3A_85] : memref<10000xf32, #tpu.memory_space<vmem>>, vector<10000xf32>
    tpu.vector_store %arg11[%swap3A_85], %add3A_84 {strides = array<i32>} : memref<10000xf32, #tpu.memory_space<vmem>>, vector<10000xf32>,
    return
  }
}

module attributes {stable_mosaic.version = 14 : i64} {
  func.func @_k4_body(%arg0: memref<2x10112xf32, #tpu.memory_space<vmem>>, %arg1: memref<10000xf32, #tpu.memory_space<vmem>>, %arg2: memref<10000xf32, #tpu.memory_space<vmem>>, %arg3: memref<10000xf32, #tpu.memory_space<vmem>>) attributes {dimension_semantics = [], scalar_prefetch = 0 : i64, scratch_operands = 0 : i64, tpu.core_type = #tpu.core_type<tc>} {
    %get3A = arith.constant 0 : index
    %get3A_0 = arith.constant 0 : index
    %get3A_1 = vector.load %arg0[%get3A, %get3A_0] : memref<2x10112xf32, #tpu.memory_space<vmem>>, vector<1x10000xf32>
    %get3A_2 = vector.shape_cast %get3A_1 : vector<1x10000xf32> to vector<10000xf32>
    %get3A_3 = arith.constant 1 : index
    %get3A_4 = arith.constant 0 : index
    %get3A_5 = vector.load %arg0[%get3A_3, %get3A_4] : memref<2x10112xf32, #tpu.memory_space<vmem>>, vector<1x10000xf32>
    %get3A_6 = vector.shape_cast %get3A_5 : vector<1x10000xf32> to vector<10000xf32>
    %add3A = arith.addf %get3A_2, %get3A_6 : vector<10000xf32>
    %get3A_7 = arith.constant 0 : index
    %get3A_8 = vector.load %arg1[%get3A_7] : memref<10000xf32, #tpu.memory_space<vmem>>, vector<10000xf32>
    %mul3A = arith.mulf %add3A, %get3A_8 : vector<10000xf32>
    %get3A_9 = arith.constant 0 : index
    %get3A_10 = vector.load %arg2[%get3A_9] : memref<10000xf32, #tpu.memory_space<vmem>>, vector<10000xf32>
    %add3A_11 = arith.addf %mul3A, %get3A_10 : vector<10000xf32>
    %swap3A = arith.constant 0 : index
    %swap3A_12 = vector.load %arg3[%swap3A] : memref<10000xf32, #tpu.memory_space<vmem>>, vector<10000xf32>
    tpu.vector_store %arg3[%swap3A], %add3A_11 {strides = array<i32>} : memref<10000xf32, #tpu.memory_space<vmem>>, vector<10000xf32>,
    return
  }
}

</mosaic_0001>

<sc_bundles>
// kernel: kernel.12.cloned.1.call-start
scs
__scs_entry_jumppad:
0x0: {  	(pc) =	sbr.rel $0x88, $3  }
0x1: {  	(tag) =	ssettag $0x0;
	lr =	simm.s32 $0x1  }
0x2: {  	[smem:$0x3F92] =	sst lr;
	_ =	strace $0xD0000000  }
0x3: {  	_ = 	snop  }
0x4: {  	_ = 	snop  }
0x5: {  	_ = 	snop  }
0x6: {  	_ = 	snop  }
0x7: {  	_ = 	snop  }
__scs_overlays_trampoline_lowered:
0x8: {  	[smem:$0x3FA1] =	sst s0  }
0x9: {  	[smem:$0x3FA2] =	sst s1  }
0xa: {  	[smem:$0x3FA3] =	sst s2  }
0xb: {  	[smem:$0x3FA4] =	sst s3  }
0xc: {  	[smem:$0x3FA5] =	sst s4  }
0xd: {  	[smem:$0x3FA6] =	sst s5  }
0xe: {  	[smem:$0x3FA7] =	sst s6  }
0xf: {  	[smem:$0x3FA8] =	sst s7  }
0x10: {  	[smem:$0x3FA9] =	sst s8  }
0x11: {  	[smem:$0x3FAA] =	sst s9;
	s0 =	simm.s32 @!p0 $0x0  }
0x12: {  	s1 =	sld [smem:$0x3F90];
	s0 =	simm.s32 @p0 $0x1  }
0x13: {  	[smem:$0x3FAB] =	sst s0;
	s0 =	simm.s32 @!p1 $0x0  }
0x14: {  	s2 =	sld [smem:$0x3F8F];
	s0 =	simm.s32 @p1 $0x1  }
0x15: {  	[smem:$0x3FAC] =	sst s0;
	s0 =	simm.s32 @!p2 $0x0  }
0x16: {  	s3 =	sld [smem:$0x3FDB];
	s0 =	simm.s32 @p2 $0x1  }
0x17: {  	s4 =	simm.s32 $0x1BF5;
	[smem:$0x3FAE] =	sst s0  }
0x18: {  	s0 =	sld [smem:$0x3F91];
	_ =	swait.ge [sflag:s4], $0x0  }
0x19: {  	s7 =	sld [smem:$0x3F92]  }
0x1a: {  	s8 =	sadd.s32 $0xFFFFE003, lr  }
0x1b: {  	s9 =	sadd.s32 $0xFFFFFEF7, lr;
	s5 =	simm.s32 $0xFFFFFFFF;
	p2 =	slt.u32 s8, $0xFFFFF086  }
0x1c: {  	p1 =	slt.u32 s9, $0xF7A;
	s5 =	simm.s32 @!p2 $0x0  }
0x1d: {  	s5 =	simm.s32 @p1 $0x1;
	p0 =	seq.s32 s7, s2  }
0x1e: {  	s7 =	smul.u32 @!p0 $0xF7A, s2;
	p2 =	seq.s32 @!p0 s5, $0x0  }
0x1f: {  	s9 =	smul.u32 $0xF7A, s1;
	s8 =	simm.s32 @!p0 $0x1BF5;
	p2 =	por !p2, p0  }
0x20: {  	[sflag:s8] =	ssyncset.s32 @!p0 $0xFFFFF086;
	s6 =	sadd.s32 @!p0 s3, s7;
	s7 =	simm.s32 @!p0 $0x108  }
0x21: {  	s3 =	sadd.s32 s3, s9;
	s6 =	sadd.s32 @!p0 $0x88, s6;
	s7 =	simm.s32 @p2 $0x1082  }
0x22: {  	[simem:s7], [sflag:s8] =	dma.local @!p0 [hbm:s6], $0xF7A  }
0x23: {  	s9 =	sor.u32 $0xD0000000, s2;
	s6 =	simm.s32 $0x108;
	_ =	swait.ge @!p0 [sflag:s8], $0x0  }
0x24: {  	s3 =	sadd.s32 $0x88, s3;
	s6 =	simm.s32 @!p1 $0x1082;
	[sflag:s4] =	ssyncset.s32 $0xFFFFF086  }
0x25: {  	[simem:s6], [sflag:s4] =	dma.local [hbm:s3], $0xF7A  }
0x26: {  	[smem:$0x3F92] =	sst s1;
	(tag) =	ssettag s2;
	_ =	strace s9  }
0x27: {  	s1 =	sld [smem:$0x3FA2]  }
0x28: {  	s2 =	sld [smem:$0x3FA3]  }
0x29: {  	s4 =	sld [smem:$0x3FA5]  }
0x2a: {  	p0 =	seq.s32 s5, $0x0;
	s5 =	sld [smem:$0x3FA6]  }
0x2b: {  	s6 =	sld [smem:$0x3FA7]  }
0x2c: {  	s7 =	sld [smem:$0x3FA8]  }
0x2d: {  	s3 =	simm.s32 $0x108;
	s8 =	sld [smem:$0x3FA9]  }
0x2e: {  	s3 =	simm.s32 @!p0 $0x1082;
	s9 =	sld [smem:$0x3FAA]  }
0x2f: {  	lr =	sadd.s32 s0, s3;
	s0 =	sld [smem:$0x3FA1]  }
0x30: {  	s3 =	sld [smem:$0x3FA4]  }
0x31: {  	[smem:$0x3FAD] =	sst s10  }
0x32: {  	s10 =	sld [smem:$0x3FAB];
	_ =	sdelay $0x3  }
0x33: {  	p0 =	seq.s32 s10, $0x1;
	s10 =	sld [smem:$0x3FAD];
	_ =	sdelay $0x3  }
0x34: {  	[smem:$0x3FAD] =	sst s10  }
0x35: {  	s10 =	sld [smem:$0x3FAC];
	_ =	sdelay $0x3  }
0x36: {  	p1 =	seq.s32 s10, $0x1;
	s10 =	sld [smem:$0x3FAD];
	_ =	sdelay $0x3  }
0x37: {  	[smem:$0x3FAD] =	sst s10  }
0x38: {  	s10 =	sld [smem:$0x3FAE]  }
0x39: {  	_ = 	snop;
	(pc) =	sbr.ind lr, $3  }
0x3a: {  	_ = 	snop  }
0x3b: {  	_ = 	snop  }
0x3c: {  	p2 =	seq.s32 s10, $0x1;
	s10 =	sld [smem:$0x3FAD]  }
0x3d: {  	_ =	shalt  }
0x3e: {  	_ =	shalt  }
0x3f: {  	_ =	shalt  }
0x40: {  	_ =	shalt  }
0x41: {  	_ =	shalt  }
0x42: {  	_ =	shalt  }
0x43: {  	_ =	shalt  }
0x44: {  	_ =	shalt  }
0x45: {  	_ =	shalt  }
0x46: {  	_ =	shalt  }
0x47: {  	_ =	shalt  }
0x48: {  	_ =	shalt  }
0x49: {  	_ =	shalt  }
0x4a: {  	_ =	shalt  }
0x4b: {  	_ =	shalt  }
0x4c: {  	_ =	shalt  }
0x4d: {  	_ =	shalt  }
0x4e: {  	_ =	shalt  }
0x4f: {  	_ =	shalt  }
0x50: {  	_ =	shalt  }
0x51: {  	_ =	shalt  }
0x52: {  	_ =	shalt  }
0x53: {  	_ =	shalt  }
0x54: {  	_ =	shalt  }
0x55: {  	_ =	shalt  }
0x56: {  	_ =	shalt  }
0x57: {  	_ =	shalt  }
0x58: {  	_ =	shalt  }
0x59: {  	_ =	shalt  }
0x5a: {  	_ =	shalt  }
0x5b: {  	_ =	shalt  }
0x5c: {  	_ =	shalt  }
0x5d: {  	_ =	shalt  }
0x5e: {  	_ =	shalt  }
0x5f: {  	_ =	shalt  }
0x60: {  	_ =	shalt  }
0x61: {  	_ =	shalt  }
0x62: {  	_ =	shalt  }
0x63: {  	_ =	shalt  }
0x64: {  	_ =	shalt  }
0x65: {  	_ =	shalt  }
0x66: {  	_ =	shalt  }
0x67: {  	_ =	shalt  }
0x68: {  	_ =	shalt  }
0x69: {  	_ =	shalt  }
0x6a: {  	_ =	shalt  }
0x6b: {  	_ =	shalt  }
0x6c: {  	_ =	shalt  }
0x6d: {  	_ =	shalt  }
0x6e: {  	_ =	shalt  }
0x6f: {  	_ =	shalt  }
0x70: {  	_ =	shalt  }
0x71: {  	_ =	shalt  }
0x72: {  	_ =	shalt  }
0x73: {  	_ =	shalt  }
0x74: {  	_ =	shalt  }
0x75: {  	_ =	shalt  }
0x76: {  	_ =	shalt  }
0x77: {  	_ =	shalt  }
0x78: {  	_ =	shalt  }
0x79: {  	_ =	shalt  }
0x7a: {  	_ =	shalt  }
0x7b: {  	_ =	shalt  }
0x7c: {  	_ =	shalt  }
0x7d: {  	_ =	shalt  }
0x7e: {  	_ =	shalt  }
0x7f: {  	_ =	shalt  }
0x80: {  	_ =	shalt  }
0x81: {  	_ =	shalt  }
0x82: {  	_ =	shalt  }
0x83: {  	_ =	shalt  }
0x84: {  	_ =	shalt  }
0x85: {  	_ =	shalt  }
0x86: {  	_ =	shalt  }
0x87: {  	_ =	shalt  }
.Lfunc_end0:
.L_simem_size_0:
called_computation.1_lowered:
.L_overlay_start_0:
0x88: {  	s2 =	sld [smem:$0x3FD9]  }
0x89: {  	s3 =	sld [smem:$0x3FFE];
	_ =	sdelay $0x1  }
0x8a: {  	s1 =	srdreg.scid  }
0x8b: {  	s0 =	sand.u32 $0x1, s1  }
0x8c: {  	s16 =	sshll.u32 s0, $0xA;
	s2 =	sadd.s32 s3, s2  }
0x8d: {  	s2 =	sadd.s32 s2, s16  }
0x8e: {  	[smem:$0x3FB9] =	sst s2  }
0x8f: {  	_ = 	snop  }
0x90: {  	(tm) =	ssettm $0x1  }
0x91: {  	s17 =	sld [smem:$0x3FFB];
	_ =	sdelay $0x3  }
0x92: {  	_ =	strace s17  }
0x93: {  	s2 =	sld [smem:$0x3FFC];
	_ =	sdelay $0x3  }
0x94: {  	_ =	strace s2  }
0x95: {  	s2 =	sld [smem:$0x3FFD];
	_ =	sdelay $0x3  }
0x96: {  	_ =	strace s2  }
0x97: {  	_ =	strace $0x8FFFFFFF  }
0x98: {  	s18 =	sld [smem:$0x3FDB];
	_ =	sdelay $0x1  }
0x99: {  	s19 =	simm.s32 $_scs_section_size  }
0x9a: {  	s4 =	simm.s32 $_size__tile_overlayer_lowered;
	s5 =	simm.s32 $_tile_overlayer_lowered  }
0x9b: {  	s22 =	simm.s32 $0x1BFF;
	s21 =	sshll.u32 s5, $0x1;
	s2 =	sadd.s32 s19, s18  }
0x9c: {  	s6 =	simm.s32 $0x0;
	s20 =	sshll.u32 s4, $0x1;
	s4 =	sadd.s32 s21, s2  }
0x9d: {  	[timem:s6], [sflag:s22] =	dma.local [hbm:s4], s20  }
0x9e: {  	_ =	swait.ge [sflag:s22], s20  }
0x9f: {  	s3 =	ssub.s32 $0x0, s20;
	[sflag:s22] =	ssyncset.done $0x0  }
0xa0: {  	[sflag:s22] =	ssyncadd.s32 s3;
	_ =	sdelay $0x1  }
0xa1: {  	s23 =	simm.s32 $0x1B8B  }
0xa2: {  	_ =	swait.ge [sflag:s23], $0x1  }
0xa3: {  	[sflag:s23] =	ssyncset.done $0x0  }
0xa4: {  	s25 =	simm.s32 $0x1B8E;
	s24 =	sld [smem:$0x3FFE];
	[sflag:s23] =	ssyncadd.s32 $0xFFFFFFFF  }
0xa5: {  	s26 =	simm.s32 $execute0_lowered;
	[smem:$0x3FD2] =	sst s25  }
0xa6: {  	s4 =	sshll.u32 s26, $0x1;
	_ =	strace $0x80000049;
	[dreg:$0x1] =	wrdreg $0xFFFFFFFF  }
0xa7: {  	s28 =	simm.s32 $_size_execute0_lowered;
	s2 =	sadd.s32 s2, s4;
	[dreg:$0x0] =	wrdreg $0x0  }
0xa8: {  	s4 =	sshll.u32 s28, $0x1;
	[dreg:$0x2] =	wrdreg s2  }
0xa9: {  	[dreg:$0x3] =	wrdreg s4  }
0xaa: {  	[dreg:$0x4] =	wrdreg $0xC0  }
0xab: {  	_ =	task [dreg:s6], $0x5FFFF  }
0xac: {  	[dreg:$0x1] =	wrdreg $0xFFFFFFFF  }
0xad: {  	[dreg:$0x0] =	wrdreg $0x60  }
0xae: {  	[dreg:$0x2] =	wrdreg s24  }
0xaf: {  	[dreg:$0x3] =	wrdreg $0x0  }
0xb0: {  	[dreg:$0x4] =	wrdreg $0x9E000  }
0xb1: {  	[dreg:$0x5] =	wrdreg $0x9  }
0xb2: {  	_ =	task.clear_ibuf [dreg:s6], $0x6FFFF;
	_ =	strace $0x90000049  }
0xb3: {  	s29 =	simm.s32 $0x9;
	_ =	strace $0x8000004B  }
0xb4: {  	_ =	swait.ge [sflag:s29], $0x1  }
0xb5: {  	[sflag:s29] =	ssyncadd.s32 $0xFFFFFFFF  }
0xb6: {  	_ =	strace $0x9000004B  }
0xb7: {  	_ =	sfence  }
0xb8: {  	s30 =	sld [smem:$0x0];
	_ =	sdelay $0x2  }
0xb9: {  	s31 =	sshll.u32 s1, $0xD;
	s1 =	sshrl.u32 s1, $0x2  }
0xba: {  	s3 =	sand.u32 $0x4000, s31;
	s1 =	sadd.s32 s1, s30  }
0xbb: {  	s0 =	sor.u32 s3, s0;
	s1 =	sshll.u32 s1, $0x11  }
0xbc: {  	s0 =	sor.u32 s1, s0  }
0xbd: {  	s0 =	sadd.s32 $0x8F2B, s0  }
0xbe: {  	[sflag:s0] =	ssyncadd.remote.s32 $0x1  }
0xbf: {  	_ =	sfence.sel $0xFFFF  }
0xc0: {  	[dreg:$0x0] =	wrdreg $0xFFFFFFFF;
	(pc) =	sbr.abs _section_cstart, $3  }
0xc1: {  	[dreg:$0x1] =	wrdreg $0xFFFFFFFF  }
0xc2: {  	_ =	task.clear_ibuf [dreg:s6], $0x2FFFF;
	_ =	strace $0x9FFFFFFF  }
0xc3: {  	(tm) =	ssettm $0x7FFFFFFF  }
tec
execute0_lowered:
.L_overlay_start_1:
0x0: {  	(tag) =	ssettag $0x1  }
0x1: {  	s0 =	rddreg [dreg:$0x0]  }
0x2: {  	s1 =	rddreg [dreg:$0x1]  }
0x3: {  	s3 =	rddreg [dreg:$0x2];
	s4 =	simm.s32 $0x0  }
0x4: {  	s2 =	srdreg.scid;
	s15 =	stileid.u32;
	s31 =	simm.s32 $0x13C00  }
0x5: {  	[smem:$0x7FF] =	sst s4;
	s2 =	sand.u32 $0x1, s2;
	s5 =	sshll.u32 s15, $0x1  }
0x6: {  	s6 =	sadd.s32 $0x16E00, s0;
	s7 =	sadd.s32 $0x3400, s0;
	s0 =	sadd.s32 $0x2AA00, s0  }
0x7: {  	s12 =	smul.u32 $0x9E00, s15;
	p0 =	sgt.u32 s15, $0x1;
	_ =	strace $0x8000004A  }
0x8: {  	s5 =	sor.u32 s2, s5;
	s8 =	ssub.s32 $0x2, s2;
	s2 =	smul.u32 $0x9E000, s2  }
0x9: {  	s9 =	smul.u32 $0x2700, s5;
	s10 =	sshrl.u32 s8, $0x1;
	s5 =	smin.u32 s5, $0x3  }
0xa: {  	s21 =	sshrl.u32 s12, $0x3;
	s22 =	sadd.s32 $0x2000, s12;
	s11 =	sadd.s32 s12, s1  }
0xb: {  	s17 =	sadd.s32 $0x8000, s12;
	s5 =	sshll.u32 s5, $0x4;
	s8 =	ssub.s32 s8, s10  }
0xc: {  	s10 =	sshrl.u32 s22, $0x3;
	[dreg:$0x8] =	wrdreg s11;
	s11 =	sadd.s32 s12, s3  }
0xd: {  	s20 =	sadd.s32 s22, s1;
	s9 =	sshrl.u32 s9, $0x3;
	s5 =	sadd.s32 s5, s7  }
0xe: {  	s28 =	sadd.s32 s17, s3;
	s16 =	sadd.s32 s7, s9;
	s7 =	sadd.s32 $0x9C00, s5  }
0xf: {  	s29 =	smax.u32 s8, $0x1;
	s5 =	sadd.s32 $0x13840, s5;
	[dreg:$0x4] =	wrdreg s7  }
0x10: {  	s8 =	simm.s32 $0x1AB00;
	s9 =	simm.s32 $0x2;
	[dreg:$0x5] =	wrdreg s5  }
0x11: {  	s7 =	sadd.s32 s6, s21;
	s5 =	sadd.s32 s6, s10;
	s10 =	sadd.s32 $0x6000, s12  }
0x12: {  	s21 =	sadd.s32 s22, s3;
	s30 =	sadd.s32 $0x9C40, s16;
	[dreg:$0x6] =	wrdreg s7  }
0x13: {  	[dreg:$0x7] =	wrdreg s5;
	s5 =	sadd.s32 $0x4000, s12;
	s14 =	sshrl.u32 s10, $0x3  }
0x14: {  	s12 =	sadd.s32 s12, s2;
	s26 =	sadd.s32 s2, s10;
	s13 =	sshrl.u32 s5, $0x3  }
0x15: {  	s12 =	sshrl.u32 s12, $0x3;
	s25 =	sadd.s32 s2, s5;
	s7 =	sadd.s32 s6, s13  }
0x16: {  	s13 =	sshrl.u32 s17, $0x3;
	s23 =	sadd.s32 s0, s12;
	s12 =	sshrl.u32 s26, $0x3  }
0x17: {  	s26 =	sadd.s32 s17, s1;
	[dreg:$0x9] =	wrdreg s7;
	s7 =	sadd.s32 s6, s14  }
0x18: {  	s14 =	sadd.s32 s2, s22;
	s6 =	sadd.s32 s6, s13;
	[dreg:$0xc] =	wrdreg s23  }
0x19: {  	s2 =	sadd.s32 s2, s17;
	s18 =	sadd.s32 s0, s12;
	s22 =	sadd.s32 s5, s1  }
0x1a: {  	s23 =	sadd.s32 s5, s3;
	s17 =	smov.u32 s16;
	[dreg:$0xa] =	wrdreg s7  }
0x1b: {  	s5 =	simm.s32 $0x80;
	s12 =	simm.s32 $0x0;
	[dreg:$0xb] =	wrdreg s6  }
0x1c: {  	s24 =	sshrl.u32 s14, $0x3;
	s2 =	sshrl.u32 s2, $0x3;
	s7 =	simm.s32 $0x4  }
0x1d: {  	s6 =	sadd.s32 s0, s24;
	s19 =	sadd.s32 s0, s2;
	s24 =	sadd.s32 s10, s1  }
0x1e: {  	s2 =	simm.s32 $0x18B00;
	[dreg:$0xd] =	wrdreg s6;
	s6 =	sshrl.u32 s25, $0x3  }
0x1f: {  	s25 =	sadd.s32 s10, s3;
	s10 =	simm.s32 $0x3;
	s6 =	sadd.s32 s0, s6  }
0x20: {  	v0 =	vimm.f32 $0.0e+00;
	s0 =	simm.s32 $0x1;
	[dreg:$0xe] =	wrdreg s6;
	s6 =	simm.s32 $0x1CB00  }
.LBB2_1:
0x21: {  	[tilespmem:s31], [sflag:$0x3] =	stream.linear.gather [hbm4b:s17+s4], $0x2700, $0x38;
	[tilespmem:$0x1EB00] =	vst v63  }
0x22: {  	s13 =	simm.s32 $0x16380;
	s16 =	rddreg [dreg:$0x4]  }
0x23: {  	[tilespmem:s13], [sflag:$0x3] =	stream.linear.gather [hbm4b:s30+s4], $0x2700, $0x38;
	[tilespmem:$0x1EB00] =	vst v63  }
0x24: {  	s14 =	simm.s32 $0x16300;
	s15 =	rddreg [dreg:$0x5]  }
0x25: {  	[tilespmem:s14], [sflag:$0x3] =	stream.linear.gather [hbm4b:s16+s4], $0x80, $0x38;
	[tilespmem:$0x1EB00] =	vst v63  }
0x26: {  	s13 =	simm.s32 $0x0;
	s16 =	simm.s32 $0x18A80;
	s14 =	simm.s32 $0x100  }
0x27: {  	[tilespmem:s16], [sflag:$0x3] =	stream.linear.gather [hbm4b:s15+s4], $0x80, $0x38;
	[tilespmem:$0x1EB00] =	vst v63  }
.LBB2_2:
0x28: {  	p1 =	sne.s32 s14, $0x7F00;
	[tilespmem:s13+$0x1AB30] =	vst v0;
	s15 =	smov.u32 s14;
	s14 =	sadd.s32 $0x100, s14  }
.Ltmp0:
0x29: {  	[tilespmem:s13+$0x1AB20] =	vst v0;
	(pc) =	sbr.rel @p1 .LBB2_2-.Ltmp0, $3  }
0x2a: {  	[tilespmem:s13+$0x1AB00] =	vst v0  }
0x2b: {  	[tilespmem:s13+$0x1AB10] =	vst v0;
	_ =	sdelay $0x1  }
0x2c: {  	s13 =	sshra.s32 s15, $0x2  }
0x2d: {  	[tilespmem:s13+$0x1AB30] =	vst v0  }
0x2e: {  	[tilespmem:s13+$0x1AB20] =	vst v0  }
0x2f: {  	[tilespmem:s13+$0x1AB00] =	vst v0  }
0x30: {  	[tilespmem:s13+$0x1AB10] =	vst v0;
	s13 =	simm.s32 $0x0;
	s14 =	rddreg [dreg:$0x6]  }
0x31: {  	[tilespmem:s2], [sflag:$0x1] =	stream.linear.gather [hbm4b:s14+s13], $0x2000, $0x38;
	[tilespmem:$0x1EB00] =	vst v63  }
0x32: {  	_ =	swait.ge [sflag:s0], $0x2000  }
0x33: {  	[sflag:s0] =	ssyncset.done $0x0  }
0x34: {  	s15 =	rddreg [dreg:$0x7];
	[sflag:s0] =	ssyncadd.s32 $0xFFFFE000  }
0x35: {  	[tilespmem:s6], [sflag:$0x2] =	stream.linear.gather [hbm4b:s15+s13], $0x2000, $0x38;
	[tilespmem:$0x1EB00] =	vst v63  }
0x36: {  	s16 =	rddreg [dreg:$0x8]  }
0x37: {  	[spmem:s16] =	stream.linear.scatter [tilespmem:s2], [sflag:$0x4], $0x2000, $0x38;
	[tilespmem:$0x1EB00] =	vst v63  }
0x38: {  	_ =	swait.ge [sflag:s7], $0x2000  }
0x39: {  	[sflag:s7] =	ssyncset.done $0x0  }
0x3a: {  	[sflag:s7] =	ssyncadd.s32 $0xFFFFE000  }
0x3b: {  	[spmem:s11] =	stream.linear.scatter [tilespmem:s8], [sflag:$0x4], $0x2000, $0x38;
	[tilespmem:$0x1EB00] =	vst v63  }
0x3c: {  	_ =	swait.ge [sflag:s7], $0x2000  }
0x3d: {  	[sflag:s7] =	ssyncset.done $0x0  }
0x3e: {  	[sflag:s7] =	ssyncadd.s32 $0xFFFFE000  }
0x3f: {  	_ =	swait.ge [sflag:s9], $0x2000  }
0x40: {  	[sflag:s9] =	ssyncset.done $0x0  }
0x41: {  	s15 =	rddreg [dreg:$0x9];
	[sflag:s9] =	ssyncadd.s32 $0xFFFFE000  }
0x42: {  	[tilespmem:s2], [sflag:$0x1] =	stream.linear.gather [hbm4b:s15+s13], $0x2000, $0x38;
	[tilespmem:$0x1EB00] =	vst v63  }
0x43: {  	_ = 	snop  }
0x44: {  	[spmem:s20] =	stream.linear.scatter [tilespmem:s6], [sflag:$0x4], $0x2000, $0x38;
	[tilespmem:$0x1EB00] =	vst v63  }
0x45: {  	_ =	swait.ge [sflag:s7], $0x2000  }
0x46: {  	[sflag:s7] =	ssyncset.done $0x0  }
0x47: {  	[sflag:s7] =	ssyncadd.s32 $0xFFFFE000  }
0x48: {  	[spmem:s21] =	stream.linear.scatter [tilespmem:s8], [sflag:$0x4], $0x2000, $0x38;
	[tilespmem:$0x1EB00] =	vst v63  }
0x49: {  	_ =	swait.ge [sflag:s7], $0x2000  }
0x4a: {  	[sflag:s7] =	ssyncset.done $0x0  }
0x4b: {  	[sflag:s7] =	ssyncadd.s32 $0xFFFFE000  }
0x4c: {  	_ =	swait.ge [sflag:s0], $0x2000  }
0x4d: {  	[sflag:s0] =	ssyncset.done $0x0  }
0x4e: {  	s16 =	rddreg [dreg:$0xa];
	[sflag:s0] =	ssyncadd.s32 $0xFFFFE000  }
0x4f: {  	[tilespmem:s6], [sflag:$0x2] =	stream.linear.gather [hbm4b:s16+s13], $0x2000, $0x38;
	[tilespmem:$0x1EB00] =	vst v63  }
0x50: {  	_ = 	snop  }
0x51: {  	[spmem:s22] =	stream.linear.scatter [tilespmem:s2], [sflag:$0x4], $0x2000, $0x38;
	[tilespmem:$0x1EB00] =	vst v63  }
0x52: {  	_ =	swait.ge [sflag:s7], $0x2000  }
0x53: {  	[sflag:s7] =	ssyncset.done $0x0  }
0x54: {  	[sflag:s7] =	ssyncadd.s32 $0xFFFFE000  }
0x55: {  	[spmem:s23] =	stream.linear.scatter [tilespmem:s8], [sflag:$0x4], $0x2000, $0x38;
	[tilespmem:$0x1EB00] =	vst v63  }
0x56: {  	_ =	swait.ge [sflag:s7], $0x2000  }
0x57: {  	[sflag:s7] =	ssyncset.done $0x0  }
0x58: {  	[sflag:s7] =	ssyncadd.s32 $0xFFFFE000  }
0x59: {  	_ =	swait.ge [sflag:s9], $0x2000  }
0x5a: {  	[sflag:s9] =	ssyncset.done $0x0  }
0x5b: {  	s15 =	rddreg [dreg:$0xb];
	[sflag:s9] =	ssyncadd.s32 $0xFFFFE000  }
0x5c: {  	[tilespmem:s2], [sflag:$0x1] =	stream.linear.gather [hbm4b:s15+s13], $0x1E00, $0x38;
	[tilespmem:$0x1EB00] =	vst v63  }
0x5d: {  	_ = 	snop  }
0x5e: {  	[spmem:s24] =	stream.linear.scatter [tilespmem:s6], [sflag:$0x4], $0x2000, $0x38;
	[tilespmem:$0x1EB00] =	vst v63  }
0x5f: {  	_ =	swait.ge [sflag:s7], $0x2000  }
0x60: {  	[sflag:s7] =	ssyncset.done $0x0  }
0x61: {  	[sflag:s7] =	ssyncadd.s32 $0xFFFFE000  }
0x62: {  	[spmem:s25] =	stream.linear.scatter [tilespmem:s8], [sflag:$0x4], $0x2000, $0x38;
	[tilespmem:$0x1EB00] =	vst v63  }
0x63: {  	_ =	swait.ge [sflag:s7], $0x2000  }
0x64: {  	[sflag:s7] =	ssyncset.done $0x0  }
0x65: {  	[sflag:s7] =	ssyncadd.s32 $0xFFFFE000  }
0x66: {  	_ =	swait.ge [sflag:s0], $0x1E00  }
0x67: {  	[sflag:s0] =	ssyncset.done $0x0  }
0x68: {  	[sflag:s0] =	ssyncadd.s32 $0xFFFFE200  }
0x69: {  	[spmem:s26] =	stream.linear.scatter [tilespmem:s2], [sflag:$0x4], $0x1E00, $0x38;
	[tilespmem:$0x1EB00] =	vst v63  }
0x6a: {  	_ =	swait.ge [sflag:s7], $0x1E00  }
0x6b: {  	[sflag:s7] =	ssyncset.done $0x0  }
0x6c: {  	[sflag:s7] =	ssyncadd.s32 $0xFFFFE200  }
0x6d: {  	[spmem:s28] =	stream.linear.scatter [tilespmem:s8], [sflag:$0x4], $0x1E00, $0x38;
	[tilespmem:$0x1EB00] =	vst v63  }
0x6e: {  	_ =	swait.ge [sflag:s7], $0x1E00  }
0x6f: {  	[sflag:s7] =	ssyncset.done $0x0  }
0x70: {  	[sflag:s7] =	ssyncadd.s32 $0xFFFFE200  }
0x71: {  	_ =	swait.ge [sflag:s10], $0x2700  }
0x72: {  	[sflag:s10] =	ssyncset.done $0x0  }
0x73: {  	[sflag:s10] =	ssyncadd.s32 $0xFFFFD900  }
0x74: {  	_ =	swait.ge [sflag:s10], $0x2700  }
0x75: {  	[sflag:s10] =	ssyncset.done $0x0  }
0x76: {  	[sflag:s10] =	ssyncadd.s32 $0xFFFFD900  }
0x77: {  	_ =	swait.ge [sflag:s10], $0x80  }
0x78: {  	[sflag:s10] =	ssyncset.done $0x0  }
0x79: {  	[sflag:s10] =	ssyncadd.s32 $0xFFFFFF80  }
0x7a: {  	_ =	swait.ge [sflag:s10], $0x80  }
0x7b: {  	[sflag:s10] =	ssyncset.done $0x0  }
0x7c: {  	[sflag:s10] =	ssyncadd.s32 $0xFFFFFF80  }
0x7d: {  	[bflag:$0x0] =	sbarrier.arrive $0xFFFF  }
0x7e: {  	[tilespmem:s2], [sflag:$0x1] =	stream.indirect.gather [spmem:s1], $0x40, s31, s5, $0xb8;
	[tilespmem:$0x1EB00] =	vst v63  }
0x7f: {  	s16 =	simm.s32 $0x13C80  }
0x80: {  	[tilespmem:s8], [sflag:$0x2] =	stream.indirect.gather [spmem:s1], $0x40, s16, s5, $0xb8;
	[tilespmem:$0x1EB00] =	vst v63  }
0x81: {  	_ =	swait.ge [sflag:s0], $0x2000  }
0x82: {  	[sflag:s0] =	ssyncset.done $0x0  }
0x83: {  	s14 =	simm.s32 $0x13D00;
	[sflag:s0] =	ssyncadd.s32 $0xFFFFE000  }
0x84: {  	[tilespmem:s6], [sflag:$0x3] =	stream.indirect.gather [spmem:s1], $0x40, s14, s5, $0xb8;
	[tilespmem:$0x1EB00] =	vst v63  }
0x85: {  	s15 =	simm.s32 $0x16380  }
0x86: {  	[spmem:s3] =	stream.indirect.scatter.add.f32 [tilespmem:s2], [sflag:$0x4], $0x40, s15, s5, $0xb8;
	[tilespmem:$0x1EB00] =	vst v63  }
0x87: {  	_ =	swait.ge [sflag:s7], $0x2000  }
0x88: {  	[sflag:s7] =	ssyncset.done $0x0  }
0x89: {  	[sflag:s7] =	ssyncadd.s32 $0xFFFFE000  }
0x8a: {  	_ =	swait.ge [sflag:s9], $0x2000  }
0x8b: {  	[sflag:s9] =	ssyncset.done $0x0  }
0x8c: {  	s16 =	simm.s32 $0x13D80;
	[sflag:s9] =	ssyncadd.s32 $0xFFFFE000  }
0x8d: {  	[tilespmem:s2], [sflag:$0x1] =	stream.indirect.gather [spmem:s1], $0x40, s16, s5, $0xb8;
	[tilespmem:$0x1EB00] =	vst v63  }
0x8e: {  	s14 =	simm.s32 $0x16400  }
0x8f: {  	[spmem:s3] =	stream.indirect.scatter.add.f32 [tilespmem:s8], [sflag:$0x4], $0x40, s14, s5, $0xb8;
	[tilespmem:$0x1EB00] =	vst v63  }
0x90: {  	_ =	swait.ge [sflag:s7], $0x2000  }
0x91: {  	[sflag:s7] =	ssyncset.done $0x0  }
0x92: {  	[sflag:s7] =	ssyncadd.s32 $0xFFFFE000  }
0x93: {  	_ =	swait.ge [sflag:s10], $0x2000  }
0x94: {  	[sflag:s10] =	ssyncset.done $0x0  }
0x95: {  	s15 =	simm.s32 $0x13E00;
	[sflag:s10] =	ssyncadd.s32 $0xFFFFE000  }
0x96: {  	[tilespmem:s8], [sflag:$0x2] =	stream.indirect.gather [spmem:s1], $0x40, s15, s5, $0xb8;
	[tilespmem:$0x1EB00] =	vst v63  }
0x97: {  	s16 =	simm.s32 $0x16480  }
0x98: {  	[spmem:s3] =	stream.indirect.scatter.add.f32 [tilespmem:s6], [sflag:$0x4], $0x40, s16, s5, $0xb8;
	[tilespmem:$0x1EB00] =	vst v63  }
0x99: {  	_ =	swait.ge [sflag:s7], $0x2000  }
0x9a: {  	s13 =	simm.s32 $0x600;
	[sflag:s7] =	ssyncset.done $0x0  }
.LBB2_4:
0x9b: {  	p1 =	sne.s32 s13, $0x9000  }
0x9c: {  	[sflag:s7] =	ssyncadd.s32 $0xFFFFE000;
	s14 =	smov.u32 s13;
	s13 =	sadd.s32 $0x600, s13  }
0x9d: {  	_ = 	snop  }
0x9e: {  	_ =	swait.ge [sflag:s0], $0x2000  }
0x9f: {  	s14 =	sshra.s32 s14, $0x2;
	[sflag:s0] =	ssyncset.done $0x0  }
0xa0: {  	s15 =	sadd.s32 $0x13D00, s14;
	[sflag:s0] =	ssyncadd.s32 $0xFFFFE000  }
0xa1: {  	[tilespmem:s6], [sflag:$0x3] =	stream.indirect.gather [spmem:s1], $0x40, s15, s5, $0xb8;
	[tilespmem:$0x1EB00] =	vst v63  }
0xa2: {  	s15 =	sadd.s32 $0x16380, s14  }
0xa3: {  	[spmem:s3] =	stream.indirect.scatter.add.f32 [tilespmem:s2], [sflag:$0x4], $0x40, s15, s5, $0xb8;
	[tilespmem:$0x1EB00] =	vst v63  }
0xa4: {  	_ =	swait.ge [sflag:s7], $0x2000  }
0xa5: {  	[sflag:s7] =	ssyncset.done $0x0  }
0xa6: {  	[sflag:s7] =	ssyncadd.s32 $0xFFFFE000  }
0xa7: {  	_ =	swait.ge [sflag:s9], $0x2000  }
0xa8: {  	[sflag:s9] =	ssyncset.done $0x0  }
0xa9: {  	s15 =	sadd.s32 $0x13D80, s14;
	[sflag:s9] =	ssyncadd.s32 $0xFFFFE000  }
0xaa: {  	[tilespmem:s2], [sflag:$0x1] =	stream.indirect.gather [spmem:s1], $0x40, s15, s5, $0xb8;
	[tilespmem:$0x1EB00] =	vst v63  }
0xab: {  	s15 =	sadd.s32 $0x16400, s14  }
0xac: {  	[spmem:s3] =	stream.indirect.scatter.add.f32 [tilespmem:s8], [sflag:$0x4], $0x40, s15, s5, $0xb8;
	[tilespmem:$0x1EB00] =	vst v63  }
0xad: {  	_ =	swait.ge [sflag:s7], $0x2000  }
0xae: {  	[sflag:s7] =	ssyncset.done $0x0  }
0xaf: {  	[sflag:s7] =	ssyncadd.s32 $0xFFFFE000  }
0xb0: {  	_ =	swait.ge [sflag:s10], $0x2000  }
0xb1: {  	[sflag:s10] =	ssyncset.done $0x0  }
0xb2: {  	s15 =	sadd.s32 $0x13E00, s14;
	[sflag:s10] =	ssyncadd.s32 $0xFFFFE000  }
0xb3: {  	[tilespmem:s8], [sflag:$0x2] =	stream.indirect.gather [spmem:s1], $0x40, s15, s5, $0xb8;
	[tilespmem:$0x1EB00] =	vst v63  }
.Ltmp1:
0xb4: {  	_ = 	snop;
	(pc) =	sbr.rel @p1 .LBB2_4-.Ltmp1, $4  }
0xb5: {  	s14 =	sadd.s32 $0x16480, s14  }
0xb6: {  	[spmem:s3] =	stream.indirect.scatter.add.f32 [tilespmem:s6], [sflag:$0x4], $0x40, s14, s5, $0xb8;
	[tilespmem:$0x1EB00] =	vst v63  }
0xb7: {  	_ =	swait.ge [sflag:s7], $0x2000  }
0xb8: {  	[sflag:s7] =	ssyncset.done $0x0  }
0xb9: {  	[sflag:s7] =	ssyncadd.s32 $0xFFFFE000  }
0xba: {  	_ =	swait.ge [sflag:s0], $0x2000  }
0xbb: {  	[sflag:s0] =	ssyncset.done $0x0  }
0xbc: {  	s13 =	simm.s32 $0x16280;
	[sflag:s0] =	ssyncadd.s32 $0xFFFFE000  }
0xbd: {  	[tilespmem:s6], [sflag:$0x3] =	stream.indirect.gather [spmem:s1], $0x40, s13, s5, $0xb8;
	[tilespmem:$0x1EB00] =	vst v63  }
0xbe: {  	s14 =	simm.s32 $0x18900  }
0xbf: {  	[spmem:s3] =	stream.indirect.scatter.add.f32 [tilespmem:s2], [sflag:$0x4], $0x40, s14, s5, $0xb8;
	[tilespmem:$0x1EB00] =	vst v63  }
0xc0: {  	_ =	swait.ge [sflag:s7], $0x2000  }
0xc1: {  	[sflag:s7] =	ssyncset.done $0x0  }
0xc2: {  	[sflag:s7] =	ssyncadd.s32 $0xFFFFE000  }
0xc3: {  	_ =	swait.ge [sflag:s9], $0x2000  }
0xc4: {  	[sflag:s9] =	ssyncset.done $0x0  }
0xc5: {  	s15 =	simm.s32 $0x18980;
	[sflag:s9] =	ssyncadd.s32 $0xFFFFE000  }
0xc6: {  	[spmem:s3] =	stream.indirect.scatter.add.f32 [tilespmem:s8], [sflag:$0x4], $0x40, s15, s5, $0xb8;
	[tilespmem:$0x1EB00] =	vst v63  }
0xc7: {  	_ =	swait.ge [sflag:s7], $0x2000  }
0xc8: {  	[sflag:s7] =	ssyncset.done $0x0  }
0xc9: {  	[sflag:s7] =	ssyncadd.s32 $0xFFFFE000  }
0xca: {  	_ =	swait.ge [sflag:s10], $0x2000  }
0xcb: {  	[sflag:s10] =	ssyncset.done $0x0  }
0xcc: {  	s16 =	simm.s32 $0x18A00;
	[sflag:s10] =	ssyncadd.s32 $0xFFFFE000  }
0xcd: {  	[spmem:s3] =	stream.indirect.scatter.add.f32 [tilespmem:s6], [sflag:$0x4], $0x40, s16, s5, $0xb8;
	[tilespmem:$0x1EB00] =	vst v63  }
0xce: {  	_ =	swait.ge [sflag:s7], $0x2000  }
0xcf: {  	s13 =	simm.s32 @!p0 $0x80;
	[sflag:s7] =	ssyncset.done $0x0  }
0xd0: {  	s14 =	simm.s32 @!p0 $0x16300;
	s15 =	simm.s32 @!p0 $0x18B00;
	[sflag:s7] =	ssyncadd.s32 $0xFFFFE000  }
0xd1: {  	[tilespmem:s15], [sflag:$0x4] =	stream.indirect.gather @!p0 [spmem:s1], $0x40, s14, s13, $0xb8;
	[tilespmem:$0x1EB00] =	vst v63  }
0xd2: {  	s14 =	simm.s32 @!p0 $0x4  }
0xd3: {  	_ =	swait.ge @!p0 [sflag:s14], $0x2000  }
0xd4: {  	[sflag:s14] =	ssyncset.done @!p0 $0x0  }
0xd5: {  	s16 =	simm.s32 @!p0 $0x18A80;
	[sflag:s14] =	ssyncadd.s32 @!p0 $0xFFFFE000  }
0xd6: {  	[spmem:s3] =	stream.indirect.scatter.add.f32 @!p0 [tilespmem:s15], [sflag:$0x4], $0x40, s16, s13, $0xb8;
	[tilespmem:$0x1EB00] =	vst v63  }
0xd7: {  	_ =	swait.ge @!p0 [sflag:s14], $0x2000  }
0xd8: {  	[sflag:s14] =	ssyncset.done @!p0 $0x0  }
0xd9: {  	[sflag:s14] =	ssyncadd.s32 @!p0 $0xFFFFE000  }
0xda: {  	[bflag:$0x0] =	sbarrier.arrive $0xFFFF  }
0xdb: {  	[tilespmem:s2], [sflag:$0x4] =	stream.linear.gather [spmem:s11], $0x2000, $0x38;
	[tilespmem:$0x1EB00] =	vst v63  }
0xdc: {  	_ =	swait.ge [sflag:s7], $0x2000  }
0xdd: {  	[sflag:s7] =	ssyncset.done $0x0  }
0xde: {  	s14 =	rddreg [dreg:$0xc];
	[sflag:s7] =	ssyncadd.s32 $0xFFFFE000  }
0xdf: {  	[hbm4b:s14+s4] =	stream.linear.scatter [tilespmem:s2], [sflag:$0x4], $0x2000, $0x38;
	[tilespmem:$0x1EB00] =	vst v63  }
0xe0: {  	_ =	swait.ge [sflag:s7], $0x2000  }
0xe1: {  	[sflag:s7] =	ssyncset.done $0x0  }
0xe2: {  	[sflag:s7] =	ssyncadd.s32 $0xFFFFE000  }
0xe3: {  	[tilespmem:s2], [sflag:$0x4] =	stream.linear.gather [spmem:s21], $0x2000, $0x38;
	[tilespmem:$0x1EB00] =	vst v63  }
0xe4: {  	_ =	swait.ge [sflag:s7], $0x2000  }
0xe5: {  	[sflag:s7] =	ssyncset.done $0x0  }
0xe6: {  	s15 =	rddreg [dreg:$0xd];
	[sflag:s7] =	ssyncadd.s32 $0xFFFFE000  }
0xe7: {  	[hbm4b:s15+s4] =	stream.linear.scatter [tilespmem:s2], [sflag:$0x4], $0x2000, $0x38;
	[tilespmem:$0x1EB00] =	vst v63  }
0xe8: {  	_ =	swait.ge [sflag:s7], $0x2000  }
0xe9: {  	[sflag:s7] =	ssyncset.done $0x0  }
0xea: {  	[sflag:s7] =	ssyncadd.s32 $0xFFFFE000  }
0xeb: {  	[tilespmem:s2], [sflag:$0x4] =	stream.linear.gather [spmem:s23], $0x2000, $0x38;
	[tilespmem:$0x1EB00] =	vst v63  }
0xec: {  	_ =	swait.ge [sflag:s7], $0x2000  }
0xed: {  	[sflag:s7] =	ssyncset.done $0x0  }
0xee: {  	s16 =	rddreg [dreg:$0xe];
	[sflag:s7] =	ssyncadd.s32 $0xFFFFE000  }
0xef: {  	[hbm4b:s16+s4] =	stream.linear.scatter [tilespmem:s2], [sflag:$0x4], $0x2000, $0x38;
	[tilespmem:$0x1EB00] =	vst v63  }
0xf0: {  	_ =	swait.ge [sflag:s7], $0x2000  }
0xf1: {  	[sflag:s7] =	ssyncset.done $0x0  }
0xf2: {  	[sflag:s7] =	ssyncadd.s32 $0xFFFFE000  }
0xf3: {  	[tilespmem:s2], [sflag:$0x4] =	stream.linear.gather [spmem:s25], $0x2000, $0x38;
	[tilespmem:$0x1EB00] =	vst v63  }
0xf4: {  	_ =	swait.ge [sflag:s7], $0x2000  }
0xf5: {  	[sflag:s7] =	ssyncset.done $0x0  }
0xf6: {  	[sflag:s7] =	ssyncadd.s32 $0xFFFFE000  }
0xf7: {  	[hbm4b:s18+s4] =	stream.linear.scatter [tilespmem:s2], [sflag:$0x4], $0x2000, $0x38;
	[tilespmem:$0x1EB00] =	vst v63  }
0xf8: {  	_ =	swait.ge [sflag:s7], $0x2000  }
0xf9: {  	[sflag:s7] =	ssyncset.done $0x0  }
0xfa: {  	[sflag:s7] =	ssyncadd.s32 $0xFFFFE000  }
0xfb: {  	[tilespmem:s2], [sflag:$0x4] =	stream.linear.gather [spmem:s28], $0x1E00, $0x38;
	[tilespmem:$0x1EB00] =	vst v63  }
0xfc: {  	s12 =	sadd.s32 $0x1, s12;
	_ =	swait.ge [sflag:s7], $0x1E00  }
0xfd: {  	p1 =	sne.s32 s12, s29;
	[sflag:s7] =	ssyncset.done $0x0  }
.Ltmp2:
0xfe: {  	[sflag:s7] =	ssyncadd.s32 $0xFFFFE200;
	(pc) =	sbr.rel @p1 .LBB2_1-.Ltmp2, $4  }
0xff: {  	[hbm4b:s19+s4] =	stream.linear.scatter [tilespmem:s2], [sflag:$0x4], $0x1E00, $0x38;
	[tilespmem:$0x1EB00] =	vst v63  }
0x100: {  	_ =	swait.ge [sflag:s7], $0x1E00  }
0x101: {  	[sflag:s7] =	ssyncset.done $0x0  }
0x102: {  	[sflag:s7] =	ssyncadd.s32 $0xFFFFE200  }
0x103: {  	_ =	sfence.sel $0x180000  }
0x104: {  	[bflag:$0x0] =	sbarrier.arrive $0xFFFF  }
0x105: {  	_ =	strace $0x9000004A  }
0x106: {  	s0 =	stileid.u32;
	[bflag:$0x2] =	sbarrier.arrive $0xFFFF  }
0x107: {  	p0 =	sne.s32 s0, $0x0;
	s0 =	rddreg [dreg:$0x3]  }
0x108: {  	s0 =	sadd.s32 @!p0 $0x100000, s0  }
0x109: {  	[sflag:s0] =	ssyncadd.tile.s32 @!p0 $0x1;
	_ =	shalt  }
.Lfunc_end2:
_tile_overlayer_lowered:
.L_overlay_start_2:
0x10a: {  	(tag) =	ssettag $0x2  }
0x10b: {  	s0 =	rddreg [dreg:$0x0];
	s2 =	stileid.u32  }
0x10c: {  	s1 =	rddreg [dreg:$0x1];
	p0 =	sne.s32 s2, $0x0  }
0x10d: {  	s3 =	rddreg [dreg:$0x2];
	[bflag:$0x3] =	sbarrier.arrive $0xFFFF;
	s2 =	simm.s32 @!p0 $0x1C04  }
0x10e: {  	[timem:s3], [sflag:s2] =	dma.local @!p0 [hbm:s0], s1  }
0x10f: {  	s0 =	simm.s32 @!p0 $0x4  }
0x110: {  	_ =	swait.ge @!p0 [sflag:s0], s1  }
0x111: {  	s1 =	ssub.s32 @!p0 $0x0, s1;
	[sflag:s0] =	ssyncset.done @!p0 $0x0  }
0x112: {  	[sflag:s0] =	ssyncadd.s32 @!p0 s1  }
0x113: {  	[bflag:$0x3] =	sbarrier.arrive $0xFFFF  }
0x114: {  	_ =	shalt  }

// kernel: kernel.15.cloned.1.call-start
scs
__scs_entry_jumppad:
0x0: {  	(pc) =	sbr.rel $0x88, $3  }
0x1: {  	(tag) =	ssettag $0x0;
	lr =	simm.s32 $0x1  }
0x2: {  	[smem:$0x3F92] =	sst lr;
	_ =	strace $0xD0000000  }
0x3: {  	_ = 	snop  }
0x4: {  	_ = 	snop  }
0x5: {  	_ = 	snop  }
0x6: {  	_ = 	snop  }
0x7: {  	_ = 	snop  }
__scs_overlays_trampoline_lowered:
0x8: {  	[smem:$0x3FA1] =	sst s0  }
0x9: {  	[smem:$0x3FA2] =	sst s1  }
0xa: {  	[smem:$0x3FA3] =	sst s2  }
0xb: {  	[smem:$0x3FA4] =	sst s3  }
0xc: {  	[smem:$0x3FA5] =	sst s4  }
0xd: {  	[smem:$0x3FA6] =	sst s5  }
0xe: {  	[smem:$0x3FA7] =	sst s6  }
0xf: {  	[smem:$0x3FA8] =	sst s7  }
0x10: {  	[smem:$0x3FA9] =	sst s8  }
0x11: {  	[smem:$0x3FAA] =	sst s9;
	s0 =	simm.s32 @!p0 $0x0  }
0x12: {  	s1 =	sld [smem:$0x3F90];
	s0 =	simm.s32 @p0 $0x1  }
0x13: {  	[smem:$0x3FAB] =	sst s0;
	s0 =	simm.s32 @!p1 $0x0  }
0x14: {  	s2 =	sld [smem:$0x3F8F];
	s0 =	simm.s32 @p1 $0x1  }
0x15: {  	[smem:$0x3FAC] =	sst s0;
	s0 =	simm.s32 @!p2 $0x0  }
0x16: {  	s3 =	sld [smem:$0x3FDB];
	s0 =	simm.s32 @p2 $0x1  }
0x17: {  	s4 =	simm.s32 $0x1BF5;
	[smem:$0x3FAE] =	sst s0  }
0x18: {  	s0 =	sld [smem:$0x3F91];
	_ =	swait.ge [sflag:s4], $0x0  }
0x19: {  	s7 =	sld [smem:$0x3F92]  }
0x1a: {  	s8 =	sadd.s32 $0xFFFFE003, lr  }
0x1b: {  	s9 =	sadd.s32 $0xFFFFFEF7, lr;
	s5 =	simm.s32 $0xFFFFFFFF;
	p2 =	slt.u32 s8, $0xFFFFF086  }
0x1c: {  	p1 =	slt.u32 s9, $0xF7A;
	s5 =	simm.s32 @!p2 $0x0  }
0x1d: {  	s5 =	simm.s32 @p1 $0x1;
	p0 =	seq.s32 s7, s2  }
0x1e: {  	s7 =	smul.u32 @!p0 $0xF7A, s2;
	p2 =	seq.s32 @!p0 s5, $0x0  }
0x1f: {  	s9 =	smul.u32 $0xF7A, s1;
	s8 =	simm.s32 @!p0 $0x1BF5;
	p2 =	por !p2, p0  }
0x20: {  	[sflag:s8] =	ssyncset.s32 @!p0 $0xFFFFF086;
	s6 =	sadd.s32 @!p0 s3, s7;
	s7 =	simm.s32 @!p0 $0x108  }
0x21: {  	s3 =	sadd.s32 s3, s9;
	s6 =	sadd.s32 @!p0 $0x88, s6;
	s7 =	simm.s32 @p2 $0x1082  }
0x22: {  	[simem:s7], [sflag:s8] =	dma.local @!p0 [hbm:s6], $0xF7A  }
0x23: {  	s9 =	sor.u32 $0xD0000000, s2;
	s6 =	simm.s32 $0x108;
	_ =	swait.ge @!p0 [sflag:s8], $0x0  }
0x24: {  	s3 =	sadd.s32 $0x88, s3;
	s6 =	simm.s32 @!p1 $0x1082;
	[sflag:s4] =	ssyncset.s32 $0xFFFFF086  }
0x25: {  	[simem:s6], [sflag:s4] =	dma.local [hbm:s3], $0xF7A  }
0x26: {  	[smem:$0x3F92] =	sst s1;
	(tag) =	ssettag s2;
	_ =	strace s9  }
0x27: {  	s1 =	sld [smem:$0x3FA2]  }
0x28: {  	s2 =	sld [smem:$0x3FA3]  }
0x29: {  	s4 =	sld [smem:$0x3FA5]  }
0x2a: {  	p0 =	seq.s32 s5, $0x0;
	s5 =	sld [smem:$0x3FA6]  }
0x2b: {  	s6 =	sld [smem:$0x3FA7]  }
0x2c: {  	s7 =	sld [smem:$0x3FA8]  }
0x2d: {  	s3 =	simm.s32 $0x108;
	s8 =	sld [smem:$0x3FA9]  }
0x2e: {  	s3 =	simm.s32 @!p0 $0x1082;
	s9 =	sld [smem:$0x3FAA]  }
0x2f: {  	lr =	sadd.s32 s0, s3;
	s0 =	sld [smem:$0x3FA1]  }
0x30: {  	s3 =	sld [smem:$0x3FA4]  }
0x31: {  	[smem:$0x3FAD] =	sst s10  }
0x32: {  	s10 =	sld [smem:$0x3FAB];
	_ =	sdelay $0x3  }
0x33: {  	p0 =	seq.s32 s10, $0x1;
	s10 =	sld [smem:$0x3FAD];
	_ =	sdelay $0x3  }
0x34: {  	[smem:$0x3FAD] =	sst s10  }
0x35: {  	s10 =	sld [smem:$0x3FAC];
	_ =	sdelay $0x3  }
0x36: {  	p1 =	seq.s32 s10, $0x1;
	s10 =	sld [smem:$0x3FAD];
	_ =	sdelay $0x3  }
0x37: {  	[smem:$0x3FAD] =	sst s10  }
0x38: {  	s10 =	sld [smem:$0x3FAE]  }
0x39: {  	_ = 	snop;
	(pc) =	sbr.ind lr, $3  }
0x3a: {  	_ = 	snop  }
0x3b: {  	_ = 	snop  }
0x3c: {  	p2 =	seq.s32 s10, $0x1;
	s10 =	sld [smem:$0x3FAD]  }
0x3d: {  	_ =	shalt  }
0x3e: {  	_ =	shalt  }
0x3f: {  	_ =	shalt  }
0x40: {  	_ =	shalt  }
0x41: {  	_ =	shalt  }
0x42: {  	_ =	shalt  }
0x43: {  	_ =	shalt  }
0x44: {  	_ =	shalt  }
0x45: {  	_ =	shalt  }
0x46: {  	_ =	shalt  }
0x47: {  	_ =	shalt  }
0x48: {  	_ =	shalt  }
0x49: {  	_ =	shalt  }
0x4a: {  	_ =	shalt  }
0x4b: {  	_ =	shalt  }
0x4c: {  	_ =	shalt  }
0x4d: {  	_ =	shalt  }
0x4e: {  	_ =	shalt  }
0x4f: {  	_ =	shalt  }
0x50: {  	_ =	shalt  }
0x51: {  	_ =	shalt  }
0x52: {  	_ =	shalt  }
0x53: {  	_ =	shalt  }
0x54: {  	_ =	shalt  }
0x55: {  	_ =	shalt  }
0x56: {  	_ =	shalt  }
0x57: {  	_ =	shalt  }
0x58: {  	_ =	shalt  }
0x59: {  	_ =	shalt  }
0x5a: {  	_ =	shalt  }
0x5b: {  	_ =	shalt  }
0x5c: {  	_ =	shalt  }
0x5d: {  	_ =	shalt  }
0x5e: {  	_ =	shalt  }
0x5f: {  	_ =	shalt  }
0x60: {  	_ =	shalt  }
0x61: {  	_ =	shalt  }
0x62: {  	_ =	shalt  }
0x63: {  	_ =	shalt  }
0x64: {  	_ =	shalt  }
0x65: {  	_ =	shalt  }
0x66: {  	_ =	shalt  }
0x67: {  	_ =	shalt  }
0x68: {  	_ =	shalt  }
0x69: {  	_ =	shalt  }
0x6a: {  	_ =	shalt  }
0x6b: {  	_ =	shalt  }
0x6c: {  	_ =	shalt  }
0x6d: {  	_ =	shalt  }
0x6e: {  	_ =	shalt  }
0x6f: {  	_ =	shalt  }
0x70: {  	_ =	shalt  }
0x71: {  	_ =	shalt  }
0x72: {  	_ =	shalt  }
0x73: {  	_ =	shalt  }
0x74: {  	_ =	shalt  }
0x75: {  	_ =	shalt  }
0x76: {  	_ =	shalt  }
0x77: {  	_ =	shalt  }
0x78: {  	_ =	shalt  }
0x79: {  	_ =	shalt  }
0x7a: {  	_ =	shalt  }
0x7b: {  	_ =	shalt  }
0x7c: {  	_ =	shalt  }
0x7d: {  	_ =	shalt  }
0x7e: {  	_ =	shalt  }
0x7f: {  	_ =	shalt  }
0x80: {  	_ =	shalt  }
0x81: {  	_ =	shalt  }
0x82: {  	_ =	shalt  }
0x83: {  	_ =	shalt  }
0x84: {  	_ =	shalt  }
0x85: {  	_ =	shalt  }
0x86: {  	_ =	shalt  }
0x87: {  	_ =	shalt  }
.Lfunc_end0:
.L_simem_size_0:
called_computation.2_lowered:
.L_overlay_start_0:
0x88: {  	s2 =	sld [smem:$0x3FD9]  }
0x89: {  	s3 =	sld [smem:$0x3FFE];
	_ =	sdelay $0x1  }
0x8a: {  	s1 =	srdreg.scid  }
0x8b: {  	s0 =	sand.u32 $0x1, s1  }
0x8c: {  	s17 =	sshll.u32 s0, $0xA;
	s2 =	sadd.s32 s3, s2  }
0x8d: {  	s2 =	sadd.s32 s2, s17  }
0x8e: {  	[smem:$0x3FB9] =	sst s2  }
0x8f: {  	_ = 	snop  }
0x90: {  	s2 =	sld [smem:$0x3FD0];
	(tm) =	ssettm $0x1  }
0x91: {  	s18 =	sld [smem:$0x3FFB];
	_ =	sdelay $0x3  }
0x92: {  	_ =	strace s18  }
0x93: {  	s3 =	sld [smem:$0x3FFC];
	_ =	sdelay $0x3  }
0x94: {  	_ =	strace s3  }
0x95: {  	s3 =	sld [smem:$0x3FFD];
	_ =	sdelay $0x3  }
0x96: {  	_ =	strace s3  }
0x97: {  	_ =	strace $0x8FFFFFFF  }
0x98: {  	s19 =	sld [smem:$0x3FDB];
	_ =	sdelay $0x1  }
0x99: {  	s4 =	simm.s32 $_scs_section_size  }
0x9a: {  	s5 =	simm.s32 $_size__tile_overlayer_lowered;
	s6 =	simm.s32 $_tile_overlayer_lowered  }
0x9b: {  	s22 =	simm.s32 $0x1BFF;
	s21 =	sshll.u32 s6, $0x1;
	s3 =	sadd.s32 s4, s19  }
0x9c: {  	s7 =	simm.s32 $0x0;
	s20 =	sshll.u32 s5, $0x1;
	s5 =	sadd.s32 s21, s3  }
0x9d: {  	[timem:s7], [sflag:s22] =	dma.local [hbm:s5], s20  }
0x9e: {  	_ =	swait.ge [sflag:s22], s20  }
0x9f: {  	s4 =	ssub.s32 $0x0, s20;
	[sflag:s22] =	ssyncset.done $0x0  }
0xa0: {  	[sflag:s22] =	ssyncadd.s32 s4;
	_ =	sdelay $0x1  }
0xa1: {  	s23 =	simm.s32 $0x1B8B  }
0xa2: {  	_ =	swait.ge [sflag:s23], $0x1  }
0xa3: {  	[sflag:s23] =	ssyncset.done $0x0  }
0xa4: {  	s25 =	simm.s32 $0x1B8E;
	s24 =	sld [smem:$0x3FFE];
	[sflag:s23] =	ssyncadd.s32 $0xFFFFFFFF  }
0xa5: {  	s26 =	simm.s32 $execute0_lowered;
	[smem:$0x3FD2] =	sst s25  }
0xa6: {  	s5 =	sshll.u32 s26, $0x1;
	_ =	strace $0x8000004C;
	[dreg:$0x1] =	wrdreg $0xFFFFFFFF  }
0xa7: {  	s28 =	simm.s32 $_size_execute0_lowered;
	s3 =	sadd.s32 s3, s5;
	[dreg:$0x0] =	wrdreg $0x0  }
0xa8: {  	s5 =	sshll.u32 s28, $0x1;
	[dreg:$0x2] =	wrdreg s3  }
0xa9: {  	[dreg:$0x3] =	wrdreg s5  }
0xaa: {  	[dreg:$0x4] =	wrdreg $0xC0  }
0xab: {  	_ =	task [dreg:s7], $0x5FFFF  }
0xac: {  	[dreg:$0x1] =	wrdreg $0xFFFFFFFF  }
0xad: {  	[dreg:$0x0] =	wrdreg $0x60  }
0xae: {  	[dreg:$0x2] =	wrdreg s2  }
0xaf: {  	[dreg:$0x3] =	wrdreg s24  }
0xb0: {  	[dreg:$0x4] =	wrdreg $0x0  }
0xb1: {  	[dreg:$0x5] =	wrdreg $0x2780  }
0xb2: {  	[dreg:$0x6] =	wrdreg $0x9  }
0xb3: {  	_ =	task.clear_ibuf [dreg:s7], $0x7FFFF;
	_ =	strace $0x9000004C  }
0xb4: {  	s29 =	simm.s32 $0x9;
	_ =	strace $0x8000004E  }
0xb5: {  	_ =	swait.ge [sflag:s29], $0x1  }
0xb6: {  	[sflag:s29] =	ssyncadd.s32 $0xFFFFFFFF  }
0xb7: {  	_ =	strace $0x9000004E  }
0xb8: {  	_ =	sfence  }
0xb9: {  	s30 =	sld [smem:$0x0];
	_ =	sdelay $0x2  }
0xba: {  	s31 =	sshll.u32 s1, $0xD;
	s1 =	sshrl.u32 s1, $0x2  }
0xbb: {  	s3 =	sand.u32 $0x4000, s31;
	s1 =	sadd.s32 s1, s30  }
0xbc: {  	s0 =	sor.u32 s3, s0;
	s1 =	sshll.u32 s1, $0x11  }
0xbd: {  	s0 =	sor.u32 s1, s0  }
0xbe: {  	s0 =	sadd.s32 $0x8F2B, s0  }
0xbf: {  	[sflag:s0] =	ssyncadd.remote.s32 $0x1  }
0xc0: {  	_ =	sfence.sel $0xFFFF  }
0xc1: {  	[dreg:$0x0] =	wrdreg $0xFFFFFFFF;
	(pc) =	sbr.abs _section_cstart, $3  }
0xc2: {  	[dreg:$0x1] =	wrdreg $0xFFFFFFFF  }
0xc3: {  	_ =	task.clear_ibuf [dreg:s7], $0x2FFFF;
	_ =	strace $0x9FFFFFFF  }
0xc4: {  	(tm) =	ssettm $0x7FFFFFFF  }
0xc5: {  	_ =	shalt  }
tec
execute0_lowered:
.L_overlay_start_1:
0x0: {  	(tag) =	ssettag $0x1  }
0x1: {  	s0 =	rddreg [dreg:$0x0]  }
0x2: {  	s1 =	rddreg [dreg:$0x1]  }
0x3: {  	s3 =	srdreg.scid;
	s15 =	stileid.u32  }
0x4: {  	s2 =	rddreg [dreg:$0x2];
	s4 =	simm.s32 $0x0;
	s14 =	simm.s32 $0x4F0  }
0x5: {  	s18 =	simm.s32 $0x53F0;
	s19 =	simm.s32 $0x4;
	s20 =	simm.s32 $0x3  }
0x6: {  	s21 =	simm.s32 $0x80;
	s22 =	simm.s32 $0x5668;
	s28 =	simm.s32 $0x2  }
0x7: {  	s29 =	simm.s32 $0x2B70;
	s30 =	simm.s32 $0x51F0;
	s31 =	simm.s32 $0x5270  }
0x8: {  	s5 =	sand.u32 $0x1, s3;
	s11 =	smul.u32 $0x278, s15;
	s3 =	rddreg [dreg:$0x3]  }
0x9: {  	s7 =	sshll.u32 s15, $0x1;
	[smem:$0x7FF] =	sst s4;
	s9 =	sadd.s32 $0x3400, s1  }
0xa: {  	p0 =	sgt.u32 s15, $0x1;
	s6 =	smul.u32 $0x2780, s5;
	s7 =	sor.u32 s5, s7  }
0xb: {  	_ =	strace $0x8000004D;
	s5 =	ssub.s32 $0x2, s5;
	s8 =	smul.u32 $0x2700, s7  }
0xc: {  	s24 =	sshrl.u32 s5, $0x1;
	s7 =	smin.u32 s7, $0x3;
	s26 =	sshrl.u32 s11, $0x3  }
0xd: {  	s10 =	sadd.s32 s11, s2;
	s6 =	sadd.s32 s11, s6;
	s13 =	ssub.s32 s5, s24  }
0xe: {  	s7 =	sshll.u32 s7, $0x4;
	s11 =	sadd.s32 s11, s3;
	s24 =	simm.s32 $0x56E8  }
0xf: {  	s6 =	sshrl.u32 s6, $0x3;
	s8 =	sshrl.u32 s8, $0x3;
	s25 =	sadd.s32 s7, s9  }
0x10: {  	s13 =	smax.u32 s13, $0x1;
	s1 =	sadd.s32 s6, s1;
	s5 =	sadd.s32 s9, s8  }
0x11: {  	s7 =	sadd.s32 $0x9C00, s25;
	s8 =	sadd.s32 $0x13840, s25;
	s9 =	sadd.s32 s0, s26  }
0x12: {  	s25 =	simm.s32 $0x1;
	s26 =	simm.s32 $0x5768;
	s0 =	simm.s32 $0x0  }
0x13: {  	v0 =	vimm.f32 $0.0e+00;
	s6 =	sadd.s32 $0x9C40, s5;
	s12 =	sadd.s32 $0x16E00, s1;
	s1 =	simm.s32 $0x52F0  }
.LBB2_1:
0x14: {  	[tilespmem:s14], [sflag:$0x3] =	stream.linear.gather [hbm4b:s5+s4], $0x2700, $0x38;
	[tilespmem:$0x57E8] =	vst v63  }
0x15: {  	s15 =	simm.s32 $0x2C70  }
0x16: {  	[tilespmem:s15], [sflag:$0x3] =	stream.linear.gather [hbm4b:s6+s4], $0x2700, $0x38;
	[tilespmem:$0x57E8] =	vst v63  }
0x17: {  	s16 =	simm.s32 $0x2BF0  }
0x18: {  	[tilespmem:s16], [sflag:$0x3] =	stream.linear.gather [hbm4b:s7+s4], $0x80, $0x38;
	[tilespmem:$0x57E8] =	vst v63  }
0x19: {  	s17 =	simm.s32 $0x5370  }
0x1a: {  	[tilespmem:s17], [sflag:$0x3] =	stream.linear.gather [hbm4b:s8+s4], $0x80, $0x38;
	[tilespmem:$0x57E8] =	vst v63  }
0x1b: {  	_ = 	snop  }
0x1c: {  	[tilespmem:s18], [sflag:$0x4] =	stream.linear.gather [hbm4b:s9+s4], $0x278, $0x38;
	[tilespmem:$0x57E8] =	vst v63  }
0x1d: {  	_ =	swait.ge [sflag:s19], $0x278  }
0x1e: {  	[sflag:s19] =	ssyncset.done $0x0  }
0x1f: {  	[sflag:s19] =	ssyncadd.s32 $0xFFFFFD88  }
0x20: {  	[spmem:s10] =	stream.linear.scatter [tilespmem:s18], [sflag:$0x4], $0x278, $0x38;
	[tilespmem:$0x57E8] =	vst v63  }
0x21: {  	_ =	swait.ge [sflag:s19], $0x278  }
0x22: {  	[sflag:s19] =	ssyncset.done $0x0  }
0x23: {  	[sflag:s19] =	ssyncadd.s32 $0xFFFFFD88  }
0x24: {  	[tilespmem:$0x53F0] =	vst v0  }
0x25: {  	[tilespmem:$0x5400] =	vst v0  }
0x26: {  	[tilespmem:$0x5410] =	vst v0  }
0x27: {  	[tilespmem:$0x5420] =	vst v0  }
0x28: {  	[tilespmem:$0x5430] =	vst v0  }
0x29: {  	[tilespmem:$0x5440] =	vst v0  }
0x2a: {  	[tilespmem:$0x5450] =	vst v0  }
0x2b: {  	[tilespmem:$0x5460] =	vst v0  }
0x2c: {  	[tilespmem:$0x5470] =	vst v0  }
0x2d: {  	[tilespmem:$0x5480] =	vst v0  }
0x2e: {  	[tilespmem:$0x5490] =	vst v0  }
0x2f: {  	[tilespmem:$0x54A0] =	vst v0  }
0x30: {  	[tilespmem:$0x54B0] =	vst v0  }
0x31: {  	[tilespmem:$0x54C0] =	vst v0  }
0x32: {  	[tilespmem:$0x54D0] =	vst v0  }
0x33: {  	[tilespmem:$0x54E0] =	vst v0  }
0x34: {  	[tilespmem:$0x54F0] =	vst v0  }
0x35: {  	[tilespmem:$0x5500] =	vst v0  }
0x36: {  	[tilespmem:$0x5510] =	vst v0  }
0x37: {  	[tilespmem:$0x5520] =	vst v0  }
0x38: {  	[tilespmem:$0x5530] =	vst v0  }
0x39: {  	[tilespmem:$0x5540] =	vst v0  }
0x3a: {  	[tilespmem:$0x5550] =	vst v0  }
0x3b: {  	[tilespmem:$0x5560] =	vst v0  }
0x3c: {  	[tilespmem:$0x5570] =	vst v0  }
0x3d: {  	[tilespmem:$0x5580] =	vst v0  }
0x3e: {  	[tilespmem:$0x5590] =	vst v0  }
0x3f: {  	[tilespmem:$0x55A0] =	vst v0  }
0x40: {  	[tilespmem:$0x55B0] =	vst v0  }
0x41: {  	[tilespmem:$0x55C0] =	vst v0  }
0x42: {  	[tilespmem:$0x55D0] =	vst v0  }
0x43: {  	[tilespmem:$0x55E0] =	vst v0  }
0x44: {  	[tilespmem:$0x55F0] =	vst v0  }
0x45: {  	[tilespmem:$0x5600] =	vst v0  }
0x46: {  	[tilespmem:$0x5610] =	vst v0  }
0x47: {  	[tilespmem:$0x5620] =	vst v0  }
0x48: {  	[tilespmem:$0x5630] =	vst v0  }
0x49: {  	[tilespmem:$0x5640] =	vst v0  }
0x4a: {  	[tilespmem:$0x5650] =	vst v0  }
0x4b: {  	[tilespmem:$0x5658] =	vst v0  }
0x4c: {  	[spmem:s11] =	stream.linear.scatter [tilespmem:s18], [sflag:$0x4], $0x278, $0x38;
	[tilespmem:$0x57E8] =	vst v63  }
0x4d: {  	_ =	swait.ge [sflag:s19], $0x278  }
0x4e: {  	[sflag:s19] =	ssyncset.done $0x0  }
0x4f: {  	[sflag:s19] =	ssyncadd.s32 $0xFFFFFD88  }
0x50: {  	_ =	swait.ge [sflag:s20], $0x2700  }
0x51: {  	[sflag:s20] =	ssyncset.done $0x0  }
0x52: {  	[sflag:s20] =	ssyncadd.s32 $0xFFFFD900  }
0x53: {  	_ =	swait.ge [sflag:s20], $0x2700  }
0x54: {  	[sflag:s20] =	ssyncset.done $0x0  }
0x55: {  	[sflag:s20] =	ssyncadd.s32 $0xFFFFD900  }
0x56: {  	_ =	swait.ge [sflag:s20], $0x80  }
0x57: {  	[sflag:s20] =	ssyncset.done $0x0  }
0x58: {  	[sflag:s20] =	ssyncadd.s32 $0xFFFFFF80  }
0x59: {  	_ =	swait.ge [sflag:s20], $0x80  }
0x5a: {  	[sflag:s20] =	ssyncset.done $0x0  }
0x5b: {  	[sflag:s20] =	ssyncadd.s32 $0xFFFFFF80  }
0x5c: {  	[bflag:$0x0] =	sbarrier.arrive $0xFFFF  }
0x5d: {  	[tilespmem:s22], [sflag:$0x1] =	stream.indirect.gather [spmem:s2], $0x1, s14, s21, $0xb8;
	[tilespmem:$0x57E8] =	vst v63  }
0x5e: {  	s23 =	simm.s32 $0x570  }
0x5f: {  	[tilespmem:s24], [sflag:$0x2] =	stream.indirect.gather [spmem:s2], $0x1, s23, s21, $0xb8;
	[tilespmem:$0x57E8] =	vst v63  }
0x60: {  	_ =	swait.ge [sflag:s25], $0x80  }
0x61: {  	[sflag:s25] =	ssyncset.done $0x0  }
0x62: {  	s16 =	simm.s32 $0x5F0;
	[sflag:s25] =	ssyncadd.s32 $0xFFFFFF80  }
0x63: {  	[tilespmem:s26], [sflag:$0x3] =	stream.indirect.gather [spmem:s2], $0x1, s16, s21, $0xb8;
	[tilespmem:$0x57E8] =	vst v63  }
0x64: {  	s17 =	simm.s32 $0x2C70  }
0x65: {  	[spmem:s3] =	stream.indirect.scatter.add.f32 [tilespmem:s22], [sflag:$0x4], $0x1, s17, s21, $0xb8;
	[tilespmem:$0x57E8] =	vst v63  }
0x66: {  	_ =	swait.ge [sflag:s19], $0x80  }
0x67: {  	[sflag:s19] =	ssyncset.done $0x0  }
0x68: {  	[sflag:s19] =	ssyncadd.s32 $0xFFFFFF80  }
0x69: {  	_ =	swait.ge [sflag:s28], $0x80  }
0x6a: {  	[sflag:s28] =	ssyncset.done $0x0  }
0x6b: {  	s23 =	simm.s32 $0x670;
	[sflag:s28] =	ssyncadd.s32 $0xFFFFFF80  }
0x6c: {  	[tilespmem:s22], [sflag:$0x1] =	stream.indirect.gather [spmem:s2], $0x1, s23, s21, $0xb8;
	[tilespmem:$0x57E8] =	vst v63  }
0x6d: {  	s16 =	simm.s32 $0x2CF0  }
0x6e: {  	[spmem:s3] =	stream.indirect.scatter.add.f32 [tilespmem:s24], [sflag:$0x4], $0x1, s16, s21, $0xb8;
	[tilespmem:$0x57E8] =	vst v63  }
0x6f: {  	_ =	swait.ge [sflag:s19], $0x80  }
0x70: {  	[sflag:s19] =	ssyncset.done $0x0  }
0x71: {  	[sflag:s19] =	ssyncadd.s32 $0xFFFFFF80  }
0x72: {  	_ =	swait.ge [sflag:s20], $0x80  }
0x73: {  	[sflag:s20] =	ssyncset.done $0x0  }
0x74: {  	s17 =	simm.s32 $0x6F0;
	[sflag:s20] =	ssyncadd.s32 $0xFFFFFF80  }
0x75: {  	[tilespmem:s24], [sflag:$0x2] =	stream.indirect.gather [spmem:s2], $0x1, s17, s21, $0xb8;
	[tilespmem:$0x57E8] =	vst v63  }
0x76: {  	s23 =	simm.s32 $0x2D70  }
0x77: {  	[spmem:s3] =	stream.indirect.scatter.add.f32 [tilespmem:s26], [sflag:$0x4], $0x1, s23, s21, $0xb8;
	[tilespmem:$0x57E8] =	vst v63  }
0x78: {  	_ =	swait.ge [sflag:s19], $0x80  }
0x79: {  	s15 =	simm.s32 $0x600;
	[sflag:s19] =	ssyncset.done $0x0  }
.LBB2_2:
0x7a: {  	p1 =	sne.s32 s15, $0x9000  }
0x7b: {  	[sflag:s19] =	ssyncadd.s32 $0xFFFFFF80;
	s16 =	smov.u32 s15;
	s15 =	sadd.s32 $0x600, s15  }
0x7c: {  	_ = 	snop  }
0x7d: {  	_ =	swait.ge [sflag:s25], $0x80  }
0x7e: {  	s16 =	sshra.s32 s16, $0x2;
	[sflag:s25] =	ssyncset.done $0x0  }
0x7f: {  	s17 =	sadd.s32 $0x5F0, s16;
	[sflag:s25] =	ssyncadd.s32 $0xFFFFFF80  }
0x80: {  	[tilespmem:s26], [sflag:$0x3] =	stream.indirect.gather [spmem:s2], $0x1, s17, s21, $0xb8;
	[tilespmem:$0x57E8] =	vst v63  }
0x81: {  	s17 =	sadd.s32 $0x2C70, s16  }
0x82: {  	[spmem:s3] =	stream.indirect.scatter.add.f32 [tilespmem:s22], [sflag:$0x4], $0x1, s17, s21, $0xb8;
	[tilespmem:$0x57E8] =	vst v63  }
0x83: {  	_ =	swait.ge [sflag:s19], $0x80  }
0x84: {  	[sflag:s19] =	ssyncset.done $0x0  }
0x85: {  	[sflag:s19] =	ssyncadd.s32 $0xFFFFFF80  }
0x86: {  	_ =	swait.ge [sflag:s28], $0x80  }
0x87: {  	[sflag:s28] =	ssyncset.done $0x0  }
0x88: {  	s17 =	sadd.s32 $0x670, s16;
	[sflag:s28] =	ssyncadd.s32 $0xFFFFFF80  }
0x89: {  	[tilespmem:s22], [sflag:$0x1] =	stream.indirect.gather [spmem:s2], $0x1, s17, s21, $0xb8;
	[tilespmem:$0x57E8] =	vst v63  }
0x8a: {  	s17 =	sadd.s32 $0x2CF0, s16  }
0x8b: {  	[spmem:s3] =	stream.indirect.scatter.add.f32 [tilespmem:s24], [sflag:$0x4], $0x1, s17, s21, $0xb8;
	[tilespmem:$0x57E8] =	vst v63  }
0x8c: {  	_ =	swait.ge [sflag:s19], $0x80  }
0x8d: {  	[sflag:s19] =	ssyncset.done $0x0  }
0x8e: {  	[sflag:s19] =	ssyncadd.s32 $0xFFFFFF80  }
0x8f: {  	_ =	swait.ge [sflag:s20], $0x80  }
0x90: {  	[sflag:s20] =	ssyncset.done $0x0  }
0x91: {  	s17 =	sadd.s32 $0x6F0, s16;
	[sflag:s20] =	ssyncadd.s32 $0xFFFFFF80  }
0x92: {  	[tilespmem:s24], [sflag:$0x2] =	stream.indirect.gather [spmem:s2], $0x1, s17, s21, $0xb8;
	[tilespmem:$0x57E8] =	vst v63  }
.Ltmp0:
0x93: {  	_ = 	snop;
	(pc) =	sbr.rel @p1 .LBB2_2-.Ltmp0, $4  }
0x94: {  	s16 =	sadd.s32 $0x2D70, s16  }
0x95: {  	[spmem:s3] =	stream.indirect.scatter.add.f32 [tilespmem:s26], [sflag:$0x4], $0x1, s16, s21, $0xb8;
	[tilespmem:$0x57E8] =	vst v63  }
0x96: {  	_ =	swait.ge [sflag:s19], $0x80  }
0x97: {  	[sflag:s19] =	ssyncset.done $0x0  }
0x98: {  	[sflag:s19] =	ssyncadd.s32 $0xFFFFFF80  }
0x99: {  	_ =	swait.ge [sflag:s25], $0x80  }
0x9a: {  	[sflag:s25] =	ssyncset.done $0x0  }
0x9b: {  	[sflag:s25] =	ssyncadd.s32 $0xFFFFFF80  }
0x9c: {  	[tilespmem:s26], [sflag:$0x3] =	stream.indirect.gather [spmem:s2], $0x1, s29, s21, $0xb8;
	[tilespmem:$0x57E8] =	vst v63  }
0x9d: {  	_ = 	snop  }
0x9e: {  	[spmem:s3] =	stream.indirect.scatter.add.f32 [tilespmem:s22], [sflag:$0x4], $0x1, s30, s21, $0xb8;
	[tilespmem:$0x57E8] =	vst v63  }
0x9f: {  	_ =	swait.ge [sflag:s19], $0x80  }
0xa0: {  	[sflag:s19] =	ssyncset.done $0x0  }
0xa1: {  	[sflag:s19] =	ssyncadd.s32 $0xFFFFFF80  }
0xa2: {  	_ =	swait.ge [sflag:s28], $0x80  }
0xa3: {  	[sflag:s28] =	ssyncset.done $0x0  }
0xa4: {  	[sflag:s28] =	ssyncadd.s32 $0xFFFFFF80  }
0xa5: {  	[spmem:s3] =	stream.indirect.scatter.add.f32 [tilespmem:s24], [sflag:$0x4], $0x1, s31, s21, $0xb8;
	[tilespmem:$0x57E8] =	vst v63  }
0xa6: {  	_ =	swait.ge [sflag:s19], $0x80  }
0xa7: {  	[sflag:s19] =	ssyncset.done $0x0  }
0xa8: {  	[sflag:s19] =	ssyncadd.s32 $0xFFFFFF80  }
0xa9: {  	_ =	swait.ge [sflag:s20], $0x80  }
0xaa: {  	[sflag:s20] =	ssyncset.done $0x0  }
0xab: {  	[sflag:s20] =	ssyncadd.s32 $0xFFFFFF80  }
0xac: {  	[spmem:s3] =	stream.indirect.scatter.add.f32 [tilespmem:s26], [sflag:$0x4], $0x1, s1, s21, $0xb8;
	[tilespmem:$0x57E8] =	vst v63  }
0xad: {  	_ =	swait.ge [sflag:s19], $0x80  }
0xae: {  	s15 =	simm.s32 @!p0 $0x80;
	[sflag:s19] =	ssyncset.done $0x0  }
0xaf: {  	s16 =	simm.s32 @!p0 $0x2BF0;
	s17 =	simm.s32 @!p0 $0x5668;
	[sflag:s19] =	ssyncadd.s32 $0xFFFFFF80  }
0xb0: {  	[tilespmem:s17], [sflag:$0x4] =	stream.indirect.gather @!p0 [spmem:s2], $0x1, s16, s15, $0xb8;
	[tilespmem:$0x57E8] =	vst v63  }
0xb1: {  	s16 =	simm.s32 @!p0 $0x4  }
0xb2: {  	_ =	swait.ge @!p0 [sflag:s16], $0x80  }
0xb3: {  	[sflag:s16] =	ssyncset.done @!p0 $0x0  }
0xb4: {  	s23 =	simm.s32 @!p0 $0x5370;
	[sflag:s16] =	ssyncadd.s32 @!p0 $0xFFFFFF80  }
0xb5: {  	[spmem:s3] =	stream.indirect.scatter.add.f32 @!p0 [tilespmem:s17], [sflag:$0x4], $0x1, s23, s15, $0xb8;
	[tilespmem:$0x57E8] =	vst v63  }
0xb6: {  	_ =	swait.ge @!p0 [sflag:s16], $0x80  }
0xb7: {  	[sflag:s16] =	ssyncset.done @!p0 $0x0  }
0xb8: {  	[sflag:s16] =	ssyncadd.s32 @!p0 $0xFFFFFF80  }
0xb9: {  	[bflag:$0x0] =	sbarrier.arrive $0xFFFF  }
0xba: {  	[tilespmem:s18], [sflag:$0x4] =	stream.linear.gather [spmem:s11], $0x278, $0x38;
	[tilespmem:$0x57E8] =	vst v63  }
0xbb: {  	s0 =	sadd.s32 $0x1, s0;
	_ =	swait.ge [sflag:s19], $0x278  }
0xbc: {  	p1 =	sne.s32 s0, s13;
	[sflag:s19] =	ssyncset.done $0x0  }
.Ltmp1:
0xbd: {  	[sflag:s19] =	ssyncadd.s32 $0xFFFFFD88;
	(pc) =	sbr.rel @p1 .LBB2_1-.Ltmp1, $4  }
0xbe: {  	[hbm4b:s12+s4] =	stream.linear.scatter [tilespmem:s18], [sflag:$0x4], $0x278, $0x38;
	[tilespmem:$0x57E8] =	vst v63  }
0xbf: {  	_ =	swait.ge [sflag:s19], $0x278  }
0xc0: {  	[sflag:s19] =	ssyncset.done $0x0  }
0xc1: {  	[sflag:s19] =	ssyncadd.s32 $0xFFFFFD88  }
0xc2: {  	_ =	sfence.sel $0x180000  }
0xc3: {  	[bflag:$0x0] =	sbarrier.arrive $0xFFFF  }
0xc4: {  	_ =	strace $0x9000004D  }
0xc5: {  	s0 =	stileid.u32;
	[bflag:$0x2] =	sbarrier.arrive $0xFFFF  }
0xc6: {  	p0 =	sne.s32 s0, $0x0;
	s0 =	rddreg [dreg:$0x4]  }
0xc7: {  	s0 =	sadd.s32 @!p0 $0x100000, s0  }
0xc8: {  	[sflag:s0] =	ssyncadd.tile.s32 @!p0 $0x1;
	_ =	shalt  }
.Lfunc_end2:
_tile_overlayer_lowered:
.L_overlay_start_2:
0xc9: {  	(tag) =	ssettag $0x2  }
0xca: {  	s0 =	rddreg [dreg:$0x0];
	s2 =	stileid.u32  }
0xcb: {  	s1 =	rddreg [dreg:$0x1];
	p0 =	sne.s32 s2, $0x0  }
0xcc: {  	s3 =	rddreg [dreg:$0x2];
	[bflag:$0x3] =	sbarrier.arrive $0xFFFF;
	s2 =	simm.s32 @!p0 $0x1C04  }
0xcd: {  	[timem:s3], [sflag:s2] =	dma.local @!p0 [hbm:s0], s1  }
0xce: {  	s0 =	simm.s32 @!p0 $0x4  }
0xcf: {  	_ =	swait.ge @!p0 [sflag:s0], s1  }
0xd0: {  	s1 =	ssub.s32 @!p0 $0x0, s1;
	[sflag:s0] =	ssyncset.done @!p0 $0x0  }
0xd1: {  	[sflag:s0] =	ssyncadd.s32 @!p0 s1  }
0xd2: {  	[bflag:$0x3] =	sbarrier.arrive $0xFFFF  }
0xd3: {  	_ =	shalt  }

// kernel: kernel.9.cloned.1.call-start
scs
__scs_entry_jumppad:
0x0: {  	(pc) =	sbr.rel $0x88, $3  }
0x1: {  	(tag) =	ssettag $0x0;
	lr =	simm.s32 $0x1  }
0x2: {  	[smem:$0x3F92] =	sst lr;
	_ =	strace $0xD0000000  }
0x3: {  	_ = 	snop  }
0x4: {  	_ = 	snop  }
0x5: {  	_ = 	snop  }
0x6: {  	_ = 	snop  }
0x7: {  	_ = 	snop  }
__scs_overlays_trampoline_lowered:
0x8: {  	[smem:$0x3FA1] =	sst s0  }
0x9: {  	[smem:$0x3FA2] =	sst s1  }
0xa: {  	[smem:$0x3FA3] =	sst s2  }
0xb: {  	[smem:$0x3FA4] =	sst s3  }
0xc: {  	[smem:$0x3FA5] =	sst s4  }
0xd: {  	[smem:$0x3FA6] =	sst s5  }
0xe: {  	[smem:$0x3FA7] =	sst s6  }
0xf: {  	[smem:$0x3FA8] =	sst s7  }
0x10: {  	[smem:$0x3FA9] =	sst s8  }
0x11: {  	[smem:$0x3FAA] =	sst s9;
	s0 =	simm.s32 @!p0 $0x0  }
0x12: {  	s1 =	sld [smem:$0x3F90];
	s0 =	simm.s32 @p0 $0x1  }
0x13: {  	[smem:$0x3FAB] =	sst s0;
	s0 =	simm.s32 @!p1 $0x0  }
0x14: {  	s2 =	sld [smem:$0x3F8F];
	s0 =	simm.s32 @p1 $0x1  }
0x15: {  	[smem:$0x3FAC] =	sst s0;
	s0 =	simm.s32 @!p2 $0x0  }
0x16: {  	s3 =	sld [smem:$0x3FDB];
	s0 =	simm.s32 @p2 $0x1  }
0x17: {  	s4 =	simm.s32 $0x1BF5;
	[smem:$0x3FAE] =	sst s0  }
0x18: {  	s0 =	sld [smem:$0x3F91];
	_ =	swait.ge [sflag:s4], $0x0  }
0x19: {  	s7 =	sld [smem:$0x3F92]  }
0x1a: {  	s8 =	sadd.s32 $0xFFFFE003, lr  }
0x1b: {  	s9 =	sadd.s32 $0xFFFFFEF7, lr;
	s5 =	simm.s32 $0xFFFFFFFF;
	p2 =	slt.u32 s8, $0xFFFFF086  }
0x1c: {  	p1 =	slt.u32 s9, $0xF7A;
	s5 =	simm.s32 @!p2 $0x0  }
0x1d: {  	s5 =	simm.s32 @p1 $0x1;
	p0 =	seq.s32 s7, s2  }
0x1e: {  	s7 =	smul.u32 @!p0 $0xF7A, s2;
	p2 =	seq.s32 @!p0 s5, $0x0  }
0x1f: {  	s9 =	smul.u32 $0xF7A, s1;
	s8 =	simm.s32 @!p0 $0x1BF5;
	p2 =	por !p2, p0  }
0x20: {  	[sflag:s8] =	ssyncset.s32 @!p0 $0xFFFFF086;
	s6 =	sadd.s32 @!p0 s3, s7;
	s7 =	simm.s32 @!p0 $0x108  }
0x21: {  	s3 =	sadd.s32 s3, s9;
	s6 =	sadd.s32 @!p0 $0x88, s6;
	s7 =	simm.s32 @p2 $0x1082  }
0x22: {  	[simem:s7], [sflag:s8] =	dma.local @!p0 [hbm:s6], $0xF7A  }
0x23: {  	s9 =	sor.u32 $0xD0000000, s2;
	s6 =	simm.s32 $0x108;
	_ =	swait.ge @!p0 [sflag:s8], $0x0  }
0x24: {  	s3 =	sadd.s32 $0x88, s3;
	s6 =	simm.s32 @!p1 $0x1082;
	[sflag:s4] =	ssyncset.s32 $0xFFFFF086  }
0x25: {  	[simem:s6], [sflag:s4] =	dma.local [hbm:s3], $0xF7A  }
0x26: {  	[smem:$0x3F92] =	sst s1;
	(tag) =	ssettag s2;
	_ =	strace s9  }
0x27: {  	s1 =	sld [smem:$0x3FA2]  }
0x28: {  	s2 =	sld [smem:$0x3FA3]  }
0x29: {  	s4 =	sld [smem:$0x3FA5]  }
0x2a: {  	p0 =	seq.s32 s5, $0x0;
	s5 =	sld [smem:$0x3FA6]  }
0x2b: {  	s6 =	sld [smem:$0x3FA7]  }
0x2c: {  	s7 =	sld [smem:$0x3FA8]  }
0x2d: {  	s3 =	simm.s32 $0x108;
	s8 =	sld [smem:$0x3FA9]  }
0x2e: {  	s3 =	simm.s32 @!p0 $0x1082;
	s9 =	sld [smem:$0x3FAA]  }
0x2f: {  	lr =	sadd.s32 s0, s3;
	s0 =	sld [smem:$0x3FA1]  }
0x30: {  	s3 =	sld [smem:$0x3FA4]  }
0x31: {  	[smem:$0x3FAD] =	sst s10  }
0x32: {  	s10 =	sld [smem:$0x3FAB];
	_ =	sdelay $0x3  }
0x33: {  	p0 =	seq.s32 s10, $0x1;
	s10 =	sld [smem:$0x3FAD];
	_ =	sdelay $0x3  }
0x34: {  	[smem:$0x3FAD] =	sst s10  }
0x35: {  	s10 =	sld [smem:$0x3FAC];
	_ =	sdelay $0x3  }
0x36: {  	p1 =	seq.s32 s10, $0x1;
	s10 =	sld [smem:$0x3FAD];
	_ =	sdelay $0x3  }
0x37: {  	[smem:$0x3FAD] =	sst s10  }
0x38: {  	s10 =	sld [smem:$0x3FAE]  }
0x39: {  	_ = 	snop;
	(pc) =	sbr.ind lr, $3  }
0x3a: {  	_ = 	snop  }
0x3b: {  	_ = 	snop  }
0x3c: {  	p2 =	seq.s32 s10, $0x1;
	s10 =	sld [smem:$0x3FAD]  }
0x3d: {  	_ =	shalt  }
0x3e: {  	_ =	shalt  }
0x3f: {  	_ =	shalt  }
0x40: {  	_ =	shalt  }
0x41: {  	_ =	shalt  }
0x42: {  	_ =	shalt  }
0x43: {  	_ =	shalt  }
0x44: {  	_ =	shalt  }
0x45: {  	_ =	shalt  }
0x46: {  	_ =	shalt  }
0x47: {  	_ =	shalt  }
0x48: {  	_ =	shalt  }
0x49: {  	_ =	shalt  }
0x4a: {  	_ =	shalt  }
0x4b: {  	_ =	shalt  }
0x4c: {  	_ =	shalt  }
0x4d: {  	_ =	shalt  }
0x4e: {  	_ =	shalt  }
0x4f: {  	_ =	shalt  }
0x50: {  	_ =	shalt  }
0x51: {  	_ =	shalt  }
0x52: {  	_ =	shalt  }
0x53: {  	_ =	shalt  }
0x54: {  	_ =	shalt  }
0x55: {  	_ =	shalt  }
0x56: {  	_ =	shalt  }
0x57: {  	_ =	shalt  }
0x58: {  	_ =	shalt  }
0x59: {  	_ =	shalt  }
0x5a: {  	_ =	shalt  }
0x5b: {  	_ =	shalt  }
0x5c: {  	_ =	shalt  }
0x5d: {  	_ =	shalt  }
0x5e: {  	_ =	shalt  }
0x5f: {  	_ =	shalt  }
0x60: {  	_ =	shalt  }
0x61: {  	_ =	shalt  }
0x62: {  	_ =	shalt  }
0x63: {  	_ =	shalt  }
0x64: {  	_ =	shalt  }
0x65: {  	_ =	shalt  }
0x66: {  	_ =	shalt  }
0x67: {  	_ =	shalt  }
0x68: {  	_ =	shalt  }
0x69: {  	_ =	shalt  }
0x6a: {  	_ =	shalt  }
0x6b: {  	_ =	shalt  }
0x6c: {  	_ =	shalt  }
0x6d: {  	_ =	shalt  }
0x6e: {  	_ =	shalt  }
0x6f: {  	_ =	shalt  }
0x70: {  	_ =	shalt  }
0x71: {  	_ =	shalt  }
0x72: {  	_ =	shalt  }
0x73: {  	_ =	shalt  }
0x74: {  	_ =	shalt  }
0x75: {  	_ =	shalt  }
0x76: {  	_ =	shalt  }
0x77: {  	_ =	shalt  }
0x78: {  	_ =	shalt  }
0x79: {  	_ =	shalt  }
0x7a: {  	_ =	shalt  }
0x7b: {  	_ =	shalt  }
0x7c: {  	_ =	shalt  }
0x7d: {  	_ =	shalt  }
0x7e: {  	_ =	shalt  }
0x7f: {  	_ =	shalt  }
0x80: {  	_ =	shalt  }
0x81: {  	_ =	shalt  }
0x82: {  	_ =	shalt  }
0x83: {  	_ =	shalt  }
0x84: {  	_ =	shalt  }
0x85: {  	_ =	shalt  }
0x86: {  	_ =	shalt  }
0x87: {  	_ =	shalt  }
.Lfunc_end0:
.L_simem_size_0:
called_computation_lowered:
.L_overlay_start_0:
0x88: {  	s2 =	sld [smem:$0x3FD9]  }
0x89: {  	s3 =	sld [smem:$0x3FFE];
	_ =	sdelay $0x1  }
0x8a: {  	s1 =	srdreg.scid  }
0x8b: {  	s0 =	sand.u32 $0x1, s1  }
0x8c: {  	s16 =	sshll.u32 s0, $0xA;
	s2 =	sadd.s32 s3, s2  }
0x8d: {  	s2 =	sadd.s32 s2, s16  }
0x8e: {  	[smem:$0x3FB9] =	sst s2  }
0x8f: {  	_ = 	snop  }
0x90: {  	(tm) =	ssettm $0x1  }
0x91: {  	s17 =	sld [smem:$0x3FFB];
	_ =	sdelay $0x3  }
0x92: {  	_ =	strace s17  }
0x93: {  	s2 =	sld [smem:$0x3FFC];
	_ =	sdelay $0x3  }
0x94: {  	_ =	strace s2  }
0x95: {  	s2 =	sld [smem:$0x3FFD];
	_ =	sdelay $0x3  }
0x96: {  	_ =	strace s2  }
0x97: {  	_ =	strace $0x8FFFFFFF  }
0x98: {  	s18 =	sld [smem:$0x3FDB];
	_ =	sdelay $0x1  }
0x99: {  	s19 =	simm.s32 $_scs_section_size  }
0x9a: {  	s4 =	simm.s32 $_size__tile_overlayer_lowered;
	s5 =	simm.s32 $_tile_overlayer_lowered  }
0x9b: {  	s22 =	simm.s32 $0x1BFF;
	s21 =	sshll.u32 s5, $0x1;
	s2 =	sadd.s32 s19, s18  }
0x9c: {  	s6 =	simm.s32 $0x0;
	s20 =	sshll.u32 s4, $0x1;
	s4 =	sadd.s32 s21, s2  }
0x9d: {  	[timem:s6], [sflag:s22] =	dma.local [hbm:s4], s20  }
0x9e: {  	_ =	swait.ge [sflag:s22], s20  }
0x9f: {  	s3 =	ssub.s32 $0x0, s20;
	[sflag:s22] =	ssyncset.done $0x0  }
0xa0: {  	[sflag:s22] =	ssyncadd.s32 s3;
	_ =	sdelay $0x1  }
0xa1: {  	s23 =	simm.s32 $0x1B8B  }
0xa2: {  	_ =	swait.ge [sflag:s23], $0x1  }
0xa3: {  	[sflag:s23] =	ssyncset.done $0x0  }
0xa4: {  	s25 =	simm.s32 $0x1B8E;
	s24 =	sld [smem:$0x3FFE];
	[sflag:s23] =	ssyncadd.s32 $0xFFFFFFFF  }
0xa5: {  	s26 =	simm.s32 $execute0_lowered;
	[smem:$0x3FD2] =	sst s25  }
0xa6: {  	s4 =	sshll.u32 s26, $0x1;
	_ =	strace $0x80000046;
	[dreg:$0x1] =	wrdreg $0xFFFFFFFF  }
0xa7: {  	s28 =	simm.s32 $_size_execute0_lowered;
	s2 =	sadd.s32 s2, s4;
	[dreg:$0x0] =	wrdreg $0x0  }
0xa8: {  	s4 =	sshll.u32 s28, $0x1;
	[dreg:$0x2] =	wrdreg s2  }
0xa9: {  	[dreg:$0x3] =	wrdreg s4  }
0xaa: {  	[dreg:$0x4] =	wrdreg $0xC0  }
0xab: {  	_ =	task [dreg:s6], $0x5FFFF  }
0xac: {  	[dreg:$0x1] =	wrdreg $0xFFFFFFFF  }
0xad: {  	[dreg:$0x0] =	wrdreg $0x60  }
0xae: {  	[dreg:$0x2] =	wrdreg s24  }
0xaf: {  	[dreg:$0x3] =	wrdreg $0x0  }
0xb0: {  	[dreg:$0x4] =	wrdreg $0x9E000  }
0xb1: {  	[dreg:$0x5] =	wrdreg $0x1EB000  }
0xb2: {  	[dreg:$0x6] =	wrdreg $0x9  }
0xb3: {  	_ =	task.clear_ibuf [dreg:s6], $0x7FFFF;
	_ =	strace $0x90000046  }
0xb4: {  	s29 =	simm.s32 $0x9;
	_ =	strace $0x80000048  }
0xb5: {  	_ =	swait.ge [sflag:s29], $0x1  }
0xb6: {  	[sflag:s29] =	ssyncadd.s32 $0xFFFFFFFF  }
0xb7: {  	_ =	strace $0x90000048  }
0xb8: {  	_ =	sfence  }
0xb9: {  	s30 =	sld [smem:$0x0];
	_ =	sdelay $0x2  }
0xba: {  	s31 =	sshll.u32 s1, $0xD;
	s1 =	sshrl.u32 s1, $0x2  }
0xbb: {  	s3 =	sand.u32 $0x4000, s31;
	s1 =	sadd.s32 s1, s30  }
0xbc: {  	s0 =	sor.u32 s3, s0;
	s1 =	sshll.u32 s1, $0x11  }
0xbd: {  	s0 =	sor.u32 s1, s0  }
0xbe: {  	s0 =	sadd.s32 $0x8F2B, s0  }
0xbf: {  	[sflag:s0] =	ssyncadd.remote.s32 $0x1  }
0xc0: {  	_ =	sfence.sel $0xFFFF  }
0xc1: {  	[dreg:$0x0] =	wrdreg $0xFFFFFFFF;
	(pc) =	sbr.abs _section_cstart, $3  }
0xc2: {  	[dreg:$0x1] =	wrdreg $0xFFFFFFFF  }
0xc3: {  	_ =	task.clear_ibuf [dreg:s6], $0x2FFFF;
	_ =	strace $0x9FFFFFFF  }
0xc4: {  	(tm) =	ssettm $0x7FFFFFFF  }
0xc5: {  	_ =	shalt  }
tec
execute0_lowered:
.L_overlay_start_1:
0x0: {  	(tag) =	ssettag $0x1  }
0x1: {  	s2 =	rddreg [dreg:$0x0]  }
0x2: {  	s1 =	rddreg [dreg:$0x1]  }
0x3: {  	s0 =	srdreg.scid;
	s3 =	rddreg [dreg:$0x2]  }
0x4: {  	s17 =	stileid.u32;
	s4 =	rddreg [dreg:$0x3]  }
0x5: {  	s5 =	sand.u32 $0x1, s0;
	s0 =	smul.u32 $0x278, s17;
	s7 =	sadd.s32 $0x16E00, s2  }
0x6: {  	s8 =	sshll.u32 s17, $0x1;
	s9 =	sadd.s32 $0x3400, s2;
	s13 =	smul.u32 $0x9E00, s17  }
0x7: {  	s12 =	sadd.s32 $0x2AA00, s2;
	p0 =	sgt.u32 s17, $0x1;
	s6 =	smul.u32 $0x2780, s5  }
0x8: {  	s8 =	sor.u32 s5, s8;
	s10 =	ssub.s32 $0x2, s5;
	s5 =	smul.u32 $0x9E000, s5  }
0x9: {  	s17 =	simm.s32 $0x18900;
	s11 =	smul.u32 $0x2700, s8;
	s15 =	sshrl.u32 s10, $0x1  }
0xa: {  	s8 =	smin.u32 s8, $0x3;
	s16 =	sshrl.u32 s13, $0x3;
	s30 =	sadd.s32 s0, s4  }
0xb: {  	s6 =	sadd.s32 s0, s6;
	s8 =	sshll.u32 s8, $0x4;
	s23 =	sadd.s32 s13, s5  }
0xc: {  	s6 =	sshrl.u32 s6, $0x3;
	s11 =	sshrl.u32 s11, $0x3;
	s8 =	sadd.s32 s8, s9  }
0xd: {  	s2 =	sadd.s32 s6, s2;
	s6 =	ssub.s32 s10, s15;
	s18 =	sadd.s32 s9, s11  }
0xe: {  	s10 =	sadd.s32 $0x2000, s13;
	s9 =	sadd.s32 s7, s16;
	s11 =	sadd.s32 $0x4000, s13  }
0xf: {  	s15 =	sadd.s32 $0x6000, s13;
	s16 =	sadd.s32 $0x8000, s13;
	[dreg:$0x6] =	wrdreg s9  }
0x10: {  	s19 =	sshrl.u32 s10, $0x3;
	s20 =	sshrl.u32 s11, $0x3;
	s14 =	sshrl.u32 s15, $0x3  }
0x11: {  	s22 =	sshrl.u32 s16, $0x3;
	s24 =	sadd.s32 s5, s10;
	s9 =	sadd.s32 s7, s19  }
0x12: {  	s25 =	sadd.s32 s5, s11;
	s21 =	sadd.s32 s7, s14;
	[dreg:$0x7] =	wrdreg s9  }
0x13: {  	s31 =	sadd.s32 s5, s15;
	s14 =	simm.s32 $0x0;
	[dreg:$0x9] =	wrdreg s21  }
0x14: {  	s5 =	sadd.s32 s5, s16;
	s9 =	sadd.s32 s7, s20;
	[smem:$0x7FF] =	sst s14  }
0x15: {  	s5 =	sshrl.u32 s5, $0x3;
	s7 =	sadd.s32 s7, s22;
	[dreg:$0x8] =	wrdreg s9  }
0x16: {  	s5 =	sadd.s32 s12, s5;
	[dreg:$0xa] =	wrdreg s7;
	s7 =	sshrl.u32 s23, $0x3  }
0x17: {  	s28 =	sshrl.u32 s25, $0x3;
	[dreg:$0xf] =	wrdreg s5;
	s7 =	sadd.s32 s12, s7  }
0x18: {  	s9 =	sshrl.u32 s24, $0x3;
	[dreg:$0xb] =	wrdreg s7;
	s7 =	sadd.s32 s12, s28  }
0x19: {  	s26 =	sadd.s32 s12, s9;
	[dreg:$0xd] =	wrdreg s7;
	s7 =	sshrl.u32 s31, $0x3  }
0x1a: {  	s29 =	sadd.s32 s16, s3;
	[dreg:$0xc] =	wrdreg s26;
	s7 =	sadd.s32 s12, s7  }
0x1b: {  	s19 =	sadd.s32 s11, s1;
	[dreg:$0xe] =	wrdreg s7;
	s7 =	sadd.s32 $0x9C00, s8  }
0x1c: {  	s9 =	sadd.s32 $0x13840, s8;
	_ =	strace $0x80000047;
	[dreg:$0x10] =	wrdreg s7  }
0x1d: {  	s25 =	sadd.s32 $0x52200, s2;
	s12 =	sadd.s32 s13, s1;
	[dreg:$0x11] =	wrdreg s9  }
0x1e: {  	s20 =	sadd.s32 s13, s3;
	s13 =	sadd.s32 s10, s1;
	[dreg:$0x12] =	wrdreg s12  }
0x1f: {  	s2 =	simm.s32 $0x13C00;
	s22 =	sadd.s32 s10, s3;
	[dreg:$0x13] =	wrdreg s13  }
0x20: {  	s21 =	sadd.s32 s15, s1;
	s24 =	sadd.s32 s11, s3;
	[dreg:$0x14] =	wrdreg s19  }
0x21: {  	s23 =	sadd.s32 s16, s1;
	s5 =	simm.s32 $0x5;
	[dreg:$0x15] =	wrdreg s21  }
0x22: {  	s11 =	simm.s32 $0x2;
	s16 =	simm.s32 $0x1ED78;
	[dreg:$0x16] =	wrdreg s23  }
0x23: {  	s26 =	sadd.s32 s15, s3;
	s28 =	smax.u32 s6, $0x1;
	[dreg:$0x17] =	wrdreg s25  }
0x24: {  	s15 =	simm.s32 $0x80;
	s31 =	sadd.s32 $0x9C40, s18;
	[dreg:$0x18] =	wrdreg s28  }
0x25: {  	s10 =	simm.s32 $0x1AB00;
	s8 =	simm.s32 $0x1;
	[dreg:$0x5] =	wrdreg s18  }
0x26: {  	[dreg:$0x19] =	wrdreg s31;
	s7 =	simm.s32 $0x18B00;
	s9 =	simm.s32 $0x1CB00  }
0x27: {  	s12 =	simm.s32 $0x3;
	s13 =	simm.s32 $0x1EDF8;
	s18 =	simm.s32 $0x4  }
0x28: {  	v0 =	vimm.f32 $0.0e+00;
	v1 =	vimm.f32 $1.000000000e+00;
	s19 =	simm.s32 $0x18980;
	s21 =	simm.s32 $0x18A00;
	s23 =	simm.s32 $0x0  }
.LBB2_1:
0x29: {  	s0 =	rddreg [dreg:$0x5]  }
0x2a: {  	s31 =	rddreg [dreg:$0x19]  }
0x2b: {  	[tilespmem:s2], [sflag:$0x3] =	stream.linear.gather [hbm4b:s0+s14], $0x2700, $0x38;
	[tilespmem:$0x1F070] =	vst v63  }
0x2c: {  	s6 =	simm.s32 $0x16380;
	s28 =	rddreg [dreg:$0x11]  }
0x2d: {  	[tilespmem:s6], [sflag:$0x3] =	stream.linear.gather [hbm4b:s31+s14], $0x2700, $0x38;
	[tilespmem:$0x1F070] =	vst v63  }
0x2e: {  	s25 =	simm.s32 $0x16300;
	s6 =	rddreg [dreg:$0x10]  }
0x2f: {  	[tilespmem:s25], [sflag:$0x3] =	stream.linear.gather [hbm4b:s6+s14], $0x80, $0x38;
	[tilespmem:$0x1F070] =	vst v63  }
0x30: {  	s31 =	simm.s32 $0x18A80;
	s25 =	simm.s32 $0x100;
	s6 =	simm.s32 $0x0  }
0x31: {  	[tilespmem:s31], [sflag:$0x3] =	stream.linear.gather [hbm4b:s28+s14], $0x80, $0x38;
	[tilespmem:$0x1F070] =	vst v63  }
.LBB2_2:
0x32: {  	p1 =	sne.s32 s25, $0x7F00;
	[tilespmem:s6+$0x1AB30] =	vst v0;
	s28 =	smov.u32 s25;
	s25 =	sadd.s32 $0x100, s25  }
.Ltmp0:
0x33: {  	[tilespmem:s6+$0x1AB20] =	vst v0;
	(pc) =	sbr.rel @p1 .LBB2_2-.Ltmp0, $3  }
0x34: {  	[tilespmem:s6+$0x1AB00] =	vst v0  }
0x35: {  	[tilespmem:s6+$0x1AB10] =	vst v0;
	_ =	sdelay $0x1  }
0x36: {  	s6 =	sshra.s32 s28, $0x2  }
0x37: {  	[tilespmem:s6+$0x1AB30] =	vst v0  }
0x38: {  	[tilespmem:s6+$0x1AB20] =	vst v0  }
0x39: {  	[tilespmem:s6+$0x1AB00] =	vst v0  }
0x3a: {  	[tilespmem:s6+$0x1AB10] =	vst v0;
	s25 =	simm.s32 $0x0;
	s0 =	rddreg [dreg:$0x6]  }
0x3b: {  	[tilespmem:s7], [sflag:$0x1] =	stream.linear.gather [hbm4b:s0+s25], $0x2000, $0x38;
	[tilespmem:$0x1F070] =	vst v63  }
0x3c: {  	_ =	swait.ge [sflag:s8], $0x2000  }
0x3d: {  	[sflag:s8] =	ssyncset.done $0x0  }
0x3e: {  	s31 =	rddreg [dreg:$0x7];
	[sflag:s8] =	ssyncadd.s32 $0xFFFFE000  }
0x3f: {  	[tilespmem:s9], [sflag:$0x2] =	stream.linear.gather [hbm4b:s31+s25], $0x2000, $0x38;
	[tilespmem:$0x1F070] =	vst v63  }
0x40: {  	s6 =	rddreg [dreg:$0x12]  }
0x41: {  	[spmem:s6] =	stream.linear.scatter [tilespmem:s7], [sflag:$0x5], $0x2000, $0x38;
	[tilespmem:$0x1F070] =	vst v63  }
0x42: {  	_ =	swait.ge [sflag:s5], $0x2000  }
0x43: {  	[sflag:s5] =	ssyncset.done $0x0  }
0x44: {  	[sflag:s5] =	ssyncadd.s32 $0xFFFFE000  }
0x45: {  	[spmem:s20] =	stream.linear.scatter [tilespmem:s10], [sflag:$0x5], $0x2000, $0x38;
	[tilespmem:$0x1F070] =	vst v63  }
0x46: {  	_ =	swait.ge [sflag:s5], $0x2000  }
0x47: {  	[sflag:s5] =	ssyncset.done $0x0  }
0x48: {  	[sflag:s5] =	ssyncadd.s32 $0xFFFFE000  }
0x49: {  	_ =	swait.ge [sflag:s11], $0x2000  }
0x4a: {  	[sflag:s11] =	ssyncset.done $0x0  }
0x4b: {  	s31 =	rddreg [dreg:$0x8];
	[sflag:s11] =	ssyncadd.s32 $0xFFFFE000  }
0x4c: {  	[tilespmem:s7], [sflag:$0x1] =	stream.linear.gather [hbm4b:s31+s25], $0x2000, $0x38;
	[tilespmem:$0x1F070] =	vst v63  }
0x4d: {  	s6 =	rddreg [dreg:$0x13]  }
0x4e: {  	[spmem:s6] =	stream.linear.scatter [tilespmem:s9], [sflag:$0x5], $0x2000, $0x38;
	[tilespmem:$0x1F070] =	vst v63  }
0x4f: {  	_ =	swait.ge [sflag:s5], $0x2000  }
0x50: {  	[sflag:s5] =	ssyncset.done $0x0  }
0x51: {  	[sflag:s5] =	ssyncadd.s32 $0xFFFFE000  }
0x52: {  	[spmem:s22] =	stream.linear.scatter [tilespmem:s10], [sflag:$0x5], $0x2000, $0x38;
	[tilespmem:$0x1F070] =	vst v63  }
0x53: {  	_ =	swait.ge [sflag:s5], $0x2000  }
0x54: {  	[sflag:s5] =	ssyncset.done $0x0  }
0x55: {  	[sflag:s5] =	ssyncadd.s32 $0xFFFFE000  }
0x56: {  	_ =	swait.ge [sflag:s8], $0x2000  }
0x57: {  	[sflag:s8] =	ssyncset.done $0x0  }
0x58: {  	s31 =	rddreg [dreg:$0x9];
	[sflag:s8] =	ssyncadd.s32 $0xFFFFE000  }
0x59: {  	[tilespmem:s9], [sflag:$0x2] =	stream.linear.gather [hbm4b:s31+s25], $0x2000, $0x38;
	[tilespmem:$0x1F070] =	vst v63  }
0x5a: {  	s6 =	rddreg [dreg:$0x14]  }
0x5b: {  	[spmem:s6] =	stream.linear.scatter [tilespmem:s7], [sflag:$0x5], $0x2000, $0x38;
	[tilespmem:$0x1F070] =	vst v63  }
0x5c: {  	_ =	swait.ge [sflag:s5], $0x2000  }
0x5d: {  	[sflag:s5] =	ssyncset.done $0x0  }
0x5e: {  	[sflag:s5] =	ssyncadd.s32 $0xFFFFE000  }
0x5f: {  	[spmem:s24] =	stream.linear.scatter [tilespmem:s10], [sflag:$0x5], $0x2000, $0x38;
	[tilespmem:$0x1F070] =	vst v63  }
0x60: {  	_ =	swait.ge [sflag:s5], $0x2000  }
0x61: {  	[sflag:s5] =	ssyncset.done $0x0  }
0x62: {  	[sflag:s5] =	ssyncadd.s32 $0xFFFFE000  }
0x63: {  	_ =	swait.ge [sflag:s11], $0x2000  }
0x64: {  	[sflag:s11] =	ssyncset.done $0x0  }
0x65: {  	s31 =	rddreg [dreg:$0xa];
	[sflag:s11] =	ssyncadd.s32 $0xFFFFE000  }
0x66: {  	[tilespmem:s7], [sflag:$0x1] =	stream.linear.gather [hbm4b:s31+s25], $0x1E00, $0x38;
	[tilespmem:$0x1F070] =	vst v63  }
0x67: {  	s6 =	rddreg [dreg:$0x15]  }
0x68: {  	[spmem:s6] =	stream.linear.scatter [tilespmem:s9], [sflag:$0x5], $0x2000, $0x38;
	[tilespmem:$0x1F070] =	vst v63  }
0x69: {  	_ =	swait.ge [sflag:s5], $0x2000  }
0x6a: {  	[sflag:s5] =	ssyncset.done $0x0  }
0x6b: {  	[sflag:s5] =	ssyncadd.s32 $0xFFFFE000  }
0x6c: {  	[spmem:s26] =	stream.linear.scatter [tilespmem:s10], [sflag:$0x5], $0x2000, $0x38;
	[tilespmem:$0x1F070] =	vst v63  }
0x6d: {  	_ =	swait.ge [sflag:s5], $0x2000  }
0x6e: {  	[sflag:s5] =	ssyncset.done $0x0  }
0x6f: {  	[sflag:s5] =	ssyncadd.s32 $0xFFFFE000  }
0x70: {  	_ =	swait.ge [sflag:s8], $0x1E00  }
0x71: {  	[sflag:s8] =	ssyncset.done $0x0  }
0x72: {  	s31 =	rddreg [dreg:$0x16];
	[sflag:s8] =	ssyncadd.s32 $0xFFFFE200  }
0x73: {  	[spmem:s31] =	stream.linear.scatter [tilespmem:s7], [sflag:$0x5], $0x1E00, $0x38;
	[tilespmem:$0x1F070] =	vst v63  }
0x74: {  	_ =	swait.ge [sflag:s5], $0x1E00  }
0x75: {  	[sflag:s5] =	ssyncset.done $0x0  }
0x76: {  	[sflag:s5] =	ssyncadd.s32 $0xFFFFE200  }
0x77: {  	[spmem:s29] =	stream.linear.scatter [tilespmem:s10], [sflag:$0x5], $0x1E00, $0x38;
	[tilespmem:$0x1F070] =	vst v63  }
0x78: {  	_ =	swait.ge [sflag:s5], $0x1E00  }
0x79: {  	[sflag:s5] =	ssyncset.done $0x0  }
0x7a: {  	[sflag:s5] =	ssyncadd.s32 $0xFFFFE200  }
0x7b: {  	_ =	swait.ge [sflag:s12], $0x2700  }
0x7c: {  	[sflag:s12] =	ssyncset.done $0x0  }
0x7d: {  	[sflag:s12] =	ssyncadd.s32 $0xFFFFD900  }
0x7e: {  	_ =	swait.ge [sflag:s12], $0x2700  }
0x7f: {  	[sflag:s12] =	ssyncset.done $0x0  }
0x80: {  	[sflag:s12] =	ssyncadd.s32 $0xFFFFD900  }
0x81: {  	_ =	swait.ge [sflag:s12], $0x80  }
0x82: {  	[sflag:s12] =	ssyncset.done $0x0  }
0x83: {  	[sflag:s12] =	ssyncadd.s32 $0xFFFFFF80  }
0x84: {  	_ =	swait.ge [sflag:s12], $0x80  }
0x85: {  	[sflag:s12] =	ssyncset.done $0x0  }
0x86: {  	[sflag:s12] =	ssyncadd.s32 $0xFFFFFF80  }
0x87: {  	[tilespmem:$0x1ED78] =	vst v1  }
0x88: {  	[tilespmem:$0x1ED88] =	vst v1  }
0x89: {  	[tilespmem:$0x1ED98] =	vst v1  }
0x8a: {  	[tilespmem:$0x1EDA8] =	vst v1  }
0x8b: {  	[tilespmem:$0x1EDB8] =	vst v1  }
0x8c: {  	[tilespmem:$0x1EDC8] =	vst v1  }
0x8d: {  	[tilespmem:$0x1EDD8] =	vst v1  }
0x8e: {  	[tilespmem:$0x1EDE8] =	vst v1  }
0x8f: {  	[tilespmem:$0x1EDF8] =	vst v0  }
0x90: {  	[tilespmem:$0x1EE08] =	vst v0  }
0x91: {  	[tilespmem:$0x1EE18] =	vst v0  }
0x92: {  	[tilespmem:$0x1EE28] =	vst v0  }
0x93: {  	[tilespmem:$0x1EE38] =	vst v0  }
0x94: {  	[tilespmem:$0x1EE48] =	vst v0  }
0x95: {  	[tilespmem:$0x1EE58] =	vst v0  }
0x96: {  	[tilespmem:$0x1EE68] =	vst v0  }
0x97: {  	[tilespmem:$0x1EE78] =	vst v0  }
0x98: {  	[tilespmem:$0x1EE88] =	vst v0  }
0x99: {  	[tilespmem:$0x1EE98] =	vst v0  }
0x9a: {  	[tilespmem:$0x1EEA8] =	vst v0  }
0x9b: {  	[tilespmem:$0x1EEB8] =	vst v0  }
0x9c: {  	[tilespmem:$0x1EEC8] =	vst v0  }
0x9d: {  	[tilespmem:$0x1EED8] =	vst v0  }
0x9e: {  	[tilespmem:$0x1EEE8] =	vst v0  }
0x9f: {  	[tilespmem:$0x1EEF8] =	vst v0  }
0xa0: {  	[tilespmem:$0x1EF08] =	vst v0  }
0xa1: {  	[tilespmem:$0x1EF18] =	vst v0  }
0xa2: {  	[tilespmem:$0x1EF28] =	vst v0  }
0xa3: {  	[tilespmem:$0x1EF38] =	vst v0  }
0xa4: {  	[tilespmem:$0x1EF48] =	vst v0  }
0xa5: {  	[tilespmem:$0x1EF58] =	vst v0  }
0xa6: {  	[tilespmem:$0x1EF68] =	vst v0  }
0xa7: {  	[tilespmem:$0x1EF78] =	vst v0  }
0xa8: {  	[tilespmem:$0x1EF88] =	vst v0  }
0xa9: {  	[tilespmem:$0x1EF98] =	vst v0  }
0xaa: {  	[tilespmem:$0x1EFA8] =	vst v0  }
0xab: {  	[tilespmem:$0x1EFB8] =	vst v0  }
0xac: {  	[tilespmem:$0x1EFC8] =	vst v0  }
0xad: {  	[tilespmem:$0x1EFD8] =	vst v0  }
0xae: {  	[tilespmem:$0x1EFE8] =	vst v0  }
0xaf: {  	[tilespmem:$0x1EFF8] =	vst v0  }
0xb0: {  	[tilespmem:$0x1F008] =	vst v0  }
0xb1: {  	[tilespmem:$0x1F018] =	vst v0  }
0xb2: {  	[tilespmem:$0x1F028] =	vst v0  }
0xb3: {  	[tilespmem:$0x1F038] =	vst v0  }
0xb4: {  	[tilespmem:$0x1F048] =	vst v0  }
0xb5: {  	[tilespmem:$0x1F058] =	vst v0  }
0xb6: {  	[tilespmem:$0x1F060] =	vst v0  }
0xb7: {  	[spmem:s30] =	stream.linear.scatter [tilespmem:s13], [sflag:$0x5], $0x278, $0x38;
	[tilespmem:$0x1F070] =	vst v63  }
0xb8: {  	_ =	swait.ge [sflag:s5], $0x278  }
0xb9: {  	[sflag:s5] =	ssyncset.done $0x0  }
0xba: {  	[sflag:s5] =	ssyncadd.s32 $0xFFFFFD88  }
0xbb: {  	[bflag:$0x0] =	sbarrier.arrive $0xFFFF  }
0xbc: {  	[tilespmem:s7], [sflag:$0x1] =	stream.indirect.gather [spmem:s1], $0x40, s2, s15, $0xb8;
	[tilespmem:$0x1F070] =	vst v63  }
0xbd: {  	s6 =	simm.s32 $0x13C80  }
0xbe: {  	[tilespmem:s10], [sflag:$0x2] =	stream.indirect.gather [spmem:s1], $0x40, s6, s15, $0xb8;
	[tilespmem:$0x1F070] =	vst v63  }
0xbf: {  	_ =	swait.ge [sflag:s8], $0x2000  }
0xc0: {  	[sflag:s8] =	ssyncset.done $0x0  }
0xc1: {  	s31 =	simm.s32 $0x13D00;
	[sflag:s8] =	ssyncadd.s32 $0xFFFFE000  }
0xc2: {  	[tilespmem:s9], [sflag:$0x3] =	stream.indirect.gather [spmem:s1], $0x40, s31, s15, $0xb8;
	[tilespmem:$0x1F070] =	vst v63  }
0xc3: {  	s28 =	simm.s32 $0x16380  }
0xc4: {  	[spmem:s3] =	stream.indirect.scatter.add.f32 [tilespmem:s7], [sflag:$0x5], $0x40, s28, s15, $0xb8;
	[tilespmem:$0x1F070] =	vst v63  }
0xc5: {  	_ =	swait.ge [sflag:s5], $0x2000  }
0xc6: {  	p1 =	por $0x1, $0x1;
	[sflag:s5] =	ssyncset.done $0x0  }
0xc7: {  	s6 =	simm.s32 @!p1 $0x4;
	[sflag:s5] =	ssyncadd.s32 $0xFFFFE000  }
0xc8: {  	[spmem:s4] =	stream.indirect.scatter.add.f32 [tilespmem:s16], [sflag:$0x4], $0x1, s28, s15, $0xb8;
	[tilespmem:$0x1F070] =	vst v63  }
0xc9: {  	_ =	swait.ge @!p1 [sflag:s6], $0x80  }
0xca: {  	[sflag:s6] =	ssyncset.done @!p1 $0x0  }
0xcb: {  	[sflag:s6] =	ssyncadd.s32 @!p1 $0xFFFFFF80  }
0xcc: {  	_ =	swait.ge [sflag:s11], $0x2000  }
0xcd: {  	[sflag:s11] =	ssyncset.done $0x0  }
0xce: {  	s28 =	simm.s32 $0x13D80;
	[sflag:s11] =	ssyncadd.s32 $0xFFFFE000  }
0xcf: {  	[tilespmem:s7], [sflag:$0x1] =	stream.indirect.gather [spmem:s1], $0x40, s28, s15, $0xb8;
	[tilespmem:$0x1F070] =	vst v63  }
0xd0: {  	s28 =	simm.s32 $0x16400  }
0xd1: {  	[spmem:s3] =	stream.indirect.scatter.add.f32 [tilespmem:s10], [sflag:$0x5], $0x40, s28, s15, $0xb8;
	[tilespmem:$0x1F070] =	vst v63  }
0xd2: {  	_ =	swait.ge [sflag:s5], $0x2000  }
0xd3: {  	[sflag:s5] =	ssyncset.done $0x0  }
0xd4: {  	[sflag:s5] =	ssyncadd.s32 $0xFFFFE000  }
0xd5: {  	[spmem:s4] =	stream.indirect.scatter.add.f32 [tilespmem:s16], [sflag:$0x4], $0x1, s28, s15, $0xb8;
	[tilespmem:$0x1F070] =	vst v63  }
0xd6: {  	_ =	swait.ge @!p1 [sflag:s6], $0x80  }
0xd7: {  	[sflag:s6] =	ssyncset.done @!p1 $0x0  }
0xd8: {  	[sflag:s6] =	ssyncadd.s32 @!p1 $0xFFFFFF80  }
0xd9: {  	_ =	swait.ge [sflag:s12], $0x2000  }
0xda: {  	[sflag:s12] =	ssyncset.done $0x0  }
0xdb: {  	s28 =	simm.s32 $0x13E00;
	[sflag:s12] =	ssyncadd.s32 $0xFFFFE000  }
0xdc: {  	[tilespmem:s10], [sflag:$0x2] =	stream.indirect.gather [spmem:s1], $0x40, s28, s15, $0xb8;
	[tilespmem:$0x1F070] =	vst v63  }
0xdd: {  	s28 =	simm.s32 $0x16480  }
0xde: {  	[spmem:s3] =	stream.indirect.scatter.add.f32 [tilespmem:s9], [sflag:$0x5], $0x40, s28, s15, $0xb8;
	[tilespmem:$0x1F070] =	vst v63  }
0xdf: {  	_ =	swait.ge [sflag:s5], $0x2000  }
0xe0: {  	[sflag:s5] =	ssyncset.done $0x0  }
0xe1: {  	[sflag:s5] =	ssyncadd.s32 $0xFFFFE000  }
0xe2: {  	[spmem:s4] =	stream.indirect.scatter.add.f32 [tilespmem:s16], [sflag:$0x4], $0x1, s28, s15, $0xb8;
	[tilespmem:$0x1F070] =	vst v63  }
0xe3: {  	s28 =	simm.s32 $0x600;
	_ =	swait.ge @!p1 [sflag:s6], $0x80  }
.LBB2_4:
0xe4: {  	[sflag:s6] =	ssyncset.done @!p1 $0x0  }
0xe5: {  	s25 =	sadd.s32 $0x1, s25;
	s31 =	smov.u32 s28;
	s28 =	sadd.s32 $0x600, s28  }
0xe6: {  	p2 =	sne.s32 s28, $0x9600;
	[sflag:s6] =	ssyncadd.s32 @!p1 $0xFFFFFF80  }
0xe7: {  	s31 =	sshra.s32 s31, $0x2;
	_ =	swait.ge [sflag:s8], $0x2000  }
0xe8: {  	s6 =	sadd.s32 $0x13D00, s31;
	[sflag:s8] =	ssyncset.done $0x0  }
0xe9: {  	[sflag:s8] =	ssyncadd.s32 $0xFFFFE000  }
0xea: {  	[tilespmem:s9], [sflag:$0x3] =	stream.indirect.gather [spmem:s1], $0x40, s6, s15, $0xb8;
	[tilespmem:$0x1F070] =	vst v63  }
0xeb: {  	s2 =	sadd.s32 $0x16380, s31  }
0xec: {  	[spmem:s3] =	stream.indirect.scatter.add.f32 [tilespmem:s7], [sflag:$0x5], $0x40, s2, s15, $0xb8;
	[tilespmem:$0x1F070] =	vst v63  }
0xed: {  	_ =	swait.ge [sflag:s5], $0x2000  }
0xee: {  	p1 =	slt.u32 s25, $0x2;
	[sflag:s5] =	ssyncset.done $0x0  }
0xef: {  	s6 =	simm.s32 @!p1 $0x4;
	[sflag:s5] =	ssyncadd.s32 $0xFFFFE000  }
0xf0: {  	[spmem:s4] =	stream.indirect.scatter.add.f32 [tilespmem:s16], [sflag:$0x4], $0x1, s2, s15, $0xb8;
	[tilespmem:$0x1F070] =	vst v63  }
0xf1: {  	_ =	swait.ge @!p1 [sflag:s6], $0x80  }
0xf2: {  	[sflag:s6] =	ssyncset.done @!p1 $0x0  }
0xf3: {  	[sflag:s6] =	ssyncadd.s32 @!p1 $0xFFFFFF80  }
0xf4: {  	_ =	swait.ge [sflag:s11], $0x2000  }
0xf5: {  	s2 =	sadd.s32 $0x13D80, s31;
	[sflag:s11] =	ssyncset.done $0x0  }
0xf6: {  	s0 =	sadd.s32 $0x16400, s31;
	[sflag:s11] =	ssyncadd.s32 $0xFFFFE000  }
0xf7: {  	[tilespmem:s7], [sflag:$0x1] =	stream.indirect.gather [spmem:s1], $0x40, s2, s15, $0xb8;
	[tilespmem:$0x1F070] =	vst v63  }
0xf8: {  	_ = 	snop  }
0xf9: {  	[spmem:s3] =	stream.indirect.scatter.add.f32 [tilespmem:s10], [sflag:$0x5], $0x40, s0, s15, $0xb8;
	[tilespmem:$0x1F070] =	vst v63  }
0xfa: {  	_ =	swait.ge [sflag:s5], $0x2000  }
0xfb: {  	[sflag:s5] =	ssyncset.done $0x0  }
0xfc: {  	[sflag:s5] =	ssyncadd.s32 $0xFFFFE000  }
0xfd: {  	[spmem:s4] =	stream.indirect.scatter.add.f32 [tilespmem:s16], [sflag:$0x4], $0x1, s0, s15, $0xb8;
	[tilespmem:$0x1F070] =	vst v63  }
0xfe: {  	_ =	swait.ge @!p1 [sflag:s6], $0x80  }
0xff: {  	[sflag:s6] =	ssyncset.done @!p1 $0x0  }
0x100: {  	[sflag:s6] =	ssyncadd.s32 @!p1 $0xFFFFFF80  }
0x101: {  	_ =	swait.ge [sflag:s12], $0x2000  }
0x102: {  	s0 =	sadd.s32 $0x13E00, s31;
	[sflag:s12] =	ssyncset.done $0x0  }
0x103: {  	s2 =	sadd.s32 $0x16480, s31;
	[sflag:s12] =	ssyncadd.s32 $0xFFFFE000  }
0x104: {  	[tilespmem:s10], [sflag:$0x2] =	stream.indirect.gather [spmem:s1], $0x40, s0, s15, $0xb8;
	[tilespmem:$0x1F070] =	vst v63  }
0x105: {  	_ = 	snop  }
0x106: {  	[spmem:s3] =	stream.indirect.scatter.add.f32 [tilespmem:s9], [sflag:$0x5], $0x40, s2, s15, $0xb8;
	[tilespmem:$0x1F070] =	vst v63  }
.Ltmp1:
0x107: {  	_ =	swait.ge [sflag:s5], $0x2000;
	(pc) =	sbr.rel @p2 .LBB2_4-.Ltmp1, $4  }
0x108: {  	[sflag:s5] =	ssyncset.done $0x0  }
0x109: {  	[sflag:s5] =	ssyncadd.s32 $0xFFFFE000  }
0x10a: {  	[spmem:s4] =	stream.indirect.scatter.add.f32 [tilespmem:s16], [sflag:$0x4], $0x1, s2, s15, $0xb8;
	[tilespmem:$0x1F070] =	vst v63  }
0x10b: {  	_ =	swait.ge @!p1 [sflag:s6], $0x80  }
0x10c: {  	[sflag:s6] =	ssyncset.done @!p1 $0x0  }
0x10d: {  	[sflag:s6] =	ssyncadd.s32 @!p1 $0xFFFFFF80  }
0x10e: {  	_ =	swait.ge [sflag:s8], $0x2000  }
0x10f: {  	[sflag:s8] =	ssyncset.done $0x0  }
0x110: {  	s0 =	simm.s32 $0x16280;
	[sflag:s8] =	ssyncadd.s32 $0xFFFFE000  }
0x111: {  	[tilespmem:s9], [sflag:$0x3] =	stream.indirect.gather [spmem:s1], $0x40, s0, s15, $0xb8;
	[tilespmem:$0x1F070] =	vst v63  }
0x112: {  	_ = 	snop  }
0x113: {  	[spmem:s3] =	stream.indirect.scatter.add.f32 [tilespmem:s7], [sflag:$0x5], $0x40, s17, s15, $0xb8;
	[tilespmem:$0x1F070] =	vst v63  }
0x114: {  	_ =	swait.ge [sflag:s5], $0x2000  }
0x115: {  	[sflag:s5] =	ssyncset.done $0x0  }
0x116: {  	[sflag:s5] =	ssyncadd.s32 $0xFFFFE000  }
0x117: {  	[spmem:s4] =	stream.indirect.scatter.add.f32 [tilespmem:s16], [sflag:$0x4], $0x1, s17, s15, $0xb8;
	[tilespmem:$0x1F070] =	vst v63  }
0x118: {  	_ =	swait.ge [sflag:s18], $0x80  }
0x119: {  	[sflag:s18] =	ssyncset.done $0x0  }
0x11a: {  	[sflag:s18] =	ssyncadd.s32 $0xFFFFFF80  }
0x11b: {  	_ =	swait.ge [sflag:s11], $0x2000  }
0x11c: {  	[sflag:s11] =	ssyncset.done $0x0  }
0x11d: {  	[sflag:s11] =	ssyncadd.s32 $0xFFFFE000  }
0x11e: {  	[spmem:s3] =	stream.indirect.scatter.add.f32 [tilespmem:s10], [sflag:$0x5], $0x40, s19, s15, $0xb8;
	[tilespmem:$0x1F070] =	vst v63  }
0x11f: {  	_ =	swait.ge [sflag:s5], $0x2000  }
0x120: {  	[sflag:s5] =	ssyncset.done $0x0  }
0x121: {  	[sflag:s5] =	ssyncadd.s32 $0xFFFFE000  }
0x122: {  	[spmem:s4] =	stream.indirect.scatter.add.f32 [tilespmem:s16], [sflag:$0x4], $0x1, s19, s15, $0xb8;
	[tilespmem:$0x1F070] =	vst v63  }
0x123: {  	_ =	swait.ge [sflag:s18], $0x80  }
0x124: {  	[sflag:s18] =	ssyncset.done $0x0  }
0x125: {  	[sflag:s18] =	ssyncadd.s32 $0xFFFFFF80  }
0x126: {  	_ =	swait.ge [sflag:s12], $0x2000  }
0x127: {  	[sflag:s12] =	ssyncset.done $0x0  }
0x128: {  	[sflag:s12] =	ssyncadd.s32 $0xFFFFE000  }
0x129: {  	[spmem:s3] =	stream.indirect.scatter.add.f32 [tilespmem:s9], [sflag:$0x5], $0x40, s21, s15, $0xb8;
	[tilespmem:$0x1F070] =	vst v63  }
0x12a: {  	_ =	swait.ge [sflag:s5], $0x2000  }
0x12b: {  	[sflag:s5] =	ssyncset.done $0x0  }
0x12c: {  	[sflag:s5] =	ssyncadd.s32 $0xFFFFE000  }
0x12d: {  	[spmem:s4] =	stream.indirect.scatter.add.f32 [tilespmem:s16], [sflag:$0x4], $0x1, s21, s15, $0xb8;
	[tilespmem:$0x1F070] =	vst v63  }
0x12e: {  	_ =	swait.ge [sflag:s18], $0x80  }
0x12f: {  	[sflag:s18] =	ssyncset.done $0x0  }
0x130: {  	[sflag:s18] =	ssyncadd.s32 $0xFFFFFF80  }
0x131: {  	_ =	swait.ge [sflag:s18], $0x80  }
0x132: {  	[sflag:s18] =	ssyncset.done $0x0  }
0x133: {  	[sflag:s18] =	ssyncadd.s32 $0xFFFFFF80  }
0x134: {  	_ =	swait.ge [sflag:s18], $0x80  }
0x135: {  	[sflag:s18] =	ssyncset.done $0x0  }
0x136: {  	[sflag:s18] =	ssyncadd.s32 $0xFFFFFF80  }
0x137: {  	_ =	swait.ge [sflag:s18], $0x80  }
0x138: {  	[sflag:s18] =	ssyncset.done $0x0  }
0x139: {  	[sflag:s18] =	ssyncadd.s32 $0xFFFFFF80  }
0x13a: {  	_ =	swait.ge [sflag:s18], $0x80  }
0x13b: {  	[sflag:s18] =	ssyncset.done $0x0  }
0x13c: {  	[sflag:s18] =	ssyncadd.s32 $0xFFFFFF80  }
0x13d: {  	_ =	swait.ge [sflag:s18], $0x80  }
0x13e: {  	[sflag:s18] =	ssyncset.done $0x0  }
0x13f: {  	[sflag:s18] =	ssyncadd.s32 $0xFFFFFF80  }
0x140: {  	_ =	swait.ge [sflag:s18], $0x80  }
0x141: {  	s2 =	simm.s32 @!p0 $0x16300;
	[sflag:s18] =	ssyncset.done $0x0  }
0x142: {  	s6 =	simm.s32 @!p0 $0x18B00;
	s0 =	simm.s32 @!p0 $0x80;
	[sflag:s18] =	ssyncadd.s32 $0xFFFFFF80  }
0x143: {  	[tilespmem:s6], [sflag:$0x5] =	stream.indirect.gather @!p0 [spmem:s1], $0x40, s2, s0, $0xb8;
	[tilespmem:$0x1F070] =	vst v63  }
0x144: {  	s2 =	simm.s32 @!p0 $0x5  }
0x145: {  	_ =	swait.ge @!p0 [sflag:s2], $0x2000  }
0x146: {  	[sflag:s2] =	ssyncset.done @!p0 $0x0  }
0x147: {  	s25 =	simm.s32 @!p0 $0x18A80;
	[sflag:s2] =	ssyncadd.s32 @!p0 $0xFFFFE000  }
0x148: {  	[spmem:s3] =	stream.indirect.scatter.add.f32 @!p0 [tilespmem:s6], [sflag:$0x5], $0x40, s25, s0, $0xb8;
	[tilespmem:$0x1F070] =	vst v63  }
0x149: {  	_ =	swait.ge @!p0 [sflag:s2], $0x2000  }
0x14a: {  	[sflag:s2] =	ssyncset.done @!p0 $0x0  }
0x14b: {  	s6 =	simm.s32 @!p0 $0x1ED78;
	[sflag:s2] =	ssyncadd.s32 @!p0 $0xFFFFE000  }
0x14c: {  	[spmem:s4] =	stream.indirect.scatter.add.f32 @!p0 [tilespmem:s6], [sflag:$0x5], $0x1, s25, s0, $0xb8;
	[tilespmem:$0x1F070] =	vst v63  }
0x14d: {  	_ =	swait.ge @!p0 [sflag:s2], $0x80  }
0x14e: {  	[sflag:s2] =	ssyncset.done @!p0 $0x0  }
0x14f: {  	[sflag:s2] =	ssyncadd.s32 @!p0 $0xFFFFFF80  }
0x150: {  	[bflag:$0x0] =	sbarrier.arrive $0xFFFF  }
0x151: {  	[tilespmem:s7], [sflag:$0x5] =	stream.linear.gather [spmem:s20], $0x2000, $0x38;
	[tilespmem:$0x1F070] =	vst v63  }
0x152: {  	_ =	swait.ge [sflag:s5], $0x2000  }
0x153: {  	[sflag:s5] =	ssyncset.done $0x0  }
0x154: {  	s28 =	rddreg [dreg:$0xb];
	[sflag:s5] =	ssyncadd.s32 $0xFFFFE000  }
0x155: {  	[hbm4b:s28+s14] =	stream.linear.scatter [tilespmem:s7], [sflag:$0x5], $0x2000, $0x38;
	[tilespmem:$0x1F070] =	vst v63  }
0x156: {  	_ =	swait.ge [sflag:s5], $0x2000  }
0x157: {  	[sflag:s5] =	ssyncset.done $0x0  }
0x158: {  	[sflag:s5] =	ssyncadd.s32 $0xFFFFE000  }
0x159: {  	[tilespmem:s7], [sflag:$0x5] =	stream.linear.gather [spmem:s22], $0x2000, $0x38;
	[tilespmem:$0x1F070] =	vst v63  }
0x15a: {  	_ =	swait.ge [sflag:s5], $0x2000  }
0x15b: {  	[sflag:s5] =	ssyncset.done $0x0  }
0x15c: {  	s31 =	rddreg [dreg:$0xc];
	[sflag:s5] =	ssyncadd.s32 $0xFFFFE000  }
0x15d: {  	[hbm4b:s31+s14] =	stream.linear.scatter [tilespmem:s7], [sflag:$0x5], $0x2000, $0x38;
	[tilespmem:$0x1F070] =	vst v63  }
0x15e: {  	_ =	swait.ge [sflag:s5], $0x2000  }
0x15f: {  	[sflag:s5] =	ssyncset.done $0x0  }
0x160: {  	[sflag:s5] =	ssyncadd.s32 $0xFFFFE000  }
0x161: {  	[tilespmem:s7], [sflag:$0x5] =	stream.linear.gather [spmem:s24], $0x2000, $0x38;
	[tilespmem:$0x1F070] =	vst v63  }
0x162: {  	_ =	swait.ge [sflag:s5], $0x2000  }
0x163: {  	[sflag:s5] =	ssyncset.done $0x0  }
0x164: {  	s2 =	rddreg [dreg:$0xd];
	[sflag:s5] =	ssyncadd.s32 $0xFFFFE000  }
0x165: {  	[hbm4b:s2+s14] =	stream.linear.scatter [tilespmem:s7], [sflag:$0x5], $0x2000, $0x38;
	[tilespmem:$0x1F070] =	vst v63  }
0x166: {  	_ =	swait.ge [sflag:s5], $0x2000  }
0x167: {  	[sflag:s5] =	ssyncset.done $0x0  }
0x168: {  	[sflag:s5] =	ssyncadd.s32 $0xFFFFE000  }
0x169: {  	[tilespmem:s7], [sflag:$0x5] =	stream.linear.gather [spmem:s26], $0x2000, $0x38;
	[tilespmem:$0x1F070] =	vst v63  }
0x16a: {  	_ =	swait.ge [sflag:s5], $0x2000  }
0x16b: {  	[sflag:s5] =	ssyncset.done $0x0  }
0x16c: {  	s6 =	rddreg [dreg:$0xe];
	[sflag:s5] =	ssyncadd.s32 $0xFFFFE000  }
0x16d: {  	[hbm4b:s6+s14] =	stream.linear.scatter [tilespmem:s7], [sflag:$0x5], $0x2000, $0x38;
	[tilespmem:$0x1F070] =	vst v63  }
0x16e: {  	_ =	swait.ge [sflag:s5], $0x2000  }
0x16f: {  	[sflag:s5] =	ssyncset.done $0x0  }
0x170: {  	[sflag:s5] =	ssyncadd.s32 $0xFFFFE000  }
0x171: {  	[tilespmem:s7], [sflag:$0x5] =	stream.linear.gather [spmem:s29], $0x1E00, $0x38;
	[tilespmem:$0x1F070] =	vst v63  }
0x172: {  	_ =	swait.ge [sflag:s5], $0x1E00  }
0x173: {  	[sflag:s5] =	ssyncset.done $0x0  }
0x174: {  	s25 =	rddreg [dreg:$0xf];
	[sflag:s5] =	ssyncadd.s32 $0xFFFFE200  }
0x175: {  	[hbm4b:s25+s14] =	stream.linear.scatter [tilespmem:s7], [sflag:$0x5], $0x1E00, $0x38;
	[tilespmem:$0x1F070] =	vst v63  }
0x176: {  	_ =	swait.ge [sflag:s5], $0x1E00  }
0x177: {  	[sflag:s5] =	ssyncset.done $0x0  }
0x178: {  	[sflag:s5] =	ssyncadd.s32 $0xFFFFE200  }
0x179: {  	[tilespmem:s13], [sflag:$0x5] =	stream.linear.gather [spmem:s30], $0x278, $0x38;
	[tilespmem:$0x1F070] =	vst v63  }
0x17a: {  	_ =	swait.ge [sflag:s5], $0x278  }
0x17b: {  	[sflag:s5] =	ssyncset.done $0x0  }
0x17c: {  	s28 =	rddreg [dreg:$0x17];
	[sflag:s5] =	ssyncadd.s32 $0xFFFFFD88  }
0x17d: {  	[hbm4b:s28+s14] =	stream.linear.scatter [tilespmem:s13], [sflag:$0x5], $0x278, $0x38;
	[tilespmem:$0x1F070] =	vst v63  }
0x17e: {  	_ =	swait.ge [sflag:s5], $0x278  }
0x17f: {  	s23 =	sadd.s32 $0x1, s23;
	s31 =	rddreg [dreg:$0x18]  }
0x180: {  	p1 =	sne.s32 s23, s31  }
.Ltmp2:
0x181: {  	_ = 	snop;
	(pc) =	sbr.rel @p1 .LBB2_1-.Ltmp2, $3  }
0x182: {  	_ =	sdelay $0x1  }
0x183: {  	[sflag:s5] =	ssyncset.done $0x0  }
0x184: {  	s2 =	simm.s32 $0x13C00;
	[sflag:s5] =	ssyncadd.s32 $0xFFFFFD88  }
0x185: {  	_ =	sfence.sel $0x180000  }
0x186: {  	[bflag:$0x0] =	sbarrier.arrive $0xFFFF  }
0x187: {  	_ =	strace $0x90000047  }
0x188: {  	s0 =	stileid.u32;
	[bflag:$0x2] =	sbarrier.arrive $0xFFFF  }
0x189: {  	p0 =	sne.s32 s0, $0x0;
	s0 =	rddreg [dreg:$0x4]  }
0x18a: {  	s0 =	sadd.s32 @!p0 $0x100000, s0  }
0x18b: {  	[sflag:s0] =	ssyncadd.tile.s32 @!p0 $0x1;
	_ =	shalt  }
.Lfunc_end2:
_tile_overlayer_lowered:
.L_overlay_start_2:
0x18c: {  	(tag) =	ssettag $0x2  }
0x18d: {  	s0 =	rddreg [dreg:$0x0];
	s2 =	stileid.u32  }
0x18e: {  	s1 =	rddreg [dreg:$0x1];
	p0 =	sne.s32 s2, $0x0  }
0x18f: {  	s3 =	rddreg [dreg:$0x2];
	[bflag:$0x3] =	sbarrier.arrive $0xFFFF;
	s2 =	simm.s32 @!p0 $0x1C05  }
0x190: {  	[timem:s3], [sflag:s2] =	dma.local @!p0 [hbm:s0], s1  }
0x191: {  	s0 =	simm.s32 @!p0 $0x5  }
0x192: {  	_ =	swait.ge @!p0 [sflag:s0], s1  }
0x193: {  	s1 =	ssub.s32 @!p0 $0x0, s1;
	[sflag:s0] =	ssyncset.done @!p0 $0x0  }
0x194: {  	[sflag:s0] =	ssyncadd.s32 @!p0 s1  }
0x195: {  	[bflag:$0x3] =	sbarrier.arrive $0xFFFF  }
0x196: {  	_ =	shalt  }

</sc_bundles>
